<compile_context>
chip_gen: v7x
topology: tpu7x:2x2x1
jax: 0.10.2.dev20260603
libtpu: 0.0.44.dev20260713+nightly
codegen_flags: <defaults>
</compile_context>

<pallas_src>
import functools

import jax
import jax.numpy as jnp
from jax import lax
from jax.experimental import pallas as pl
from jax.experimental.pallas import tpu as pltpu
from jax.experimental.pallas import tpu_sc as plsc

B = 4
N = 4096
L = 16
NC = 2
NS = 16
NW = NC * NS
CHUNK = (B * N) // NW
GROUPS = CHUNK // L
PAIRS = GROUPS // 2
WPB = N // CHUNK

G = 16
NCELL = G * G * G
FGRID = float(G)
H2 = (1.0 / G) * (1.0 / G)
T4 = 2.25 * H2
T6 = 6.25 * H2
SCAT = 128
NSC = CHUNK // SCAT


def _build_csr(px, py, pz, cellbuf, cnt_vm, starts_vm, cursor_vm,
               sx, sy, sz, sidx):
    zv = jnp.zeros((L,), jnp.int32)

    def zero_cnt(t, _):
        for u in range(4):
            cnt_vm[pl.ds(t * (4 * L) + u * L, L)] = zv
        return 0

    lax.fori_loop(0, NCELL // (4 * L), zero_cnt, 0)

    def pass1(t, _):
        base = t * L
        x = px[pl.ds(base, L)]
        y = py[pl.ds(base, L)]
        z = pz[pl.ds(base, L)]
        ix = jnp.minimum((x * FGRID).astype(jnp.int32), G - 1)
        iy = jnp.minimum((y * FGRID).astype(jnp.int32), G - 1)
        iz = jnp.minimum((z * FGRID).astype(jnp.int32), G - 1)
        cell = (ix * G + iy) * G + iz
        cellbuf[pl.ds(base, L)] = cell
        old = plsc.load_gather(cnt_vm, [cell])
        rank, _ = plsc.scan_count(cell)
        cursor_vm[pl.ds(base, L)] = old + rank - 1
        plsc.addupdate_scatter(cnt_vm, [cell], jnp.ones((L,), jnp.int32))
        return 0

    lax.fori_loop(0, N // L, pass1, 0)

    def prefix(t, carry):
        off = t * (4 * L)
        for u in range(4):
            v = cnt_vm[pl.ds(off + u * L, L)]
            inc = plsc.cumsum(v)
            excl = (inc - v) + carry
            starts_vm[pl.ds(off + u * L, L)] = excl
            carry = carry + jnp.sum(v)
        return carry

    lax.fori_loop(0, NCELL // (4 * L), prefix, jnp.int32(0))
    starts_vm[pl.ds(NCELL, L)] = jnp.full((L,), N, jnp.int32)

    def pass2(t, _):
        for u in range(2):
            base = t * (2 * L) + u * L
            x = px[pl.ds(base, L)]
            y = py[pl.ds(base, L)]
            z = pz[pl.ds(base, L)]
            cell = cellbuf[pl.ds(base, L)]
            pos = (plsc.load_gather(starts_vm, [cell])
                   + cursor_vm[pl.ds(base, L)])
            pv = jnp.full((L,), base, jnp.int32) + lax.iota(jnp.int32, L)
            plsc.store_scatter(sx, [pos], x)
            plsc.store_scatter(sy, [pos], y)
            plsc.store_scatter(sz, [pos], z)
            plsc.store_scatter(sidx, [pos], pv)
        return 0

    lax.fori_loop(0, N // (2 * L), pass2, 0)


def _window_scan(w, g1, g2, starts_vm, sx, sy, sz, state):
    half = w // 2

    def window_lo(qi, odd, lim=G - w):
        return jnp.clip(qi - half + odd, 0, lim)

    cols = []
    for gq in (g1, g2):
        qx, qy, qz, qix, qiy, qiz, hx, hy, hz = gq
        xlo = window_lo(qix, hx)
        ylo = window_lo(qiy, hy)
        zlo = window_lo(qiz, hz)
        cols.append((qx, qy, qz, xlo, ylo, zlo))

    def setup(t):
        ox = t // w
        oy = t % w
        vals = []
        for (qx, qy, qz, xlo, ylo, zlo) in cols:
            col = ((xlo + ox) * G + (ylo + oy)) * G + zlo
            s = plsc.load_gather(starts_vm, [col])
            e = plsc.load_gather(starts_vm, [col + w])
            vals += [s, e - s]
        mc = jnp.maximum(jnp.max(vals[1]), jnp.max(vals[3]))
        return tuple(vals) + (mc,)

    def run_body(t, carry):
        b1, s1, b2, s2, cs1, cc1, cs2, cc2, cmc = carry
        nxt = setup(jnp.minimum(t + 1, w * w - 1))
        runs = ((cols[0][0], cols[0][1], cols[0][2], cs1, cc1),
                (cols[1][0], cols[1][1], cols[1][2], cs2, cc2))

        def p_body(p, carry):
            b1, s1, b2, s2 = carry
            p0 = p * 2
            out = []
            for (qx, qy, qz, s, cnt), (bb, bs) in zip(
                    runs, ((b1, s1), (b2, s2))):
                for dp in range(2):
                    slot = s + (p0 + dp)
                    rx = plsc.load_gather(sx, [slot])
                    ry = plsc.load_gather(sy, [slot])
                    rz = plsc.load_gather(sz, [slot])
                    dx = qx - rx
                    dy = qy - ry
                    dz = qz - rz
                    d = (dx * dx + dy * dy) + dz * dz
                    upd = (p0 + dp < cnt) & (d < bb)
                    bb = jnp.where(upd, d, bb)
                    bs = jnp.where(upd, slot, bs)
                out.append((bb, bs))
            return out[0][0], out[0][1], out[1][0], out[1][1]

        res = lax.fori_loop(0, (cmc + 1) >> 1, p_body, (b1, s1, b2, s2))
        return res + nxt

    out = lax.fori_loop(0, w * w, run_body, state + setup(jnp.int32(0)))
    return out[:4]


def _full_scan2(g1, g2, rx_vm, ry_vm, rz_vm):

    def body(j, carry):
        jv, b1, i1, b2, i2 = carry
        rx = plsc.load_gather(rx_vm, [jv])
        ry = plsc.load_gather(ry_vm, [jv])
        rz = plsc.load_gather(rz_vm, [jv])
        out = []
        for (qx, qy, qz), (bb, bi) in ((g1[:3], (b1, i1)),
                                       (g2[:3], (b2, i2))):
            dx = qx - rx
            dy = qy - ry
            dz = qz - rz
            d = (dx * dx + dy * dy) + dz * dz
            m = d < bb
            out.append((jnp.where(m, d, bb), jnp.where(m, jv, bi)))
        return jv + 1, out[0][0], out[0][1], out[1][0], out[1][1]

    init = (jnp.zeros((L,), jnp.int32),
            jnp.full((L,), jnp.inf, jnp.float32), jnp.zeros((L,), jnp.int32),
            jnp.full((L,), jnp.inf, jnp.float32), jnp.zeros((L,), jnp.int32))
    _, b1, i1, b2, i2 = lax.fori_loop(0, N, body, init)
    return b1, i1, b2, i2


def _load_group(qs, qb):
    qx = qs[0][pl.ds(qb, L)]
    qy = qs[1][pl.ds(qb, L)]
    qz = qs[2][pl.ds(qb, L)]
    qix = jnp.minimum((qx * FGRID).astype(jnp.int32), G - 1)
    qiy = jnp.minimum((qy * FGRID).astype(jnp.int32), G - 1)
    qiz = jnp.minimum((qz * FGRID).astype(jnp.int32), G - 1)
    hx = (qx * (2.0 * FGRID)).astype(jnp.int32) & 1
    hy = (qy * (2.0 * FGRID)).astype(jnp.int32) & 1
    hz = (qz * (2.0 * FGRID)).astype(jnp.int32) & 1
    return (qx, qy, qz, qix, qiy, qiz, hx, hy, hz)


def _nn_body(x1_hbm, x2_hbm, d1_hbm, i1_hbm, d2_hbm, i2_hbm,
             a0, a1, a2, b0, b1, b2, cellbuf, cnt_vm, cursor_vm,
             st_a, st_b, sxa, sya, sza, sia, sxb, syb, szb, sib,
             dist_vm, idx_vm, addr_vm, addrs, sh_d, sh_i):
    cid = lax.axis_index("c")
    sid = lax.axis_index("s")
    wid = cid * NS + sid
    b = wid // WPB
    bl = b % (B // NC)
    chunk = wid % WPB

    roff = pl.multiple_of(b * (3 * N), 8)
    pltpu.sync_copy(x1_hbm.at[pl.ds(roff, N)], a0)
    pltpu.sync_copy(x1_hbm.at[pl.ds(roff + N, N)], a1)
    pltpu.sync_copy(x1_hbm.at[pl.ds(roff + 2 * N, N)], a2)
    pltpu.sync_copy(x2_hbm.at[pl.ds(roff, N)], b0)
    pltpu.sync_copy(x2_hbm.at[pl.ds(roff + N, N)], b1)
    pltpu.sync_copy(x2_hbm.at[pl.ds(roff + 2 * N, N)], b2)

    _build_csr(a0, a1, a2, cellbuf, cnt_vm, st_a, cursor_vm,
               sxa, sya, sza, sia)
    _build_csr(b0, b1, b2, cellbuf, cnt_vm, st_b, cursor_vm,
               sxb, syb, szb, sib)

    qoff = chunk * CHUNK

    for direction in range(2):
        if direction == 0:
            qsort = (sxa, sya, sza, sia)
            rs = (b0, b1, b2)
            starts_vm, sx, sy, sz, sidx = st_b, sxb, syb, szb, sib
        else:
            qsort = (sxb, syb, szb, sib)
            rs = (a0, a1, a2)
            starts_vm, sx, sy, sz, sidx = st_a, sxa, sya, sza, sia

        def pair_body(gp, _, qsort=qsort, rs=rs, starts_vm=starts_vm,
                      sx=sx, sy=sy, sz=sz, sidx=sidx):
            qb = qoff + gp * (2 * L)
            g1 = _load_group(qsort, qb)
            g2 = _load_group(qsort, qb + L)

            state = (jnp.full((L,), jnp.inf, jnp.float32),
                     jnp.zeros((L,), jnp.int32),
                     jnp.full((L,), jnp.inf, jnp.float32),
                     jnp.zeros((L,), jnp.int32))
            state = _window_scan(4, g1, g2, starts_vm, sx, sy, sz, state)

            def ring2(st):
                return _window_scan(6, g1, g2, starts_vm, sx, sy, sz, st)

            done4 = jnp.all(state[0] < T4) & jnp.all(state[2] < T4)
            state = lax.cond(done4, lambda st: st, ring2, state)

            bi1 = plsc.load_gather(sidx, [state[1]])
            bi2 = plsc.load_gather(sidx, [state[3]])
            pts = (state[0], bi1, state[2], bi2)

            def full(st):
                return _full_scan2(g1, g2, rs[0], rs[1], rs[2])

            done6 = jnp.all(state[0] < T6) & jnp.all(state[2] < T6)
            b1, i1, b2, i2 = lax.cond(done6, lambda st: st, full, pts)

            o = gp * (2 * L)
            dist_vm[pl.ds(o, L)] = b1
            idx_vm[pl.ds(o, L)] = i1
            dist_vm[pl.ds(o + L, L)] = b2
            idx_vm[pl.ds(o + L, L)] = i2
            addr_vm[pl.ds(o, L)] = qsort[3][pl.ds(qb, L)]
            addr_vm[pl.ds(o + L, L)] = qsort[3][pl.ds(qb + L, L)]
            return 0

        lax.fori_loop(0, PAIRS, pair_body, 0)

        for k in range(NSC):
            def addr_copy(t, _, k=k):
                addrs[k][pl.ds(t * L, L)] = addr_vm[pl.ds(k * SCAT + t * L, L)]
                return 0

            lax.fori_loop(0, SCAT // L, addr_copy, 0)
        for blc in range(B // NC):
            @pl.when(bl == blc)
            def _(blc=blc, direction=direction):
                for k in range(NSC):
                    pltpu.sync_copy(dist_vm.at[pl.ds(k * SCAT, SCAT)],
                                    sh_d[blc][direction].at[addrs[k]])
                    pltpu.sync_copy(idx_vm.at[pl.ds(k * SCAT, SCAT)],
                                    sh_i[blc][direction].at[addrs[k]])

    plsc.subcore_barrier()

    for blc in range(B // NC):
        for direction in range(2):
            for kind in range(2):
                for hh in range(2):
                    widx = ((blc * 2 + direction) * 2 + kind) * 2 + hh

                    @pl.when(sid == widx)
                    def _(blc=blc, direction=direction, kind=kind, hh=hh):
                        src = (sh_d if kind == 0 else sh_i)[blc][direction]
                        outs = ((d1_hbm, i1_hbm), (d2_hbm, i2_hbm))
                        dst = outs[direction][kind]
                        hb = (cid * (B // NC) + blc) * N + hh * (N // 2)
                        pltpu.sync_copy(
                            src.at[pl.ds(hh * (N // 2), N // 2)],
                            dst.at[pl.ds(hb, N // 2)])


@functools.partial(
    pl.kernel,
    out_type=[
        jax.ShapeDtypeStruct((B * N,), jnp.float32),
        jax.ShapeDtypeStruct((B * N,), jnp.int32),
        jax.ShapeDtypeStruct((B * N,), jnp.float32),
        jax.ShapeDtypeStruct((B * N,), jnp.int32),
    ],
    mesh=plsc.VectorSubcoreMesh(core_axis_name="c", subcore_axis_name="s"),
    compiler_params=pltpu.CompilerParams(needs_layout_passes=False),
    scratch_types=[
        pltpu.VMEM((N,), jnp.float32),
        pltpu.VMEM((N,), jnp.float32),
        pltpu.VMEM((N,), jnp.float32),
        pltpu.VMEM((N,), jnp.float32),
        pltpu.VMEM((N,), jnp.float32),
        pltpu.VMEM((N,), jnp.float32),
        pltpu.VMEM((N,), jnp.int32),
        pltpu.VMEM((NCELL,), jnp.int32),
        pltpu.VMEM((NCELL,), jnp.int32),
        pltpu.VMEM((NCELL + L,), jnp.int32),
        pltpu.VMEM((NCELL + L,), jnp.int32),
        pltpu.VMEM((N,), jnp.float32),
        pltpu.VMEM((N,), jnp.float32),
        pltpu.VMEM((N,), jnp.float32),
        pltpu.VMEM((N,), jnp.int32),
        pltpu.VMEM((N,), jnp.float32),
        pltpu.VMEM((N,), jnp.float32),
        pltpu.VMEM((N,), jnp.float32),
        pltpu.VMEM((N,), jnp.int32),
        pltpu.VMEM((CHUNK,), jnp.float32),
        pltpu.VMEM((CHUNK,), jnp.int32),
        pltpu.VMEM((CHUNK,), jnp.int32),
        [pltpu.VMEM((SCAT,), jnp.int32) for _ in range(NSC)],
        [[pltpu.VMEM_SHARED((N,), jnp.float32)
          for _ in range(2)] for _ in range(B // NC)],
        [[pltpu.VMEM_SHARED((N,), jnp.int32)
          for _ in range(2)] for _ in range(B // NC)],
    ],
)
def _nn_sc(x1, x2, d1, i1, d2, i2,
           a0, a1, a2, b0, b1, b2, cellbuf, cnt_vm, cursor_vm,
           st_a, st_b, sxa, sya, sza, sia, sxb, syb, szb, sib,
           dist_vm, idx_vm, addr_vm, addrs, sh_d, sh_i):
    _nn_body(x1, x2, d1, i1, d2, i2,
             a0, a1, a2, b0, b1, b2, cellbuf, cnt_vm, cursor_vm,
             st_a, st_b, sxa, sya, sza, sia, sxb, syb, szb, sib,
             dist_vm, idx_vm, addr_vm, addrs, sh_d, sh_i)


def kernel(xyz1, xyz2):
    x1 = jnp.transpose(xyz1, (0, 2, 1)).reshape(B * 3 * N)
    x2 = jnp.transpose(xyz2, (0, 2, 1)).reshape(B * 3 * N)
    d1, i1, d2, i2 = _nn_sc(x1, x2)
    return (d1.reshape(B, N), i1.reshape(B, N),
            d2.reshape(B, N), i2.reshape(B, N))

# --- scband reference (transcript-rebuilt; emitter-appended) ---
"""Pipeline reference for scband-nndistance-52785148068622 (READ-ONLY COPY).

The authoritative reference and input builder live on the scoring server;
editing this copy changes nothing except your own understanding.
"""

import jax, jax.numpy as jnp
import numpy as np


def setup_inputs(seed: int = 0) -> dict:
    key = jax.random.key(seed)
    k1, k2 = jax.random.split(key)
    xyz1 = jax.random.uniform(k1, (4, 4096, 3), dtype=jnp.float32)
    xyz2 = jax.random.uniform(k2, (4, 4096, 3), dtype=jnp.float32)
    return {"xyz1": xyz1, "xyz2": xyz2}


def reference(xyz1, xyz2):
    # Faithful port of tf_nndistance (Chamfer NN op):
    # returns SQUARED distance to nearest neighbor in both directions plus argmin indices.
    # d[b, i, j] = ||xyz1[b, i] - xyz2[b, j]||^2
    diff = xyz1[:, :, None, :] - xyz2[:, None, :, :]  # (B, N1, N2, 3)
    d = jnp.sum(diff * diff, axis=-1)                  # (B, N1, N2)
    dist1 = jnp.min(d, axis=2)                         # (B, N1)
    idx1 = jnp.argmin(d, axis=2).astype(jnp.int32)     # (B, N1)
    dist2 = jnp.min(d, axis=1)                         # (B, N2)
    idx2 = jnp.argmin(d, axis=1).astype(jnp.int32)     # (B, N2)
    return (dist1, idx1, dist2, idx2)

if __name__ == "__main__":
    import jax
    _d = setup_inputs()
    print(jax.jit(kernel)(*tuple(_d.values())))

</pallas_src>

<mosaic_0001>
#map = affine_map<(d0, d1) -> (0)>
module attributes {stable_mosaic.version = 14 : i64} {
  func.func @_nn_sc(%arg0: i32, %arg1: i32, %arg2: memref<49152xf32, #tpu.memory_space<hbm>>, %arg3: memref<49152xf32, #tpu.memory_space<hbm>>, %arg4: memref<16384xf32, #tpu.memory_space<hbm>>, %arg5: memref<16384xi32, #tpu.memory_space<hbm>>, %arg6: memref<16384xf32, #tpu.memory_space<hbm>>, %arg7: memref<16384xi32, #tpu.memory_space<hbm>>, %arg8: memref<4096xf32, #tpu.memory_space<vmem>>, %arg9: memref<4096xf32, #tpu.memory_space<vmem>>, %arg10: memref<4096xf32, #tpu.memory_space<vmem>>, %arg11: memref<4096xf32, #tpu.memory_space<vmem>>, %arg12: memref<4096xf32, #tpu.memory_space<vmem>>, %arg13: memref<4096xf32, #tpu.memory_space<vmem>>, %arg14: memref<4096xi32, #tpu.memory_space<vmem>>, %arg15: memref<4096xi32, #tpu.memory_space<vmem>>, %arg16: memref<4096xi32, #tpu.memory_space<vmem>>, %arg17: memref<4112xi32, #tpu.memory_space<vmem>>, %arg18: memref<4112xi32, #tpu.memory_space<vmem>>, %arg19: memref<4096xf32, #tpu.memory_space<vmem>>, %arg20: memref<4096xf32, #tpu.memory_space<vmem>>, %arg21: memref<4096xf32, #tpu.memory_space<vmem>>, %arg22: memref<4096xi32, #tpu.memory_space<vmem>>, %arg23: memref<4096xf32, #tpu.memory_space<vmem>>, %arg24: memref<4096xf32, #tpu.memory_space<vmem>>, %arg25: memref<4096xf32, #tpu.memory_space<vmem>>, %arg26: memref<4096xi32, #tpu.memory_space<vmem>>, %arg27: memref<512xf32, #tpu.memory_space<vmem>>, %arg28: memref<512xi32, #tpu.memory_space<vmem>>, %arg29: memref<512xi32, #tpu.memory_space<vmem>>, %arg30: memref<128xi32, #tpu.memory_space<vmem>>, %arg31: memref<128xi32, #tpu.memory_space<vmem>>, %arg32: memref<128xi32, #tpu.memory_space<vmem>>, %arg33: memref<128xi32, #tpu.memory_space<vmem>>, %arg34: memref<4096xf32, #tpu.memory_space<vmem_shared>>, %arg35: memref<4096xf32, #tpu.memory_space<vmem_shared>>, %arg36: memref<4096xf32, #tpu.memory_space<vmem_shared>>, %arg37: memref<4096xf32, #tpu.memory_space<vmem_shared>>, %arg38: memref<4096xi32, #tpu.memory_space<vmem_shared>>, %arg39: memref<4096xi32, #tpu.memory_space<vmem_shared>>, %arg40: memref<4096xi32, #tpu.memory_space<vmem_shared>>, %arg41: memref<4096xi32, #tpu.memory_space<vmem_shared>>) attributes {dimension_semantics = [#tpu.dimension_semantics<core_parallel>, #tpu.dimension_semantics<subcore_parallel>], iteration_bounds = array<i64: 2, 16>, scalar_prefetch = 0 : i64, scratch_operands = 34 : i64, tpu.core_type = #tpu.core_type<sc_vector_subcore>, window_params = [{transform_indices = #map}, {transform_indices = #map}, {transform_indices = #map}, {transform_indices = #map}, {transform_indices = #map}, {transform_indices = #map}]} {
    %mul3A = arith.constant 16 : i32
    %mul3A_0 = arith.muli %arg0, %mul3A : i32
    %add3A = arith.addi %mul3A_0, %arg1 : i32
    %jit3A = arith.constant 8 : i32
    %div3A = arith.divsi %add3A, %jit3A : i32
    %sign3A = arith.constant 0 : i32
    %sign3A_1 = arith.cmpi sgt, %add3A, %sign3A : i32
    %sign3A_2 = arith.extui %sign3A_1 : i1 to i32
    %sign3A_3 = arith.constant 0 : i32
    %sign3A_4 = arith.cmpi slt, %add3A, %sign3A_3 : i32
    %sign3A_5 = arith.extui %sign3A_4 : i1 to i32
    %sign3A_6 = arith.subi %sign3A_2, %sign3A_5 : i32
    %sign3A_7 = arith.constant 0 : i32
    %sign3A_8 = arith.cmpi sgt, %jit3A, %sign3A_7 : i32
    %sign3A_9 = arith.extui %sign3A_8 : i1 to i32
    %sign3A_10 = arith.constant 0 : i32
    %sign3A_11 = arith.cmpi slt, %jit3A, %sign3A_10 : i32
    %sign3A_12 = arith.extui %sign3A_11 : i1 to i32
    %sign3A_13 = arith.subi %sign3A_9, %sign3A_12 : i32
    %ne3A = arith.cmpi ne, %sign3A_6, %sign3A_13 : i32
    %rem3A = arith.remsi %add3A, %jit3A : i32
    %ne3A_14 = arith.constant 0 : i32
    %ne3A_15 = arith.cmpi ne, %rem3A, %ne3A_14 : i32
    %and3A = arith.andi %ne3A, %ne3A_15 : i1
    %sub3A = arith.constant 1 : i32
    %sub3A_16 = arith.subi %div3A, %sub3A : i32
    %select_n3A = arith.select %and3A, %sub3A_16, %div3A : i32
    %jit3A_17 = arith.constant 2 : i32
    %eq3A = arith.constant 0 : i32
    %eq3A_18 = arith.cmpi eq, %jit3A_17, %eq3A : i32
    %jit3A_19 = arith.constant 1 : i32
    %select_n3A_20 = arith.select %eq3A_18, %jit3A_19, %jit3A_17 : i32
    %rem3A_21 = arith.remsi %select_n3A, %select_n3A_20 : i32
    %ne3A_22 = arith.constant 0 : i32
    %ne3A_23 = arith.cmpi ne, %rem3A_21, %ne3A_22 : i32
    %lt3A = arith.constant 0 : i32
    %lt3A_24 = arith.cmpi slt, %rem3A_21, %lt3A : i32
    %lt3A_25 = arith.constant 0 : i32
    %lt3A_26 = arith.cmpi slt, %select_n3A_20, %lt3A_25 : i32
    %ne3A_27 = arith.xori %lt3A_24, %lt3A_26 : i1
    %and3A_28 = arith.andi %ne3A_27, %ne3A_23 : i1
    %add3A_29 = arith.addi %rem3A_21, %select_n3A_20 : i32
    %select_n3A_30 = arith.select %and3A_28, %add3A_29, %rem3A_21 : i32
    %jit3A_31 = arith.constant 8 : i32
    %eq3A_32 = arith.constant 0 : i32
    %eq3A_33 = arith.cmpi eq, %jit3A_31, %eq3A_32 : i32
    %jit3A_34 = arith.constant 1 : i32
    %select_n3A_35 = arith.select %eq3A_33, %jit3A_34, %jit3A_31 : i32
    %rem3A_36 = arith.remsi %add3A, %select_n3A_35 : i32
    %ne3A_37 = arith.constant 0 : i32
    %ne3A_38 = arith.cmpi ne, %rem3A_36, %ne3A_37 : i32
    %lt3A_39 = arith.constant 0 : i32
    %lt3A_40 = arith.cmpi slt, %rem3A_36, %lt3A_39 : i32
    %lt3A_41 = arith.constant 0 : i32
    %lt3A_42 = arith.cmpi slt, %select_n3A_35, %lt3A_41 : i32
    %ne3A_43 = arith.xori %lt3A_40, %lt3A_42 : i1
    %and3A_44 = arith.andi %ne3A_43, %ne3A_38 : i1
    %add3A_45 = arith.addi %rem3A_36, %select_n3A_35 : i32
    %select_n3A_46 = arith.select %and3A_44, %add3A_45, %rem3A_36 : i32
    %mul3A_47 = arith.constant 12288 : i32
    %mul3A_48 = arith.muli %select_n3A, %mul3A_47 : i32
    %multiple_of3A = tpu.assume_multiple %mul3A_48, 8 : i32
    "tpu.region"() ({
      %run_scoped3A = tpu.sem_alloc : memref<!tpu.dma_semaphore, #tpu.memory_space<semaphore_mem>>
      %dma_start3A = tpu.memref_slice %arg2[%multiple_of3A] : memref<49152xf32, #tpu.memory_space<hbm>> -> memref<4096xf32, #tpu.memory_space<hbm>>
      %dma_start3A_292 = tpu.memref_slice %arg2[%multiple_of3A] : memref<49152xf32, #tpu.memory_space<hbm>> -> memref<4096xf32, #tpu.memory_space<hbm>>
      tpu.enqueue_dma source(%dma_start3A_292 : memref<4096xf32, #tpu.memory_space<hbm>>) target(%arg8 : memref<4096xf32, #tpu.memory_space<vmem>>) target_semaphore(%run_scoped3A : memref<!tpu.dma_semaphore, #tpu.memory_space<semaphore_mem>>)
      %dma_wait3A = tpu.memref_slice %arg2[%multiple_of3A] : memref<49152xf32, #tpu.memory_space<hbm>> -> memref<4096xf32, #tpu.memory_space<hbm>>
      %dma_wait3A_293 = tpu.memref_slice %arg2[%multiple_of3A] : memref<49152xf32, #tpu.memory_space<hbm>> -> memref<4096xf32, #tpu.memory_space<hbm>>
      tpu.wait_dma2 semaphore(%run_scoped3A : memref<!tpu.dma_semaphore, #tpu.memory_space<semaphore_mem>>) src(%dma_wait3A_293 : memref<4096xf32, #tpu.memory_space<hbm>>) dst(%arg8 : memref<4096xf32, #tpu.memory_space<vmem>>)
      tpu.yield
    }) : () -> ()
    %add3A_49 = arith.constant 4096 : i32
    %add3A_50 = arith.addi %multiple_of3A, %add3A_49 : i32
    "tpu.region"() ({
      %run_scoped3A = tpu.sem_alloc : memref<!tpu.dma_semaphore, #tpu.memory_space<semaphore_mem>>
      %dma_start3A = tpu.memref_slice %arg2[%add3A_50] : memref<49152xf32, #tpu.memory_space<hbm>> -> memref<4096xf32, #tpu.memory_space<hbm>>
      %dma_start3A_292 = tpu.memref_slice %arg2[%add3A_50] : memref<49152xf32, #tpu.memory_space<hbm>> -> memref<4096xf32, #tpu.memory_space<hbm>>
      tpu.enqueue_dma source(%dma_start3A_292 : memref<4096xf32, #tpu.memory_space<hbm>>) target(%arg9 : memref<4096xf32, #tpu.memory_space<vmem>>) target_semaphore(%run_scoped3A : memref<!tpu.dma_semaphore, #tpu.memory_space<semaphore_mem>>)
      %dma_wait3A = tpu.memref_slice %arg2[%add3A_50] : memref<49152xf32, #tpu.memory_space<hbm>> -> memref<4096xf32, #tpu.memory_space<hbm>>
      %dma_wait3A_293 = tpu.memref_slice %arg2[%add3A_50] : memref<49152xf32, #tpu.memory_space<hbm>> -> memref<4096xf32, #tpu.memory_space<hbm>>
      tpu.wait_dma2 semaphore(%run_scoped3A : memref<!tpu.dma_semaphore, #tpu.memory_space<semaphore_mem>>) src(%dma_wait3A_293 : memref<4096xf32, #tpu.memory_space<hbm>>) dst(%arg9 : memref<4096xf32, #tpu.memory_space<vmem>>)
      tpu.yield
    }) : () -> ()
    %add3A_51 = arith.constant 8192 : i32
    %add3A_52 = arith.addi %multiple_of3A, %add3A_51 : i32
    "tpu.region"() ({
      %run_scoped3A = tpu.sem_alloc : memref<!tpu.dma_semaphore, #tpu.memory_space<semaphore_mem>>
      %dma_start3A = tpu.memref_slice %arg2[%add3A_52] : memref<49152xf32, #tpu.memory_space<hbm>> -> memref<4096xf32, #tpu.memory_space<hbm>>
      %dma_start3A_292 = tpu.memref_slice %arg2[%add3A_52] : memref<49152xf32, #tpu.memory_space<hbm>> -> memref<4096xf32, #tpu.memory_space<hbm>>
      tpu.enqueue_dma source(%dma_start3A_292 : memref<4096xf32, #tpu.memory_space<hbm>>) target(%arg10 : memref<4096xf32, #tpu.memory_space<vmem>>) target_semaphore(%run_scoped3A : memref<!tpu.dma_semaphore, #tpu.memory_space<semaphore_mem>>)
      %dma_wait3A = tpu.memref_slice %arg2[%add3A_52] : memref<49152xf32, #tpu.memory_space<hbm>> -> memref<4096xf32, #tpu.memory_space<hbm>>
      %dma_wait3A_293 = tpu.memref_slice %arg2[%add3A_52] : memref<49152xf32, #tpu.memory_space<hbm>> -> memref<4096xf32, #tpu.memory_space<hbm>>
      tpu.wait_dma2 semaphore(%run_scoped3A : memref<!tpu.dma_semaphore, #tpu.memory_space<semaphore_mem>>) src(%dma_wait3A_293 : memref<4096xf32, #tpu.memory_space<hbm>>) dst(%arg10 : memref<4096xf32, #tpu.memory_space<vmem>>)
      tpu.yield
    }) : () -> ()
    "tpu.region"() ({
      %run_scoped3A = tpu.sem_alloc : memref<!tpu.dma_semaphore, #tpu.memory_space<semaphore_mem>>
      %dma_start3A = tpu.memref_slice %arg3[%multiple_of3A] : memref<49152xf32, #tpu.memory_space<hbm>> -> memref<4096xf32, #tpu.memory_space<hbm>>
      %dma_start3A_292 = tpu.memref_slice %arg3[%multiple_of3A] : memref<49152xf32, #tpu.memory_space<hbm>> -> memref<4096xf32, #tpu.memory_space<hbm>>
      tpu.enqueue_dma source(%dma_start3A_292 : memref<4096xf32, #tpu.memory_space<hbm>>) target(%arg11 : memref<4096xf32, #tpu.memory_space<vmem>>) target_semaphore(%run_scoped3A : memref<!tpu.dma_semaphore, #tpu.memory_space<semaphore_mem>>)
      %dma_wait3A = tpu.memref_slice %arg3[%multiple_of3A] : memref<49152xf32, #tpu.memory_space<hbm>> -> memref<4096xf32, #tpu.memory_space<hbm>>
      %dma_wait3A_293 = tpu.memref_slice %arg3[%multiple_of3A] : memref<49152xf32, #tpu.memory_space<hbm>> -> memref<4096xf32, #tpu.memory_space<hbm>>
      tpu.wait_dma2 semaphore(%run_scoped3A : memref<!tpu.dma_semaphore, #tpu.memory_space<semaphore_mem>>) src(%dma_wait3A_293 : memref<4096xf32, #tpu.memory_space<hbm>>) dst(%arg11 : memref<4096xf32, #tpu.memory_space<vmem>>)
      tpu.yield
    }) : () -> ()
    %add3A_53 = arith.constant 4096 : i32
    %add3A_54 = arith.addi %multiple_of3A, %add3A_53 : i32
    "tpu.region"() ({
      %run_scoped3A = tpu.sem_alloc : memref<!tpu.dma_semaphore, #tpu.memory_space<semaphore_mem>>
      %dma_start3A = tpu.memref_slice %arg3[%add3A_54] : memref<49152xf32, #tpu.memory_space<hbm>> -> memref<4096xf32, #tpu.memory_space<hbm>>
      %dma_start3A_292 = tpu.memref_slice %arg3[%add3A_54] : memref<49152xf32, #tpu.memory_space<hbm>> -> memref<4096xf32, #tpu.memory_space<hbm>>
      tpu.enqueue_dma source(%dma_start3A_292 : memref<4096xf32, #tpu.memory_space<hbm>>) target(%arg12 : memref<4096xf32, #tpu.memory_space<vmem>>) target_semaphore(%run_scoped3A : memref<!tpu.dma_semaphore, #tpu.memory_space<semaphore_mem>>)
      %dma_wait3A = tpu.memref_slice %arg3[%add3A_54] : memref<49152xf32, #tpu.memory_space<hbm>> -> memref<4096xf32, #tpu.memory_space<hbm>>
      %dma_wait3A_293 = tpu.memref_slice %arg3[%add3A_54] : memref<49152xf32, #tpu.memory_space<hbm>> -> memref<4096xf32, #tpu.memory_space<hbm>>
      tpu.wait_dma2 semaphore(%run_scoped3A : memref<!tpu.dma_semaphore, #tpu.memory_space<semaphore_mem>>) src(%dma_wait3A_293 : memref<4096xf32, #tpu.memory_space<hbm>>) dst(%arg12 : memref<4096xf32, #tpu.memory_space<vmem>>)
      tpu.yield
    }) : () -> ()
    %add3A_55 = arith.constant 8192 : i32
    %add3A_56 = arith.addi %multiple_of3A, %add3A_55 : i32
    "tpu.region"() ({
      %run_scoped3A = tpu.sem_alloc : memref<!tpu.dma_semaphore, #tpu.memory_space<semaphore_mem>>
      %dma_start3A = tpu.memref_slice %arg3[%add3A_56] : memref<49152xf32, #tpu.memory_space<hbm>> -> memref<4096xf32, #tpu.memory_space<hbm>>
      %dma_start3A_292 = tpu.memref_slice %arg3[%add3A_56] : memref<49152xf32, #tpu.memory_space<hbm>> -> memref<4096xf32, #tpu.memory_space<hbm>>
      tpu.enqueue_dma source(%dma_start3A_292 : memref<4096xf32, #tpu.memory_space<hbm>>) target(%arg13 : memref<4096xf32, #tpu.memory_space<vmem>>) target_semaphore(%run_scoped3A : memref<!tpu.dma_semaphore, #tpu.memory_space<semaphore_mem>>)
      %dma_wait3A = tpu.memref_slice %arg3[%add3A_56] : memref<49152xf32, #tpu.memory_space<hbm>> -> memref<4096xf32, #tpu.memory_space<hbm>>
      %dma_wait3A_293 = tpu.memref_slice %arg3[%add3A_56] : memref<49152xf32, #tpu.memory_space<hbm>> -> memref<4096xf32, #tpu.memory_space<hbm>>
      tpu.wait_dma2 semaphore(%run_scoped3A : memref<!tpu.dma_semaphore, #tpu.memory_space<semaphore_mem>>) src(%dma_wait3A_293 : memref<4096xf32, #tpu.memory_space<hbm>>) dst(%arg13 : memref<4096xf32, #tpu.memory_space<vmem>>)
      tpu.yield
    }) : () -> ()
    %broadcast_in_dim3A = arith.constant 0 : i32
    %broadcast_in_dim3A_57 = vector.broadcast %broadcast_in_dim3A : i32 to vector<16xi32>
    %scan3A = arith.constant 0 : i32
    %scan3A_58 = arith.constant 0 : i32
    %scan3A_59 = arith.constant 64 : i32
    %scan3A_60 = arith.addi %scan3A_58, %scan3A_59 : i32
    %scan3A_61 = arith.constant 1 : i32
    %scan3A_62 = scf.for %scan3A_292 = %scan3A_58 to %scan3A_60 step %scan3A_61 iter_args(%scan3A_293 = %scan3A) -> (i32)  : i32 {
      %mul3A_294 = arith.constant 64 : i32
      %mul3A_295 = arith.muli %scan3A_292, %mul3A_294 : i32
      %add3A_296 = arith.constant 0 : i32
      %add3A_297 = arith.addi %mul3A_295, %add3A_296 : i32
      %swap3A_298 = arith.index_cast %add3A_297 : i32 to index
      %swap3A_299 = tpu.vector_load %arg15[%swap3A_298] {strides = array<i32>} : memref<4096xi32, #tpu.memory_space<vmem>>, vector<16xi32>,
      tpu.vector_store %arg15[%swap3A_298], %broadcast_in_dim3A_57 {strides = array<i32>} : memref<4096xi32, #tpu.memory_space<vmem>>, vector<16xi32>,
      %mul3A_300 = arith.constant 64 : i32
      %mul3A_301 = arith.muli %scan3A_292, %mul3A_300 : i32
      %add3A_302 = arith.constant 16 : i32
      %add3A_303 = arith.addi %mul3A_301, %add3A_302 : i32
      %swap3A_304 = arith.index_cast %add3A_303 : i32 to index
      %swap3A_305 = tpu.vector_load %arg15[%swap3A_304] {strides = array<i32>} : memref<4096xi32, #tpu.memory_space<vmem>>, vector<16xi32>,
      tpu.vector_store %arg15[%swap3A_304], %broadcast_in_dim3A_57 {strides = array<i32>} : memref<4096xi32, #tpu.memory_space<vmem>>, vector<16xi32>,
      %mul3A_306 = arith.constant 64 : i32
      %mul3A_307 = arith.muli %scan3A_292, %mul3A_306 : i32
      %add3A_308 = arith.constant 32 : i32
      %add3A_309 = arith.addi %mul3A_307, %add3A_308 : i32
      %swap3A_310 = arith.index_cast %add3A_309 : i32 to index
      %swap3A_311 = tpu.vector_load %arg15[%swap3A_310] {strides = array<i32>} : memref<4096xi32, #tpu.memory_space<vmem>>, vector<16xi32>,
      tpu.vector_store %arg15[%swap3A_310], %broadcast_in_dim3A_57 {strides = array<i32>} : memref<4096xi32, #tpu.memory_space<vmem>>, vector<16xi32>,
      %mul3A_312 = arith.constant 64 : i32
      %mul3A_313 = arith.muli %scan3A_292, %mul3A_312 : i32
      %add3A_314 = arith.constant 48 : i32
      %add3A_315 = arith.addi %mul3A_313, %add3A_314 : i32
      %swap3A_316 = arith.index_cast %add3A_315 : i32 to index
      %swap3A_317 = tpu.vector_load %arg15[%swap3A_316] {strides = array<i32>} : memref<4096xi32, #tpu.memory_space<vmem>>, vector<16xi32>,
      tpu.vector_store %arg15[%swap3A_316], %broadcast_in_dim3A_57 {strides = array<i32>} : memref<4096xi32, #tpu.memory_space<vmem>>, vector<16xi32>,
      %scan3A_318 = arith.constant 0 : i32
      scf.yield %scan3A_318 : i32
    }
    %scan3A_63 = arith.constant 64 : i32
    %scan3A_64 = arith.constant 0 : i32
    %scan3A_65 = arith.constant 0 : i32
    %scan3A_66 = arith.constant 256 : i32
    %scan3A_67 = arith.addi %scan3A_65, %scan3A_66 : i32
    %scan3A_68 = arith.constant 1 : i32
    %scan3A_69 = scf.for %scan3A_292 = %scan3A_65 to %scan3A_67 step %scan3A_68 iter_args(%scan3A_293 = %scan3A_64) -> (i32)  : i32 {
      %mul3A_294 = arith.constant 16 : i32
      %mul3A_295 = arith.muli %scan3A_292, %mul3A_294 : i32
      %get3A = arith.index_cast %mul3A_295 : i32 to index
      %get3A_296 = tpu.vector_load %arg8[%get3A] {strides = array<i32>} : memref<4096xf32, #tpu.memory_space<vmem>>, vector<16xf32>,
      %get3A_297 = arith.index_cast %mul3A_295 : i32 to index
      %get3A_298 = tpu.vector_load %arg9[%get3A_297] {strides = array<i32>} : memref<4096xf32, #tpu.memory_space<vmem>>, vector<16xf32>,
      %get3A_299 = arith.index_cast %mul3A_295 : i32 to index
      %get3A_300 = tpu.vector_load %arg10[%get3A_299] {strides = array<i32>} : memref<4096xf32, #tpu.memory_space<vmem>>, vector<16xf32>,
      %mul3A_301 = arith.constant 1.600000e+01 : f32
      %mul3A_302 = vector.broadcast %mul3A_301 : f32 to vector<16xf32>
      %mul3A_303 = arith.mulf %get3A_296, %mul3A_302 : vector<16xf32>
      %convert_element_type3A_304 = arith.fptosi %mul3A_303 : vector<16xf32> to vector<16xi32>
      %min3A = arith.constant 15 : i32
      %min3A_305 = vector.broadcast %min3A : i32 to vector<16xi32>
      %min3A_306 = arith.minsi %convert_element_type3A_304, %min3A_305 : vector<16xi32>
      %mul3A_307 = arith.constant 1.600000e+01 : f32
      %mul3A_308 = vector.broadcast %mul3A_307 : f32 to vector<16xf32>
      %mul3A_309 = arith.mulf %get3A_298, %mul3A_308 : vector<16xf32>
      %convert_element_type3A_310 = arith.fptosi %mul3A_309 : vector<16xf32> to vector<16xi32>
      %min3A_311 = arith.constant 15 : i32
      %min3A_312 = vector.broadcast %min3A_311 : i32 to vector<16xi32>
      %min3A_313 = arith.minsi %convert_element_type3A_310, %min3A_312 : vector<16xi32>
      %mul3A_314 = arith.constant 1.600000e+01 : f32
      %mul3A_315 = vector.broadcast %mul3A_314 : f32 to vector<16xf32>
      %mul3A_316 = arith.mulf %get3A_300, %mul3A_315 : vector<16xf32>
      %convert_element_type3A_317 = arith.fptosi %mul3A_316 : vector<16xf32> to vector<16xi32>
      %min3A_318 = arith.constant 15 : i32
      %min3A_319 = vector.broadcast %min3A_318 : i32 to vector<16xi32>
      %min3A_320 = arith.minsi %convert_element_type3A_317, %min3A_319 : vector<16xi32>
      %mul3A_321 = arith.constant 16 : i32
      %mul3A_322 = vector.broadcast %mul3A_321 : i32 to vector<16xi32>
      %mul3A_323 = arith.muli %min3A_306, %mul3A_322 : vector<16xi32>
      %add3A_324 = arith.addi %mul3A_323, %min3A_313 : vector<16xi32>
      %mul3A_325 = arith.constant 16 : i32
      %mul3A_326 = vector.broadcast %mul3A_325 : i32 to vector<16xi32>
      %mul3A_327 = arith.muli %add3A_324, %mul3A_326 : vector<16xi32>
      %add3A_328 = arith.addi %mul3A_327, %min3A_320 : vector<16xi32>
      %swap3A_329 = arith.index_cast %mul3A_295 : i32 to index
      %swap3A_330 = tpu.vector_load %arg14[%swap3A_329] {strides = array<i32>} : memref<4096xi32, #tpu.memory_space<vmem>>, vector<16xi32>,
      tpu.vector_store %arg14[%swap3A_329], %add3A_328 {strides = array<i32>} : memref<4096xi32, #tpu.memory_space<vmem>>, vector<16xi32>,
      %gather3A = tpu.vector_load_idx %arg15[%add3A_328] : memref<4096xi32, #tpu.memory_space<vmem>>[vector<16xi32>], vector<16xi32>,
      %broadcast_in_dim3A_331 = arith.constant true
      %broadcast_in_dim3A_332 = vector.broadcast %broadcast_in_dim3A_331 : i1 to vector<16xi1>
      %unique3A, %unique3A_333 = tpu.scan_count mask(%broadcast_in_dim3A_332 : vector<16xi1>) value(%add3A_328 : vector<16xi32>) : vector<16xi1>, vector<16xi32>
      %add3A_334 = arith.addi %gather3A, %unique3A_333 : vector<16xi32>
      %sub3A_335 = arith.constant 1 : i32
      %sub3A_336 = vector.broadcast %sub3A_335 : i32 to vector<16xi32>
      %sub3A_337 = arith.subi %add3A_334, %sub3A_336 : vector<16xi32>
      %swap3A_338 = arith.index_cast %mul3A_295 : i32 to index
      %swap3A_339 = tpu.vector_load %arg16[%swap3A_338] {strides = array<i32>} : memref<4096xi32, #tpu.memory_space<vmem>>, vector<16xi32>,
      tpu.vector_store %arg16[%swap3A_338], %sub3A_337 {strides = array<i32>} : memref<4096xi32, #tpu.memory_space<vmem>>, vector<16xi32>,
      %broadcast_in_dim3A_340 = arith.constant 1 : i32
      %broadcast_in_dim3A_341 = vector.broadcast %broadcast_in_dim3A_340 : i32 to vector<16xi32>
      tpu.vector_store_idx %arg15[%add3A_328], %broadcast_in_dim3A_341 {add = true} : memref<4096xi32, #tpu.memory_space<vmem>>[vector<16xi32>], vector<16xi32>,
      %scan3A_342 = arith.constant 0 : i32
      scf.yield %scan3A_342 : i32
    }
    %scan3A_70 = arith.constant 256 : i32
    %scan3A_71 = arith.constant 0 : i32
    %scan3A_72 = arith.constant 0 : i32
    %scan3A_73 = arith.constant 64 : i32
    %scan3A_74 = arith.addi %scan3A_72, %scan3A_73 : i32
    %scan3A_75 = arith.constant 1 : i32
    %scan3A_76 = scf.for %scan3A_292 = %scan3A_72 to %scan3A_74 step %scan3A_75 iter_args(%scan3A_293 = %scan3A_71) -> (i32)  : i32 {
      %mul3A_294 = arith.constant 64 : i32
      %mul3A_295 = arith.muli %scan3A_292, %mul3A_294 : i32
      %add3A_296 = arith.constant 0 : i32
      %add3A_297 = arith.addi %mul3A_295, %add3A_296 : i32
      %get3A = arith.index_cast %add3A_297 : i32 to index
      %get3A_298 = tpu.vector_load %arg15[%get3A] {strides = array<i32>} : memref<4096xi32, #tpu.memory_space<vmem>>, vector<16xi32>,
      %broadcast_in_dim3A_299 = arith.constant true
      %broadcast_in_dim3A_300 = vector.broadcast %broadcast_in_dim3A_299 : i1 to vector<16xi1>
      %masked_cumsum3A = tpu.scan <sum>, %get3A_298 masked %broadcast_in_dim3A_300 : vector<16xi32>, vector<16xi1> -> vector<16xi32>
      %sub3A_301 = arith.subi %masked_cumsum3A, %get3A_298 : vector<16xi32>
      %add3A_302 = vector.broadcast %scan3A_293 : i32 to vector<16xi32>
      %add3A_303 = arith.addi %sub3A_301, %add3A_302 : vector<16xi32>
      %add3A_304 = arith.constant 0 : i32
      %add3A_305 = arith.addi %mul3A_295, %add3A_304 : i32
      %swap3A_306 = arith.index_cast %add3A_305 : i32 to index
      %swap3A_307 = tpu.vector_load %arg17[%swap3A_306] {strides = array<i32>} : memref<4112xi32, #tpu.memory_space<vmem>>, vector<16xi32>,
      tpu.vector_store %arg17[%swap3A_306], %add3A_303 {strides = array<i32>} : memref<4112xi32, #tpu.memory_space<vmem>>, vector<16xi32>,
      %reduce_sum3A = arith.constant true
      %reduce_sum3A_308 = vector.broadcast %reduce_sum3A : i1 to vector<16xi1>
      %reduce_sum3A_309 = tpu.scan <sum>, %get3A_298 masked %reduce_sum3A_308 : vector<16xi32>, vector<16xi1> -> vector<16xi32>
      %reduce_sum3A_310 = vector.extract %reduce_sum3A_309[15] : i32 from vector<16xi32>
      %add3A_311 = arith.addi %scan3A_293, %reduce_sum3A_310 : i32
      %add3A_312 = arith.constant 16 : i32
      %add3A_313 = arith.addi %mul3A_295, %add3A_312 : i32
      %get3A_314 = arith.index_cast %add3A_313 : i32 to index
      %get3A_315 = tpu.vector_load %arg15[%get3A_314] {strides = array<i32>} : memref<4096xi32, #tpu.memory_space<vmem>>, vector<16xi32>,
      %broadcast_in_dim3A_316 = arith.constant true
      %broadcast_in_dim3A_317 = vector.broadcast %broadcast_in_dim3A_316 : i1 to vector<16xi1>
      %masked_cumsum3A_318 = tpu.scan <sum>, %get3A_315 masked %broadcast_in_dim3A_317 : vector<16xi32>, vector<16xi1> -> vector<16xi32>
      %sub3A_319 = arith.subi %masked_cumsum3A_318, %get3A_315 : vector<16xi32>
      %add3A_320 = vector.broadcast %add3A_311 : i32 to vector<16xi32>
      %add3A_321 = arith.addi %sub3A_319, %add3A_320 : vector<16xi32>
      %add3A_322 = arith.constant 16 : i32
      %add3A_323 = arith.addi %mul3A_295, %add3A_322 : i32
      %swap3A_324 = arith.index_cast %add3A_323 : i32 to index
      %swap3A_325 = tpu.vector_load %arg17[%swap3A_324] {strides = array<i32>} : memref<4112xi32, #tpu.memory_space<vmem>>, vector<16xi32>,
      tpu.vector_store %arg17[%swap3A_324], %add3A_321 {strides = array<i32>} : memref<4112xi32, #tpu.memory_space<vmem>>, vector<16xi32>,
      %reduce_sum3A_326 = arith.constant true
      %reduce_sum3A_327 = vector.broadcast %reduce_sum3A_326 : i1 to vector<16xi1>
      %reduce_sum3A_328 = tpu.scan <sum>, %get3A_315 masked %reduce_sum3A_327 : vector<16xi32>, vector<16xi1> -> vector<16xi32>
      %reduce_sum3A_329 = vector.extract %reduce_sum3A_328[15] : i32 from vector<16xi32>
      %add3A_330 = arith.addi %add3A_311, %reduce_sum3A_329 : i32
      %add3A_331 = arith.constant 32 : i32
      %add3A_332 = arith.addi %mul3A_295, %add3A_331 : i32
      %get3A_333 = arith.index_cast %add3A_332 : i32 to index
      %get3A_334 = tpu.vector_load %arg15[%get3A_333] {strides = array<i32>} : memref<4096xi32, #tpu.memory_space<vmem>>, vector<16xi32>,
      %broadcast_in_dim3A_335 = arith.constant true
      %broadcast_in_dim3A_336 = vector.broadcast %broadcast_in_dim3A_335 : i1 to vector<16xi1>
      %masked_cumsum3A_337 = tpu.scan <sum>, %get3A_334 masked %broadcast_in_dim3A_336 : vector<16xi32>, vector<16xi1> -> vector<16xi32>
      %sub3A_338 = arith.subi %masked_cumsum3A_337, %get3A_334 : vector<16xi32>
      %add3A_339 = vector.broadcast %add3A_330 : i32 to vector<16xi32>
      %add3A_340 = arith.addi %sub3A_338, %add3A_339 : vector<16xi32>
      %add3A_341 = arith.constant 32 : i32
      %add3A_342 = arith.addi %mul3A_295, %add3A_341 : i32
      %swap3A_343 = arith.index_cast %add3A_342 : i32 to index
      %swap3A_344 = tpu.vector_load %arg17[%swap3A_343] {strides = array<i32>} : memref<4112xi32, #tpu.memory_space<vmem>>, vector<16xi32>,
      tpu.vector_store %arg17[%swap3A_343], %add3A_340 {strides = array<i32>} : memref<4112xi32, #tpu.memory_space<vmem>>, vector<16xi32>,
      %reduce_sum3A_345 = arith.constant true
      %reduce_sum3A_346 = vector.broadcast %reduce_sum3A_345 : i1 to vector<16xi1>
      %reduce_sum3A_347 = tpu.scan <sum>, %get3A_334 masked %reduce_sum3A_346 : vector<16xi32>, vector<16xi1> -> vector<16xi32>
      %reduce_sum3A_348 = vector.extract %reduce_sum3A_347[15] : i32 from vector<16xi32>
      %add3A_349 = arith.addi %add3A_330, %reduce_sum3A_348 : i32
      %add3A_350 = arith.constant 48 : i32
      %add3A_351 = arith.addi %mul3A_295, %add3A_350 : i32
      %get3A_352 = arith.index_cast %add3A_351 : i32 to index
      %get3A_353 = tpu.vector_load %arg15[%get3A_352] {strides = array<i32>} : memref<4096xi32, #tpu.memory_space<vmem>>, vector<16xi32>,
      %broadcast_in_dim3A_354 = arith.constant true
      %broadcast_in_dim3A_355 = vector.broadcast %broadcast_in_dim3A_354 : i1 to vector<16xi1>
      %masked_cumsum3A_356 = tpu.scan <sum>, %get3A_353 masked %broadcast_in_dim3A_355 : vector<16xi32>, vector<16xi1> -> vector<16xi32>
      %sub3A_357 = arith.subi %masked_cumsum3A_356, %get3A_353 : vector<16xi32>
      %add3A_358 = vector.broadcast %add3A_349 : i32 to vector<16xi32>
      %add3A_359 = arith.addi %sub3A_357, %add3A_358 : vector<16xi32>
      %add3A_360 = arith.constant 48 : i32
      %add3A_361 = arith.addi %mul3A_295, %add3A_360 : i32
      %swap3A_362 = arith.index_cast %add3A_361 : i32 to index
      %swap3A_363 = tpu.vector_load %arg17[%swap3A_362] {strides = array<i32>} : memref<4112xi32, #tpu.memory_space<vmem>>, vector<16xi32>,
      tpu.vector_store %arg17[%swap3A_362], %add3A_359 {strides = array<i32>} : memref<4112xi32, #tpu.memory_space<vmem>>, vector<16xi32>,
      %reduce_sum3A_364 = arith.constant true
      %reduce_sum3A_365 = vector.broadcast %reduce_sum3A_364 : i1 to vector<16xi1>
      %reduce_sum3A_366 = tpu.scan <sum>, %get3A_353 masked %reduce_sum3A_365 : vector<16xi32>, vector<16xi1> -> vector<16xi32>
      %reduce_sum3A_367 = vector.extract %reduce_sum3A_366[15] : i32 from vector<16xi32>
      %add3A_368 = arith.addi %add3A_349, %reduce_sum3A_367 : i32
      scf.yield %add3A_368 : i32
    }
    %scan3A_77 = arith.constant 64 : i32
    %broadcast_in_dim3A_78 = arith.constant 4096 : i32
    %broadcast_in_dim3A_79 = vector.broadcast %broadcast_in_dim3A_78 : i32 to vector<16xi32>
    %swap3A = arith.constant 4096 : index
    %swap3A_80 = tpu.vector_load %arg17[%swap3A] {strides = array<i32>} : memref<4112xi32, #tpu.memory_space<vmem>>, vector<16xi32>,
    tpu.vector_store %arg17[%swap3A], %broadcast_in_dim3A_79 {strides = array<i32>} : memref<4112xi32, #tpu.memory_space<vmem>>, vector<16xi32>,
    %scan3A_81 = arith.constant 0 : i32
    %scan3A_82 = arith.constant 0 : i32
    %scan3A_83 = arith.constant 128 : i32
    %scan3A_84 = arith.addi %scan3A_82, %scan3A_83 : i32
    %scan3A_85 = arith.constant 1 : i32
    %scan3A_86 = scf.for %scan3A_292 = %scan3A_82 to %scan3A_84 step %scan3A_85 iter_args(%scan3A_293 = %scan3A_81) -> (i32)  : i32 {
      %mul3A_294 = arith.constant 32 : i32
      %mul3A_295 = arith.muli %scan3A_292, %mul3A_294 : i32
      %add3A_296 = arith.constant 0 : i32
      %add3A_297 = arith.addi %mul3A_295, %add3A_296 : i32
      %get3A = arith.index_cast %add3A_297 : i32 to index
      %get3A_298 = tpu.vector_load %arg8[%get3A] {strides = array<i32>} : memref<4096xf32, #tpu.memory_space<vmem>>, vector<16xf32>,
      %get3A_299 = arith.index_cast %add3A_297 : i32 to index
      %get3A_300 = tpu.vector_load %arg9[%get3A_299] {strides = array<i32>} : memref<4096xf32, #tpu.memory_space<vmem>>, vector<16xf32>,
      %get3A_301 = arith.index_cast %add3A_297 : i32 to index
      %get3A_302 = tpu.vector_load %arg10[%get3A_301] {strides = array<i32>} : memref<4096xf32, #tpu.memory_space<vmem>>, vector<16xf32>,
      %get3A_303 = arith.index_cast %add3A_297 : i32 to index
      %get3A_304 = tpu.vector_load %arg14[%get3A_303] {strides = array<i32>} : memref<4096xi32, #tpu.memory_space<vmem>>, vector<16xi32>,
      %gather3A = tpu.vector_load_idx %arg17[%get3A_304] : memref<4112xi32, #tpu.memory_space<vmem>>[vector<16xi32>], vector<16xi32>,
      %get3A_305 = arith.index_cast %add3A_297 : i32 to index
      %get3A_306 = tpu.vector_load %arg16[%get3A_305] {strides = array<i32>} : memref<4096xi32, #tpu.memory_space<vmem>>, vector<16xi32>,
      %add3A_307 = arith.addi %gather3A, %get3A_306 : vector<16xi32>
      %broadcast_in_dim3A_308 = vector.broadcast %add3A_297 : i32 to vector<16xi32>
      %iota3A = tpu.iota {dimensions = array<i32: 0>} : vector<16xi32>
      %add3A_309 = arith.addi %broadcast_in_dim3A_308, %iota3A : vector<16xi32>
      tpu.vector_store_idx %arg19[%add3A_307], %get3A_298 : memref<4096xf32, #tpu.memory_space<vmem>>[vector<16xi32>], vector<16xf32>,
      tpu.vector_store_idx %arg20[%add3A_307], %get3A_300 : memref<4096xf32, #tpu.memory_space<vmem>>[vector<16xi32>], vector<16xf32>,
      tpu.vector_store_idx %arg21[%add3A_307], %get3A_302 : memref<4096xf32, #tpu.memory_space<vmem>>[vector<16xi32>], vector<16xf32>,
      tpu.vector_store_idx %arg22[%add3A_307], %add3A_309 : memref<4096xi32, #tpu.memory_space<vmem>>[vector<16xi32>], vector<16xi32>,
      %mul3A_310 = arith.constant 32 : i32
      %mul3A_311 = arith.muli %scan3A_292, %mul3A_310 : i32
      %add3A_312 = arith.constant 16 : i32
      %add3A_313 = arith.addi %mul3A_311, %add3A_312 : i32
      %get3A_314 = arith.index_cast %add3A_313 : i32 to index
      %get3A_315 = tpu.vector_load %arg8[%get3A_314] {strides = array<i32>} : memref<4096xf32, #tpu.memory_space<vmem>>, vector<16xf32>,
      %get3A_316 = arith.index_cast %add3A_313 : i32 to index
      %get3A_317 = tpu.vector_load %arg9[%get3A_316] {strides = array<i32>} : memref<4096xf32, #tpu.memory_space<vmem>>, vector<16xf32>,
      %get3A_318 = arith.index_cast %add3A_313 : i32 to index
      %get3A_319 = tpu.vector_load %arg10[%get3A_318] {strides = array<i32>} : memref<4096xf32, #tpu.memory_space<vmem>>, vector<16xf32>,
      %get3A_320 = arith.index_cast %add3A_313 : i32 to index
      %get3A_321 = tpu.vector_load %arg14[%get3A_320] {strides = array<i32>} : memref<4096xi32, #tpu.memory_space<vmem>>, vector<16xi32>,
      %gather3A_322 = tpu.vector_load_idx %arg17[%get3A_321] : memref<4112xi32, #tpu.memory_space<vmem>>[vector<16xi32>], vector<16xi32>,
      %get3A_323 = arith.index_cast %add3A_313 : i32 to index
      %get3A_324 = tpu.vector_load %arg16[%get3A_323] {strides = array<i32>} : memref<4096xi32, #tpu.memory_space<vmem>>, vector<16xi32>,
      %add3A_325 = arith.addi %gather3A_322, %get3A_324 : vector<16xi32>
      %broadcast_in_dim3A_326 = vector.broadcast %add3A_313 : i32 to vector<16xi32>
      %iota3A_327 = tpu.iota {dimensions = array<i32: 0>} : vector<16xi32>
      %add3A_328 = arith.addi %broadcast_in_dim3A_326, %iota3A_327 : vector<16xi32>
      tpu.vector_store_idx %arg19[%add3A_325], %get3A_315 : memref<4096xf32, #tpu.memory_space<vmem>>[vector<16xi32>], vector<16xf32>,
      tpu.vector_store_idx %arg20[%add3A_325], %get3A_317 : memref<4096xf32, #tpu.memory_space<vmem>>[vector<16xi32>], vector<16xf32>,
      tpu.vector_store_idx %arg21[%add3A_325], %get3A_319 : memref<4096xf32, #tpu.memory_space<vmem>>[vector<16xi32>], vector<16xf32>,
      tpu.vector_store_idx %arg22[%add3A_325], %add3A_328 : memref<4096xi32, #tpu.memory_space<vmem>>[vector<16xi32>], vector<16xi32>,
      %scan3A_329 = arith.constant 0 : i32
      scf.yield %scan3A_329 : i32
    }
    %scan3A_87 = arith.constant 128 : i32
    %broadcast_in_dim3A_88 = arith.constant 0 : i32
    %broadcast_in_dim3A_89 = vector.broadcast %broadcast_in_dim3A_88 : i32 to vector<16xi32>
    %scan3A_90 = arith.constant 0 : i32
    %scan3A_91 = arith.constant 0 : i32
    %scan3A_92 = arith.constant 64 : i32
    %scan3A_93 = arith.addi %scan3A_91, %scan3A_92 : i32
    %scan3A_94 = arith.constant 1 : i32
    %scan3A_95 = scf.for %scan3A_292 = %scan3A_91 to %scan3A_93 step %scan3A_94 iter_args(%scan3A_293 = %scan3A_90) -> (i32)  : i32 {
      %mul3A_294 = arith.constant 64 : i32
      %mul3A_295 = arith.muli %scan3A_292, %mul3A_294 : i32
      %add3A_296 = arith.constant 0 : i32
      %add3A_297 = arith.addi %mul3A_295, %add3A_296 : i32
      %swap3A_298 = arith.index_cast %add3A_297 : i32 to index
      %swap3A_299 = tpu.vector_load %arg15[%swap3A_298] {strides = array<i32>} : memref<4096xi32, #tpu.memory_space<vmem>>, vector<16xi32>,
      tpu.vector_store %arg15[%swap3A_298], %broadcast_in_dim3A_89 {strides = array<i32>} : memref<4096xi32, #tpu.memory_space<vmem>>, vector<16xi32>,
      %mul3A_300 = arith.constant 64 : i32
      %mul3A_301 = arith.muli %scan3A_292, %mul3A_300 : i32
      %add3A_302 = arith.constant 16 : i32
      %add3A_303 = arith.addi %mul3A_301, %add3A_302 : i32
      %swap3A_304 = arith.index_cast %add3A_303 : i32 to index
      %swap3A_305 = tpu.vector_load %arg15[%swap3A_304] {strides = array<i32>} : memref<4096xi32, #tpu.memory_space<vmem>>, vector<16xi32>,
      tpu.vector_store %arg15[%swap3A_304], %broadcast_in_dim3A_89 {strides = array<i32>} : memref<4096xi32, #tpu.memory_space<vmem>>, vector<16xi32>,
      %mul3A_306 = arith.constant 64 : i32
      %mul3A_307 = arith.muli %scan3A_292, %mul3A_306 : i32
      %add3A_308 = arith.constant 32 : i32
      %add3A_309 = arith.addi %mul3A_307, %add3A_308 : i32
      %swap3A_310 = arith.index_cast %add3A_309 : i32 to index
      %swap3A_311 = tpu.vector_load %arg15[%swap3A_310] {strides = array<i32>} : memref<4096xi32, #tpu.memory_space<vmem>>, vector<16xi32>,
      tpu.vector_store %arg15[%swap3A_310], %broadcast_in_dim3A_89 {strides = array<i32>} : memref<4096xi32, #tpu.memory_space<vmem>>, vector<16xi32>,
      %mul3A_312 = arith.constant 64 : i32
      %mul3A_313 = arith.muli %scan3A_292, %mul3A_312 : i32
      %add3A_314 = arith.constant 48 : i32
      %add3A_315 = arith.addi %mul3A_313, %add3A_314 : i32
      %swap3A_316 = arith.index_cast %add3A_315 : i32 to index
      %swap3A_317 = tpu.vector_load %arg15[%swap3A_316] {strides = array<i32>} : memref<4096xi32, #tpu.memory_space<vmem>>, vector<16xi32>,
      tpu.vector_store %arg15[%swap3A_316], %broadcast_in_dim3A_89 {strides = array<i32>} : memref<4096xi32, #tpu.memory_space<vmem>>, vector<16xi32>,
      %scan3A_318 = arith.constant 0 : i32
      scf.yield %scan3A_318 : i32
    }
    %scan3A_96 = arith.constant 64 : i32
    %scan3A_97 = arith.constant 0 : i32
    %scan3A_98 = arith.constant 0 : i32
    %scan3A_99 = arith.constant 256 : i32
    %scan3A_100 = arith.addi %scan3A_98, %scan3A_99 : i32
    %scan3A_101 = arith.constant 1 : i32
    %scan3A_102 = scf.for %scan3A_292 = %scan3A_98 to %scan3A_100 step %scan3A_101 iter_args(%scan3A_293 = %scan3A_97) -> (i32)  : i32 {
      %mul3A_294 = arith.constant 16 : i32
      %mul3A_295 = arith.muli %scan3A_292, %mul3A_294 : i32
      %get3A = arith.index_cast %mul3A_295 : i32 to index
      %get3A_296 = tpu.vector_load %arg11[%get3A] {strides = array<i32>} : memref<4096xf32, #tpu.memory_space<vmem>>, vector<16xf32>,
      %get3A_297 = arith.index_cast %mul3A_295 : i32 to index
      %get3A_298 = tpu.vector_load %arg12[%get3A_297] {strides = array<i32>} : memref<4096xf32, #tpu.memory_space<vmem>>, vector<16xf32>,
      %get3A_299 = arith.index_cast %mul3A_295 : i32 to index
      %get3A_300 = tpu.vector_load %arg13[%get3A_299] {strides = array<i32>} : memref<4096xf32, #tpu.memory_space<vmem>>, vector<16xf32>,
      %mul3A_301 = arith.constant 1.600000e+01 : f32
      %mul3A_302 = vector.broadcast %mul3A_301 : f32 to vector<16xf32>
      %mul3A_303 = arith.mulf %get3A_296, %mul3A_302 : vector<16xf32>
      %convert_element_type3A_304 = arith.fptosi %mul3A_303 : vector<16xf32> to vector<16xi32>
      %min3A = arith.constant 15 : i32
      %min3A_305 = vector.broadcast %min3A : i32 to vector<16xi32>
      %min3A_306 = arith.minsi %convert_element_type3A_304, %min3A_305 : vector<16xi32>
      %mul3A_307 = arith.constant 1.600000e+01 : f32
      %mul3A_308 = vector.broadcast %mul3A_307 : f32 to vector<16xf32>
      %mul3A_309 = arith.mulf %get3A_298, %mul3A_308 : vector<16xf32>
      %convert_element_type3A_310 = arith.fptosi %mul3A_309 : vector<16xf32> to vector<16xi32>
      %min3A_311 = arith.constant 15 : i32
      %min3A_312 = vector.broadcast %min3A_311 : i32 to vector<16xi32>
      %min3A_313 = arith.minsi %convert_element_type3A_310, %min3A_312 : vector<16xi32>
      %mul3A_314 = arith.constant 1.600000e+01 : f32
      %mul3A_315 = vector.broadcast %mul3A_314 : f32 to vector<16xf32>
      %mul3A_316 = arith.mulf %get3A_300, %mul3A_315 : vector<16xf32>
      %convert_element_type3A_317 = arith.fptosi %mul3A_316 : vector<16xf32> to vector<16xi32>
      %min3A_318 = arith.constant 15 : i32
      %min3A_319 = vector.broadcast %min3A_318 : i32 to vector<16xi32>
      %min3A_320 = arith.minsi %convert_element_type3A_317, %min3A_319 : vector<16xi32>
      %mul3A_321 = arith.constant 16 : i32
      %mul3A_322 = vector.broadcast %mul3A_321 : i32 to vector<16xi32>
      %mul3A_323 = arith.muli %min3A_306, %mul3A_322 : vector<16xi32>
      %add3A_324 = arith.addi %mul3A_323, %min3A_313 : vector<16xi32>
      %mul3A_325 = arith.constant 16 : i32
      %mul3A_326 = vector.broadcast %mul3A_325 : i32 to vector<16xi32>
      %mul3A_327 = arith.muli %add3A_324, %mul3A_326 : vector<16xi32>
      %add3A_328 = arith.addi %mul3A_327, %min3A_320 : vector<16xi32>
      %swap3A_329 = arith.index_cast %mul3A_295 : i32 to index
      %swap3A_330 = tpu.vector_load %arg14[%swap3A_329] {strides = array<i32>} : memref<4096xi32, #tpu.memory_space<vmem>>, vector<16xi32>,
      tpu.vector_store %arg14[%swap3A_329], %add3A_328 {strides = array<i32>} : memref<4096xi32, #tpu.memory_space<vmem>>, vector<16xi32>,
      %gather3A = tpu.vector_load_idx %arg15[%add3A_328] : memref<4096xi32, #tpu.memory_space<vmem>>[vector<16xi32>], vector<16xi32>,
      %broadcast_in_dim3A_331 = arith.constant true
      %broadcast_in_dim3A_332 = vector.broadcast %broadcast_in_dim3A_331 : i1 to vector<16xi1>
      %unique3A, %unique3A_333 = tpu.scan_count mask(%broadcast_in_dim3A_332 : vector<16xi1>) value(%add3A_328 : vector<16xi32>) : vector<16xi1>, vector<16xi32>
      %add3A_334 = arith.addi %gather3A, %unique3A_333 : vector<16xi32>
      %sub3A_335 = arith.constant 1 : i32
      %sub3A_336 = vector.broadcast %sub3A_335 : i32 to vector<16xi32>
      %sub3A_337 = arith.subi %add3A_334, %sub3A_336 : vector<16xi32>
      %swap3A_338 = arith.index_cast %mul3A_295 : i32 to index
      %swap3A_339 = tpu.vector_load %arg16[%swap3A_338] {strides = array<i32>} : memref<4096xi32, #tpu.memory_space<vmem>>, vector<16xi32>,
      tpu.vector_store %arg16[%swap3A_338], %sub3A_337 {strides = array<i32>} : memref<4096xi32, #tpu.memory_space<vmem>>, vector<16xi32>,
      %broadcast_in_dim3A_340 = arith.constant 1 : i32
      %broadcast_in_dim3A_341 = vector.broadcast %broadcast_in_dim3A_340 : i32 to vector<16xi32>
      tpu.vector_store_idx %arg15[%add3A_328], %broadcast_in_dim3A_341 {add = true} : memref<4096xi32, #tpu.memory_space<vmem>>[vector<16xi32>], vector<16xi32>,
      %scan3A_342 = arith.constant 0 : i32
      scf.yield %scan3A_342 : i32
    }
    %scan3A_103 = arith.constant 256 : i32
    %scan3A_104 = arith.constant 0 : i32
    %scan3A_105 = arith.constant 0 : i32
    %scan3A_106 = arith.constant 64 : i32
    %scan3A_107 = arith.addi %scan3A_105, %scan3A_106 : i32
    %scan3A_108 = arith.constant 1 : i32
    %scan3A_109 = scf.for %scan3A_292 = %scan3A_105 to %scan3A_107 step %scan3A_108 iter_args(%scan3A_293 = %scan3A_104) -> (i32)  : i32 {
      %mul3A_294 = arith.constant 64 : i32
      %mul3A_295 = arith.muli %scan3A_292, %mul3A_294 : i32
      %add3A_296 = arith.constant 0 : i32
      %add3A_297 = arith.addi %mul3A_295, %add3A_296 : i32
      %get3A = arith.index_cast %add3A_297 : i32 to index
      %get3A_298 = tpu.vector_load %arg15[%get3A] {strides = array<i32>} : memref<4096xi32, #tpu.memory_space<vmem>>, vector<16xi32>,
      %broadcast_in_dim3A_299 = arith.constant true
      %broadcast_in_dim3A_300 = vector.broadcast %broadcast_in_dim3A_299 : i1 to vector<16xi1>
      %masked_cumsum3A = tpu.scan <sum>, %get3A_298 masked %broadcast_in_dim3A_300 : vector<16xi32>, vector<16xi1> -> vector<16xi32>
      %sub3A_301 = arith.subi %masked_cumsum3A, %get3A_298 : vector<16xi32>
      %add3A_302 = vector.broadcast %scan3A_293 : i32 to vector<16xi32>
      %add3A_303 = arith.addi %sub3A_301, %add3A_302 : vector<16xi32>
      %add3A_304 = arith.constant 0 : i32
      %add3A_305 = arith.addi %mul3A_295, %add3A_304 : i32
      %swap3A_306 = arith.index_cast %add3A_305 : i32 to index
      %swap3A_307 = tpu.vector_load %arg18[%swap3A_306] {strides = array<i32>} : memref<4112xi32, #tpu.memory_space<vmem>>, vector<16xi32>,
      tpu.vector_store %arg18[%swap3A_306], %add3A_303 {strides = array<i32>} : memref<4112xi32, #tpu.memory_space<vmem>>, vector<16xi32>,
      %reduce_sum3A = arith.constant true
      %reduce_sum3A_308 = vector.broadcast %reduce_sum3A : i1 to vector<16xi1>
      %reduce_sum3A_309 = tpu.scan <sum>, %get3A_298 masked %reduce_sum3A_308 : vector<16xi32>, vector<16xi1> -> vector<16xi32>
      %reduce_sum3A_310 = vector.extract %reduce_sum3A_309[15] : i32 from vector<16xi32>
      %add3A_311 = arith.addi %scan3A_293, %reduce_sum3A_310 : i32
      %add3A_312 = arith.constant 16 : i32
      %add3A_313 = arith.addi %mul3A_295, %add3A_312 : i32
      %get3A_314 = arith.index_cast %add3A_313 : i32 to index
      %get3A_315 = tpu.vector_load %arg15[%get3A_314] {strides = array<i32>} : memref<4096xi32, #tpu.memory_space<vmem>>, vector<16xi32>,
      %broadcast_in_dim3A_316 = arith.constant true
      %broadcast_in_dim3A_317 = vector.broadcast %broadcast_in_dim3A_316 : i1 to vector<16xi1>
      %masked_cumsum3A_318 = tpu.scan <sum>, %get3A_315 masked %broadcast_in_dim3A_317 : vector<16xi32>, vector<16xi1> -> vector<16xi32>
      %sub3A_319 = arith.subi %masked_cumsum3A_318, %get3A_315 : vector<16xi32>
      %add3A_320 = vector.broadcast %add3A_311 : i32 to vector<16xi32>
      %add3A_321 = arith.addi %sub3A_319, %add3A_320 : vector<16xi32>
      %add3A_322 = arith.constant 16 : i32
      %add3A_323 = arith.addi %mul3A_295, %add3A_322 : i32
      %swap3A_324 = arith.index_cast %add3A_323 : i32 to index
      %swap3A_325 = tpu.vector_load %arg18[%swap3A_324] {strides = array<i32>} : memref<4112xi32, #tpu.memory_space<vmem>>, vector<16xi32>,
      tpu.vector_store %arg18[%swap3A_324], %add3A_321 {strides = array<i32>} : memref<4112xi32, #tpu.memory_space<vmem>>, vector<16xi32>,
      %reduce_sum3A_326 = arith.constant true
      %reduce_sum3A_327 = vector.broadcast %reduce_sum3A_326 : i1 to vector<16xi1>
      %reduce_sum3A_328 = tpu.scan <sum>, %get3A_315 masked %reduce_sum3A_327 : vector<16xi32>, vector<16xi1> -> vector<16xi32>
      %reduce_sum3A_329 = vector.extract %reduce_sum3A_328[15] : i32 from vector<16xi32>
      %add3A_330 = arith.addi %add3A_311, %reduce_sum3A_329 : i32
      %add3A_331 = arith.constant 32 : i32
      %add3A_332 = arith.addi %mul3A_295, %add3A_331 : i32
      %get3A_333 = arith.index_cast %add3A_332 : i32 to index
      %get3A_334 = tpu.vector_load %arg15[%get3A_333] {strides = array<i32>} : memref<4096xi32, #tpu.memory_space<vmem>>, vector<16xi32>,
      %broadcast_in_dim3A_335 = arith.constant true
      %broadcast_in_dim3A_336 = vector.broadcast %broadcast_in_dim3A_335 : i1 to vector<16xi1>
      %masked_cumsum3A_337 = tpu.scan <sum>, %get3A_334 masked %broadcast_in_dim3A_336 : vector<16xi32>, vector<16xi1> -> vector<16xi32>
      %sub3A_338 = arith.subi %masked_cumsum3A_337, %get3A_334 : vector<16xi32>
      %add3A_339 = vector.broadcast %add3A_330 : i32 to vector<16xi32>
      %add3A_340 = arith.addi %sub3A_338, %add3A_339 : vector<16xi32>
      %add3A_341 = arith.constant 32 : i32
      %add3A_342 = arith.addi %mul3A_295, %add3A_341 : i32
      %swap3A_343 = arith.index_cast %add3A_342 : i32 to index
      %swap3A_344 = tpu.vector_load %arg18[%swap3A_343] {strides = array<i32>} : memref<4112xi32, #tpu.memory_space<vmem>>, vector<16xi32>,
      tpu.vector_store %arg18[%swap3A_343], %add3A_340 {strides = array<i32>} : memref<4112xi32, #tpu.memory_space<vmem>>, vector<16xi32>,
      %reduce_sum3A_345 = arith.constant true
      %reduce_sum3A_346 = vector.broadcast %reduce_sum3A_345 : i1 to vector<16xi1>
      %reduce_sum3A_347 = tpu.scan <sum>, %get3A_334 masked %reduce_sum3A_346 : vector<16xi32>, vector<16xi1> -> vector<16xi32>
      %reduce_sum3A_348 = vector.extract %reduce_sum3A_347[15] : i32 from vector<16xi32>
      %add3A_349 = arith.addi %add3A_330, %reduce_sum3A_348 : i32
      %add3A_350 = arith.constant 48 : i32
      %add3A_351 = arith.addi %mul3A_295, %add3A_350 : i32
      %get3A_352 = arith.index_cast %add3A_351 : i32 to index
      %get3A_353 = tpu.vector_load %arg15[%get3A_352] {strides = array<i32>} : memref<4096xi32, #tpu.memory_space<vmem>>, vector<16xi32>,
      %broadcast_in_dim3A_354 = arith.constant true
      %broadcast_in_dim3A_355 = vector.broadcast %broadcast_in_dim3A_354 : i1 to vector<16xi1>
      %masked_cumsum3A_356 = tpu.scan <sum>, %get3A_353 masked %broadcast_in_dim3A_355 : vector<16xi32>, vector<16xi1> -> vector<16xi32>
      %sub3A_357 = arith.subi %masked_cumsum3A_356, %get3A_353 : vector<16xi32>
      %add3A_358 = vector.broadcast %add3A_349 : i32 to vector<16xi32>
      %add3A_359 = arith.addi %sub3A_357, %add3A_358 : vector<16xi32>
      %add3A_360 = arith.constant 48 : i32
      %add3A_361 = arith.addi %mul3A_295, %add3A_360 : i32
      %swap3A_362 = arith.index_cast %add3A_361 : i32 to index
      %swap3A_363 = tpu.vector_load %arg18[%swap3A_362] {strides = array<i32>} : memref<4112xi32, #tpu.memory_space<vmem>>, vector<16xi32>,
      tpu.vector_store %arg18[%swap3A_362], %add3A_359 {strides = array<i32>} : memref<4112xi32, #tpu.memory_space<vmem>>, vector<16xi32>,
      %reduce_sum3A_364 = arith.constant true
      %reduce_sum3A_365 = vector.broadcast %reduce_sum3A_364 : i1 to vector<16xi1>
      %reduce_sum3A_366 = tpu.scan <sum>, %get3A_353 masked %reduce_sum3A_365 : vector<16xi32>, vector<16xi1> -> vector<16xi32>
      %reduce_sum3A_367 = vector.extract %reduce_sum3A_366[15] : i32 from vector<16xi32>
      %add3A_368 = arith.addi %add3A_349, %reduce_sum3A_367 : i32
      scf.yield %add3A_368 : i32
    }
    %scan3A_110 = arith.constant 64 : i32
    %broadcast_in_dim3A_111 = arith.constant 4096 : i32
    %broadcast_in_dim3A_112 = vector.broadcast %broadcast_in_dim3A_111 : i32 to vector<16xi32>
    %swap3A_113 = arith.constant 4096 : index
    %swap3A_114 = tpu.vector_load %arg18[%swap3A_113] {strides = array<i32>} : memref<4112xi32, #tpu.memory_space<vmem>>, vector<16xi32>,
    tpu.vector_store %arg18[%swap3A_113], %broadcast_in_dim3A_112 {strides = array<i32>} : memref<4112xi32, #tpu.memory_space<vmem>>, vector<16xi32>,
    %scan3A_115 = arith.constant 0 : i32
    %scan3A_116 = arith.constant 0 : i32
    %scan3A_117 = arith.constant 128 : i32
    %scan3A_118 = arith.addi %scan3A_116, %scan3A_117 : i32
    %scan3A_119 = arith.constant 1 : i32
    %scan3A_120 = scf.for %scan3A_292 = %scan3A_116 to %scan3A_118 step %scan3A_119 iter_args(%scan3A_293 = %scan3A_115) -> (i32)  : i32 {
      %mul3A_294 = arith.constant 32 : i32
      %mul3A_295 = arith.muli %scan3A_292, %mul3A_294 : i32
      %add3A_296 = arith.constant 0 : i32
      %add3A_297 = arith.addi %mul3A_295, %add3A_296 : i32
      %get3A = arith.index_cast %add3A_297 : i32 to index
      %get3A_298 = tpu.vector_load %arg11[%get3A] {strides = array<i32>} : memref<4096xf32, #tpu.memory_space<vmem>>, vector<16xf32>,
      %get3A_299 = arith.index_cast %add3A_297 : i32 to index
      %get3A_300 = tpu.vector_load %arg12[%get3A_299] {strides = array<i32>} : memref<4096xf32, #tpu.memory_space<vmem>>, vector<16xf32>,
      %get3A_301 = arith.index_cast %add3A_297 : i32 to index
      %get3A_302 = tpu.vector_load %arg13[%get3A_301] {strides = array<i32>} : memref<4096xf32, #tpu.memory_space<vmem>>, vector<16xf32>,
      %get3A_303 = arith.index_cast %add3A_297 : i32 to index
      %get3A_304 = tpu.vector_load %arg14[%get3A_303] {strides = array<i32>} : memref<4096xi32, #tpu.memory_space<vmem>>, vector<16xi32>,
      %gather3A = tpu.vector_load_idx %arg18[%get3A_304] : memref<4112xi32, #tpu.memory_space<vmem>>[vector<16xi32>], vector<16xi32>,
      %get3A_305 = arith.index_cast %add3A_297 : i32 to index
      %get3A_306 = tpu.vector_load %arg16[%get3A_305] {strides = array<i32>} : memref<4096xi32, #tpu.memory_space<vmem>>, vector<16xi32>,
      %add3A_307 = arith.addi %gather3A, %get3A_306 : vector<16xi32>
      %broadcast_in_dim3A_308 = vector.broadcast %add3A_297 : i32 to vector<16xi32>
      %iota3A = tpu.iota {dimensions = array<i32: 0>} : vector<16xi32>
      %add3A_309 = arith.addi %broadcast_in_dim3A_308, %iota3A : vector<16xi32>
      tpu.vector_store_idx %arg23[%add3A_307], %get3A_298 : memref<4096xf32, #tpu.memory_space<vmem>>[vector<16xi32>], vector<16xf32>,
      tpu.vector_store_idx %arg24[%add3A_307], %get3A_300 : memref<4096xf32, #tpu.memory_space<vmem>>[vector<16xi32>], vector<16xf32>,
      tpu.vector_store_idx %arg25[%add3A_307], %get3A_302 : memref<4096xf32, #tpu.memory_space<vmem>>[vector<16xi32>], vector<16xf32>,
      tpu.vector_store_idx %arg26[%add3A_307], %add3A_309 : memref<4096xi32, #tpu.memory_space<vmem>>[vector<16xi32>], vector<16xi32>,
      %mul3A_310 = arith.constant 32 : i32
      %mul3A_311 = arith.muli %scan3A_292, %mul3A_310 : i32
      %add3A_312 = arith.constant 16 : i32
      %add3A_313 = arith.addi %mul3A_311, %add3A_312 : i32
      %get3A_314 = arith.index_cast %add3A_313 : i32 to index
      %get3A_315 = tpu.vector_load %arg11[%get3A_314] {strides = array<i32>} : memref<4096xf32, #tpu.memory_space<vmem>>, vector<16xf32>,
      %get3A_316 = arith.index_cast %add3A_313 : i32 to index
      %get3A_317 = tpu.vector_load %arg12[%get3A_316] {strides = array<i32>} : memref<4096xf32, #tpu.memory_space<vmem>>, vector<16xf32>,
      %get3A_318 = arith.index_cast %add3A_313 : i32 to index
      %get3A_319 = tpu.vector_load %arg13[%get3A_318] {strides = array<i32>} : memref<4096xf32, #tpu.memory_space<vmem>>, vector<16xf32>,
      %get3A_320 = arith.index_cast %add3A_313 : i32 to index
      %get3A_321 = tpu.vector_load %arg14[%get3A_320] {strides = array<i32>} : memref<4096xi32, #tpu.memory_space<vmem>>, vector<16xi32>,
      %gather3A_322 = tpu.vector_load_idx %arg18[%get3A_321] : memref<4112xi32, #tpu.memory_space<vmem>>[vector<16xi32>], vector<16xi32>,
      %get3A_323 = arith.index_cast %add3A_313 : i32 to index
      %get3A_324 = tpu.vector_load %arg16[%get3A_323] {strides = array<i32>} : memref<4096xi32, #tpu.memory_space<vmem>>, vector<16xi32>,
      %add3A_325 = arith.addi %gather3A_322, %get3A_324 : vector<16xi32>
      %broadcast_in_dim3A_326 = vector.broadcast %add3A_313 : i32 to vector<16xi32>
      %iota3A_327 = tpu.iota {dimensions = array<i32: 0>} : vector<16xi32>
      %add3A_328 = arith.addi %broadcast_in_dim3A_326, %iota3A_327 : vector<16xi32>
      tpu.vector_store_idx %arg23[%add3A_325], %get3A_315 : memref<4096xf32, #tpu.memory_space<vmem>>[vector<16xi32>], vector<16xf32>,
      tpu.vector_store_idx %arg24[%add3A_325], %get3A_317 : memref<4096xf32, #tpu.memory_space<vmem>>[vector<16xi32>], vector<16xf32>,
      tpu.vector_store_idx %arg25[%add3A_325], %get3A_319 : memref<4096xf32, #tpu.memory_space<vmem>>[vector<16xi32>], vector<16xf32>,
      tpu.vector_store_idx %arg26[%add3A_325], %add3A_328 : memref<4096xi32, #tpu.memory_space<vmem>>[vector<16xi32>], vector<16xi32>,
      %scan3A_329 = arith.constant 0 : i32
      scf.yield %scan3A_329 : i32
    }
    %scan3A_121 = arith.constant 128 : i32
    %mul3A_122 = arith.constant 512 : i32
    %mul3A_123 = arith.muli %select_n3A_46, %mul3A_122 : i32
    %scan3A_124 = arith.constant 0 : i32
    %scan3A_125 = arith.constant 0 : i32
    %scan3A_126 = arith.constant 16 : i32
    %scan3A_127 = arith.addi %scan3A_125, %scan3A_126 : i32
    %scan3A_128 = arith.constant 1 : i32
    %scan3A_129 = scf.for %scan3A_292 = %scan3A_125 to %scan3A_127 step %scan3A_128 iter_args(%scan3A_293 = %scan3A_124) -> (i32)  : i32 {
      %mul3A_294 = arith.constant 32 : i32
      %mul3A_295 = arith.muli %scan3A_292, %mul3A_294 : i32
      %add3A_296 = arith.addi %mul3A_123, %mul3A_295 : i32
      %get3A = arith.index_cast %add3A_296 : i32 to index
      %get3A_297 = tpu.vector_load %arg19[%get3A] {strides = array<i32>} : memref<4096xf32, #tpu.memory_space<vmem>>, vector<16xf32>,
      %get3A_298 = arith.index_cast %add3A_296 : i32 to index
      %get3A_299 = tpu.vector_load %arg20[%get3A_298] {strides = array<i32>} : memref<4096xf32, #tpu.memory_space<vmem>>, vector<16xf32>,
      %get3A_300 = arith.index_cast %add3A_296 : i32 to index
      %get3A_301 = tpu.vector_load %arg21[%get3A_300] {strides = array<i32>} : memref<4096xf32, #tpu.memory_space<vmem>>, vector<16xf32>,
      %mul3A_302 = arith.constant 1.600000e+01 : f32
      %mul3A_303 = vector.broadcast %mul3A_302 : f32 to vector<16xf32>
      %mul3A_304 = arith.mulf %get3A_297, %mul3A_303 : vector<16xf32>
      %convert_element_type3A_305 = arith.fptosi %mul3A_304 : vector<16xf32> to vector<16xi32>
      %min3A = arith.constant 15 : i32
      %min3A_306 = vector.broadcast %min3A : i32 to vector<16xi32>
      %min3A_307 = arith.minsi %convert_element_type3A_305, %min3A_306 : vector<16xi32>
      %mul3A_308 = arith.constant 1.600000e+01 : f32
      %mul3A_309 = vector.broadcast %mul3A_308 : f32 to vector<16xf32>
      %mul3A_310 = arith.mulf %get3A_299, %mul3A_309 : vector<16xf32>
      %convert_element_type3A_311 = arith.fptosi %mul3A_310 : vector<16xf32> to vector<16xi32>
      %min3A_312 = arith.constant 15 : i32
      %min3A_313 = vector.broadcast %min3A_312 : i32 to vector<16xi32>
      %min3A_314 = arith.minsi %convert_element_type3A_311, %min3A_313 : vector<16xi32>
      %mul3A_315 = arith.constant 1.600000e+01 : f32
      %mul3A_316 = vector.broadcast %mul3A_315 : f32 to vector<16xf32>
      %mul3A_317 = arith.mulf %get3A_301, %mul3A_316 : vector<16xf32>
      %convert_element_type3A_318 = arith.fptosi %mul3A_317 : vector<16xf32> to vector<16xi32>
      %min3A_319 = arith.constant 15 : i32
      %min3A_320 = vector.broadcast %min3A_319 : i32 to vector<16xi32>
      %min3A_321 = arith.minsi %convert_element_type3A_318, %min3A_320 : vector<16xi32>
      %mul3A_322 = arith.constant 3.200000e+01 : f32
      %mul3A_323 = vector.broadcast %mul3A_322 : f32 to vector<16xf32>
      %mul3A_324 = arith.mulf %get3A_297, %mul3A_323 : vector<16xf32>
      %convert_element_type3A_325 = arith.fptosi %mul3A_324 : vector<16xf32> to vector<16xi32>
      %and3A_326 = arith.constant 1 : i32
      %and3A_327 = vector.broadcast %and3A_326 : i32 to vector<16xi32>
      %and3A_328 = arith.andi %convert_element_type3A_325, %and3A_327 : vector<16xi32>
      %mul3A_329 = arith.constant 3.200000e+01 : f32
      %mul3A_330 = vector.broadcast %mul3A_329 : f32 to vector<16xf32>
      %mul3A_331 = arith.mulf %get3A_299, %mul3A_330 : vector<16xf32>
      %convert_element_type3A_332 = arith.fptosi %mul3A_331 : vector<16xf32> to vector<16xi32>
      %and3A_333 = arith.constant 1 : i32
      %and3A_334 = vector.broadcast %and3A_333 : i32 to vector<16xi32>
      %and3A_335 = arith.andi %convert_element_type3A_332, %and3A_334 : vector<16xi32>
      %mul3A_336 = arith.constant 3.200000e+01 : f32
      %mul3A_337 = vector.broadcast %mul3A_336 : f32 to vector<16xf32>
      %mul3A_338 = arith.mulf %get3A_301, %mul3A_337 : vector<16xf32>
      %convert_element_type3A_339 = arith.fptosi %mul3A_338 : vector<16xf32> to vector<16xi32>
      %and3A_340 = arith.constant 1 : i32
      %and3A_341 = vector.broadcast %and3A_340 : i32 to vector<16xi32>
      %and3A_342 = arith.andi %convert_element_type3A_339, %and3A_341 : vector<16xi32>
      %add3A_343 = arith.constant 16 : i32
      %add3A_344 = arith.addi %add3A_296, %add3A_343 : i32
      %get3A_345 = arith.index_cast %add3A_344 : i32 to index
      %get3A_346 = tpu.vector_load %arg19[%get3A_345] {strides = array<i32>} : memref<4096xf32, #tpu.memory_space<vmem>>, vector<16xf32>,
      %get3A_347 = arith.index_cast %add3A_344 : i32 to index
      %get3A_348 = tpu.vector_load %arg20[%get3A_347] {strides = array<i32>} : memref<4096xf32, #tpu.memory_space<vmem>>, vector<16xf32>,
      %get3A_349 = arith.index_cast %add3A_344 : i32 to index
      %get3A_350 = tpu.vector_load %arg21[%get3A_349] {strides = array<i32>} : memref<4096xf32, #tpu.memory_space<vmem>>, vector<16xf32>,
      %mul3A_351 = arith.constant 1.600000e+01 : f32
      %mul3A_352 = vector.broadcast %mul3A_351 : f32 to vector<16xf32>
      %mul3A_353 = arith.mulf %get3A_346, %mul3A_352 : vector<16xf32>
      %convert_element_type3A_354 = arith.fptosi %mul3A_353 : vector<16xf32> to vector<16xi32>
      %min3A_355 = arith.constant 15 : i32
      %min3A_356 = vector.broadcast %min3A_355 : i32 to vector<16xi32>
      %min3A_357 = arith.minsi %convert_element_type3A_354, %min3A_356 : vector<16xi32>
      %mul3A_358 = arith.constant 1.600000e+01 : f32
      %mul3A_359 = vector.broadcast %mul3A_358 : f32 to vector<16xf32>
      %mul3A_360 = arith.mulf %get3A_348, %mul3A_359 : vector<16xf32>
      %convert_element_type3A_361 = arith.fptosi %mul3A_360 : vector<16xf32> to vector<16xi32>
      %min3A_362 = arith.constant 15 : i32
      %min3A_363 = vector.broadcast %min3A_362 : i32 to vector<16xi32>
      %min3A_364 = arith.minsi %convert_element_type3A_361, %min3A_363 : vector<16xi32>
      %mul3A_365 = arith.constant 1.600000e+01 : f32
      %mul3A_366 = vector.broadcast %mul3A_365 : f32 to vector<16xf32>
      %mul3A_367 = arith.mulf %get3A_350, %mul3A_366 : vector<16xf32>
      %convert_element_type3A_368 = arith.fptosi %mul3A_367 : vector<16xf32> to vector<16xi32>
      %min3A_369 = arith.constant 15 : i32
      %min3A_370 = vector.broadcast %min3A_369 : i32 to vector<16xi32>
      %min3A_371 = arith.minsi %convert_element_type3A_368, %min3A_370 : vector<16xi32>
      %mul3A_372 = arith.constant 3.200000e+01 : f32
      %mul3A_373 = vector.broadcast %mul3A_372 : f32 to vector<16xf32>
      %mul3A_374 = arith.mulf %get3A_346, %mul3A_373 : vector<16xf32>
      %convert_element_type3A_375 = arith.fptosi %mul3A_374 : vector<16xf32> to vector<16xi32>
      %and3A_376 = arith.constant 1 : i32
      %and3A_377 = vector.broadcast %and3A_376 : i32 to vector<16xi32>
      %and3A_378 = arith.andi %convert_element_type3A_375, %and3A_377 : vector<16xi32>
      %mul3A_379 = arith.constant 3.200000e+01 : f32
      %mul3A_380 = vector.broadcast %mul3A_379 : f32 to vector<16xf32>
      %mul3A_381 = arith.mulf %get3A_348, %mul3A_380 : vector<16xf32>
      %convert_element_type3A_382 = arith.fptosi %mul3A_381 : vector<16xf32> to vector<16xi32>
      %and3A_383 = arith.constant 1 : i32
      %and3A_384 = vector.broadcast %and3A_383 : i32 to vector<16xi32>
      %and3A_385 = arith.andi %convert_element_type3A_382, %and3A_384 : vector<16xi32>
      %mul3A_386 = arith.constant 3.200000e+01 : f32
      %mul3A_387 = vector.broadcast %mul3A_386 : f32 to vector<16xf32>
      %mul3A_388 = arith.mulf %get3A_350, %mul3A_387 : vector<16xf32>
      %convert_element_type3A_389 = arith.fptosi %mul3A_388 : vector<16xf32> to vector<16xi32>
      %and3A_390 = arith.constant 1 : i32
      %and3A_391 = vector.broadcast %and3A_390 : i32 to vector<16xi32>
      %and3A_392 = arith.andi %convert_element_type3A_389, %and3A_391 : vector<16xi32>
      %broadcast_in_dim3A_393 = arith.constant 0x7F800000 : f32
      %broadcast_in_dim3A_394 = vector.broadcast %broadcast_in_dim3A_393 : f32 to vector<16xf32>
      %broadcast_in_dim3A_395 = arith.constant 0 : i32
      %broadcast_in_dim3A_396 = vector.broadcast %broadcast_in_dim3A_395 : i32 to vector<16xi32>
      %broadcast_in_dim3A_397 = arith.constant 0x7F800000 : f32
      %broadcast_in_dim3A_398 = vector.broadcast %broadcast_in_dim3A_397 : f32 to vector<16xf32>
      %broadcast_in_dim3A_399 = arith.constant 0 : i32
      %broadcast_in_dim3A_400 = vector.broadcast %broadcast_in_dim3A_399 : i32 to vector<16xi32>
      %sub3A_401 = arith.constant 2 : i32
      %sub3A_402 = vector.broadcast %sub3A_401 : i32 to vector<16xi32>
      %sub3A_403 = arith.subi %min3A_307, %sub3A_402 : vector<16xi32>
      %add3A_404 = arith.addi %sub3A_403, %and3A_328 : vector<16xi32>
      %jit3A_405 = arith.constant 0 : i32
      %jit3A_406 = arith.constant 12 : i32
      %max3A = vector.broadcast %jit3A_405 : i32 to vector<16xi32>
      %max3A_407 = arith.maxsi %max3A, %add3A_404 : vector<16xi32>
      %min3A_408 = vector.broadcast %jit3A_406 : i32 to vector<16xi32>
      %min3A_409 = arith.minsi %min3A_408, %max3A_407 : vector<16xi32>
      %sub3A_410 = arith.constant 2 : i32
      %sub3A_411 = vector.broadcast %sub3A_410 : i32 to vector<16xi32>
      %sub3A_412 = arith.subi %min3A_314, %sub3A_411 : vector<16xi32>
      %add3A_413 = arith.addi %sub3A_412, %and3A_335 : vector<16xi32>
      %jit3A_414 = arith.constant 0 : i32
      %jit3A_415 = arith.constant 12 : i32
      %max3A_416 = vector.broadcast %jit3A_414 : i32 to vector<16xi32>
      %max3A_417 = arith.maxsi %max3A_416, %add3A_413 : vector<16xi32>
      %min3A_418 = vector.broadcast %jit3A_415 : i32 to vector<16xi32>
      %min3A_419 = arith.minsi %min3A_418, %max3A_417 : vector<16xi32>
      %sub3A_420 = arith.constant 2 : i32
      %sub3A_421 = vector.broadcast %sub3A_420 : i32 to vector<16xi32>
      %sub3A_422 = arith.subi %min3A_321, %sub3A_421 : vector<16xi32>
      %add3A_423 = arith.addi %sub3A_422, %and3A_342 : vector<16xi32>
      %jit3A_424 = arith.constant 0 : i32
      %jit3A_425 = arith.constant 12 : i32
      %max3A_426 = vector.broadcast %jit3A_424 : i32 to vector<16xi32>
      %max3A_427 = arith.maxsi %max3A_426, %add3A_423 : vector<16xi32>
      %min3A_428 = vector.broadcast %jit3A_425 : i32 to vector<16xi32>
      %min3A_429 = arith.minsi %min3A_428, %max3A_427 : vector<16xi32>
      %sub3A_430 = arith.constant 2 : i32
      %sub3A_431 = vector.broadcast %sub3A_430 : i32 to vector<16xi32>
      %sub3A_432 = arith.subi %min3A_357, %sub3A_431 : vector<16xi32>
      %add3A_433 = arith.addi %sub3A_432, %and3A_378 : vector<16xi32>
      %jit3A_434 = arith.constant 0 : i32
      %jit3A_435 = arith.constant 12 : i32
      %max3A_436 = vector.broadcast %jit3A_434 : i32 to vector<16xi32>
      %max3A_437 = arith.maxsi %max3A_436, %add3A_433 : vector<16xi32>
      %min3A_438 = vector.broadcast %jit3A_435 : i32 to vector<16xi32>
      %min3A_439 = arith.minsi %min3A_438, %max3A_437 : vector<16xi32>
      %sub3A_440 = arith.constant 2 : i32
      %sub3A_441 = vector.broadcast %sub3A_440 : i32 to vector<16xi32>
      %sub3A_442 = arith.subi %min3A_364, %sub3A_441 : vector<16xi32>
      %add3A_443 = arith.addi %sub3A_442, %and3A_385 : vector<16xi32>
      %jit3A_444 = arith.constant 0 : i32
      %jit3A_445 = arith.constant 12 : i32
      %max3A_446 = vector.broadcast %jit3A_444 : i32 to vector<16xi32>
      %max3A_447 = arith.maxsi %max3A_446, %add3A_443 : vector<16xi32>
      %min3A_448 = vector.broadcast %jit3A_445 : i32 to vector<16xi32>
      %min3A_449 = arith.minsi %min3A_448, %max3A_447 : vector<16xi32>
      %sub3A_450 = arith.constant 2 : i32
      %sub3A_451 = vector.broadcast %sub3A_450 : i32 to vector<16xi32>
      %sub3A_452 = arith.subi %min3A_371, %sub3A_451 : vector<16xi32>
      %add3A_453 = arith.addi %sub3A_452, %and3A_392 : vector<16xi32>
      %jit3A_454 = arith.constant 0 : i32
      %jit3A_455 = arith.constant 12 : i32
      %max3A_456 = vector.broadcast %jit3A_454 : i32 to vector<16xi32>
      %max3A_457 = arith.maxsi %max3A_456, %add3A_453 : vector<16xi32>
      %min3A_458 = vector.broadcast %jit3A_455 : i32 to vector<16xi32>
      %min3A_459 = arith.minsi %min3A_458, %max3A_457 : vector<16xi32>
      %jit3A_460 = arith.constant 0 : i32
      %jit3A_461 = arith.constant 4 : i32
      %div3A_462 = arith.divsi %jit3A_460, %jit3A_461 : i32
      %sign3A_463 = arith.constant 0 : i32
      %sign3A_464 = arith.cmpi sgt, %jit3A_460, %sign3A_463 : i32
      %sign3A_465 = arith.extui %sign3A_464 : i1 to i32
      %sign3A_466 = arith.constant 0 : i32
      %sign3A_467 = arith.cmpi slt, %jit3A_460, %sign3A_466 : i32
      %sign3A_468 = arith.extui %sign3A_467 : i1 to i32
      %sign3A_469 = arith.subi %sign3A_465, %sign3A_468 : i32
      %sign3A_470 = arith.constant 0 : i32
      %sign3A_471 = arith.cmpi sgt, %jit3A_461, %sign3A_470 : i32
      %sign3A_472 = arith.extui %sign3A_471 : i1 to i32
      %sign3A_473 = arith.constant 0 : i32
      %sign3A_474 = arith.cmpi slt, %jit3A_461, %sign3A_473 : i32
      %sign3A_475 = arith.extui %sign3A_474 : i1 to i32
      %sign3A_476 = arith.subi %sign3A_472, %sign3A_475 : i32
      %ne3A_477 = arith.cmpi ne, %sign3A_469, %sign3A_476 : i32
      %rem3A_478 = arith.remsi %jit3A_460, %jit3A_461 : i32
      %ne3A_479 = arith.constant 0 : i32
      %ne3A_480 = arith.cmpi ne, %rem3A_478, %ne3A_479 : i32
      %and3A_481 = arith.andi %ne3A_477, %ne3A_480 : i1
      %sub3A_482 = arith.constant 1 : i32
      %sub3A_483 = arith.subi %div3A_462, %sub3A_482 : i32
      %select_n3A_484 = arith.select %and3A_481, %sub3A_483, %div3A_462 : i32
      %jit3A_485 = arith.constant 0 : i32
      %jit3A_486 = arith.constant 4 : i32
      %eq3A_487 = arith.constant 0 : i32
      %eq3A_488 = arith.cmpi eq, %jit3A_486, %eq3A_487 : i32
      %jit3A_489 = arith.constant 1 : i32
      %select_n3A_490 = arith.select %eq3A_488, %jit3A_489, %jit3A_486 : i32
      %rem3A_491 = arith.remsi %jit3A_485, %select_n3A_490 : i32
      %ne3A_492 = arith.constant 0 : i32
      %ne3A_493 = arith.cmpi ne, %rem3A_491, %ne3A_492 : i32
      %lt3A_494 = arith.constant 0 : i32
      %lt3A_495 = arith.cmpi slt, %rem3A_491, %lt3A_494 : i32
      %lt3A_496 = arith.constant 0 : i32
      %lt3A_497 = arith.cmpi slt, %select_n3A_490, %lt3A_496 : i32
      %ne3A_498 = arith.xori %lt3A_495, %lt3A_497 : i1
      %and3A_499 = arith.andi %ne3A_498, %ne3A_493 : i1
      %add3A_500 = arith.addi %rem3A_491, %select_n3A_490 : i32
      %select_n3A_501 = arith.select %and3A_499, %add3A_500, %rem3A_491 : i32
      %add3A_502 = vector.broadcast %select_n3A_484 : i32 to vector<16xi32>
      %add3A_503 = arith.addi %min3A_409, %add3A_502 : vector<16xi32>
      %mul3A_504 = arith.constant 16 : i32
      %mul3A_505 = vector.broadcast %mul3A_504 : i32 to vector<16xi32>
      %mul3A_506 = arith.muli %add3A_503, %mul3A_505 : vector<16xi32>
      %add3A_507 = vector.broadcast %select_n3A_501 : i32 to vector<16xi32>
      %add3A_508 = arith.addi %min3A_419, %add3A_507 : vector<16xi32>
      %add3A_509 = arith.addi %mul3A_506, %add3A_508 : vector<16xi32>
      %mul3A_510 = arith.constant 16 : i32
      %mul3A_511 = vector.broadcast %mul3A_510 : i32 to vector<16xi32>
      %mul3A_512 = arith.muli %add3A_509, %mul3A_511 : vector<16xi32>
      %add3A_513 = arith.addi %mul3A_512, %min3A_429 : vector<16xi32>
      %gather3A = tpu.vector_load_idx %arg18[%add3A_513] : memref<4112xi32, #tpu.memory_space<vmem>>[vector<16xi32>], vector<16xi32>,
      %add3A_514 = arith.constant 4 : i32
      %add3A_515 = vector.broadcast %add3A_514 : i32 to vector<16xi32>
      %add3A_516 = arith.addi %add3A_513, %add3A_515 : vector<16xi32>
      %gather3A_517 = tpu.vector_load_idx %arg18[%add3A_516] : memref<4112xi32, #tpu.memory_space<vmem>>[vector<16xi32>], vector<16xi32>,
      %sub3A_518 = arith.subi %gather3A_517, %gather3A : vector<16xi32>
      %add3A_519 = vector.broadcast %select_n3A_484 : i32 to vector<16xi32>
      %add3A_520 = arith.addi %min3A_439, %add3A_519 : vector<16xi32>
      %mul3A_521 = arith.constant 16 : i32
      %mul3A_522 = vector.broadcast %mul3A_521 : i32 to vector<16xi32>
      %mul3A_523 = arith.muli %add3A_520, %mul3A_522 : vector<16xi32>
      %add3A_524 = vector.broadcast %select_n3A_501 : i32 to vector<16xi32>
      %add3A_525 = arith.addi %min3A_449, %add3A_524 : vector<16xi32>
      %add3A_526 = arith.addi %mul3A_523, %add3A_525 : vector<16xi32>
      %mul3A_527 = arith.constant 16 : i32
      %mul3A_528 = vector.broadcast %mul3A_527 : i32 to vector<16xi32>
      %mul3A_529 = arith.muli %add3A_526, %mul3A_528 : vector<16xi32>
      %add3A_530 = arith.addi %mul3A_529, %min3A_459 : vector<16xi32>
      %gather3A_531 = tpu.vector_load_idx %arg18[%add3A_530] : memref<4112xi32, #tpu.memory_space<vmem>>[vector<16xi32>], vector<16xi32>,
      %add3A_532 = arith.constant 4 : i32
      %add3A_533 = vector.broadcast %add3A_532 : i32 to vector<16xi32>
      %add3A_534 = arith.addi %add3A_530, %add3A_533 : vector<16xi32>
      %gather3A_535 = tpu.vector_load_idx %arg18[%add3A_534] : memref<4112xi32, #tpu.memory_space<vmem>>[vector<16xi32>], vector<16xi32>,
      %sub3A_536 = arith.subi %gather3A_535, %gather3A_531 : vector<16xi32>
      %reduce_max3A = arith.constant true
      %reduce_max3A_537 = vector.broadcast %reduce_max3A : i1 to vector<16xi1>
      %reduce_max3A_538 = arith.constant -2147483648 : i32
      %reduce_max3A_539 = vector.broadcast %reduce_max3A_538 : i32 to vector<16xi32>
      %reduce_max3A_540 = arith.xori %sub3A_518, %reduce_max3A_539 : vector<16xi32>
      %reduce_max3A_541 = tpu.scan <max>, %reduce_max3A_540 masked %reduce_max3A_537 : vector<16xi32>, vector<16xi1> -> vector<16xi32>
      %reduce_max3A_542 = arith.xori %reduce_max3A_541, %reduce_max3A_539 : vector<16xi32>
      %reduce_max3A_543 = vector.extract %reduce_max3A_542[15] : i32 from vector<16xi32>
      %reduce_max3A_544 = arith.constant true
      %reduce_max3A_545 = vector.broadcast %reduce_max3A_544 : i1 to vector<16xi1>
      %reduce_max3A_546 = arith.constant -2147483648 : i32
      %reduce_max3A_547 = vector.broadcast %reduce_max3A_546 : i32 to vector<16xi32>
      %reduce_max3A_548 = arith.xori %sub3A_536, %reduce_max3A_547 : vector<16xi32>
      %reduce_max3A_549 = tpu.scan <max>, %reduce_max3A_548 masked %reduce_max3A_545 : vector<16xi32>, vector<16xi1> -> vector<16xi32>
      %reduce_max3A_550 = arith.xori %reduce_max3A_549, %reduce_max3A_547 : vector<16xi32>
      %reduce_max3A_551 = vector.extract %reduce_max3A_550[15] : i32 from vector<16xi32>
      %max3A_552 = arith.maxsi %reduce_max3A_543, %reduce_max3A_551 : i32
      %scan3A_553 = arith.constant 0 : i32
      %scan3A_554 = arith.constant 16 : i32
      %scan3A_555 = arith.addi %scan3A_553, %scan3A_554 : i32
      %scan3A_556 = arith.constant 1 : i32
      %scan3A_557:9 = scf.for %scan3A_653 = %scan3A_553 to %scan3A_555 step %scan3A_556 iter_args(%scan3A_654 = %broadcast_in_dim3A_394, %scan3A_655 = %broadcast_in_dim3A_396, %scan3A_656 = %broadcast_in_dim3A_398, %scan3A_657 = %broadcast_in_dim3A_400, %scan3A_658 = %gather3A, %scan3A_659 = %sub3A_518, %scan3A_660 = %gather3A_531, %scan3A_661 = %sub3A_536, %scan3A_662 = %max3A_552) -> (vector<16xf32>, vector<16xi32>, vector<16xf32>, vector<16xi32>, vector<16xi32>, vector<16xi32>, vector<16xi32>, vector<16xi32>, i32)  : i32 {
        %add3A_663 = arith.constant 1 : i32
        %add3A_664 = arith.addi %scan3A_653, %add3A_663 : i32
        %min3A_665 = arith.constant 15 : i32
        %min3A_666 = arith.minsi %add3A_664, %min3A_665 : i32
        %jit3A_667 = arith.constant 4 : i32
        %div3A_668 = arith.divsi %min3A_666, %jit3A_667 : i32
        %sign3A_669 = arith.constant 0 : i32
        %sign3A_670 = arith.cmpi sgt, %min3A_666, %sign3A_669 : i32
        %sign3A_671 = arith.extui %sign3A_670 : i1 to i32
        %sign3A_672 = arith.constant 0 : i32
        %sign3A_673 = arith.cmpi slt, %min3A_666, %sign3A_672 : i32
        %sign3A_674 = arith.extui %sign3A_673 : i1 to i32
        %sign3A_675 = arith.subi %sign3A_671, %sign3A_674 : i32
        %sign3A_676 = arith.constant 0 : i32
        %sign3A_677 = arith.cmpi sgt, %jit3A_667, %sign3A_676 : i32
        %sign3A_678 = arith.extui %sign3A_677 : i1 to i32
        %sign3A_679 = arith.constant 0 : i32
        %sign3A_680 = arith.cmpi slt, %jit3A_667, %sign3A_679 : i32
        %sign3A_681 = arith.extui %sign3A_680 : i1 to i32
        %sign3A_682 = arith.subi %sign3A_678, %sign3A_681 : i32
        %ne3A_683 = arith.cmpi ne, %sign3A_675, %sign3A_682 : i32
        %rem3A_684 = arith.remsi %min3A_666, %jit3A_667 : i32
        %ne3A_685 = arith.constant 0 : i32
        %ne3A_686 = arith.cmpi ne, %rem3A_684, %ne3A_685 : i32
        %and3A_687 = arith.andi %ne3A_683, %ne3A_686 : i1
        %sub3A_688 = arith.constant 1 : i32
        %sub3A_689 = arith.subi %div3A_668, %sub3A_688 : i32
        %select_n3A_690 = arith.select %and3A_687, %sub3A_689, %div3A_668 : i32
        %jit3A_691 = arith.constant 4 : i32
        %eq3A_692 = arith.constant 0 : i32
        %eq3A_693 = arith.cmpi eq, %jit3A_691, %eq3A_692 : i32
        %jit3A_694 = arith.constant 1 : i32
        %select_n3A_695 = arith.select %eq3A_693, %jit3A_694, %jit3A_691 : i32
        %rem3A_696 = arith.remsi %min3A_666, %select_n3A_695 : i32
        %ne3A_697 = arith.constant 0 : i32
        %ne3A_698 = arith.cmpi ne, %rem3A_696, %ne3A_697 : i32
        %lt3A_699 = arith.constant 0 : i32
        %lt3A_700 = arith.cmpi slt, %rem3A_696, %lt3A_699 : i32
        %lt3A_701 = arith.constant 0 : i32
        %lt3A_702 = arith.cmpi slt, %select_n3A_695, %lt3A_701 : i32
        %ne3A_703 = arith.xori %lt3A_700, %lt3A_702 : i1
        %and3A_704 = arith.andi %ne3A_703, %ne3A_698 : i1
        %add3A_705 = arith.addi %rem3A_696, %select_n3A_695 : i32
        %select_n3A_706 = arith.select %and3A_704, %add3A_705, %rem3A_696 : i32
        %add3A_707 = vector.broadcast %select_n3A_690 : i32 to vector<16xi32>
        %add3A_708 = arith.addi %min3A_409, %add3A_707 : vector<16xi32>
        %mul3A_709 = arith.constant 16 : i32
        %mul3A_710 = vector.broadcast %mul3A_709 : i32 to vector<16xi32>
        %mul3A_711 = arith.muli %add3A_708, %mul3A_710 : vector<16xi32>
        %add3A_712 = vector.broadcast %select_n3A_706 : i32 to vector<16xi32>
        %add3A_713 = arith.addi %min3A_419, %add3A_712 : vector<16xi32>
        %add3A_714 = arith.addi %mul3A_711, %add3A_713 : vector<16xi32>
        %mul3A_715 = arith.constant 16 : i32
        %mul3A_716 = vector.broadcast %mul3A_715 : i32 to vector<16xi32>
        %mul3A_717 = arith.muli %add3A_714, %mul3A_716 : vector<16xi32>
        %add3A_718 = arith.addi %mul3A_717, %min3A_429 : vector<16xi32>
        %gather3A_719 = tpu.vector_load_idx %arg18[%add3A_718] : memref<4112xi32, #tpu.memory_space<vmem>>[vector<16xi32>], vector<16xi32>,
        %add3A_720 = arith.constant 4 : i32
        %add3A_721 = vector.broadcast %add3A_720 : i32 to vector<16xi32>
        %add3A_722 = arith.addi %add3A_718, %add3A_721 : vector<16xi32>
        %gather3A_723 = tpu.vector_load_idx %arg18[%add3A_722] : memref<4112xi32, #tpu.memory_space<vmem>>[vector<16xi32>], vector<16xi32>,
        %sub3A_724 = arith.subi %gather3A_723, %gather3A_719 : vector<16xi32>
        %add3A_725 = vector.broadcast %select_n3A_690 : i32 to vector<16xi32>
        %add3A_726 = arith.addi %min3A_439, %add3A_725 : vector<16xi32>
        %mul3A_727 = arith.constant 16 : i32
        %mul3A_728 = vector.broadcast %mul3A_727 : i32 to vector<16xi32>
        %mul3A_729 = arith.muli %add3A_726, %mul3A_728 : vector<16xi32>
        %add3A_730 = vector.broadcast %select_n3A_706 : i32 to vector<16xi32>
        %add3A_731 = arith.addi %min3A_449, %add3A_730 : vector<16xi32>
        %add3A_732 = arith.addi %mul3A_729, %add3A_731 : vector<16xi32>
        %mul3A_733 = arith.constant 16 : i32
        %mul3A_734 = vector.broadcast %mul3A_733 : i32 to vector<16xi32>
        %mul3A_735 = arith.muli %add3A_732, %mul3A_734 : vector<16xi32>
        %add3A_736 = arith.addi %mul3A_735, %min3A_459 : vector<16xi32>
        %gather3A_737 = tpu.vector_load_idx %arg18[%add3A_736] : memref<4112xi32, #tpu.memory_space<vmem>>[vector<16xi32>], vector<16xi32>,
        %add3A_738 = arith.constant 4 : i32
        %add3A_739 = vector.broadcast %add3A_738 : i32 to vector<16xi32>
        %add3A_740 = arith.addi %add3A_736, %add3A_739 : vector<16xi32>
        %gather3A_741 = tpu.vector_load_idx %arg18[%add3A_740] : memref<4112xi32, #tpu.memory_space<vmem>>[vector<16xi32>], vector<16xi32>,
        %sub3A_742 = arith.subi %gather3A_741, %gather3A_737 : vector<16xi32>
        %reduce_max3A_743 = arith.constant true
        %reduce_max3A_744 = vector.broadcast %reduce_max3A_743 : i1 to vector<16xi1>
        %reduce_max3A_745 = arith.constant -2147483648 : i32
        %reduce_max3A_746 = vector.broadcast %reduce_max3A_745 : i32 to vector<16xi32>
        %reduce_max3A_747 = arith.xori %sub3A_724, %reduce_max3A_746 : vector<16xi32>
        %reduce_max3A_748 = tpu.scan <max>, %reduce_max3A_747 masked %reduce_max3A_744 : vector<16xi32>, vector<16xi1> -> vector<16xi32>
        %reduce_max3A_749 = arith.xori %reduce_max3A_748, %reduce_max3A_746 : vector<16xi32>
        %reduce_max3A_750 = vector.extract %reduce_max3A_749[15] : i32 from vector<16xi32>
        %reduce_max3A_751 = arith.constant true
        %reduce_max3A_752 = vector.broadcast %reduce_max3A_751 : i1 to vector<16xi1>
        %reduce_max3A_753 = arith.constant -2147483648 : i32
        %reduce_max3A_754 = vector.broadcast %reduce_max3A_753 : i32 to vector<16xi32>
        %reduce_max3A_755 = arith.xori %sub3A_742, %reduce_max3A_754 : vector<16xi32>
        %reduce_max3A_756 = tpu.scan <max>, %reduce_max3A_755 masked %reduce_max3A_752 : vector<16xi32>, vector<16xi1> -> vector<16xi32>
        %reduce_max3A_757 = arith.xori %reduce_max3A_756, %reduce_max3A_754 : vector<16xi32>
        %reduce_max3A_758 = vector.extract %reduce_max3A_757[15] : i32 from vector<16xi32>
        %max3A_759 = arith.maxsi %reduce_max3A_750, %reduce_max3A_758 : i32
        %add3A_760 = arith.constant 1 : i32
        %add3A_761 = arith.addi %scan3A_662, %add3A_760 : i32
        %shift_right_arithmetic3A = arith.constant 1 : i32
        %shift_right_arithmetic3A_762 = arith.shrsi %add3A_761, %shift_right_arithmetic3A : i32
        %while3A = arith.constant 0 : i32
        %while3A_763 = arith.subi %shift_right_arithmetic3A_762, %while3A : i32
        %while3A_764 = arith.addi %while3A, %while3A_763 : i32
        %while3A_765 = arith.constant 1 : i32
        %while3A_766 = arith.divsi %while3A_763, %while3A_765 : i32
        %while3A_767 = arith.muli %while3A_766, %while3A_765 : i32
        %while3A_768 = arith.addi %while3A, %while3A_767 : i32
        %while3A_769 = arith.constant 1 : i32
        %while3A_770:4 = scf.for %while3A_773 = %while3A to %while3A_768 step %while3A_769 iter_args(%while3A_774 = %scan3A_654, %while3A_775 = %scan3A_655, %while3A_776 = %scan3A_656, %while3A_777 = %scan3A_657) -> (vector<16xf32>, vector<16xi32>, vector<16xf32>, vector<16xi32>)  : i32 {
          %mul3A_778 = arith.constant 2 : i32
          %mul3A_779 = arith.muli %while3A_773, %mul3A_778 : i32
          %add3A_780 = arith.constant 0 : i32
          %add3A_781 = arith.addi %mul3A_779, %add3A_780 : i32
          %add3A_782 = vector.broadcast %add3A_781 : i32 to vector<16xi32>
          %add3A_783 = arith.addi %scan3A_658, %add3A_782 : vector<16xi32>
          %gather3A_784 = tpu.vector_load_idx %arg23[%add3A_783] : memref<4096xf32, #tpu.memory_space<vmem>>[vector<16xi32>], vector<16xf32>,
          %gather3A_785 = tpu.vector_load_idx %arg24[%add3A_783] : memref<4096xf32, #tpu.memory_space<vmem>>[vector<16xi32>], vector<16xf32>,
          %gather3A_786 = tpu.vector_load_idx %arg25[%add3A_783] : memref<4096xf32, #tpu.memory_space<vmem>>[vector<16xi32>], vector<16xf32>,
          %sub3A_787 = arith.subf %get3A_297, %gather3A_784 : vector<16xf32>
          %sub3A_788 = arith.subf %get3A_299, %gather3A_785 : vector<16xf32>
          %sub3A_789 = arith.subf %get3A_301, %gather3A_786 : vector<16xf32>
          %mul3A_790 = arith.mulf %sub3A_787, %sub3A_787 : vector<16xf32>
          %mul3A_791 = arith.mulf %sub3A_788, %sub3A_788 : vector<16xf32>
          %add3A_792 = arith.addf %mul3A_790, %mul3A_791 : vector<16xf32>
          %mul3A_793 = arith.mulf %sub3A_789, %sub3A_789 : vector<16xf32>
          %add3A_794 = arith.addf %add3A_792, %mul3A_793 : vector<16xf32>
          %add3A_795 = arith.constant 0 : i32
          %add3A_796 = arith.addi %mul3A_779, %add3A_795 : i32
          %lt3A_797 = vector.broadcast %add3A_796 : i32 to vector<16xi32>
          %lt3A_798 = arith.cmpi slt, %lt3A_797, %scan3A_659 : vector<16xi32>
          %lt3A_799 = arith.cmpf olt, %add3A_794, %while3A_774 : vector<16xf32>
          %and3A_800 = arith.andi %lt3A_798, %lt3A_799 : vector<16xi1>
          %select_n3A_801 = arith.select %and3A_800, %add3A_794, %while3A_774 : vector<16xi1>, vector<16xf32>
          %select_n3A_802 = arith.select %and3A_800, %add3A_783, %while3A_775 : vector<16xi1>, vector<16xi32>
          %add3A_803 = arith.constant 1 : i32
          %add3A_804 = arith.addi %mul3A_779, %add3A_803 : i32
          %add3A_805 = vector.broadcast %add3A_804 : i32 to vector<16xi32>
          %add3A_806 = arith.addi %scan3A_658, %add3A_805 : vector<16xi32>
          %gather3A_807 = tpu.vector_load_idx %arg23[%add3A_806] : memref<4096xf32, #tpu.memory_space<vmem>>[vector<16xi32>], vector<16xf32>,
          %gather3A_808 = tpu.vector_load_idx %arg24[%add3A_806] : memref<4096xf32, #tpu.memory_space<vmem>>[vector<16xi32>], vector<16xf32>,
          %gather3A_809 = tpu.vector_load_idx %arg25[%add3A_806] : memref<4096xf32, #tpu.memory_space<vmem>>[vector<16xi32>], vector<16xf32>,
          %sub3A_810 = arith.subf %get3A_297, %gather3A_807 : vector<16xf32>
          %sub3A_811 = arith.subf %get3A_299, %gather3A_808 : vector<16xf32>
          %sub3A_812 = arith.subf %get3A_301, %gather3A_809 : vector<16xf32>
          %mul3A_813 = arith.mulf %sub3A_810, %sub3A_810 : vector<16xf32>
          %mul3A_814 = arith.mulf %sub3A_811, %sub3A_811 : vector<16xf32>
          %add3A_815 = arith.addf %mul3A_813, %mul3A_814 : vector<16xf32>
          %mul3A_816 = arith.mulf %sub3A_812, %sub3A_812 : vector<16xf32>
          %add3A_817 = arith.addf %add3A_815, %mul3A_816 : vector<16xf32>
          %add3A_818 = arith.constant 1 : i32
          %add3A_819 = arith.addi %mul3A_779, %add3A_818 : i32
          %lt3A_820 = vector.broadcast %add3A_819 : i32 to vector<16xi32>
          %lt3A_821 = arith.cmpi slt, %lt3A_820, %scan3A_659 : vector<16xi32>
          %lt3A_822 = arith.cmpf olt, %add3A_817, %select_n3A_801 : vector<16xf32>
          %and3A_823 = arith.andi %lt3A_821, %lt3A_822 : vector<16xi1>
          %select_n3A_824 = arith.select %and3A_823, %add3A_817, %select_n3A_801 : vector<16xi1>, vector<16xf32>
          %select_n3A_825 = arith.select %and3A_823, %add3A_806, %select_n3A_802 : vector<16xi1>, vector<16xi32>
          %add3A_826 = arith.constant 0 : i32
          %add3A_827 = arith.addi %mul3A_779, %add3A_826 : i32
          %add3A_828 = vector.broadcast %add3A_827 : i32 to vector<16xi32>
          %add3A_829 = arith.addi %scan3A_660, %add3A_828 : vector<16xi32>
          %gather3A_830 = tpu.vector_load_idx %arg23[%add3A_829] : memref<4096xf32, #tpu.memory_space<vmem>>[vector<16xi32>], vector<16xf32>,
          %gather3A_831 = tpu.vector_load_idx %arg24[%add3A_829] : memref<4096xf32, #tpu.memory_space<vmem>>[vector<16xi32>], vector<16xf32>,
          %gather3A_832 = tpu.vector_load_idx %arg25[%add3A_829] : memref<4096xf32, #tpu.memory_space<vmem>>[vector<16xi32>], vector<16xf32>,
          %sub3A_833 = arith.subf %get3A_346, %gather3A_830 : vector<16xf32>
          %sub3A_834 = arith.subf %get3A_348, %gather3A_831 : vector<16xf32>
          %sub3A_835 = arith.subf %get3A_350, %gather3A_832 : vector<16xf32>
          %mul3A_836 = arith.mulf %sub3A_833, %sub3A_833 : vector<16xf32>
          %mul3A_837 = arith.mulf %sub3A_834, %sub3A_834 : vector<16xf32>
          %add3A_838 = arith.addf %mul3A_836, %mul3A_837 : vector<16xf32>
          %mul3A_839 = arith.mulf %sub3A_835, %sub3A_835 : vector<16xf32>
          %add3A_840 = arith.addf %add3A_838, %mul3A_839 : vector<16xf32>
          %add3A_841 = arith.constant 0 : i32
          %add3A_842 = arith.addi %mul3A_779, %add3A_841 : i32
          %lt3A_843 = vector.broadcast %add3A_842 : i32 to vector<16xi32>
          %lt3A_844 = arith.cmpi slt, %lt3A_843, %scan3A_661 : vector<16xi32>
          %lt3A_845 = arith.cmpf olt, %add3A_840, %while3A_776 : vector<16xf32>
          %and3A_846 = arith.andi %lt3A_844, %lt3A_845 : vector<16xi1>
          %select_n3A_847 = arith.select %and3A_846, %add3A_840, %while3A_776 : vector<16xi1>, vector<16xf32>
          %select_n3A_848 = arith.select %and3A_846, %add3A_829, %while3A_777 : vector<16xi1>, vector<16xi32>
          %add3A_849 = arith.constant 1 : i32
          %add3A_850 = arith.addi %mul3A_779, %add3A_849 : i32
          %add3A_851 = vector.broadcast %add3A_850 : i32 to vector<16xi32>
          %add3A_852 = arith.addi %scan3A_660, %add3A_851 : vector<16xi32>
          %gather3A_853 = tpu.vector_load_idx %arg23[%add3A_852] : memref<4096xf32, #tpu.memory_space<vmem>>[vector<16xi32>], vector<16xf32>,
          %gather3A_854 = tpu.vector_load_idx %arg24[%add3A_852] : memref<4096xf32, #tpu.memory_space<vmem>>[vector<16xi32>], vector<16xf32>,
          %gather3A_855 = tpu.vector_load_idx %arg25[%add3A_852] : memref<4096xf32, #tpu.memory_space<vmem>>[vector<16xi32>], vector<16xf32>,
          %sub3A_856 = arith.subf %get3A_346, %gather3A_853 : vector<16xf32>
          %sub3A_857 = arith.subf %get3A_348, %gather3A_854 : vector<16xf32>
          %sub3A_858 = arith.subf %get3A_350, %gather3A_855 : vector<16xf32>
          %mul3A_859 = arith.mulf %sub3A_856, %sub3A_856 : vector<16xf32>
          %mul3A_860 = arith.mulf %sub3A_857, %sub3A_857 : vector<16xf32>
          %add3A_861 = arith.addf %mul3A_859, %mul3A_860 : vector<16xf32>
          %mul3A_862 = arith.mulf %sub3A_858, %sub3A_858 : vector<16xf32>
          %add3A_863 = arith.addf %add3A_861, %mul3A_862 : vector<16xf32>
          %add3A_864 = arith.constant 1 : i32
          %add3A_865 = arith.addi %mul3A_779, %add3A_864 : i32
          %lt3A_866 = vector.broadcast %add3A_865 : i32 to vector<16xi32>
          %lt3A_867 = arith.cmpi slt, %lt3A_866, %scan3A_661 : vector<16xi32>
          %lt3A_868 = arith.cmpf olt, %add3A_863, %select_n3A_847 : vector<16xf32>
          %and3A_869 = arith.andi %lt3A_867, %lt3A_868 : vector<16xi1>
          %select_n3A_870 = arith.select %and3A_869, %add3A_863, %select_n3A_847 : vector<16xi1>, vector<16xf32>
          %select_n3A_871 = arith.select %and3A_869, %add3A_852, %select_n3A_848 : vector<16xi1>, vector<16xi32>
          scf.yield %select_n3A_824, %select_n3A_825, %select_n3A_870, %select_n3A_871 : vector<16xf32>, vector<16xi32>, vector<16xf32>, vector<16xi32>
        }
        %while3A_771 = arith.constant 1 : i32
        %while3A_772:4 = scf.for %while3A_773 = %while3A_768 to %while3A_764 step %while3A_771 iter_args(%while3A_774 = %while3A_770#0, %while3A_775 = %while3A_770#1, %while3A_776 = %while3A_770#2, %while3A_777 = %while3A_770#3) -> (vector<16xf32>, vector<16xi32>, vector<16xf32>, vector<16xi32>)  : i32 {
          %mul3A_778 = arith.constant 2 : i32
          %mul3A_779 = arith.muli %while3A_773, %mul3A_778 : i32
          %add3A_780 = arith.constant 0 : i32
          %add3A_781 = arith.addi %mul3A_779, %add3A_780 : i32
          %add3A_782 = vector.broadcast %add3A_781 : i32 to vector<16xi32>
          %add3A_783 = arith.addi %scan3A_658, %add3A_782 : vector<16xi32>
          %gather3A_784 = tpu.vector_load_idx %arg23[%add3A_783] : memref<4096xf32, #tpu.memory_space<vmem>>[vector<16xi32>], vector<16xf32>,
          %gather3A_785 = tpu.vector_load_idx %arg24[%add3A_783] : memref<4096xf32, #tpu.memory_space<vmem>>[vector<16xi32>], vector<16xf32>,
          %gather3A_786 = tpu.vector_load_idx %arg25[%add3A_783] : memref<4096xf32, #tpu.memory_space<vmem>>[vector<16xi32>], vector<16xf32>,
          %sub3A_787 = arith.subf %get3A_297, %gather3A_784 : vector<16xf32>
          %sub3A_788 = arith.subf %get3A_299, %gather3A_785 : vector<16xf32>
          %sub3A_789 = arith.subf %get3A_301, %gather3A_786 : vector<16xf32>
          %mul3A_790 = arith.mulf %sub3A_787, %sub3A_787 : vector<16xf32>
          %mul3A_791 = arith.mulf %sub3A_788, %sub3A_788 : vector<16xf32>
          %add3A_792 = arith.addf %mul3A_790, %mul3A_791 : vector<16xf32>
          %mul3A_793 = arith.mulf %sub3A_789, %sub3A_789 : vector<16xf32>
          %add3A_794 = arith.addf %add3A_792, %mul3A_793 : vector<16xf32>
          %add3A_795 = arith.constant 0 : i32
          %add3A_796 = arith.addi %mul3A_779, %add3A_795 : i32
          %lt3A_797 = vector.broadcast %add3A_796 : i32 to vector<16xi32>
          %lt3A_798 = arith.cmpi slt, %lt3A_797, %scan3A_659 : vector<16xi32>
          %lt3A_799 = arith.cmpf olt, %add3A_794, %while3A_774 : vector<16xf32>
          %and3A_800 = arith.andi %lt3A_798, %lt3A_799 : vector<16xi1>
          %select_n3A_801 = arith.select %and3A_800, %add3A_794, %while3A_774 : vector<16xi1>, vector<16xf32>
          %select_n3A_802 = arith.select %and3A_800, %add3A_783, %while3A_775 : vector<16xi1>, vector<16xi32>
          %add3A_803 = arith.constant 1 : i32
          %add3A_804 = arith.addi %mul3A_779, %add3A_803 : i32
          %add3A_805 = vector.broadcast %add3A_804 : i32 to vector<16xi32>
          %add3A_806 = arith.addi %scan3A_658, %add3A_805 : vector<16xi32>
          %gather3A_807 = tpu.vector_load_idx %arg23[%add3A_806] : memref<4096xf32, #tpu.memory_space<vmem>>[vector<16xi32>], vector<16xf32>,
          %gather3A_808 = tpu.vector_load_idx %arg24[%add3A_806] : memref<4096xf32, #tpu.memory_space<vmem>>[vector<16xi32>], vector<16xf32>,
          %gather3A_809 = tpu.vector_load_idx %arg25[%add3A_806] : memref<4096xf32, #tpu.memory_space<vmem>>[vector<16xi32>], vector<16xf32>,
          %sub3A_810 = arith.subf %get3A_297, %gather3A_807 : vector<16xf32>
          %sub3A_811 = arith.subf %get3A_299, %gather3A_808 : vector<16xf32>
          %sub3A_812 = arith.subf %get3A_301, %gather3A_809 : vector<16xf32>
          %mul3A_813 = arith.mulf %sub3A_810, %sub3A_810 : vector<16xf32>
          %mul3A_814 = arith.mulf %sub3A_811, %sub3A_811 : vector<16xf32>
          %add3A_815 = arith.addf %mul3A_813, %mul3A_814 : vector<16xf32>
          %mul3A_816 = arith.mulf %sub3A_812, %sub3A_812 : vector<16xf32>
          %add3A_817 = arith.addf %add3A_815, %mul3A_816 : vector<16xf32>
          %add3A_818 = arith.constant 1 : i32
          %add3A_819 = arith.addi %mul3A_779, %add3A_818 : i32
          %lt3A_820 = vector.broadcast %add3A_819 : i32 to vector<16xi32>
          %lt3A_821 = arith.cmpi slt, %lt3A_820, %scan3A_659 : vector<16xi32>
          %lt3A_822 = arith.cmpf olt, %add3A_817, %select_n3A_801 : vector<16xf32>
          %and3A_823 = arith.andi %lt3A_821, %lt3A_822 : vector<16xi1>
          %select_n3A_824 = arith.select %and3A_823, %add3A_817, %select_n3A_801 : vector<16xi1>, vector<16xf32>
          %select_n3A_825 = arith.select %and3A_823, %add3A_806, %select_n3A_802 : vector<16xi1>, vector<16xi32>
          %add3A_826 = arith.constant 0 : i32
          %add3A_827 = arith.addi %mul3A_779, %add3A_826 : i32
          %add3A_828 = vector.broadcast %add3A_827 : i32 to vector<16xi32>
          %add3A_829 = arith.addi %scan3A_660, %add3A_828 : vector<16xi32>
          %gather3A_830 = tpu.vector_load_idx %arg23[%add3A_829] : memref<4096xf32, #tpu.memory_space<vmem>>[vector<16xi32>], vector<16xf32>,
          %gather3A_831 = tpu.vector_load_idx %arg24[%add3A_829] : memref<4096xf32, #tpu.memory_space<vmem>>[vector<16xi32>], vector<16xf32>,
          %gather3A_832 = tpu.vector_load_idx %arg25[%add3A_829] : memref<4096xf32, #tpu.memory_space<vmem>>[vector<16xi32>], vector<16xf32>,
          %sub3A_833 = arith.subf %get3A_346, %gather3A_830 : vector<16xf32>
          %sub3A_834 = arith.subf %get3A_348, %gather3A_831 : vector<16xf32>
          %sub3A_835 = arith.subf %get3A_350, %gather3A_832 : vector<16xf32>
          %mul3A_836 = arith.mulf %sub3A_833, %sub3A_833 : vector<16xf32>
          %mul3A_837 = arith.mulf %sub3A_834, %sub3A_834 : vector<16xf32>
          %add3A_838 = arith.addf %mul3A_836, %mul3A_837 : vector<16xf32>
          %mul3A_839 = arith.mulf %sub3A_835, %sub3A_835 : vector<16xf32>
          %add3A_840 = arith.addf %add3A_838, %mul3A_839 : vector<16xf32>
          %add3A_841 = arith.constant 0 : i32
          %add3A_842 = arith.addi %mul3A_779, %add3A_841 : i32
          %lt3A_843 = vector.broadcast %add3A_842 : i32 to vector<16xi32>
          %lt3A_844 = arith.cmpi slt, %lt3A_843, %scan3A_661 : vector<16xi32>
          %lt3A_845 = arith.cmpf olt, %add3A_840, %while3A_776 : vector<16xf32>
          %and3A_846 = arith.andi %lt3A_844, %lt3A_845 : vector<16xi1>
          %select_n3A_847 = arith.select %and3A_846, %add3A_840, %while3A_776 : vector<16xi1>, vector<16xf32>
          %select_n3A_848 = arith.select %and3A_846, %add3A_829, %while3A_777 : vector<16xi1>, vector<16xi32>
          %add3A_849 = arith.constant 1 : i32
          %add3A_850 = arith.addi %mul3A_779, %add3A_849 : i32
          %add3A_851 = vector.broadcast %add3A_850 : i32 to vector<16xi32>
          %add3A_852 = arith.addi %scan3A_660, %add3A_851 : vector<16xi32>
          %gather3A_853 = tpu.vector_load_idx %arg23[%add3A_852] : memref<4096xf32, #tpu.memory_space<vmem>>[vector<16xi32>], vector<16xf32>,
          %gather3A_854 = tpu.vector_load_idx %arg24[%add3A_852] : memref<4096xf32, #tpu.memory_space<vmem>>[vector<16xi32>], vector<16xf32>,
          %gather3A_855 = tpu.vector_load_idx %arg25[%add3A_852] : memref<4096xf32, #tpu.memory_space<vmem>>[vector<16xi32>], vector<16xf32>,
          %sub3A_856 = arith.subf %get3A_346, %gather3A_853 : vector<16xf32>
          %sub3A_857 = arith.subf %get3A_348, %gather3A_854 : vector<16xf32>
          %sub3A_858 = arith.subf %get3A_350, %gather3A_855 : vector<16xf32>
          %mul3A_859 = arith.mulf %sub3A_856, %sub3A_856 : vector<16xf32>
          %mul3A_860 = arith.mulf %sub3A_857, %sub3A_857 : vector<16xf32>
          %add3A_861 = arith.addf %mul3A_859, %mul3A_860 : vector<16xf32>
          %mul3A_862 = arith.mulf %sub3A_858, %sub3A_858 : vector<16xf32>
          %add3A_863 = arith.addf %add3A_861, %mul3A_862 : vector<16xf32>
          %add3A_864 = arith.constant 1 : i32
          %add3A_865 = arith.addi %mul3A_779, %add3A_864 : i32
          %lt3A_866 = vector.broadcast %add3A_865 : i32 to vector<16xi32>
          %lt3A_867 = arith.cmpi slt, %lt3A_866, %scan3A_661 : vector<16xi32>
          %lt3A_868 = arith.cmpf olt, %add3A_863, %select_n3A_847 : vector<16xf32>
          %and3A_869 = arith.andi %lt3A_867, %lt3A_868 : vector<16xi1>
          %select_n3A_870 = arith.select %and3A_869, %add3A_863, %select_n3A_847 : vector<16xi1>, vector<16xf32>
          %select_n3A_871 = arith.select %and3A_869, %add3A_852, %select_n3A_848 : vector<16xi1>, vector<16xi32>
          scf.yield %select_n3A_824, %select_n3A_825, %select_n3A_870, %select_n3A_871 : vector<16xf32>, vector<16xi32>, vector<16xf32>, vector<16xi32>
        }
        scf.yield %while3A_772#0, %while3A_772#1, %while3A_772#2, %while3A_772#3, %gather3A_719, %sub3A_724, %gather3A_737, %sub3A_742, %max3A_759 : vector<16xf32>, vector<16xi32>, vector<16xf32>, vector<16xi32>, vector<16xi32>, vector<16xi32>, vector<16xi32>, vector<16xi32>, i32
      }
      %scan3A_558 = arith.constant 16 : i32
      %lt3A_559 = arith.constant 0.0087890625 : f32
      %lt3A_560 = vector.broadcast %lt3A_559 : f32 to vector<16xf32>
      %lt3A_561 = arith.cmpf olt, %scan3A_557#0, %lt3A_560 : vector<16xf32>
      %reduce_and3A = arith.constant 1.000000e+00 : f32
      %reduce_and3A_562 = arith.constant 0.000000e+00 : f32
      %reduce_and3A_563 = vector.broadcast %reduce_and3A : f32 to vector<16xf32>
      %reduce_and3A_564 = vector.broadcast %reduce_and3A_562 : f32 to vector<16xf32>
      %reduce_and3A_565 = arith.select %lt3A_561, %reduce_and3A_563, %reduce_and3A_564 : vector<16xi1>, vector<16xf32>
      %reduce_and3A_566 = arith.constant true
      %reduce_and3A_567 = vector.broadcast %reduce_and3A_566 : i1 to vector<16xi1>
      %reduce_and3A_568 = tpu.scan <min>, %reduce_and3A_565 masked %reduce_and3A_567 : vector<16xf32>, vector<16xi1> -> vector<16xf32>
      %reduce_and3A_569 = vector.extract %reduce_and3A_568[15] : f32 from vector<16xf32>
      %reduce_and3A_570 = arith.constant 0.000000e+00 : f32
      %reduce_and3A_571 = arith.cmpf ogt, %reduce_and3A_569, %reduce_and3A_570 : f32
      %lt3A_572 = arith.constant 0.0087890625 : f32
      %lt3A_573 = vector.broadcast %lt3A_572 : f32 to vector<16xf32>
      %lt3A_574 = arith.cmpf olt, %scan3A_557#2, %lt3A_573 : vector<16xf32>
      %reduce_and3A_575 = arith.constant 1.000000e+00 : f32
      %reduce_and3A_576 = arith.constant 0.000000e+00 : f32
      %reduce_and3A_577 = vector.broadcast %reduce_and3A_575 : f32 to vector<16xf32>
      %reduce_and3A_578 = vector.broadcast %reduce_and3A_576 : f32 to vector<16xf32>
      %reduce_and3A_579 = arith.select %lt3A_574, %reduce_and3A_577, %reduce_and3A_578 : vector<16xi1>, vector<16xf32>
      %reduce_and3A_580 = arith.constant true
      %reduce_and3A_581 = vector.broadcast %reduce_and3A_580 : i1 to vector<16xi1>
      %reduce_and3A_582 = tpu.scan <min>, %reduce_and3A_579 masked %reduce_and3A_581 : vector<16xf32>, vector<16xi1> -> vector<16xf32>
      %reduce_and3A_583 = vector.extract %reduce_and3A_582[15] : f32 from vector<16xf32>
      %reduce_and3A_584 = arith.constant 0.000000e+00 : f32
      %reduce_and3A_585 = arith.cmpf ogt, %reduce_and3A_583, %reduce_and3A_584 : f32
      %and3A_586 = arith.andi %reduce_and3A_571, %reduce_and3A_585 : i1
      %convert_element_type3A_587 = arith.extui %and3A_586 : i1 to i32
      %cond3A_588 = arith.constant 0 : i32
      %cond3A_589 = arith.cmpi ne, %convert_element_type3A_587, %cond3A_588 : i32
      %cond3A_590:4 = scf.if %cond3A_589 -> (vector<16xf32>, vector<16xi32>, vector<16xf32>, vector<16xi32>) {
        scf.yield %scan3A_557#0, %scan3A_557#1, %scan3A_557#2, %scan3A_557#3 : vector<16xf32>, vector<16xi32>, vector<16xf32>, vector<16xi32>
      } else {
        %sub3A_653 = arith.constant 3 : i32
        %sub3A_654 = vector.broadcast %sub3A_653 : i32 to vector<16xi32>
        %sub3A_655 = arith.subi %min3A_307, %sub3A_654 : vector<16xi32>
        %add3A_656 = arith.addi %sub3A_655, %and3A_328 : vector<16xi32>
        %jit3A_657 = arith.constant 0 : i32
        %jit3A_658 = arith.constant 10 : i32
        %max3A_659 = vector.broadcast %jit3A_657 : i32 to vector<16xi32>
        %max3A_660 = arith.maxsi %max3A_659, %add3A_656 : vector<16xi32>
        %min3A_661 = vector.broadcast %jit3A_658 : i32 to vector<16xi32>
        %min3A_662 = arith.minsi %min3A_661, %max3A_660 : vector<16xi32>
        %sub3A_663 = arith.constant 3 : i32
        %sub3A_664 = vector.broadcast %sub3A_663 : i32 to vector<16xi32>
        %sub3A_665 = arith.subi %min3A_314, %sub3A_664 : vector<16xi32>
        %add3A_666 = arith.addi %sub3A_665, %and3A_335 : vector<16xi32>
        %jit3A_667 = arith.constant 0 : i32
        %jit3A_668 = arith.constant 10 : i32
        %max3A_669 = vector.broadcast %jit3A_667 : i32 to vector<16xi32>
        %max3A_670 = arith.maxsi %max3A_669, %add3A_666 : vector<16xi32>
        %min3A_671 = vector.broadcast %jit3A_668 : i32 to vector<16xi32>
        %min3A_672 = arith.minsi %min3A_671, %max3A_670 : vector<16xi32>
        %sub3A_673 = arith.constant 3 : i32
        %sub3A_674 = vector.broadcast %sub3A_673 : i32 to vector<16xi32>
        %sub3A_675 = arith.subi %min3A_321, %sub3A_674 : vector<16xi32>
        %add3A_676 = arith.addi %sub3A_675, %and3A_342 : vector<16xi32>
        %jit3A_677 = arith.constant 0 : i32
        %jit3A_678 = arith.constant 10 : i32
        %max3A_679 = vector.broadcast %jit3A_677 : i32 to vector<16xi32>
        %max3A_680 = arith.maxsi %max3A_679, %add3A_676 : vector<16xi32>
        %min3A_681 = vector.broadcast %jit3A_678 : i32 to vector<16xi32>
        %min3A_682 = arith.minsi %min3A_681, %max3A_680 : vector<16xi32>
        %sub3A_683 = arith.constant 3 : i32
        %sub3A_684 = vector.broadcast %sub3A_683 : i32 to vector<16xi32>
        %sub3A_685 = arith.subi %min3A_357, %sub3A_684 : vector<16xi32>
        %add3A_686 = arith.addi %sub3A_685, %and3A_378 : vector<16xi32>
        %jit3A_687 = arith.constant 0 : i32
        %jit3A_688 = arith.constant 10 : i32
        %max3A_689 = vector.broadcast %jit3A_687 : i32 to vector<16xi32>
        %max3A_690 = arith.maxsi %max3A_689, %add3A_686 : vector<16xi32>
        %min3A_691 = vector.broadcast %jit3A_688 : i32 to vector<16xi32>
        %min3A_692 = arith.minsi %min3A_691, %max3A_690 : vector<16xi32>
        %sub3A_693 = arith.constant 3 : i32
        %sub3A_694 = vector.broadcast %sub3A_693 : i32 to vector<16xi32>
        %sub3A_695 = arith.subi %min3A_364, %sub3A_694 : vector<16xi32>
        %add3A_696 = arith.addi %sub3A_695, %and3A_385 : vector<16xi32>
        %jit3A_697 = arith.constant 0 : i32
        %jit3A_698 = arith.constant 10 : i32
        %max3A_699 = vector.broadcast %jit3A_697 : i32 to vector<16xi32>
        %max3A_700 = arith.maxsi %max3A_699, %add3A_696 : vector<16xi32>
        %min3A_701 = vector.broadcast %jit3A_698 : i32 to vector<16xi32>
        %min3A_702 = arith.minsi %min3A_701, %max3A_700 : vector<16xi32>
        %sub3A_703 = arith.constant 3 : i32
        %sub3A_704 = vector.broadcast %sub3A_703 : i32 to vector<16xi32>
        %sub3A_705 = arith.subi %min3A_371, %sub3A_704 : vector<16xi32>
        %add3A_706 = arith.addi %sub3A_705, %and3A_392 : vector<16xi32>
        %jit3A_707 = arith.constant 0 : i32
        %jit3A_708 = arith.constant 10 : i32
        %max3A_709 = vector.broadcast %jit3A_707 : i32 to vector<16xi32>
        %max3A_710 = arith.maxsi %max3A_709, %add3A_706 : vector<16xi32>
        %min3A_711 = vector.broadcast %jit3A_708 : i32 to vector<16xi32>
        %min3A_712 = arith.minsi %min3A_711, %max3A_710 : vector<16xi32>
        %jit3A_713 = arith.constant 0 : i32
        %jit3A_714 = arith.constant 6 : i32
        %div3A_715 = arith.divsi %jit3A_713, %jit3A_714 : i32
        %sign3A_716 = arith.constant 0 : i32
        %sign3A_717 = arith.cmpi sgt, %jit3A_713, %sign3A_716 : i32
        %sign3A_718 = arith.extui %sign3A_717 : i1 to i32
        %sign3A_719 = arith.constant 0 : i32
        %sign3A_720 = arith.cmpi slt, %jit3A_713, %sign3A_719 : i32
        %sign3A_721 = arith.extui %sign3A_720 : i1 to i32
        %sign3A_722 = arith.subi %sign3A_718, %sign3A_721 : i32
        %sign3A_723 = arith.constant 0 : i32
        %sign3A_724 = arith.cmpi sgt, %jit3A_714, %sign3A_723 : i32
        %sign3A_725 = arith.extui %sign3A_724 : i1 to i32
        %sign3A_726 = arith.constant 0 : i32
        %sign3A_727 = arith.cmpi slt, %jit3A_714, %sign3A_726 : i32
        %sign3A_728 = arith.extui %sign3A_727 : i1 to i32
        %sign3A_729 = arith.subi %sign3A_725, %sign3A_728 : i32
        %ne3A_730 = arith.cmpi ne, %sign3A_722, %sign3A_729 : i32
        %rem3A_731 = arith.remsi %jit3A_713, %jit3A_714 : i32
        %ne3A_732 = arith.constant 0 : i32
        %ne3A_733 = arith.cmpi ne, %rem3A_731, %ne3A_732 : i32
        %and3A_734 = arith.andi %ne3A_730, %ne3A_733 : i1
        %sub3A_735 = arith.constant 1 : i32
        %sub3A_736 = arith.subi %div3A_715, %sub3A_735 : i32
        %select_n3A_737 = arith.select %and3A_734, %sub3A_736, %div3A_715 : i32
        %jit3A_738 = arith.constant 0 : i32
        %jit3A_739 = arith.constant 6 : i32
        %eq3A_740 = arith.constant 0 : i32
        %eq3A_741 = arith.cmpi eq, %jit3A_739, %eq3A_740 : i32
        %jit3A_742 = arith.constant 1 : i32
        %select_n3A_743 = arith.select %eq3A_741, %jit3A_742, %jit3A_739 : i32
        %rem3A_744 = arith.remsi %jit3A_738, %select_n3A_743 : i32
        %ne3A_745 = arith.constant 0 : i32
        %ne3A_746 = arith.cmpi ne, %rem3A_744, %ne3A_745 : i32
        %lt3A_747 = arith.constant 0 : i32
        %lt3A_748 = arith.cmpi slt, %rem3A_744, %lt3A_747 : i32
        %lt3A_749 = arith.constant 0 : i32
        %lt3A_750 = arith.cmpi slt, %select_n3A_743, %lt3A_749 : i32
        %ne3A_751 = arith.xori %lt3A_748, %lt3A_750 : i1
        %and3A_752 = arith.andi %ne3A_751, %ne3A_746 : i1
        %add3A_753 = arith.addi %rem3A_744, %select_n3A_743 : i32
        %select_n3A_754 = arith.select %and3A_752, %add3A_753, %rem3A_744 : i32
        %add3A_755 = vector.broadcast %select_n3A_737 : i32 to vector<16xi32>
        %add3A_756 = arith.addi %min3A_662, %add3A_755 : vector<16xi32>
        %mul3A_757 = arith.constant 16 : i32
        %mul3A_758 = vector.broadcast %mul3A_757 : i32 to vector<16xi32>
        %mul3A_759 = arith.muli %add3A_756, %mul3A_758 : vector<16xi32>
        %add3A_760 = vector.broadcast %select_n3A_754 : i32 to vector<16xi32>
        %add3A_761 = arith.addi %min3A_672, %add3A_760 : vector<16xi32>
        %add3A_762 = arith.addi %mul3A_759, %add3A_761 : vector<16xi32>
        %mul3A_763 = arith.constant 16 : i32
        %mul3A_764 = vector.broadcast %mul3A_763 : i32 to vector<16xi32>
        %mul3A_765 = arith.muli %add3A_762, %mul3A_764 : vector<16xi32>
        %add3A_766 = arith.addi %mul3A_765, %min3A_682 : vector<16xi32>
        %gather3A_767 = tpu.vector_load_idx %arg18[%add3A_766] : memref<4112xi32, #tpu.memory_space<vmem>>[vector<16xi32>], vector<16xi32>,
        %add3A_768 = arith.constant 6 : i32
        %add3A_769 = vector.broadcast %add3A_768 : i32 to vector<16xi32>
        %add3A_770 = arith.addi %add3A_766, %add3A_769 : vector<16xi32>
        %gather3A_771 = tpu.vector_load_idx %arg18[%add3A_770] : memref<4112xi32, #tpu.memory_space<vmem>>[vector<16xi32>], vector<16xi32>,
        %sub3A_772 = arith.subi %gather3A_771, %gather3A_767 : vector<16xi32>
        %add3A_773 = vector.broadcast %select_n3A_737 : i32 to vector<16xi32>
        %add3A_774 = arith.addi %min3A_692, %add3A_773 : vector<16xi32>
        %mul3A_775 = arith.constant 16 : i32
        %mul3A_776 = vector.broadcast %mul3A_775 : i32 to vector<16xi32>
        %mul3A_777 = arith.muli %add3A_774, %mul3A_776 : vector<16xi32>
        %add3A_778 = vector.broadcast %select_n3A_754 : i32 to vector<16xi32>
        %add3A_779 = arith.addi %min3A_702, %add3A_778 : vector<16xi32>
        %add3A_780 = arith.addi %mul3A_777, %add3A_779 : vector<16xi32>
        %mul3A_781 = arith.constant 16 : i32
        %mul3A_782 = vector.broadcast %mul3A_781 : i32 to vector<16xi32>
        %mul3A_783 = arith.muli %add3A_780, %mul3A_782 : vector<16xi32>
        %add3A_784 = arith.addi %mul3A_783, %min3A_712 : vector<16xi32>
        %gather3A_785 = tpu.vector_load_idx %arg18[%add3A_784] : memref<4112xi32, #tpu.memory_space<vmem>>[vector<16xi32>], vector<16xi32>,
        %add3A_786 = arith.constant 6 : i32
        %add3A_787 = vector.broadcast %add3A_786 : i32 to vector<16xi32>
        %add3A_788 = arith.addi %add3A_784, %add3A_787 : vector<16xi32>
        %gather3A_789 = tpu.vector_load_idx %arg18[%add3A_788] : memref<4112xi32, #tpu.memory_space<vmem>>[vector<16xi32>], vector<16xi32>,
        %sub3A_790 = arith.subi %gather3A_789, %gather3A_785 : vector<16xi32>
        %reduce_max3A_791 = arith.constant true
        %reduce_max3A_792 = vector.broadcast %reduce_max3A_791 : i1 to vector<16xi1>
        %reduce_max3A_793 = arith.constant -2147483648 : i32
        %reduce_max3A_794 = vector.broadcast %reduce_max3A_793 : i32 to vector<16xi32>
        %reduce_max3A_795 = arith.xori %sub3A_772, %reduce_max3A_794 : vector<16xi32>
        %reduce_max3A_796 = tpu.scan <max>, %reduce_max3A_795 masked %reduce_max3A_792 : vector<16xi32>, vector<16xi1> -> vector<16xi32>
        %reduce_max3A_797 = arith.xori %reduce_max3A_796, %reduce_max3A_794 : vector<16xi32>
        %reduce_max3A_798 = vector.extract %reduce_max3A_797[15] : i32 from vector<16xi32>
        %reduce_max3A_799 = arith.constant true
        %reduce_max3A_800 = vector.broadcast %reduce_max3A_799 : i1 to vector<16xi1>
        %reduce_max3A_801 = arith.constant -2147483648 : i32
        %reduce_max3A_802 = vector.broadcast %reduce_max3A_801 : i32 to vector<16xi32>
        %reduce_max3A_803 = arith.xori %sub3A_790, %reduce_max3A_802 : vector<16xi32>
        %reduce_max3A_804 = tpu.scan <max>, %reduce_max3A_803 masked %reduce_max3A_800 : vector<16xi32>, vector<16xi1> -> vector<16xi32>
        %reduce_max3A_805 = arith.xori %reduce_max3A_804, %reduce_max3A_802 : vector<16xi32>
        %reduce_max3A_806 = vector.extract %reduce_max3A_805[15] : i32 from vector<16xi32>
        %max3A_807 = arith.maxsi %reduce_max3A_798, %reduce_max3A_806 : i32
        %scan3A_808 = arith.constant 0 : i32
        %scan3A_809 = arith.constant 36 : i32
        %scan3A_810 = arith.addi %scan3A_808, %scan3A_809 : i32
        %scan3A_811 = arith.constant 1 : i32
        %scan3A_812:9 = scf.for %scan3A_814 = %scan3A_808 to %scan3A_810 step %scan3A_811 iter_args(%scan3A_815 = %scan3A_557#0, %scan3A_816 = %scan3A_557#1, %scan3A_817 = %scan3A_557#2, %scan3A_818 = %scan3A_557#3, %scan3A_819 = %gather3A_767, %scan3A_820 = %sub3A_772, %scan3A_821 = %gather3A_785, %scan3A_822 = %sub3A_790, %scan3A_823 = %max3A_807) -> (vector<16xf32>, vector<16xi32>, vector<16xf32>, vector<16xi32>, vector<16xi32>, vector<16xi32>, vector<16xi32>, vector<16xi32>, i32)  : i32 {
          %add3A_824 = arith.constant 1 : i32
          %add3A_825 = arith.addi %scan3A_814, %add3A_824 : i32
          %min3A_826 = arith.constant 35 : i32
          %min3A_827 = arith.minsi %add3A_825, %min3A_826 : i32
          %jit3A_828 = arith.constant 6 : i32
          %div3A_829 = arith.divsi %min3A_827, %jit3A_828 : i32
          %sign3A_830 = arith.constant 0 : i32
          %sign3A_831 = arith.cmpi sgt, %min3A_827, %sign3A_830 : i32
          %sign3A_832 = arith.extui %sign3A_831 : i1 to i32
          %sign3A_833 = arith.constant 0 : i32
          %sign3A_834 = arith.cmpi slt, %min3A_827, %sign3A_833 : i32
          %sign3A_835 = arith.extui %sign3A_834 : i1 to i32
          %sign3A_836 = arith.subi %sign3A_832, %sign3A_835 : i32
          %sign3A_837 = arith.constant 0 : i32
          %sign3A_838 = arith.cmpi sgt, %jit3A_828, %sign3A_837 : i32
          %sign3A_839 = arith.extui %sign3A_838 : i1 to i32
          %sign3A_840 = arith.constant 0 : i32
          %sign3A_841 = arith.cmpi slt, %jit3A_828, %sign3A_840 : i32
          %sign3A_842 = arith.extui %sign3A_841 : i1 to i32
          %sign3A_843 = arith.subi %sign3A_839, %sign3A_842 : i32
          %ne3A_844 = arith.cmpi ne, %sign3A_836, %sign3A_843 : i32
          %rem3A_845 = arith.remsi %min3A_827, %jit3A_828 : i32
          %ne3A_846 = arith.constant 0 : i32
          %ne3A_847 = arith.cmpi ne, %rem3A_845, %ne3A_846 : i32
          %and3A_848 = arith.andi %ne3A_844, %ne3A_847 : i1
          %sub3A_849 = arith.constant 1 : i32
          %sub3A_850 = arith.subi %div3A_829, %sub3A_849 : i32
          %select_n3A_851 = arith.select %and3A_848, %sub3A_850, %div3A_829 : i32
          %jit3A_852 = arith.constant 6 : i32
          %eq3A_853 = arith.constant 0 : i32
          %eq3A_854 = arith.cmpi eq, %jit3A_852, %eq3A_853 : i32
          %jit3A_855 = arith.constant 1 : i32
          %select_n3A_856 = arith.select %eq3A_854, %jit3A_855, %jit3A_852 : i32
          %rem3A_857 = arith.remsi %min3A_827, %select_n3A_856 : i32
          %ne3A_858 = arith.constant 0 : i32
          %ne3A_859 = arith.cmpi ne, %rem3A_857, %ne3A_858 : i32
          %lt3A_860 = arith.constant 0 : i32
          %lt3A_861 = arith.cmpi slt, %rem3A_857, %lt3A_860 : i32
          %lt3A_862 = arith.constant 0 : i32
          %lt3A_863 = arith.cmpi slt, %select_n3A_856, %lt3A_862 : i32
          %ne3A_864 = arith.xori %lt3A_861, %lt3A_863 : i1
          %and3A_865 = arith.andi %ne3A_864, %ne3A_859 : i1
          %add3A_866 = arith.addi %rem3A_857, %select_n3A_856 : i32
          %select_n3A_867 = arith.select %and3A_865, %add3A_866, %rem3A_857 : i32
          %add3A_868 = vector.broadcast %select_n3A_851 : i32 to vector<16xi32>
          %add3A_869 = arith.addi %min3A_662, %add3A_868 : vector<16xi32>
          %mul3A_870 = arith.constant 16 : i32
          %mul3A_871 = vector.broadcast %mul3A_870 : i32 to vector<16xi32>
          %mul3A_872 = arith.muli %add3A_869, %mul3A_871 : vector<16xi32>
          %add3A_873 = vector.broadcast %select_n3A_867 : i32 to vector<16xi32>
          %add3A_874 = arith.addi %min3A_672, %add3A_873 : vector<16xi32>
          %add3A_875 = arith.addi %mul3A_872, %add3A_874 : vector<16xi32>
          %mul3A_876 = arith.constant 16 : i32
          %mul3A_877 = vector.broadcast %mul3A_876 : i32 to vector<16xi32>
          %mul3A_878 = arith.muli %add3A_875, %mul3A_877 : vector<16xi32>
          %add3A_879 = arith.addi %mul3A_878, %min3A_682 : vector<16xi32>
          %gather3A_880 = tpu.vector_load_idx %arg18[%add3A_879] : memref<4112xi32, #tpu.memory_space<vmem>>[vector<16xi32>], vector<16xi32>,
          %add3A_881 = arith.constant 6 : i32
          %add3A_882 = vector.broadcast %add3A_881 : i32 to vector<16xi32>
          %add3A_883 = arith.addi %add3A_879, %add3A_882 : vector<16xi32>
          %gather3A_884 = tpu.vector_load_idx %arg18[%add3A_883] : memref<4112xi32, #tpu.memory_space<vmem>>[vector<16xi32>], vector<16xi32>,
          %sub3A_885 = arith.subi %gather3A_884, %gather3A_880 : vector<16xi32>
          %add3A_886 = vector.broadcast %select_n3A_851 : i32 to vector<16xi32>
          %add3A_887 = arith.addi %min3A_692, %add3A_886 : vector<16xi32>
          %mul3A_888 = arith.constant 16 : i32
          %mul3A_889 = vector.broadcast %mul3A_888 : i32 to vector<16xi32>
          %mul3A_890 = arith.muli %add3A_887, %mul3A_889 : vector<16xi32>
          %add3A_891 = vector.broadcast %select_n3A_867 : i32 to vector<16xi32>
          %add3A_892 = arith.addi %min3A_702, %add3A_891 : vector<16xi32>
          %add3A_893 = arith.addi %mul3A_890, %add3A_892 : vector<16xi32>
          %mul3A_894 = arith.constant 16 : i32
          %mul3A_895 = vector.broadcast %mul3A_894 : i32 to vector<16xi32>
          %mul3A_896 = arith.muli %add3A_893, %mul3A_895 : vector<16xi32>
          %add3A_897 = arith.addi %mul3A_896, %min3A_712 : vector<16xi32>
          %gather3A_898 = tpu.vector_load_idx %arg18[%add3A_897] : memref<4112xi32, #tpu.memory_space<vmem>>[vector<16xi32>], vector<16xi32>,
          %add3A_899 = arith.constant 6 : i32
          %add3A_900 = vector.broadcast %add3A_899 : i32 to vector<16xi32>
          %add3A_901 = arith.addi %add3A_897, %add3A_900 : vector<16xi32>
          %gather3A_902 = tpu.vector_load_idx %arg18[%add3A_901] : memref<4112xi32, #tpu.memory_space<vmem>>[vector<16xi32>], vector<16xi32>,
          %sub3A_903 = arith.subi %gather3A_902, %gather3A_898 : vector<16xi32>
          %reduce_max3A_904 = arith.constant true
          %reduce_max3A_905 = vector.broadcast %reduce_max3A_904 : i1 to vector<16xi1>
          %reduce_max3A_906 = arith.constant -2147483648 : i32
          %reduce_max3A_907 = vector.broadcast %reduce_max3A_906 : i32 to vector<16xi32>
          %reduce_max3A_908 = arith.xori %sub3A_885, %reduce_max3A_907 : vector<16xi32>
          %reduce_max3A_909 = tpu.scan <max>, %reduce_max3A_908 masked %reduce_max3A_905 : vector<16xi32>, vector<16xi1> -> vector<16xi32>
          %reduce_max3A_910 = arith.xori %reduce_max3A_909, %reduce_max3A_907 : vector<16xi32>
          %reduce_max3A_911 = vector.extract %reduce_max3A_910[15] : i32 from vector<16xi32>
          %reduce_max3A_912 = arith.constant true
          %reduce_max3A_913 = vector.broadcast %reduce_max3A_912 : i1 to vector<16xi1>
          %reduce_max3A_914 = arith.constant -2147483648 : i32
          %reduce_max3A_915 = vector.broadcast %reduce_max3A_914 : i32 to vector<16xi32>
          %reduce_max3A_916 = arith.xori %sub3A_903, %reduce_max3A_915 : vector<16xi32>
          %reduce_max3A_917 = tpu.scan <max>, %reduce_max3A_916 masked %reduce_max3A_913 : vector<16xi32>, vector<16xi1> -> vector<16xi32>
          %reduce_max3A_918 = arith.xori %reduce_max3A_917, %reduce_max3A_915 : vector<16xi32>
          %reduce_max3A_919 = vector.extract %reduce_max3A_918[15] : i32 from vector<16xi32>
          %max3A_920 = arith.maxsi %reduce_max3A_911, %reduce_max3A_919 : i32
          %add3A_921 = arith.constant 1 : i32
          %add3A_922 = arith.addi %scan3A_823, %add3A_921 : i32
          %shift_right_arithmetic3A = arith.constant 1 : i32
          %shift_right_arithmetic3A_923 = arith.shrsi %add3A_922, %shift_right_arithmetic3A : i32
          %while3A = arith.constant 0 : i32
          %while3A_924 = arith.subi %shift_right_arithmetic3A_923, %while3A : i32
          %while3A_925 = arith.addi %while3A, %while3A_924 : i32
          %while3A_926 = arith.constant 1 : i32
          %while3A_927 = arith.divsi %while3A_924, %while3A_926 : i32
          %while3A_928 = arith.muli %while3A_927, %while3A_926 : i32
          %while3A_929 = arith.addi %while3A, %while3A_928 : i32
          %while3A_930 = arith.constant 1 : i32
          %while3A_931:4 = scf.for %while3A_934 = %while3A to %while3A_929 step %while3A_930 iter_args(%while3A_935 = %scan3A_815, %while3A_936 = %scan3A_816, %while3A_937 = %scan3A_817, %while3A_938 = %scan3A_818) -> (vector<16xf32>, vector<16xi32>, vector<16xf32>, vector<16xi32>)  : i32 {
            %mul3A_939 = arith.constant 2 : i32
            %mul3A_940 = arith.muli %while3A_934, %mul3A_939 : i32
            %add3A_941 = arith.constant 0 : i32
            %add3A_942 = arith.addi %mul3A_940, %add3A_941 : i32
            %add3A_943 = vector.broadcast %add3A_942 : i32 to vector<16xi32>
            %add3A_944 = arith.addi %scan3A_819, %add3A_943 : vector<16xi32>
            %gather3A_945 = tpu.vector_load_idx %arg23[%add3A_944] : memref<4096xf32, #tpu.memory_space<vmem>>[vector<16xi32>], vector<16xf32>,
            %gather3A_946 = tpu.vector_load_idx %arg24[%add3A_944] : memref<4096xf32, #tpu.memory_space<vmem>>[vector<16xi32>], vector<16xf32>,
            %gather3A_947 = tpu.vector_load_idx %arg25[%add3A_944] : memref<4096xf32, #tpu.memory_space<vmem>>[vector<16xi32>], vector<16xf32>,
            %sub3A_948 = arith.subf %get3A_297, %gather3A_945 : vector<16xf32>
            %sub3A_949 = arith.subf %get3A_299, %gather3A_946 : vector<16xf32>
            %sub3A_950 = arith.subf %get3A_301, %gather3A_947 : vector<16xf32>
            %mul3A_951 = arith.mulf %sub3A_948, %sub3A_948 : vector<16xf32>
            %mul3A_952 = arith.mulf %sub3A_949, %sub3A_949 : vector<16xf32>
            %add3A_953 = arith.addf %mul3A_951, %mul3A_952 : vector<16xf32>
            %mul3A_954 = arith.mulf %sub3A_950, %sub3A_950 : vector<16xf32>
            %add3A_955 = arith.addf %add3A_953, %mul3A_954 : vector<16xf32>
            %add3A_956 = arith.constant 0 : i32
            %add3A_957 = arith.addi %mul3A_940, %add3A_956 : i32
            %lt3A_958 = vector.broadcast %add3A_957 : i32 to vector<16xi32>
            %lt3A_959 = arith.cmpi slt, %lt3A_958, %scan3A_820 : vector<16xi32>
            %lt3A_960 = arith.cmpf olt, %add3A_955, %while3A_935 : vector<16xf32>
            %and3A_961 = arith.andi %lt3A_959, %lt3A_960 : vector<16xi1>
            %select_n3A_962 = arith.select %and3A_961, %add3A_955, %while3A_935 : vector<16xi1>, vector<16xf32>
            %select_n3A_963 = arith.select %and3A_961, %add3A_944, %while3A_936 : vector<16xi1>, vector<16xi32>
            %add3A_964 = arith.constant 1 : i32
            %add3A_965 = arith.addi %mul3A_940, %add3A_964 : i32
            %add3A_966 = vector.broadcast %add3A_965 : i32 to vector<16xi32>
            %add3A_967 = arith.addi %scan3A_819, %add3A_966 : vector<16xi32>
            %gather3A_968 = tpu.vector_load_idx %arg23[%add3A_967] : memref<4096xf32, #tpu.memory_space<vmem>>[vector<16xi32>], vector<16xf32>,
            %gather3A_969 = tpu.vector_load_idx %arg24[%add3A_967] : memref<4096xf32, #tpu.memory_space<vmem>>[vector<16xi32>], vector<16xf32>,
            %gather3A_970 = tpu.vector_load_idx %arg25[%add3A_967] : memref<4096xf32, #tpu.memory_space<vmem>>[vector<16xi32>], vector<16xf32>,
            %sub3A_971 = arith.subf %get3A_297, %gather3A_968 : vector<16xf32>
            %sub3A_972 = arith.subf %get3A_299, %gather3A_969 : vector<16xf32>
            %sub3A_973 = arith.subf %get3A_301, %gather3A_970 : vector<16xf32>
            %mul3A_974 = arith.mulf %sub3A_971, %sub3A_971 : vector<16xf32>
            %mul3A_975 = arith.mulf %sub3A_972, %sub3A_972 : vector<16xf32>
            %add3A_976 = arith.addf %mul3A_974, %mul3A_975 : vector<16xf32>
            %mul3A_977 = arith.mulf %sub3A_973, %sub3A_973 : vector<16xf32>
            %add3A_978 = arith.addf %add3A_976, %mul3A_977 : vector<16xf32>
            %add3A_979 = arith.constant 1 : i32
            %add3A_980 = arith.addi %mul3A_940, %add3A_979 : i32
            %lt3A_981 = vector.broadcast %add3A_980 : i32 to vector<16xi32>
            %lt3A_982 = arith.cmpi slt, %lt3A_981, %scan3A_820 : vector<16xi32>
            %lt3A_983 = arith.cmpf olt, %add3A_978, %select_n3A_962 : vector<16xf32>
            %and3A_984 = arith.andi %lt3A_982, %lt3A_983 : vector<16xi1>
            %select_n3A_985 = arith.select %and3A_984, %add3A_978, %select_n3A_962 : vector<16xi1>, vector<16xf32>
            %select_n3A_986 = arith.select %and3A_984, %add3A_967, %select_n3A_963 : vector<16xi1>, vector<16xi32>
            %add3A_987 = arith.constant 0 : i32
            %add3A_988 = arith.addi %mul3A_940, %add3A_987 : i32
            %add3A_989 = vector.broadcast %add3A_988 : i32 to vector<16xi32>
            %add3A_990 = arith.addi %scan3A_821, %add3A_989 : vector<16xi32>
            %gather3A_991 = tpu.vector_load_idx %arg23[%add3A_990] : memref<4096xf32, #tpu.memory_space<vmem>>[vector<16xi32>], vector<16xf32>,
            %gather3A_992 = tpu.vector_load_idx %arg24[%add3A_990] : memref<4096xf32, #tpu.memory_space<vmem>>[vector<16xi32>], vector<16xf32>,
            %gather3A_993 = tpu.vector_load_idx %arg25[%add3A_990] : memref<4096xf32, #tpu.memory_space<vmem>>[vector<16xi32>], vector<16xf32>,
            %sub3A_994 = arith.subf %get3A_346, %gather3A_991 : vector<16xf32>
            %sub3A_995 = arith.subf %get3A_348, %gather3A_992 : vector<16xf32>
            %sub3A_996 = arith.subf %get3A_350, %gather3A_993 : vector<16xf32>
            %mul3A_997 = arith.mulf %sub3A_994, %sub3A_994 : vector<16xf32>
            %mul3A_998 = arith.mulf %sub3A_995, %sub3A_995 : vector<16xf32>
            %add3A_999 = arith.addf %mul3A_997, %mul3A_998 : vector<16xf32>
            %mul3A_1000 = arith.mulf %sub3A_996, %sub3A_996 : vector<16xf32>
            %add3A_1001 = arith.addf %add3A_999, %mul3A_1000 : vector<16xf32>
            %add3A_1002 = arith.constant 0 : i32
            %add3A_1003 = arith.addi %mul3A_940, %add3A_1002 : i32
            %lt3A_1004 = vector.broadcast %add3A_1003 : i32 to vector<16xi32>
            %lt3A_1005 = arith.cmpi slt, %lt3A_1004, %scan3A_822 : vector<16xi32>
            %lt3A_1006 = arith.cmpf olt, %add3A_1001, %while3A_937 : vector<16xf32>
            %and3A_1007 = arith.andi %lt3A_1005, %lt3A_1006 : vector<16xi1>
            %select_n3A_1008 = arith.select %and3A_1007, %add3A_1001, %while3A_937 : vector<16xi1>, vector<16xf32>
            %select_n3A_1009 = arith.select %and3A_1007, %add3A_990, %while3A_938 : vector<16xi1>, vector<16xi32>
            %add3A_1010 = arith.constant 1 : i32
            %add3A_1011 = arith.addi %mul3A_940, %add3A_1010 : i32
            %add3A_1012 = vector.broadcast %add3A_1011 : i32 to vector<16xi32>
            %add3A_1013 = arith.addi %scan3A_821, %add3A_1012 : vector<16xi32>
            %gather3A_1014 = tpu.vector_load_idx %arg23[%add3A_1013] : memref<4096xf32, #tpu.memory_space<vmem>>[vector<16xi32>], vector<16xf32>,
            %gather3A_1015 = tpu.vector_load_idx %arg24[%add3A_1013] : memref<4096xf32, #tpu.memory_space<vmem>>[vector<16xi32>], vector<16xf32>,
            %gather3A_1016 = tpu.vector_load_idx %arg25[%add3A_1013] : memref<4096xf32, #tpu.memory_space<vmem>>[vector<16xi32>], vector<16xf32>,
            %sub3A_1017 = arith.subf %get3A_346, %gather3A_1014 : vector<16xf32>
            %sub3A_1018 = arith.subf %get3A_348, %gather3A_1015 : vector<16xf32>
            %sub3A_1019 = arith.subf %get3A_350, %gather3A_1016 : vector<16xf32>
            %mul3A_1020 = arith.mulf %sub3A_1017, %sub3A_1017 : vector<16xf32>
            %mul3A_1021 = arith.mulf %sub3A_1018, %sub3A_1018 : vector<16xf32>
            %add3A_1022 = arith.addf %mul3A_1020, %mul3A_1021 : vector<16xf32>
            %mul3A_1023 = arith.mulf %sub3A_1019, %sub3A_1019 : vector<16xf32>
            %add3A_1024 = arith.addf %add3A_1022, %mul3A_1023 : vector<16xf32>
            %add3A_1025 = arith.constant 1 : i32
            %add3A_1026 = arith.addi %mul3A_940, %add3A_1025 : i32
            %lt3A_1027 = vector.broadcast %add3A_1026 : i32 to vector<16xi32>
            %lt3A_1028 = arith.cmpi slt, %lt3A_1027, %scan3A_822 : vector<16xi32>
            %lt3A_1029 = arith.cmpf olt, %add3A_1024, %select_n3A_1008 : vector<16xf32>
            %and3A_1030 = arith.andi %lt3A_1028, %lt3A_1029 : vector<16xi1>
            %select_n3A_1031 = arith.select %and3A_1030, %add3A_1024, %select_n3A_1008 : vector<16xi1>, vector<16xf32>
            %select_n3A_1032 = arith.select %and3A_1030, %add3A_1013, %select_n3A_1009 : vector<16xi1>, vector<16xi32>
            scf.yield %select_n3A_985, %select_n3A_986, %select_n3A_1031, %select_n3A_1032 : vector<16xf32>, vector<16xi32>, vector<16xf32>, vector<16xi32>
          }
          %while3A_932 = arith.constant 1 : i32
          %while3A_933:4 = scf.for %while3A_934 = %while3A_929 to %while3A_925 step %while3A_932 iter_args(%while3A_935 = %while3A_931#0, %while3A_936 = %while3A_931#1, %while3A_937 = %while3A_931#2, %while3A_938 = %while3A_931#3) -> (vector<16xf32>, vector<16xi32>, vector<16xf32>, vector<16xi32>)  : i32 {
            %mul3A_939 = arith.constant 2 : i32
            %mul3A_940 = arith.muli %while3A_934, %mul3A_939 : i32
            %add3A_941 = arith.constant 0 : i32
            %add3A_942 = arith.addi %mul3A_940, %add3A_941 : i32
            %add3A_943 = vector.broadcast %add3A_942 : i32 to vector<16xi32>
            %add3A_944 = arith.addi %scan3A_819, %add3A_943 : vector<16xi32>
            %gather3A_945 = tpu.vector_load_idx %arg23[%add3A_944] : memref<4096xf32, #tpu.memory_space<vmem>>[vector<16xi32>], vector<16xf32>,
            %gather3A_946 = tpu.vector_load_idx %arg24[%add3A_944] : memref<4096xf32, #tpu.memory_space<vmem>>[vector<16xi32>], vector<16xf32>,
            %gather3A_947 = tpu.vector_load_idx %arg25[%add3A_944] : memref<4096xf32, #tpu.memory_space<vmem>>[vector<16xi32>], vector<16xf32>,
            %sub3A_948 = arith.subf %get3A_297, %gather3A_945 : vector<16xf32>
            %sub3A_949 = arith.subf %get3A_299, %gather3A_946 : vector<16xf32>
            %sub3A_950 = arith.subf %get3A_301, %gather3A_947 : vector<16xf32>
            %mul3A_951 = arith.mulf %sub3A_948, %sub3A_948 : vector<16xf32>
            %mul3A_952 = arith.mulf %sub3A_949, %sub3A_949 : vector<16xf32>
            %add3A_953 = arith.addf %mul3A_951, %mul3A_952 : vector<16xf32>
            %mul3A_954 = arith.mulf %sub3A_950, %sub3A_950 : vector<16xf32>
            %add3A_955 = arith.addf %add3A_953, %mul3A_954 : vector<16xf32>
            %add3A_956 = arith.constant 0 : i32
            %add3A_957 = arith.addi %mul3A_940, %add3A_956 : i32
            %lt3A_958 = vector.broadcast %add3A_957 : i32 to vector<16xi32>
            %lt3A_959 = arith.cmpi slt, %lt3A_958, %scan3A_820 : vector<16xi32>
            %lt3A_960 = arith.cmpf olt, %add3A_955, %while3A_935 : vector<16xf32>
            %and3A_961 = arith.andi %lt3A_959, %lt3A_960 : vector<16xi1>
            %select_n3A_962 = arith.select %and3A_961, %add3A_955, %while3A_935 : vector<16xi1>, vector<16xf32>
            %select_n3A_963 = arith.select %and3A_961, %add3A_944, %while3A_936 : vector<16xi1>, vector<16xi32>
            %add3A_964 = arith.constant 1 : i32
            %add3A_965 = arith.addi %mul3A_940, %add3A_964 : i32
            %add3A_966 = vector.broadcast %add3A_965 : i32 to vector<16xi32>
            %add3A_967 = arith.addi %scan3A_819, %add3A_966 : vector<16xi32>
            %gather3A_968 = tpu.vector_load_idx %arg23[%add3A_967] : memref<4096xf32, #tpu.memory_space<vmem>>[vector<16xi32>], vector<16xf32>,
            %gather3A_969 = tpu.vector_load_idx %arg24[%add3A_967] : memref<4096xf32, #tpu.memory_space<vmem>>[vector<16xi32>], vector<16xf32>,
            %gather3A_970 = tpu.vector_load_idx %arg25[%add3A_967] : memref<4096xf32, #tpu.memory_space<vmem>>[vector<16xi32>], vector<16xf32>,
            %sub3A_971 = arith.subf %get3A_297, %gather3A_968 : vector<16xf32>
            %sub3A_972 = arith.subf %get3A_299, %gather3A_969 : vector<16xf32>
            %sub3A_973 = arith.subf %get3A_301, %gather3A_970 : vector<16xf32>
            %mul3A_974 = arith.mulf %sub3A_971, %sub3A_971 : vector<16xf32>
            %mul3A_975 = arith.mulf %sub3A_972, %sub3A_972 : vector<16xf32>
            %add3A_976 = arith.addf %mul3A_974, %mul3A_975 : vector<16xf32>
            %mul3A_977 = arith.mulf %sub3A_973, %sub3A_973 : vector<16xf32>
            %add3A_978 = arith.addf %add3A_976, %mul3A_977 : vector<16xf32>
            %add3A_979 = arith.constant 1 : i32
            %add3A_980 = arith.addi %mul3A_940, %add3A_979 : i32
            %lt3A_981 = vector.broadcast %add3A_980 : i32 to vector<16xi32>
            %lt3A_982 = arith.cmpi slt, %lt3A_981, %scan3A_820 : vector<16xi32>
            %lt3A_983 = arith.cmpf olt, %add3A_978, %select_n3A_962 : vector<16xf32>
            %and3A_984 = arith.andi %lt3A_982, %lt3A_983 : vector<16xi1>
            %select_n3A_985 = arith.select %and3A_984, %add3A_978, %select_n3A_962 : vector<16xi1>, vector<16xf32>
            %select_n3A_986 = arith.select %and3A_984, %add3A_967, %select_n3A_963 : vector<16xi1>, vector<16xi32>
            %add3A_987 = arith.constant 0 : i32
            %add3A_988 = arith.addi %mul3A_940, %add3A_987 : i32
            %add3A_989 = vector.broadcast %add3A_988 : i32 to vector<16xi32>
            %add3A_990 = arith.addi %scan3A_821, %add3A_989 : vector<16xi32>
            %gather3A_991 = tpu.vector_load_idx %arg23[%add3A_990] : memref<4096xf32, #tpu.memory_space<vmem>>[vector<16xi32>], vector<16xf32>,
            %gather3A_992 = tpu.vector_load_idx %arg24[%add3A_990] : memref<4096xf32, #tpu.memory_space<vmem>>[vector<16xi32>], vector<16xf32>,
            %gather3A_993 = tpu.vector_load_idx %arg25[%add3A_990] : memref<4096xf32, #tpu.memory_space<vmem>>[vector<16xi32>], vector<16xf32>,
            %sub3A_994 = arith.subf %get3A_346, %gather3A_991 : vector<16xf32>
            %sub3A_995 = arith.subf %get3A_348, %gather3A_992 : vector<16xf32>
            %sub3A_996 = arith.subf %get3A_350, %gather3A_993 : vector<16xf32>
            %mul3A_997 = arith.mulf %sub3A_994, %sub3A_994 : vector<16xf32>
            %mul3A_998 = arith.mulf %sub3A_995, %sub3A_995 : vector<16xf32>
            %add3A_999 = arith.addf %mul3A_997, %mul3A_998 : vector<16xf32>
            %mul3A_1000 = arith.mulf %sub3A_996, %sub3A_996 : vector<16xf32>
            %add3A_1001 = arith.addf %add3A_999, %mul3A_1000 : vector<16xf32>
            %add3A_1002 = arith.constant 0 : i32
            %add3A_1003 = arith.addi %mul3A_940, %add3A_1002 : i32
            %lt3A_1004 = vector.broadcast %add3A_1003 : i32 to vector<16xi32>
            %lt3A_1005 = arith.cmpi slt, %lt3A_1004, %scan3A_822 : vector<16xi32>
            %lt3A_1006 = arith.cmpf olt, %add3A_1001, %while3A_937 : vector<16xf32>
            %and3A_1007 = arith.andi %lt3A_1005, %lt3A_1006 : vector<16xi1>
            %select_n3A_1008 = arith.select %and3A_1007, %add3A_1001, %while3A_937 : vector<16xi1>, vector<16xf32>
            %select_n3A_1009 = arith.select %and3A_1007, %add3A_990, %while3A_938 : vector<16xi1>, vector<16xi32>
            %add3A_1010 = arith.constant 1 : i32
            %add3A_1011 = arith.addi %mul3A_940, %add3A_1010 : i32
            %add3A_1012 = vector.broadcast %add3A_1011 : i32 to vector<16xi32>
            %add3A_1013 = arith.addi %scan3A_821, %add3A_1012 : vector<16xi32>
            %gather3A_1014 = tpu.vector_load_idx %arg23[%add3A_1013] : memref<4096xf32, #tpu.memory_space<vmem>>[vector<16xi32>], vector<16xf32>,
            %gather3A_1015 = tpu.vector_load_idx %arg24[%add3A_1013] : memref<4096xf32, #tpu.memory_space<vmem>>[vector<16xi32>], vector<16xf32>,
            %gather3A_1016 = tpu.vector_load_idx %arg25[%add3A_1013] : memref<4096xf32, #tpu.memory_space<vmem>>[vector<16xi32>], vector<16xf32>,
            %sub3A_1017 = arith.subf %get3A_346, %gather3A_1014 : vector<16xf32>
            %sub3A_1018 = arith.subf %get3A_348, %gather3A_1015 : vector<16xf32>
            %sub3A_1019 = arith.subf %get3A_350, %gather3A_1016 : vector<16xf32>
            %mul3A_1020 = arith.mulf %sub3A_1017, %sub3A_1017 : vector<16xf32>
            %mul3A_1021 = arith.mulf %sub3A_1018, %sub3A_1018 : vector<16xf32>
            %add3A_1022 = arith.addf %mul3A_1020, %mul3A_1021 : vector<16xf32>
            %mul3A_1023 = arith.mulf %sub3A_1019, %sub3A_1019 : vector<16xf32>
            %add3A_1024 = arith.addf %add3A_1022, %mul3A_1023 : vector<16xf32>
            %add3A_1025 = arith.constant 1 : i32
            %add3A_1026 = arith.addi %mul3A_940, %add3A_1025 : i32
            %lt3A_1027 = vector.broadcast %add3A_1026 : i32 to vector<16xi32>
            %lt3A_1028 = arith.cmpi slt, %lt3A_1027, %scan3A_822 : vector<16xi32>
            %lt3A_1029 = arith.cmpf olt, %add3A_1024, %select_n3A_1008 : vector<16xf32>
            %and3A_1030 = arith.andi %lt3A_1028, %lt3A_1029 : vector<16xi1>
            %select_n3A_1031 = arith.select %and3A_1030, %add3A_1024, %select_n3A_1008 : vector<16xi1>, vector<16xf32>
            %select_n3A_1032 = arith.select %and3A_1030, %add3A_1013, %select_n3A_1009 : vector<16xi1>, vector<16xi32>
            scf.yield %select_n3A_985, %select_n3A_986, %select_n3A_1031, %select_n3A_1032 : vector<16xf32>, vector<16xi32>, vector<16xf32>, vector<16xi32>
          }
          scf.yield %while3A_933#0, %while3A_933#1, %while3A_933#2, %while3A_933#3, %gather3A_880, %sub3A_885, %gather3A_898, %sub3A_903, %max3A_920 : vector<16xf32>, vector<16xi32>, vector<16xf32>, vector<16xi32>, vector<16xi32>, vector<16xi32>, vector<16xi32>, vector<16xi32>, i32
        }
        %scan3A_813 = arith.constant 36 : i32
        scf.yield %scan3A_812#0, %scan3A_812#1, %scan3A_812#2, %scan3A_812#3 : vector<16xf32>, vector<16xi32>, vector<16xf32>, vector<16xi32>
      }
      %gather3A_591 = tpu.vector_load_idx %arg26[%cond3A_590#1] : memref<4096xi32, #tpu.memory_space<vmem>>[vector<16xi32>], vector<16xi32>,
      %gather3A_592 = tpu.vector_load_idx %arg26[%cond3A_590#3] : memref<4096xi32, #tpu.memory_space<vmem>>[vector<16xi32>], vector<16xi32>,
      %lt3A_593 = arith.constant 0.0244140625 : f32
      %lt3A_594 = vector.broadcast %lt3A_593 : f32 to vector<16xf32>
      %lt3A_595 = arith.cmpf olt, %cond3A_590#0, %lt3A_594 : vector<16xf32>
      %reduce_and3A_596 = arith.constant 1.000000e+00 : f32
      %reduce_and3A_597 = arith.constant 0.000000e+00 : f32
      %reduce_and3A_598 = vector.broadcast %reduce_and3A_596 : f32 to vector<16xf32>
      %reduce_and3A_599 = vector.broadcast %reduce_and3A_597 : f32 to vector<16xf32>
      %reduce_and3A_600 = arith.select %lt3A_595, %reduce_and3A_598, %reduce_and3A_599 : vector<16xi1>, vector<16xf32>
      %reduce_and3A_601 = arith.constant true
      %reduce_and3A_602 = vector.broadcast %reduce_and3A_601 : i1 to vector<16xi1>
      %reduce_and3A_603 = tpu.scan <min>, %reduce_and3A_600 masked %reduce_and3A_602 : vector<16xf32>, vector<16xi1> -> vector<16xf32>
      %reduce_and3A_604 = vector.extract %reduce_and3A_603[15] : f32 from vector<16xf32>
      %reduce_and3A_605 = arith.constant 0.000000e+00 : f32
      %reduce_and3A_606 = arith.cmpf ogt, %reduce_and3A_604, %reduce_and3A_605 : f32
      %lt3A_607 = arith.constant 0.0244140625 : f32
      %lt3A_608 = vector.broadcast %lt3A_607 : f32 to vector<16xf32>
      %lt3A_609 = arith.cmpf olt, %cond3A_590#2, %lt3A_608 : vector<16xf32>
      %reduce_and3A_610 = arith.constant 1.000000e+00 : f32
      %reduce_and3A_611 = arith.constant 0.000000e+00 : f32
      %reduce_and3A_612 = vector.broadcast %reduce_and3A_610 : f32 to vector<16xf32>
      %reduce_and3A_613 = vector.broadcast %reduce_and3A_611 : f32 to vector<16xf32>
      %reduce_and3A_614 = arith.select %lt3A_609, %reduce_and3A_612, %reduce_and3A_613 : vector<16xi1>, vector<16xf32>
      %reduce_and3A_615 = arith.constant true
      %reduce_and3A_616 = vector.broadcast %reduce_and3A_615 : i1 to vector<16xi1>
      %reduce_and3A_617 = tpu.scan <min>, %reduce_and3A_614 masked %reduce_and3A_616 : vector<16xf32>, vector<16xi1> -> vector<16xf32>
      %reduce_and3A_618 = vector.extract %reduce_and3A_617[15] : f32 from vector<16xf32>
      %reduce_and3A_619 = arith.constant 0.000000e+00 : f32
      %reduce_and3A_620 = arith.cmpf ogt, %reduce_and3A_618, %reduce_and3A_619 : f32
      %and3A_621 = arith.andi %reduce_and3A_606, %reduce_and3A_620 : i1
      %convert_element_type3A_622 = arith.extui %and3A_621 : i1 to i32
      %cond3A_623 = arith.constant 0 : i32
      %cond3A_624 = arith.cmpi ne, %convert_element_type3A_622, %cond3A_623 : i32
      %cond3A_625:4 = scf.if %cond3A_624 -> (vector<16xf32>, vector<16xi32>, vector<16xf32>, vector<16xi32>) {
        scf.yield %cond3A_590#0, %gather3A_591, %cond3A_590#2, %gather3A_592 : vector<16xf32>, vector<16xi32>, vector<16xf32>, vector<16xi32>
      } else {
        %broadcast_in_dim3A_653 = arith.constant 0 : i32
        %broadcast_in_dim3A_654 = vector.broadcast %broadcast_in_dim3A_653 : i32 to vector<16xi32>
        %broadcast_in_dim3A_655 = arith.constant 0x7F800000 : f32
        %broadcast_in_dim3A_656 = vector.broadcast %broadcast_in_dim3A_655 : f32 to vector<16xf32>
        %broadcast_in_dim3A_657 = arith.constant 0 : i32
        %broadcast_in_dim3A_658 = vector.broadcast %broadcast_in_dim3A_657 : i32 to vector<16xi32>
        %broadcast_in_dim3A_659 = arith.constant 0x7F800000 : f32
        %broadcast_in_dim3A_660 = vector.broadcast %broadcast_in_dim3A_659 : f32 to vector<16xf32>
        %broadcast_in_dim3A_661 = arith.constant 0 : i32
        %broadcast_in_dim3A_662 = vector.broadcast %broadcast_in_dim3A_661 : i32 to vector<16xi32>
        %scan3A_663 = arith.constant 0 : i32
        %scan3A_664 = arith.constant 4096 : i32
        %scan3A_665 = arith.addi %scan3A_663, %scan3A_664 : i32
        %scan3A_666 = arith.constant 1 : i32
        %scan3A_667:5 = scf.for %scan3A_669 = %scan3A_663 to %scan3A_665 step %scan3A_666 iter_args(%scan3A_670 = %broadcast_in_dim3A_654, %scan3A_671 = %broadcast_in_dim3A_656, %scan3A_672 = %broadcast_in_dim3A_658, %scan3A_673 = %broadcast_in_dim3A_660, %scan3A_674 = %broadcast_in_dim3A_662) -> (vector<16xi32>, vector<16xf32>, vector<16xi32>, vector<16xf32>, vector<16xi32>)  : i32 {
          %gather3A_675 = tpu.vector_load_idx %arg11[%scan3A_670] : memref<4096xf32, #tpu.memory_space<vmem>>[vector<16xi32>], vector<16xf32>,
          %gather3A_676 = tpu.vector_load_idx %arg12[%scan3A_670] : memref<4096xf32, #tpu.memory_space<vmem>>[vector<16xi32>], vector<16xf32>,
          %gather3A_677 = tpu.vector_load_idx %arg13[%scan3A_670] : memref<4096xf32, #tpu.memory_space<vmem>>[vector<16xi32>], vector<16xf32>,
          %sub3A_678 = arith.subf %get3A_297, %gather3A_675 : vector<16xf32>
          %sub3A_679 = arith.subf %get3A_299, %gather3A_676 : vector<16xf32>
          %sub3A_680 = arith.subf %get3A_301, %gather3A_677 : vector<16xf32>
          %mul3A_681 = arith.mulf %sub3A_678, %sub3A_678 : vector<16xf32>
          %mul3A_682 = arith.mulf %sub3A_679, %sub3A_679 : vector<16xf32>
          %add3A_683 = arith.addf %mul3A_681, %mul3A_682 : vector<16xf32>
          %mul3A_684 = arith.mulf %sub3A_680, %sub3A_680 : vector<16xf32>
          %add3A_685 = arith.addf %add3A_683, %mul3A_684 : vector<16xf32>
          %lt3A_686 = arith.cmpf olt, %add3A_685, %scan3A_671 : vector<16xf32>
          %select_n3A_687 = arith.select %lt3A_686, %add3A_685, %scan3A_671 : vector<16xi1>, vector<16xf32>
          %select_n3A_688 = arith.select %lt3A_686, %scan3A_670, %scan3A_672 : vector<16xi1>, vector<16xi32>
          %sub3A_689 = arith.subf %get3A_346, %gather3A_675 : vector<16xf32>
          %sub3A_690 = arith.subf %get3A_348, %gather3A_676 : vector<16xf32>
          %sub3A_691 = arith.subf %get3A_350, %gather3A_677 : vector<16xf32>
          %mul3A_692 = arith.mulf %sub3A_689, %sub3A_689 : vector<16xf32>
          %mul3A_693 = arith.mulf %sub3A_690, %sub3A_690 : vector<16xf32>
          %add3A_694 = arith.addf %mul3A_692, %mul3A_693 : vector<16xf32>
          %mul3A_695 = arith.mulf %sub3A_691, %sub3A_691 : vector<16xf32>
          %add3A_696 = arith.addf %add3A_694, %mul3A_695 : vector<16xf32>
          %lt3A_697 = arith.cmpf olt, %add3A_696, %scan3A_673 : vector<16xf32>
          %select_n3A_698 = arith.select %lt3A_697, %add3A_696, %scan3A_673 : vector<16xi1>, vector<16xf32>
          %select_n3A_699 = arith.select %lt3A_697, %scan3A_670, %scan3A_674 : vector<16xi1>, vector<16xi32>
          %add3A_700 = arith.constant 1 : i32
          %add3A_701 = vector.broadcast %add3A_700 : i32 to vector<16xi32>
          %add3A_702 = arith.addi %scan3A_670, %add3A_701 : vector<16xi32>
          scf.yield %add3A_702, %select_n3A_687, %select_n3A_688, %select_n3A_698, %select_n3A_699 : vector<16xi32>, vector<16xf32>, vector<16xi32>, vector<16xf32>, vector<16xi32>
        }
        %scan3A_668 = arith.constant 4096 : i32
        scf.yield %scan3A_667#1, %scan3A_667#2, %scan3A_667#3, %scan3A_667#4 : vector<16xf32>, vector<16xi32>, vector<16xf32>, vector<16xi32>
      }
      %mul3A_626 = arith.constant 32 : i32
      %mul3A_627 = arith.muli %scan3A_292, %mul3A_626 : i32
      %swap3A_628 = arith.index_cast %mul3A_627 : i32 to index
      %swap3A_629 = tpu.vector_load %arg27[%swap3A_628] {strides = array<i32>} : memref<512xf32, #tpu.memory_space<vmem>>, vector<16xf32>,
      tpu.vector_store %arg27[%swap3A_628], %cond3A_625#0 {strides = array<i32>} : memref<512xf32, #tpu.memory_space<vmem>>, vector<16xf32>,
      %swap3A_630 = arith.index_cast %mul3A_627 : i32 to index
      %swap3A_631 = tpu.vector_load %arg28[%swap3A_630] {strides = array<i32>} : memref<512xi32, #tpu.memory_space<vmem>>, vector<16xi32>,
      tpu.vector_store %arg28[%swap3A_630], %cond3A_625#1 {strides = array<i32>} : memref<512xi32, #tpu.memory_space<vmem>>, vector<16xi32>,
      %add3A_632 = arith.constant 16 : i32
      %add3A_633 = arith.addi %mul3A_627, %add3A_632 : i32
      %swap3A_634 = arith.index_cast %add3A_633 : i32 to index
      %swap3A_635 = tpu.vector_load %arg27[%swap3A_634] {strides = array<i32>} : memref<512xf32, #tpu.memory_space<vmem>>, vector<16xf32>,
      tpu.vector_store %arg27[%swap3A_634], %cond3A_625#2 {strides = array<i32>} : memref<512xf32, #tpu.memory_space<vmem>>, vector<16xf32>,
      %add3A_636 = arith.constant 16 : i32
      %add3A_637 = arith.addi %mul3A_627, %add3A_636 : i32
      %swap3A_638 = arith.index_cast %add3A_637 : i32 to index
      %swap3A_639 = tpu.vector_load %arg28[%swap3A_638] {strides = array<i32>} : memref<512xi32, #tpu.memory_space<vmem>>, vector<16xi32>,
      tpu.vector_store %arg28[%swap3A_638], %cond3A_625#3 {strides = array<i32>} : memref<512xi32, #tpu.memory_space<vmem>>, vector<16xi32>,
      %get3A_640 = arith.index_cast %add3A_296 : i32 to index
      %get3A_641 = tpu.vector_load %arg22[%get3A_640] {strides = array<i32>} : memref<4096xi32, #tpu.memory_space<vmem>>, vector<16xi32>,
      %swap3A_642 = arith.index_cast %mul3A_627 : i32 to index
      %swap3A_643 = tpu.vector_load %arg29[%swap3A_642] {strides = array<i32>} : memref<512xi32, #tpu.memory_space<vmem>>, vector<16xi32>,
      tpu.vector_store %arg29[%swap3A_642], %get3A_641 {strides = array<i32>} : memref<512xi32, #tpu.memory_space<vmem>>, vector<16xi32>,
      %add3A_644 = arith.constant 16 : i32
      %add3A_645 = arith.addi %add3A_296, %add3A_644 : i32
      %get3A_646 = arith.index_cast %add3A_645 : i32 to index
      %get3A_647 = tpu.vector_load %arg22[%get3A_646] {strides = array<i32>} : memref<4096xi32, #tpu.memory_space<vmem>>, vector<16xi32>,
      %add3A_648 = arith.constant 16 : i32
      %add3A_649 = arith.addi %mul3A_627, %add3A_648 : i32
      %swap3A_650 = arith.index_cast %add3A_649 : i32 to index
      %swap3A_651 = tpu.vector_load %arg29[%swap3A_650] {strides = array<i32>} : memref<512xi32, #tpu.memory_space<vmem>>, vector<16xi32>,
      tpu.vector_store %arg29[%swap3A_650], %get3A_647 {strides = array<i32>} : memref<512xi32, #tpu.memory_space<vmem>>, vector<16xi32>,
      %scan3A_652 = arith.constant 0 : i32
      scf.yield %scan3A_652 : i32
    }
    %scan3A_130 = arith.constant 16 : i32
    %scan3A_131 = arith.constant 0 : i32
    %scan3A_132 = arith.constant 0 : i32
    %scan3A_133 = arith.constant 8 : i32
    %scan3A_134 = arith.addi %scan3A_132, %scan3A_133 : i32
    %scan3A_135 = arith.constant 1 : i32
    %scan3A_136 = scf.for %scan3A_292 = %scan3A_132 to %scan3A_134 step %scan3A_135 iter_args(%scan3A_293 = %scan3A_131) -> (i32)  : i32 {
      %mul3A_294 = arith.constant 16 : i32
      %mul3A_295 = arith.muli %scan3A_292, %mul3A_294 : i32
      %add3A_296 = arith.constant 0 : i32
      %add3A_297 = arith.addi %add3A_296, %mul3A_295 : i32
      %get3A = arith.index_cast %add3A_297 : i32 to index
      %get3A_298 = tpu.vector_load %arg29[%get3A] {strides = array<i32>} : memref<512xi32, #tpu.memory_space<vmem>>, vector<16xi32>,
      %mul3A_299 = arith.constant 16 : i32
      %mul3A_300 = arith.muli %scan3A_292, %mul3A_299 : i32
      %swap3A_301 = arith.index_cast %mul3A_300 : i32 to index
      %swap3A_302 = tpu.vector_load %arg30[%swap3A_301] {strides = array<i32>} : memref<128xi32, #tpu.memory_space<vmem>>, vector<16xi32>,
      tpu.vector_store %arg30[%swap3A_301], %get3A_298 {strides = array<i32>} : memref<128xi32, #tpu.memory_space<vmem>>, vector<16xi32>,
      %scan3A_303 = arith.constant 0 : i32
      scf.yield %scan3A_303 : i32
    }
    %scan3A_137 = arith.constant 8 : i32
    %scan3A_138 = arith.constant 0 : i32
    %scan3A_139 = arith.constant 0 : i32
    %scan3A_140 = arith.constant 8 : i32
    %scan3A_141 = arith.addi %scan3A_139, %scan3A_140 : i32
    %scan3A_142 = arith.constant 1 : i32
    %scan3A_143 = scf.for %scan3A_292 = %scan3A_139 to %scan3A_141 step %scan3A_142 iter_args(%scan3A_293 = %scan3A_138) -> (i32)  : i32 {
      %mul3A_294 = arith.constant 16 : i32
      %mul3A_295 = arith.muli %scan3A_292, %mul3A_294 : i32
      %add3A_296 = arith.constant 128 : i32
      %add3A_297 = arith.addi %add3A_296, %mul3A_295 : i32
      %get3A = arith.index_cast %add3A_297 : i32 to index
      %get3A_298 = tpu.vector_load %arg29[%get3A] {strides = array<i32>} : memref<512xi32, #tpu.memory_space<vmem>>, vector<16xi32>,
      %mul3A_299 = arith.constant 16 : i32
      %mul3A_300 = arith.muli %scan3A_292, %mul3A_299 : i32
      %swap3A_301 = arith.index_cast %mul3A_300 : i32 to index
      %swap3A_302 = tpu.vector_load %arg31[%swap3A_301] {strides = array<i32>} : memref<128xi32, #tpu.memory_space<vmem>>, vector<16xi32>,
      tpu.vector_store %arg31[%swap3A_301], %get3A_298 {strides = array<i32>} : memref<128xi32, #tpu.memory_space<vmem>>, vector<16xi32>,
      %scan3A_303 = arith.constant 0 : i32
      scf.yield %scan3A_303 : i32
    }
    %scan3A_144 = arith.constant 8 : i32
    %scan3A_145 = arith.constant 0 : i32
    %scan3A_146 = arith.constant 0 : i32
    %scan3A_147 = arith.constant 8 : i32
    %scan3A_148 = arith.addi %scan3A_146, %scan3A_147 : i32
    %scan3A_149 = arith.constant 1 : i32
    %scan3A_150 = scf.for %scan3A_292 = %scan3A_146 to %scan3A_148 step %scan3A_149 iter_args(%scan3A_293 = %scan3A_145) -> (i32)  : i32 {
      %mul3A_294 = arith.constant 16 : i32
      %mul3A_295 = arith.muli %scan3A_292, %mul3A_294 : i32
      %add3A_296 = arith.constant 256 : i32
      %add3A_297 = arith.addi %add3A_296, %mul3A_295 : i32
      %get3A = arith.index_cast %add3A_297 : i32 to index
      %get3A_298 = tpu.vector_load %arg29[%get3A] {strides = array<i32>} : memref<512xi32, #tpu.memory_space<vmem>>, vector<16xi32>,
      %mul3A_299 = arith.constant 16 : i32
      %mul3A_300 = arith.muli %scan3A_292, %mul3A_299 : i32
      %swap3A_301 = arith.index_cast %mul3A_300 : i32 to index
      %swap3A_302 = tpu.vector_load %arg32[%swap3A_301] {strides = array<i32>} : memref<128xi32, #tpu.memory_space<vmem>>, vector<16xi32>,
      tpu.vector_store %arg32[%swap3A_301], %get3A_298 {strides = array<i32>} : memref<128xi32, #tpu.memory_space<vmem>>, vector<16xi32>,
      %scan3A_303 = arith.constant 0 : i32
      scf.yield %scan3A_303 : i32
    }
    %scan3A_151 = arith.constant 8 : i32
    %scan3A_152 = arith.constant 0 : i32
    %scan3A_153 = arith.constant 0 : i32
    %scan3A_154 = arith.constant 8 : i32
    %scan3A_155 = arith.addi %scan3A_153, %scan3A_154 : i32
    %scan3A_156 = arith.constant 1 : i32
    %scan3A_157 = scf.for %scan3A_292 = %scan3A_153 to %scan3A_155 step %scan3A_156 iter_args(%scan3A_293 = %scan3A_152) -> (i32)  : i32 {
      %mul3A_294 = arith.constant 16 : i32
      %mul3A_295 = arith.muli %scan3A_292, %mul3A_294 : i32
      %add3A_296 = arith.constant 384 : i32
      %add3A_297 = arith.addi %add3A_296, %mul3A_295 : i32
      %get3A = arith.index_cast %add3A_297 : i32 to index
      %get3A_298 = tpu.vector_load %arg29[%get3A] {strides = array<i32>} : memref<512xi32, #tpu.memory_space<vmem>>, vector<16xi32>,
      %mul3A_299 = arith.constant 16 : i32
      %mul3A_300 = arith.muli %scan3A_292, %mul3A_299 : i32
      %swap3A_301 = arith.index_cast %mul3A_300 : i32 to index
      %swap3A_302 = tpu.vector_load %arg33[%swap3A_301] {strides = array<i32>} : memref<128xi32, #tpu.memory_space<vmem>>, vector<16xi32>,
      tpu.vector_store %arg33[%swap3A_301], %get3A_298 {strides = array<i32>} : memref<128xi32, #tpu.memory_space<vmem>>, vector<16xi32>,
      %scan3A_303 = arith.constant 0 : i32
      scf.yield %scan3A_303 : i32
    }
    %scan3A_158 = arith.constant 8 : i32
    %eq3A_159 = arith.constant 0 : i32
    %eq3A_160 = arith.cmpi eq, %select_n3A_30, %eq3A_159 : i32
    %convert_element_type3A = arith.extui %eq3A_160 : i1 to i32
    %cond3A = arith.constant 0 : i32
    %cond3A_161 = arith.cmpi ne, %convert_element_type3A, %cond3A : i32
    scf.if %cond3A_161 {
      "tpu.region"() ({
        %run_scoped3A = tpu.sem_alloc : memref<!tpu.dma_semaphore, #tpu.memory_space<semaphore_mem>>
        %dma_start3A = arith.constant 0 : i32
        %dma_start3A_292 = tpu.memref_slice %arg27[%dma_start3A] : memref<512xf32, #tpu.memory_space<vmem>> -> memref<128xf32, #tpu.memory_space<vmem>>
        %dma_start3A_293 = arith.constant 0 : i32
        %dma_start3A_294 = tpu.memref_slice %arg34[%dma_start3A_293] : memref<4096xf32, #tpu.memory_space<vmem_shared>> -> memref<4096xf32, #tpu.memory_space<vmem_shared>>
        tpu.enqueue_indirect_dma source(%dma_start3A_292 : memref<128xf32, #tpu.memory_space<vmem>>) target(%dma_start3A_294 : memref<4096xf32, #tpu.memory_space<vmem_shared>>) offsets(%arg30 : memref<128xi32, #tpu.memory_space<vmem>>) semaphore(%run_scoped3A : memref<!tpu.dma_semaphore, #tpu.memory_space<semaphore_mem>>)
        %dma_wait3A = arith.constant 0 : i32
        %dma_wait3A_295 = tpu.memref_slice %arg27[%dma_wait3A] : memref<512xf32, #tpu.memory_space<vmem>> -> memref<128xf32, #tpu.memory_space<vmem>>
        %dma_wait3A_296 = arith.constant 0 : i32
        %dma_wait3A_297 = tpu.memref_slice %arg34[%dma_wait3A_296] : memref<4096xf32, #tpu.memory_space<vmem_shared>> -> memref<4096xf32, #tpu.memory_space<vmem_shared>>
        tpu.wait_indirect_dma semaphore(%run_scoped3A : memref<!tpu.dma_semaphore, #tpu.memory_space<semaphore_mem>>) src(%dma_wait3A_295 : memref<128xf32, #tpu.memory_space<vmem>>) dst(%dma_wait3A_297 : memref<4096xf32, #tpu.memory_space<vmem_shared>>)
        tpu.yield
      }) : () -> ()
      "tpu.region"() ({
        %run_scoped3A = tpu.sem_alloc : memref<!tpu.dma_semaphore, #tpu.memory_space<semaphore_mem>>
        %dma_start3A = arith.constant 0 : i32
        %dma_start3A_292 = tpu.memref_slice %arg28[%dma_start3A] : memref<512xi32, #tpu.memory_space<vmem>> -> memref<128xi32, #tpu.memory_space<vmem>>
        %dma_start3A_293 = arith.constant 0 : i32
        %dma_start3A_294 = tpu.memref_slice %arg38[%dma_start3A_293] : memref<4096xi32, #tpu.memory_space<vmem_shared>> -> memref<4096xi32, #tpu.memory_space<vmem_shared>>
        tpu.enqueue_indirect_dma source(%dma_start3A_292 : memref<128xi32, #tpu.memory_space<vmem>>) target(%dma_start3A_294 : memref<4096xi32, #tpu.memory_space<vmem_shared>>) offsets(%arg30 : memref<128xi32, #tpu.memory_space<vmem>>) semaphore(%run_scoped3A : memref<!tpu.dma_semaphore, #tpu.memory_space<semaphore_mem>>)
        %dma_wait3A = arith.constant 0 : i32
        %dma_wait3A_295 = tpu.memref_slice %arg28[%dma_wait3A] : memref<512xi32, #tpu.memory_space<vmem>> -> memref<128xi32, #tpu.memory_space<vmem>>
        %dma_wait3A_296 = arith.constant 0 : i32
        %dma_wait3A_297 = tpu.memref_slice %arg38[%dma_wait3A_296] : memref<4096xi32, #tpu.memory_space<vmem_shared>> -> memref<4096xi32, #tpu.memory_space<vmem_shared>>
        tpu.wait_indirect_dma semaphore(%run_scoped3A : memref<!tpu.dma_semaphore, #tpu.memory_space<semaphore_mem>>) src(%dma_wait3A_295 : memref<128xi32, #tpu.memory_space<vmem>>) dst(%dma_wait3A_297 : memref<4096xi32, #tpu.memory_space<vmem_shared>>)
        tpu.yield
      }) : () -> ()
      "tpu.region"() ({
        %run_scoped3A = tpu.sem_alloc : memref<!tpu.dma_semaphore, #tpu.memory_space<semaphore_mem>>
        %dma_start3A = arith.constant 128 : i32
        %dma_start3A_292 = tpu.memref_slice %arg27[%dma_start3A] : memref<512xf32, #tpu.memory_space<vmem>> -> memref<128xf32, #tpu.memory_space<vmem>>
        %dma_start3A_293 = arith.constant 0 : i32
        %dma_start3A_294 = tpu.memref_slice %arg34[%dma_start3A_293] : memref<4096xf32, #tpu.memory_space<vmem_shared>> -> memref<4096xf32, #tpu.memory_space<vmem_shared>>
        tpu.enqueue_indirect_dma source(%dma_start3A_292 : memref<128xf32, #tpu.memory_space<vmem>>) target(%dma_start3A_294 : memref<4096xf32, #tpu.memory_space<vmem_shared>>) offsets(%arg31 : memref<128xi32, #tpu.memory_space<vmem>>) semaphore(%run_scoped3A : memref<!tpu.dma_semaphore, #tpu.memory_space<semaphore_mem>>)
        %dma_wait3A = arith.constant 128 : i32
        %dma_wait3A_295 = tpu.memref_slice %arg27[%dma_wait3A] : memref<512xf32, #tpu.memory_space<vmem>> -> memref<128xf32, #tpu.memory_space<vmem>>
        %dma_wait3A_296 = arith.constant 0 : i32
        %dma_wait3A_297 = tpu.memref_slice %arg34[%dma_wait3A_296] : memref<4096xf32, #tpu.memory_space<vmem_shared>> -> memref<4096xf32, #tpu.memory_space<vmem_shared>>
        tpu.wait_indirect_dma semaphore(%run_scoped3A : memref<!tpu.dma_semaphore, #tpu.memory_space<semaphore_mem>>) src(%dma_wait3A_295 : memref<128xf32, #tpu.memory_space<vmem>>) dst(%dma_wait3A_297 : memref<4096xf32, #tpu.memory_space<vmem_shared>>)
        tpu.yield
      }) : () -> ()
      "tpu.region"() ({
        %run_scoped3A = tpu.sem_alloc : memref<!tpu.dma_semaphore, #tpu.memory_space<semaphore_mem>>
        %dma_start3A = arith.constant 128 : i32
        %dma_start3A_292 = tpu.memref_slice %arg28[%dma_start3A] : memref<512xi32, #tpu.memory_space<vmem>> -> memref<128xi32, #tpu.memory_space<vmem>>
        %dma_start3A_293 = arith.constant 0 : i32
        %dma_start3A_294 = tpu.memref_slice %arg38[%dma_start3A_293] : memref<4096xi32, #tpu.memory_space<vmem_shared>> -> memref<4096xi32, #tpu.memory_space<vmem_shared>>
        tpu.enqueue_indirect_dma source(%dma_start3A_292 : memref<128xi32, #tpu.memory_space<vmem>>) target(%dma_start3A_294 : memref<4096xi32, #tpu.memory_space<vmem_shared>>) offsets(%arg31 : memref<128xi32, #tpu.memory_space<vmem>>) semaphore(%run_scoped3A : memref<!tpu.dma_semaphore, #tpu.memory_space<semaphore_mem>>)
        %dma_wait3A = arith.constant 128 : i32
        %dma_wait3A_295 = tpu.memref_slice %arg28[%dma_wait3A] : memref<512xi32, #tpu.memory_space<vmem>> -> memref<128xi32, #tpu.memory_space<vmem>>
        %dma_wait3A_296 = arith.constant 0 : i32
        %dma_wait3A_297 = tpu.memref_slice %arg38[%dma_wait3A_296] : memref<4096xi32, #tpu.memory_space<vmem_shared>> -> memref<4096xi32, #tpu.memory_space<vmem_shared>>
        tpu.wait_indirect_dma semaphore(%run_scoped3A : memref<!tpu.dma_semaphore, #tpu.memory_space<semaphore_mem>>) src(%dma_wait3A_295 : memref<128xi32, #tpu.memory_space<vmem>>) dst(%dma_wait3A_297 : memref<4096xi32, #tpu.memory_space<vmem_shared>>)
        tpu.yield
      }) : () -> ()
      "tpu.region"() ({
        %run_scoped3A = tpu.sem_alloc : memref<!tpu.dma_semaphore, #tpu.memory_space<semaphore_mem>>
        %dma_start3A = arith.constant 256 : i32
        %dma_start3A_292 = tpu.memref_slice %arg27[%dma_start3A] : memref<512xf32, #tpu.memory_space<vmem>> -> memref<128xf32, #tpu.memory_space<vmem>>
        %dma_start3A_293 = arith.constant 0 : i32
        %dma_start3A_294 = tpu.memref_slice %arg34[%dma_start3A_293] : memref<4096xf32, #tpu.memory_space<vmem_shared>> -> memref<4096xf32, #tpu.memory_space<vmem_shared>>
        tpu.enqueue_indirect_dma source(%dma_start3A_292 : memref<128xf32, #tpu.memory_space<vmem>>) target(%dma_start3A_294 : memref<4096xf32, #tpu.memory_space<vmem_shared>>) offsets(%arg32 : memref<128xi32, #tpu.memory_space<vmem>>) semaphore(%run_scoped3A : memref<!tpu.dma_semaphore, #tpu.memory_space<semaphore_mem>>)
        %dma_wait3A = arith.constant 256 : i32
        %dma_wait3A_295 = tpu.memref_slice %arg27[%dma_wait3A] : memref<512xf32, #tpu.memory_space<vmem>> -> memref<128xf32, #tpu.memory_space<vmem>>
        %dma_wait3A_296 = arith.constant 0 : i32
        %dma_wait3A_297 = tpu.memref_slice %arg34[%dma_wait3A_296] : memref<4096xf32, #tpu.memory_space<vmem_shared>> -> memref<4096xf32, #tpu.memory_space<vmem_shared>>
        tpu.wait_indirect_dma semaphore(%run_scoped3A : memref<!tpu.dma_semaphore, #tpu.memory_space<semaphore_mem>>) src(%dma_wait3A_295 : memref<128xf32, #tpu.memory_space<vmem>>) dst(%dma_wait3A_297 : memref<4096xf32, #tpu.memory_space<vmem_shared>>)
        tpu.yield
      }) : () -> ()
      "tpu.region"() ({
        %run_scoped3A = tpu.sem_alloc : memref<!tpu.dma_semaphore, #tpu.memory_space<semaphore_mem>>
        %dma_start3A = arith.constant 256 : i32
        %dma_start3A_292 = tpu.memref_slice %arg28[%dma_start3A] : memref<512xi32, #tpu.memory_space<vmem>> -> memref<128xi32, #tpu.memory_space<vmem>>
        %dma_start3A_293 = arith.constant 0 : i32
        %dma_start3A_294 = tpu.memref_slice %arg38[%dma_start3A_293] : memref<4096xi32, #tpu.memory_space<vmem_shared>> -> memref<4096xi32, #tpu.memory_space<vmem_shared>>
        tpu.enqueue_indirect_dma source(%dma_start3A_292 : memref<128xi32, #tpu.memory_space<vmem>>) target(%dma_start3A_294 : memref<4096xi32, #tpu.memory_space<vmem_shared>>) offsets(%arg32 : memref<128xi32, #tpu.memory_space<vmem>>) semaphore(%run_scoped3A : memref<!tpu.dma_semaphore, #tpu.memory_space<semaphore_mem>>)
        %dma_wait3A = arith.constant 256 : i32
        %dma_wait3A_295 = tpu.memref_slice %arg28[%dma_wait3A] : memref<512xi32, #tpu.memory_space<vmem>> -> memref<128xi32, #tpu.memory_space<vmem>>
        %dma_wait3A_296 = arith.constant 0 : i32
        %dma_wait3A_297 = tpu.memref_slice %arg38[%dma_wait3A_296] : memref<4096xi32, #tpu.memory_space<vmem_shared>> -> memref<4096xi32, #tpu.memory_space<vmem_shared>>
        tpu.wait_indirect_dma semaphore(%run_scoped3A : memref<!tpu.dma_semaphore, #tpu.memory_space<semaphore_mem>>) src(%dma_wait3A_295 : memref<128xi32, #tpu.memory_space<vmem>>) dst(%dma_wait3A_297 : memref<4096xi32, #tpu.memory_space<vmem_shared>>)
        tpu.yield
      }) : () -> ()
      "tpu.region"() ({
        %run_scoped3A = tpu.sem_alloc : memref<!tpu.dma_semaphore, #tpu.memory_space<semaphore_mem>>
        %dma_start3A = arith.constant 384 : i32
        %dma_start3A_292 = tpu.memref_slice %arg27[%dma_start3A] : memref<512xf32, #tpu.memory_space<vmem>> -> memref<128xf32, #tpu.memory_space<vmem>>
        %dma_start3A_293 = arith.constant 0 : i32
        %dma_start3A_294 = tpu.memref_slice %arg34[%dma_start3A_293] : memref<4096xf32, #tpu.memory_space<vmem_shared>> -> memref<4096xf32, #tpu.memory_space<vmem_shared>>
        tpu.enqueue_indirect_dma source(%dma_start3A_292 : memref<128xf32, #tpu.memory_space<vmem>>) target(%dma_start3A_294 : memref<4096xf32, #tpu.memory_space<vmem_shared>>) offsets(%arg33 : memref<128xi32, #tpu.memory_space<vmem>>) semaphore(%run_scoped3A : memref<!tpu.dma_semaphore, #tpu.memory_space<semaphore_mem>>)
        %dma_wait3A = arith.constant 384 : i32
        %dma_wait3A_295 = tpu.memref_slice %arg27[%dma_wait3A] : memref<512xf32, #tpu.memory_space<vmem>> -> memref<128xf32, #tpu.memory_space<vmem>>
        %dma_wait3A_296 = arith.constant 0 : i32
        %dma_wait3A_297 = tpu.memref_slice %arg34[%dma_wait3A_296] : memref<4096xf32, #tpu.memory_space<vmem_shared>> -> memref<4096xf32, #tpu.memory_space<vmem_shared>>
        tpu.wait_indirect_dma semaphore(%run_scoped3A : memref<!tpu.dma_semaphore, #tpu.memory_space<semaphore_mem>>) src(%dma_wait3A_295 : memref<128xf32, #tpu.memory_space<vmem>>) dst(%dma_wait3A_297 : memref<4096xf32, #tpu.memory_space<vmem_shared>>)
        tpu.yield
      }) : () -> ()
      "tpu.region"() ({
        %run_scoped3A = tpu.sem_alloc : memref<!tpu.dma_semaphore, #tpu.memory_space<semaphore_mem>>
        %dma_start3A = arith.constant 384 : i32
        %dma_start3A_292 = tpu.memref_slice %arg28[%dma_start3A] : memref<512xi32, #tpu.memory_space<vmem>> -> memref<128xi32, #tpu.memory_space<vmem>>
        %dma_start3A_293 = arith.constant 0 : i32
        %dma_start3A_294 = tpu.memref_slice %arg38[%dma_start3A_293] : memref<4096xi32, #tpu.memory_space<vmem_shared>> -> memref<4096xi32, #tpu.memory_space<vmem_shared>>
        tpu.enqueue_indirect_dma source(%dma_start3A_292 : memref<128xi32, #tpu.memory_space<vmem>>) target(%dma_start3A_294 : memref<4096xi32, #tpu.memory_space<vmem_shared>>) offsets(%arg33 : memref<128xi32, #tpu.memory_space<vmem>>) semaphore(%run_scoped3A : memref<!tpu.dma_semaphore, #tpu.memory_space<semaphore_mem>>)
        %dma_wait3A = arith.constant 384 : i32
        %dma_wait3A_295 = tpu.memref_slice %arg28[%dma_wait3A] : memref<512xi32, #tpu.memory_space<vmem>> -> memref<128xi32, #tpu.memory_space<vmem>>
        %dma_wait3A_296 = arith.constant 0 : i32
        %dma_wait3A_297 = tpu.memref_slice %arg38[%dma_wait3A_296] : memref<4096xi32, #tpu.memory_space<vmem_shared>> -> memref<4096xi32, #tpu.memory_space<vmem_shared>>
        tpu.wait_indirect_dma semaphore(%run_scoped3A : memref<!tpu.dma_semaphore, #tpu.memory_space<semaphore_mem>>) src(%dma_wait3A_295 : memref<128xi32, #tpu.memory_space<vmem>>) dst(%dma_wait3A_297 : memref<4096xi32, #tpu.memory_space<vmem_shared>>)
        tpu.yield
      }) : () -> ()
    } else {
    }
    %eq3A_162 = arith.constant 1 : i32
    %eq3A_163 = arith.cmpi eq, %select_n3A_30, %eq3A_162 : i32
    %convert_element_type3A_164 = arith.extui %eq3A_163 : i1 to i32
    %cond3A_165 = arith.constant 0 : i32
    %cond3A_166 = arith.cmpi ne, %convert_element_type3A_164, %cond3A_165 : i32
    scf.if %cond3A_166 {
      "tpu.region"() ({
        %run_scoped3A = tpu.sem_alloc : memref<!tpu.dma_semaphore, #tpu.memory_space<semaphore_mem>>
        %dma_start3A = arith.constant 0 : i32
        %dma_start3A_292 = tpu.memref_slice %arg27[%dma_start3A] : memref<512xf32, #tpu.memory_space<vmem>> -> memref<128xf32, #tpu.memory_space<vmem>>
        %dma_start3A_293 = arith.constant 0 : i32
        %dma_start3A_294 = tpu.memref_slice %arg36[%dma_start3A_293] : memref<4096xf32, #tpu.memory_space<vmem_shared>> -> memref<4096xf32, #tpu.memory_space<vmem_shared>>
        tpu.enqueue_indirect_dma source(%dma_start3A_292 : memref<128xf32, #tpu.memory_space<vmem>>) target(%dma_start3A_294 : memref<4096xf32, #tpu.memory_space<vmem_shared>>) offsets(%arg30 : memref<128xi32, #tpu.memory_space<vmem>>) semaphore(%run_scoped3A : memref<!tpu.dma_semaphore, #tpu.memory_space<semaphore_mem>>)
        %dma_wait3A = arith.constant 0 : i32
        %dma_wait3A_295 = tpu.memref_slice %arg27[%dma_wait3A] : memref<512xf32, #tpu.memory_space<vmem>> -> memref<128xf32, #tpu.memory_space<vmem>>
        %dma_wait3A_296 = arith.constant 0 : i32
        %dma_wait3A_297 = tpu.memref_slice %arg36[%dma_wait3A_296] : memref<4096xf32, #tpu.memory_space<vmem_shared>> -> memref<4096xf32, #tpu.memory_space<vmem_shared>>
        tpu.wait_indirect_dma semaphore(%run_scoped3A : memref<!tpu.dma_semaphore, #tpu.memory_space<semaphore_mem>>) src(%dma_wait3A_295 : memref<128xf32, #tpu.memory_space<vmem>>) dst(%dma_wait3A_297 : memref<4096xf32, #tpu.memory_space<vmem_shared>>)
        tpu.yield
      }) : () -> ()
      "tpu.region"() ({
        %run_scoped3A = tpu.sem_alloc : memref<!tpu.dma_semaphore, #tpu.memory_space<semaphore_mem>>
        %dma_start3A = arith.constant 0 : i32
        %dma_start3A_292 = tpu.memref_slice %arg28[%dma_start3A] : memref<512xi32, #tpu.memory_space<vmem>> -> memref<128xi32, #tpu.memory_space<vmem>>
        %dma_start3A_293 = arith.constant 0 : i32
        %dma_start3A_294 = tpu.memref_slice %arg40[%dma_start3A_293] : memref<4096xi32, #tpu.memory_space<vmem_shared>> -> memref<4096xi32, #tpu.memory_space<vmem_shared>>
        tpu.enqueue_indirect_dma source(%dma_start3A_292 : memref<128xi32, #tpu.memory_space<vmem>>) target(%dma_start3A_294 : memref<4096xi32, #tpu.memory_space<vmem_shared>>) offsets(%arg30 : memref<128xi32, #tpu.memory_space<vmem>>) semaphore(%run_scoped3A : memref<!tpu.dma_semaphore, #tpu.memory_space<semaphore_mem>>)
        %dma_wait3A = arith.constant 0 : i32
        %dma_wait3A_295 = tpu.memref_slice %arg28[%dma_wait3A] : memref<512xi32, #tpu.memory_space<vmem>> -> memref<128xi32, #tpu.memory_space<vmem>>
        %dma_wait3A_296 = arith.constant 0 : i32
        %dma_wait3A_297 = tpu.memref_slice %arg40[%dma_wait3A_296] : memref<4096xi32, #tpu.memory_space<vmem_shared>> -> memref<4096xi32, #tpu.memory_space<vmem_shared>>
        tpu.wait_indirect_dma semaphore(%run_scoped3A : memref<!tpu.dma_semaphore, #tpu.memory_space<semaphore_mem>>) src(%dma_wait3A_295 : memref<128xi32, #tpu.memory_space<vmem>>) dst(%dma_wait3A_297 : memref<4096xi32, #tpu.memory_space<vmem_shared>>)
        tpu.yield
      }) : () -> ()
      "tpu.region"() ({
        %run_scoped3A = tpu.sem_alloc : memref<!tpu.dma_semaphore, #tpu.memory_space<semaphore_mem>>
        %dma_start3A = arith.constant 128 : i32
        %dma_start3A_292 = tpu.memref_slice %arg27[%dma_start3A] : memref<512xf32, #tpu.memory_space<vmem>> -> memref<128xf32, #tpu.memory_space<vmem>>
        %dma_start3A_293 = arith.constant 0 : i32
        %dma_start3A_294 = tpu.memref_slice %arg36[%dma_start3A_293] : memref<4096xf32, #tpu.memory_space<vmem_shared>> -> memref<4096xf32, #tpu.memory_space<vmem_shared>>
        tpu.enqueue_indirect_dma source(%dma_start3A_292 : memref<128xf32, #tpu.memory_space<vmem>>) target(%dma_start3A_294 : memref<4096xf32, #tpu.memory_space<vmem_shared>>) offsets(%arg31 : memref<128xi32, #tpu.memory_space<vmem>>) semaphore(%run_scoped3A : memref<!tpu.dma_semaphore, #tpu.memory_space<semaphore_mem>>)
        %dma_wait3A = arith.constant 128 : i32
        %dma_wait3A_295 = tpu.memref_slice %arg27[%dma_wait3A] : memref<512xf32, #tpu.memory_space<vmem>> -> memref<128xf32, #tpu.memory_space<vmem>>
        %dma_wait3A_296 = arith.constant 0 : i32
        %dma_wait3A_297 = tpu.memref_slice %arg36[%dma_wait3A_296] : memref<4096xf32, #tpu.memory_space<vmem_shared>> -> memref<4096xf32, #tpu.memory_space<vmem_shared>>
        tpu.wait_indirect_dma semaphore(%run_scoped3A : memref<!tpu.dma_semaphore, #tpu.memory_space<semaphore_mem>>) src(%dma_wait3A_295 : memref<128xf32, #tpu.memory_space<vmem>>) dst(%dma_wait3A_297 : memref<4096xf32, #tpu.memory_space<vmem_shared>>)
        tpu.yield
      }) : () -> ()
      "tpu.region"() ({
        %run_scoped3A = tpu.sem_alloc : memref<!tpu.dma_semaphore, #tpu.memory_space<semaphore_mem>>
        %dma_start3A = arith.constant 128 : i32
        %dma_start3A_292 = tpu.memref_slice %arg28[%dma_start3A] : memref<512xi32, #tpu.memory_space<vmem>> -> memref<128xi32, #tpu.memory_space<vmem>>
        %dma_start3A_293 = arith.constant 0 : i32
        %dma_start3A_294 = tpu.memref_slice %arg40[%dma_start3A_293] : memref<4096xi32, #tpu.memory_space<vmem_shared>> -> memref<4096xi32, #tpu.memory_space<vmem_shared>>
        tpu.enqueue_indirect_dma source(%dma_start3A_292 : memref<128xi32, #tpu.memory_space<vmem>>) target(%dma_start3A_294 : memref<4096xi32, #tpu.memory_space<vmem_shared>>) offsets(%arg31 : memref<128xi32, #tpu.memory_space<vmem>>) semaphore(%run_scoped3A : memref<!tpu.dma_semaphore, #tpu.memory_space<semaphore_mem>>)
        %dma_wait3A = arith.constant 128 : i32
        %dma_wait3A_295 = tpu.memref_slice %arg28[%dma_wait3A] : memref<512xi32, #tpu.memory_space<vmem>> -> memref<128xi32, #tpu.memory_space<vmem>>
        %dma_wait3A_296 = arith.constant 0 : i32
        %dma_wait3A_297 = tpu.memref_slice %arg40[%dma_wait3A_296] : memref<4096xi32, #tpu.memory_space<vmem_shared>> -> memref<4096xi32, #tpu.memory_space<vmem_shared>>
        tpu.wait_indirect_dma semaphore(%run_scoped3A : memref<!tpu.dma_semaphore, #tpu.memory_space<semaphore_mem>>) src(%dma_wait3A_295 : memref<128xi32, #tpu.memory_space<vmem>>) dst(%dma_wait3A_297 : memref<4096xi32, #tpu.memory_space<vmem_shared>>)
        tpu.yield
      }) : () -> ()
      "tpu.region"() ({
        %run_scoped3A = tpu.sem_alloc : memref<!tpu.dma_semaphore, #tpu.memory_space<semaphore_mem>>
        %dma_start3A = arith.constant 256 : i32
        %dma_start3A_292 = tpu.memref_slice %arg27[%dma_start3A] : memref<512xf32, #tpu.memory_space<vmem>> -> memref<128xf32, #tpu.memory_space<vmem>>
        %dma_start3A_293 = arith.constant 0 : i32
        %dma_start3A_294 = tpu.memref_slice %arg36[%dma_start3A_293] : memref<4096xf32, #tpu.memory_space<vmem_shared>> -> memref<4096xf32, #tpu.memory_space<vmem_shared>>
        tpu.enqueue_indirect_dma source(%dma_start3A_292 : memref<128xf32, #tpu.memory_space<vmem>>) target(%dma_start3A_294 : memref<4096xf32, #tpu.memory_space<vmem_shared>>) offsets(%arg32 : memref<128xi32, #tpu.memory_space<vmem>>) semaphore(%run_scoped3A : memref<!tpu.dma_semaphore, #tpu.memory_space<semaphore_mem>>)
        %dma_wait3A = arith.constant 256 : i32
        %dma_wait3A_295 = tpu.memref_slice %arg27[%dma_wait3A] : memref<512xf32, #tpu.memory_space<vmem>> -> memref<128xf32, #tpu.memory_space<vmem>>
        %dma_wait3A_296 = arith.constant 0 : i32
        %dma_wait3A_297 = tpu.memref_slice %arg36[%dma_wait3A_296] : memref<4096xf32, #tpu.memory_space<vmem_shared>> -> memref<4096xf32, #tpu.memory_space<vmem_shared>>
        tpu.wait_indirect_dma semaphore(%run_scoped3A : memref<!tpu.dma_semaphore, #tpu.memory_space<semaphore_mem>>) src(%dma_wait3A_295 : memref<128xf32, #tpu.memory_space<vmem>>) dst(%dma_wait3A_297 : memref<4096xf32, #tpu.memory_space<vmem_shared>>)
        tpu.yield
      }) : () -> ()
      "tpu.region"() ({
        %run_scoped3A = tpu.sem_alloc : memref<!tpu.dma_semaphore, #tpu.memory_space<semaphore_mem>>
        %dma_start3A = arith.constant 256 : i32
        %dma_start3A_292 = tpu.memref_slice %arg28[%dma_start3A] : memref<512xi32, #tpu.memory_space<vmem>> -> memref<128xi32, #tpu.memory_space<vmem>>
        %dma_start3A_293 = arith.constant 0 : i32
        %dma_start3A_294 = tpu.memref_slice %arg40[%dma_start3A_293] : memref<4096xi32, #tpu.memory_space<vmem_shared>> -> memref<4096xi32, #tpu.memory_space<vmem_shared>>
        tpu.enqueue_indirect_dma source(%dma_start3A_292 : memref<128xi32, #tpu.memory_space<vmem>>) target(%dma_start3A_294 : memref<4096xi32, #tpu.memory_space<vmem_shared>>) offsets(%arg32 : memref<128xi32, #tpu.memory_space<vmem>>) semaphore(%run_scoped3A : memref<!tpu.dma_semaphore, #tpu.memory_space<semaphore_mem>>)
        %dma_wait3A = arith.constant 256 : i32
        %dma_wait3A_295 = tpu.memref_slice %arg28[%dma_wait3A] : memref<512xi32, #tpu.memory_space<vmem>> -> memref<128xi32, #tpu.memory_space<vmem>>
        %dma_wait3A_296 = arith.constant 0 : i32
        %dma_wait3A_297 = tpu.memref_slice %arg40[%dma_wait3A_296] : memref<4096xi32, #tpu.memory_space<vmem_shared>> -> memref<4096xi32, #tpu.memory_space<vmem_shared>>
        tpu.wait_indirect_dma semaphore(%run_scoped3A : memref<!tpu.dma_semaphore, #tpu.memory_space<semaphore_mem>>) src(%dma_wait3A_295 : memref<128xi32, #tpu.memory_space<vmem>>) dst(%dma_wait3A_297 : memref<4096xi32, #tpu.memory_space<vmem_shared>>)
        tpu.yield
      }) : () -> ()
      "tpu.region"() ({
        %run_scoped3A = tpu.sem_alloc : memref<!tpu.dma_semaphore, #tpu.memory_space<semaphore_mem>>
        %dma_start3A = arith.constant 384 : i32
        %dma_start3A_292 = tpu.memref_slice %arg27[%dma_start3A] : memref<512xf32, #tpu.memory_space<vmem>> -> memref<128xf32, #tpu.memory_space<vmem>>
        %dma_start3A_293 = arith.constant 0 : i32
        %dma_start3A_294 = tpu.memref_slice %arg36[%dma_start3A_293] : memref<4096xf32, #tpu.memory_space<vmem_shared>> -> memref<4096xf32, #tpu.memory_space<vmem_shared>>
        tpu.enqueue_indirect_dma source(%dma_start3A_292 : memref<128xf32, #tpu.memory_space<vmem>>) target(%dma_start3A_294 : memref<4096xf32, #tpu.memory_space<vmem_shared>>) offsets(%arg33 : memref<128xi32, #tpu.memory_space<vmem>>) semaphore(%run_scoped3A : memref<!tpu.dma_semaphore, #tpu.memory_space<semaphore_mem>>)
        %dma_wait3A = arith.constant 384 : i32
        %dma_wait3A_295 = tpu.memref_slice %arg27[%dma_wait3A] : memref<512xf32, #tpu.memory_space<vmem>> -> memref<128xf32, #tpu.memory_space<vmem>>
        %dma_wait3A_296 = arith.constant 0 : i32
        %dma_wait3A_297 = tpu.memref_slice %arg36[%dma_wait3A_296] : memref<4096xf32, #tpu.memory_space<vmem_shared>> -> memref<4096xf32, #tpu.memory_space<vmem_shared>>
        tpu.wait_indirect_dma semaphore(%run_scoped3A : memref<!tpu.dma_semaphore, #tpu.memory_space<semaphore_mem>>) src(%dma_wait3A_295 : memref<128xf32, #tpu.memory_space<vmem>>) dst(%dma_wait3A_297 : memref<4096xf32, #tpu.memory_space<vmem_shared>>)
        tpu.yield
      }) : () -> ()
      "tpu.region"() ({
        %run_scoped3A = tpu.sem_alloc : memref<!tpu.dma_semaphore, #tpu.memory_space<semaphore_mem>>
        %dma_start3A = arith.constant 384 : i32
        %dma_start3A_292 = tpu.memref_slice %arg28[%dma_start3A] : memref<512xi32, #tpu.memory_space<vmem>> -> memref<128xi32, #tpu.memory_space<vmem>>
        %dma_start3A_293 = arith.constant 0 : i32
        %dma_start3A_294 = tpu.memref_slice %arg40[%dma_start3A_293] : memref<4096xi32, #tpu.memory_space<vmem_shared>> -> memref<4096xi32, #tpu.memory_space<vmem_shared>>
        tpu.enqueue_indirect_dma source(%dma_start3A_292 : memref<128xi32, #tpu.memory_space<vmem>>) target(%dma_start3A_294 : memref<4096xi32, #tpu.memory_space<vmem_shared>>) offsets(%arg33 : memref<128xi32, #tpu.memory_space<vmem>>) semaphore(%run_scoped3A : memref<!tpu.dma_semaphore, #tpu.memory_space<semaphore_mem>>)
        %dma_wait3A = arith.constant 384 : i32
        %dma_wait3A_295 = tpu.memref_slice %arg28[%dma_wait3A] : memref<512xi32, #tpu.memory_space<vmem>> -> memref<128xi32, #tpu.memory_space<vmem>>
        %dma_wait3A_296 = arith.constant 0 : i32
        %dma_wait3A_297 = tpu.memref_slice %arg40[%dma_wait3A_296] : memref<4096xi32, #tpu.memory_space<vmem_shared>> -> memref<4096xi32, #tpu.memory_space<vmem_shared>>
        tpu.wait_indirect_dma semaphore(%run_scoped3A : memref<!tpu.dma_semaphore, #tpu.memory_space<semaphore_mem>>) src(%dma_wait3A_295 : memref<128xi32, #tpu.memory_space<vmem>>) dst(%dma_wait3A_297 : memref<4096xi32, #tpu.memory_space<vmem_shared>>)
        tpu.yield
      }) : () -> ()
    } else {
    }
    %scan3A_167 = arith.constant 0 : i32
    %scan3A_168 = arith.constant 0 : i32
    %scan3A_169 = arith.constant 16 : i32
    %scan3A_170 = arith.addi %scan3A_168, %scan3A_169 : i32
    %scan3A_171 = arith.constant 1 : i32
    %scan3A_172 = scf.for %scan3A_292 = %scan3A_168 to %scan3A_170 step %scan3A_171 iter_args(%scan3A_293 = %scan3A_167) -> (i32)  : i32 {
      %mul3A_294 = arith.constant 32 : i32
      %mul3A_295 = arith.muli %scan3A_292, %mul3A_294 : i32
      %add3A_296 = arith.addi %mul3A_123, %mul3A_295 : i32
      %get3A = arith.index_cast %add3A_296 : i32 to index
      %get3A_297 = tpu.vector_load %arg23[%get3A] {strides = array<i32>} : memref<4096xf32, #tpu.memory_space<vmem>>, vector<16xf32>,
      %get3A_298 = arith.index_cast %add3A_296 : i32 to index
      %get3A_299 = tpu.vector_load %arg24[%get3A_298] {strides = array<i32>} : memref<4096xf32, #tpu.memory_space<vmem>>, vector<16xf32>,
      %get3A_300 = arith.index_cast %add3A_296 : i32 to index
      %get3A_301 = tpu.vector_load %arg25[%get3A_300] {strides = array<i32>} : memref<4096xf32, #tpu.memory_space<vmem>>, vector<16xf32>,
      %mul3A_302 = arith.constant 1.600000e+01 : f32
      %mul3A_303 = vector.broadcast %mul3A_302 : f32 to vector<16xf32>
      %mul3A_304 = arith.mulf %get3A_297, %mul3A_303 : vector<16xf32>
      %convert_element_type3A_305 = arith.fptosi %mul3A_304 : vector<16xf32> to vector<16xi32>
      %min3A = arith.constant 15 : i32
      %min3A_306 = vector.broadcast %min3A : i32 to vector<16xi32>
      %min3A_307 = arith.minsi %convert_element_type3A_305, %min3A_306 : vector<16xi32>
      %mul3A_308 = arith.constant 1.600000e+01 : f32
      %mul3A_309 = vector.broadcast %mul3A_308 : f32 to vector<16xf32>
      %mul3A_310 = arith.mulf %get3A_299, %mul3A_309 : vector<16xf32>
      %convert_element_type3A_311 = arith.fptosi %mul3A_310 : vector<16xf32> to vector<16xi32>
      %min3A_312 = arith.constant 15 : i32
      %min3A_313 = vector.broadcast %min3A_312 : i32 to vector<16xi32>
      %min3A_314 = arith.minsi %convert_element_type3A_311, %min3A_313 : vector<16xi32>
      %mul3A_315 = arith.constant 1.600000e+01 : f32
      %mul3A_316 = vector.broadcast %mul3A_315 : f32 to vector<16xf32>
      %mul3A_317 = arith.mulf %get3A_301, %mul3A_316 : vector<16xf32>
      %convert_element_type3A_318 = arith.fptosi %mul3A_317 : vector<16xf32> to vector<16xi32>
      %min3A_319 = arith.constant 15 : i32
      %min3A_320 = vector.broadcast %min3A_319 : i32 to vector<16xi32>
      %min3A_321 = arith.minsi %convert_element_type3A_318, %min3A_320 : vector<16xi32>
      %mul3A_322 = arith.constant 3.200000e+01 : f32
      %mul3A_323 = vector.broadcast %mul3A_322 : f32 to vector<16xf32>
      %mul3A_324 = arith.mulf %get3A_297, %mul3A_323 : vector<16xf32>
      %convert_element_type3A_325 = arith.fptosi %mul3A_324 : vector<16xf32> to vector<16xi32>
      %and3A_326 = arith.constant 1 : i32
      %and3A_327 = vector.broadcast %and3A_326 : i32 to vector<16xi32>
      %and3A_328 = arith.andi %convert_element_type3A_325, %and3A_327 : vector<16xi32>
      %mul3A_329 = arith.constant 3.200000e+01 : f32
      %mul3A_330 = vector.broadcast %mul3A_329 : f32 to vector<16xf32>
      %mul3A_331 = arith.mulf %get3A_299, %mul3A_330 : vector<16xf32>
      %convert_element_type3A_332 = arith.fptosi %mul3A_331 : vector<16xf32> to vector<16xi32>
      %and3A_333 = arith.constant 1 : i32
      %and3A_334 = vector.broadcast %and3A_333 : i32 to vector<16xi32>
      %and3A_335 = arith.andi %convert_element_type3A_332, %and3A_334 : vector<16xi32>
      %mul3A_336 = arith.constant 3.200000e+01 : f32
      %mul3A_337 = vector.broadcast %mul3A_336 : f32 to vector<16xf32>
      %mul3A_338 = arith.mulf %get3A_301, %mul3A_337 : vector<16xf32>
      %convert_element_type3A_339 = arith.fptosi %mul3A_338 : vector<16xf32> to vector<16xi32>
      %and3A_340 = arith.constant 1 : i32
      %and3A_341 = vector.broadcast %and3A_340 : i32 to vector<16xi32>
      %and3A_342 = arith.andi %convert_element_type3A_339, %and3A_341 : vector<16xi32>
      %add3A_343 = arith.constant 16 : i32
      %add3A_344 = arith.addi %add3A_296, %add3A_343 : i32
      %get3A_345 = arith.index_cast %add3A_344 : i32 to index
      %get3A_346 = tpu.vector_load %arg23[%get3A_345] {strides = array<i32>} : memref<4096xf32, #tpu.memory_space<vmem>>, vector<16xf32>,
      %get3A_347 = arith.index_cast %add3A_344 : i32 to index
      %get3A_348 = tpu.vector_load %arg24[%get3A_347] {strides = array<i32>} : memref<4096xf32, #tpu.memory_space<vmem>>, vector<16xf32>,
      %get3A_349 = arith.index_cast %add3A_344 : i32 to index
      %get3A_350 = tpu.vector_load %arg25[%get3A_349] {strides = array<i32>} : memref<4096xf32, #tpu.memory_space<vmem>>, vector<16xf32>,
      %mul3A_351 = arith.constant 1.600000e+01 : f32
      %mul3A_352 = vector.broadcast %mul3A_351 : f32 to vector<16xf32>
      %mul3A_353 = arith.mulf %get3A_346, %mul3A_352 : vector<16xf32>
      %convert_element_type3A_354 = arith.fptosi %mul3A_353 : vector<16xf32> to vector<16xi32>
      %min3A_355 = arith.constant 15 : i32
      %min3A_356 = vector.broadcast %min3A_355 : i32 to vector<16xi32>
      %min3A_357 = arith.minsi %convert_element_type3A_354, %min3A_356 : vector<16xi32>
      %mul3A_358 = arith.constant 1.600000e+01 : f32
      %mul3A_359 = vector.broadcast %mul3A_358 : f32 to vector<16xf32>
      %mul3A_360 = arith.mulf %get3A_348, %mul3A_359 : vector<16xf32>
      %convert_element_type3A_361 = arith.fptosi %mul3A_360 : vector<16xf32> to vector<16xi32>
      %min3A_362 = arith.constant 15 : i32
      %min3A_363 = vector.broadcast %min3A_362 : i32 to vector<16xi32>
      %min3A_364 = arith.minsi %convert_element_type3A_361, %min3A_363 : vector<16xi32>
      %mul3A_365 = arith.constant 1.600000e+01 : f32
      %mul3A_366 = vector.broadcast %mul3A_365 : f32 to vector<16xf32>
      %mul3A_367 = arith.mulf %get3A_350, %mul3A_366 : vector<16xf32>
      %convert_element_type3A_368 = arith.fptosi %mul3A_367 : vector<16xf32> to vector<16xi32>
      %min3A_369 = arith.constant 15 : i32
      %min3A_370 = vector.broadcast %min3A_369 : i32 to vector<16xi32>
      %min3A_371 = arith.minsi %convert_element_type3A_368, %min3A_370 : vector<16xi32>
      %mul3A_372 = arith.constant 3.200000e+01 : f32
      %mul3A_373 = vector.broadcast %mul3A_372 : f32 to vector<16xf32>
      %mul3A_374 = arith.mulf %get3A_346, %mul3A_373 : vector<16xf32>
      %convert_element_type3A_375 = arith.fptosi %mul3A_374 : vector<16xf32> to vector<16xi32>
      %and3A_376 = arith.constant 1 : i32
      %and3A_377 = vector.broadcast %and3A_376 : i32 to vector<16xi32>
      %and3A_378 = arith.andi %convert_element_type3A_375, %and3A_377 : vector<16xi32>
      %mul3A_379 = arith.constant 3.200000e+01 : f32
      %mul3A_380 = vector.broadcast %mul3A_379 : f32 to vector<16xf32>
      %mul3A_381 = arith.mulf %get3A_348, %mul3A_380 : vector<16xf32>
      %convert_element_type3A_382 = arith.fptosi %mul3A_381 : vector<16xf32> to vector<16xi32>
      %and3A_383 = arith.constant 1 : i32
      %and3A_384 = vector.broadcast %and3A_383 : i32 to vector<16xi32>
      %and3A_385 = arith.andi %convert_element_type3A_382, %and3A_384 : vector<16xi32>
      %mul3A_386 = arith.constant 3.200000e+01 : f32
      %mul3A_387 = vector.broadcast %mul3A_386 : f32 to vector<16xf32>
      %mul3A_388 = arith.mulf %get3A_350, %mul3A_387 : vector<16xf32>
      %convert_element_type3A_389 = arith.fptosi %mul3A_388 : vector<16xf32> to vector<16xi32>
      %and3A_390 = arith.constant 1 : i32
      %and3A_391 = vector.broadcast %and3A_390 : i32 to vector<16xi32>
      %and3A_392 = arith.andi %convert_element_type3A_389, %and3A_391 : vector<16xi32>
      %broadcast_in_dim3A_393 = arith.constant 0x7F800000 : f32
      %broadcast_in_dim3A_394 = vector.broadcast %broadcast_in_dim3A_393 : f32 to vector<16xf32>
      %broadcast_in_dim3A_395 = arith.constant 0 : i32
      %broadcast_in_dim3A_396 = vector.broadcast %broadcast_in_dim3A_395 : i32 to vector<16xi32>
      %broadcast_in_dim3A_397 = arith.constant 0x7F800000 : f32
      %broadcast_in_dim3A_398 = vector.broadcast %broadcast_in_dim3A_397 : f32 to vector<16xf32>
      %broadcast_in_dim3A_399 = arith.constant 0 : i32
      %broadcast_in_dim3A_400 = vector.broadcast %broadcast_in_dim3A_399 : i32 to vector<16xi32>
      %sub3A_401 = arith.constant 2 : i32
      %sub3A_402 = vector.broadcast %sub3A_401 : i32 to vector<16xi32>
      %sub3A_403 = arith.subi %min3A_307, %sub3A_402 : vector<16xi32>
      %add3A_404 = arith.addi %sub3A_403, %and3A_328 : vector<16xi32>
      %jit3A_405 = arith.constant 0 : i32
      %jit3A_406 = arith.constant 12 : i32
      %max3A = vector.broadcast %jit3A_405 : i32 to vector<16xi32>
      %max3A_407 = arith.maxsi %max3A, %add3A_404 : vector<16xi32>
      %min3A_408 = vector.broadcast %jit3A_406 : i32 to vector<16xi32>
      %min3A_409 = arith.minsi %min3A_408, %max3A_407 : vector<16xi32>
      %sub3A_410 = arith.constant 2 : i32
      %sub3A_411 = vector.broadcast %sub3A_410 : i32 to vector<16xi32>
      %sub3A_412 = arith.subi %min3A_314, %sub3A_411 : vector<16xi32>
      %add3A_413 = arith.addi %sub3A_412, %and3A_335 : vector<16xi32>
      %jit3A_414 = arith.constant 0 : i32
      %jit3A_415 = arith.constant 12 : i32
      %max3A_416 = vector.broadcast %jit3A_414 : i32 to vector<16xi32>
      %max3A_417 = arith.maxsi %max3A_416, %add3A_413 : vector<16xi32>
      %min3A_418 = vector.broadcast %jit3A_415 : i32 to vector<16xi32>
      %min3A_419 = arith.minsi %min3A_418, %max3A_417 : vector<16xi32>
      %sub3A_420 = arith.constant 2 : i32
      %sub3A_421 = vector.broadcast %sub3A_420 : i32 to vector<16xi32>
      %sub3A_422 = arith.subi %min3A_321, %sub3A_421 : vector<16xi32>
      %add3A_423 = arith.addi %sub3A_422, %and3A_342 : vector<16xi32>
      %jit3A_424 = arith.constant 0 : i32
      %jit3A_425 = arith.constant 12 : i32
      %max3A_426 = vector.broadcast %jit3A_424 : i32 to vector<16xi32>
      %max3A_427 = arith.maxsi %max3A_426, %add3A_423 : vector<16xi32>
      %min3A_428 = vector.broadcast %jit3A_425 : i32 to vector<16xi32>
      %min3A_429 = arith.minsi %min3A_428, %max3A_427 : vector<16xi32>
      %sub3A_430 = arith.constant 2 : i32
      %sub3A_431 = vector.broadcast %sub3A_430 : i32 to vector<16xi32>
      %sub3A_432 = arith.subi %min3A_357, %sub3A_431 : vector<16xi32>
      %add3A_433 = arith.addi %sub3A_432, %and3A_378 : vector<16xi32>
      %jit3A_434 = arith.constant 0 : i32
      %jit3A_435 = arith.constant 12 : i32
      %max3A_436 = vector.broadcast %jit3A_434 : i32 to vector<16xi32>
      %max3A_437 = arith.maxsi %max3A_436, %add3A_433 : vector<16xi32>
      %min3A_438 = vector.broadcast %jit3A_435 : i32 to vector<16xi32>
      %min3A_439 = arith.minsi %min3A_438, %max3A_437 : vector<16xi32>
      %sub3A_440 = arith.constant 2 : i32
      %sub3A_441 = vector.broadcast %sub3A_440 : i32 to vector<16xi32>
      %sub3A_442 = arith.subi %min3A_364, %sub3A_441 : vector<16xi32>
      %add3A_443 = arith.addi %sub3A_442, %and3A_385 : vector<16xi32>
      %jit3A_444 = arith.constant 0 : i32
      %jit3A_445 = arith.constant 12 : i32
      %max3A_446 = vector.broadcast %jit3A_444 : i32 to vector<16xi32>
      %max3A_447 = arith.maxsi %max3A_446, %add3A_443 : vector<16xi32>
      %min3A_448 = vector.broadcast %jit3A_445 : i32 to vector<16xi32>
      %min3A_449 = arith.minsi %min3A_448, %max3A_447 : vector<16xi32>
      %sub3A_450 = arith.constant 2 : i32
      %sub3A_451 = vector.broadcast %sub3A_450 : i32 to vector<16xi32>
      %sub3A_452 = arith.subi %min3A_371, %sub3A_451 : vector<16xi32>
      %add3A_453 = arith.addi %sub3A_452, %and3A_392 : vector<16xi32>
      %jit3A_454 = arith.constant 0 : i32
      %jit3A_455 = arith.constant 12 : i32
      %max3A_456 = vector.broadcast %jit3A_454 : i32 to vector<16xi32>
      %max3A_457 = arith.maxsi %max3A_456, %add3A_453 : vector<16xi32>
      %min3A_458 = vector.broadcast %jit3A_455 : i32 to vector<16xi32>
      %min3A_459 = arith.minsi %min3A_458, %max3A_457 : vector<16xi32>
      %jit3A_460 = arith.constant 0 : i32
      %jit3A_461 = arith.constant 4 : i32
      %div3A_462 = arith.divsi %jit3A_460, %jit3A_461 : i32
      %sign3A_463 = arith.constant 0 : i32
      %sign3A_464 = arith.cmpi sgt, %jit3A_460, %sign3A_463 : i32
      %sign3A_465 = arith.extui %sign3A_464 : i1 to i32
      %sign3A_466 = arith.constant 0 : i32
      %sign3A_467 = arith.cmpi slt, %jit3A_460, %sign3A_466 : i32
      %sign3A_468 = arith.extui %sign3A_467 : i1 to i32
      %sign3A_469 = arith.subi %sign3A_465, %sign3A_468 : i32
      %sign3A_470 = arith.constant 0 : i32
      %sign3A_471 = arith.cmpi sgt, %jit3A_461, %sign3A_470 : i32
      %sign3A_472 = arith.extui %sign3A_471 : i1 to i32
      %sign3A_473 = arith.constant 0 : i32
      %sign3A_474 = arith.cmpi slt, %jit3A_461, %sign3A_473 : i32
      %sign3A_475 = arith.extui %sign3A_474 : i1 to i32
      %sign3A_476 = arith.subi %sign3A_472, %sign3A_475 : i32
      %ne3A_477 = arith.cmpi ne, %sign3A_469, %sign3A_476 : i32
      %rem3A_478 = arith.remsi %jit3A_460, %jit3A_461 : i32
      %ne3A_479 = arith.constant 0 : i32
      %ne3A_480 = arith.cmpi ne, %rem3A_478, %ne3A_479 : i32
      %and3A_481 = arith.andi %ne3A_477, %ne3A_480 : i1
      %sub3A_482 = arith.constant 1 : i32
      %sub3A_483 = arith.subi %div3A_462, %sub3A_482 : i32
      %select_n3A_484 = arith.select %and3A_481, %sub3A_483, %div3A_462 : i32
      %jit3A_485 = arith.constant 0 : i32
      %jit3A_486 = arith.constant 4 : i32
      %eq3A_487 = arith.constant 0 : i32
      %eq3A_488 = arith.cmpi eq, %jit3A_486, %eq3A_487 : i32
      %jit3A_489 = arith.constant 1 : i32
      %select_n3A_490 = arith.select %eq3A_488, %jit3A_489, %jit3A_486 : i32
      %rem3A_491 = arith.remsi %jit3A_485, %select_n3A_490 : i32
      %ne3A_492 = arith.constant 0 : i32
      %ne3A_493 = arith.cmpi ne, %rem3A_491, %ne3A_492 : i32
      %lt3A_494 = arith.constant 0 : i32
      %lt3A_495 = arith.cmpi slt, %rem3A_491, %lt3A_494 : i32
      %lt3A_496 = arith.constant 0 : i32
      %lt3A_497 = arith.cmpi slt, %select_n3A_490, %lt3A_496 : i32
      %ne3A_498 = arith.xori %lt3A_495, %lt3A_497 : i1
      %and3A_499 = arith.andi %ne3A_498, %ne3A_493 : i1
      %add3A_500 = arith.addi %rem3A_491, %select_n3A_490 : i32
      %select_n3A_501 = arith.select %and3A_499, %add3A_500, %rem3A_491 : i32
      %add3A_502 = vector.broadcast %select_n3A_484 : i32 to vector<16xi32>
      %add3A_503 = arith.addi %min3A_409, %add3A_502 : vector<16xi32>
      %mul3A_504 = arith.constant 16 : i32
      %mul3A_505 = vector.broadcast %mul3A_504 : i32 to vector<16xi32>
      %mul3A_506 = arith.muli %add3A_503, %mul3A_505 : vector<16xi32>
      %add3A_507 = vector.broadcast %select_n3A_501 : i32 to vector<16xi32>
      %add3A_508 = arith.addi %min3A_419, %add3A_507 : vector<16xi32>
      %add3A_509 = arith.addi %mul3A_506, %add3A_508 : vector<16xi32>
      %mul3A_510 = arith.constant 16 : i32
      %mul3A_511 = vector.broadcast %mul3A_510 : i32 to vector<16xi32>
      %mul3A_512 = arith.muli %add3A_509, %mul3A_511 : vector<16xi32>
      %add3A_513 = arith.addi %mul3A_512, %min3A_429 : vector<16xi32>
      %gather3A = tpu.vector_load_idx %arg17[%add3A_513] : memref<4112xi32, #tpu.memory_space<vmem>>[vector<16xi32>], vector<16xi32>,
      %add3A_514 = arith.constant 4 : i32
      %add3A_515 = vector.broadcast %add3A_514 : i32 to vector<16xi32>
      %add3A_516 = arith.addi %add3A_513, %add3A_515 : vector<16xi32>
      %gather3A_517 = tpu.vector_load_idx %arg17[%add3A_516] : memref<4112xi32, #tpu.memory_space<vmem>>[vector<16xi32>], vector<16xi32>,
      %sub3A_518 = arith.subi %gather3A_517, %gather3A : vector<16xi32>
      %add3A_519 = vector.broadcast %select_n3A_484 : i32 to vector<16xi32>
      %add3A_520 = arith.addi %min3A_439, %add3A_519 : vector<16xi32>
      %mul3A_521 = arith.constant 16 : i32
      %mul3A_522 = vector.broadcast %mul3A_521 : i32 to vector<16xi32>
      %mul3A_523 = arith.muli %add3A_520, %mul3A_522 : vector<16xi32>
      %add3A_524 = vector.broadcast %select_n3A_501 : i32 to vector<16xi32>
      %add3A_525 = arith.addi %min3A_449, %add3A_524 : vector<16xi32>
      %add3A_526 = arith.addi %mul3A_523, %add3A_525 : vector<16xi32>
      %mul3A_527 = arith.constant 16 : i32
      %mul3A_528 = vector.broadcast %mul3A_527 : i32 to vector<16xi32>
      %mul3A_529 = arith.muli %add3A_526, %mul3A_528 : vector<16xi32>
      %add3A_530 = arith.addi %mul3A_529, %min3A_459 : vector<16xi32>
      %gather3A_531 = tpu.vector_load_idx %arg17[%add3A_530] : memref<4112xi32, #tpu.memory_space<vmem>>[vector<16xi32>], vector<16xi32>,
      %add3A_532 = arith.constant 4 : i32
      %add3A_533 = vector.broadcast %add3A_532 : i32 to vector<16xi32>
      %add3A_534 = arith.addi %add3A_530, %add3A_533 : vector<16xi32>
      %gather3A_535 = tpu.vector_load_idx %arg17[%add3A_534] : memref<4112xi32, #tpu.memory_space<vmem>>[vector<16xi32>], vector<16xi32>,
      %sub3A_536 = arith.subi %gather3A_535, %gather3A_531 : vector<16xi32>
      %reduce_max3A = arith.constant true
      %reduce_max3A_537 = vector.broadcast %reduce_max3A : i1 to vector<16xi1>
      %reduce_max3A_538 = arith.constant -2147483648 : i32
      %reduce_max3A_539 = vector.broadcast %reduce_max3A_538 : i32 to vector<16xi32>
      %reduce_max3A_540 = arith.xori %sub3A_518, %reduce_max3A_539 : vector<16xi32>
      %reduce_max3A_541 = tpu.scan <max>, %reduce_max3A_540 masked %reduce_max3A_537 : vector<16xi32>, vector<16xi1> -> vector<16xi32>
      %reduce_max3A_542 = arith.xori %reduce_max3A_541, %reduce_max3A_539 : vector<16xi32>
      %reduce_max3A_543 = vector.extract %reduce_max3A_542[15] : i32 from vector<16xi32>
      %reduce_max3A_544 = arith.constant true
      %reduce_max3A_545 = vector.broadcast %reduce_max3A_544 : i1 to vector<16xi1>
      %reduce_max3A_546 = arith.constant -2147483648 : i32
      %reduce_max3A_547 = vector.broadcast %reduce_max3A_546 : i32 to vector<16xi32>
      %reduce_max3A_548 = arith.xori %sub3A_536, %reduce_max3A_547 : vector<16xi32>
      %reduce_max3A_549 = tpu.scan <max>, %reduce_max3A_548 masked %reduce_max3A_545 : vector<16xi32>, vector<16xi1> -> vector<16xi32>
      %reduce_max3A_550 = arith.xori %reduce_max3A_549, %reduce_max3A_547 : vector<16xi32>
      %reduce_max3A_551 = vector.extract %reduce_max3A_550[15] : i32 from vector<16xi32>
      %max3A_552 = arith.maxsi %reduce_max3A_543, %reduce_max3A_551 : i32
      %scan3A_553 = arith.constant 0 : i32
      %scan3A_554 = arith.constant 16 : i32
      %scan3A_555 = arith.addi %scan3A_553, %scan3A_554 : i32
      %scan3A_556 = arith.constant 1 : i32
      %scan3A_557:9 = scf.for %scan3A_653 = %scan3A_553 to %scan3A_555 step %scan3A_556 iter_args(%scan3A_654 = %broadcast_in_dim3A_394, %scan3A_655 = %broadcast_in_dim3A_396, %scan3A_656 = %broadcast_in_dim3A_398, %scan3A_657 = %broadcast_in_dim3A_400, %scan3A_658 = %gather3A, %scan3A_659 = %sub3A_518, %scan3A_660 = %gather3A_531, %scan3A_661 = %sub3A_536, %scan3A_662 = %max3A_552) -> (vector<16xf32>, vector<16xi32>, vector<16xf32>, vector<16xi32>, vector<16xi32>, vector<16xi32>, vector<16xi32>, vector<16xi32>, i32)  : i32 {
        %add3A_663 = arith.constant 1 : i32
        %add3A_664 = arith.addi %scan3A_653, %add3A_663 : i32
        %min3A_665 = arith.constant 15 : i32
        %min3A_666 = arith.minsi %add3A_664, %min3A_665 : i32
        %jit3A_667 = arith.constant 4 : i32
        %div3A_668 = arith.divsi %min3A_666, %jit3A_667 : i32
        %sign3A_669 = arith.constant 0 : i32
        %sign3A_670 = arith.cmpi sgt, %min3A_666, %sign3A_669 : i32
        %sign3A_671 = arith.extui %sign3A_670 : i1 to i32
        %sign3A_672 = arith.constant 0 : i32
        %sign3A_673 = arith.cmpi slt, %min3A_666, %sign3A_672 : i32
        %sign3A_674 = arith.extui %sign3A_673 : i1 to i32
        %sign3A_675 = arith.subi %sign3A_671, %sign3A_674 : i32
        %sign3A_676 = arith.constant 0 : i32
        %sign3A_677 = arith.cmpi sgt, %jit3A_667, %sign3A_676 : i32
        %sign3A_678 = arith.extui %sign3A_677 : i1 to i32
        %sign3A_679 = arith.constant 0 : i32
        %sign3A_680 = arith.cmpi slt, %jit3A_667, %sign3A_679 : i32
        %sign3A_681 = arith.extui %sign3A_680 : i1 to i32
        %sign3A_682 = arith.subi %sign3A_678, %sign3A_681 : i32
        %ne3A_683 = arith.cmpi ne, %sign3A_675, %sign3A_682 : i32
        %rem3A_684 = arith.remsi %min3A_666, %jit3A_667 : i32
        %ne3A_685 = arith.constant 0 : i32
        %ne3A_686 = arith.cmpi ne, %rem3A_684, %ne3A_685 : i32
        %and3A_687 = arith.andi %ne3A_683, %ne3A_686 : i1
        %sub3A_688 = arith.constant 1 : i32
        %sub3A_689 = arith.subi %div3A_668, %sub3A_688 : i32
        %select_n3A_690 = arith.select %and3A_687, %sub3A_689, %div3A_668 : i32
        %jit3A_691 = arith.constant 4 : i32
        %eq3A_692 = arith.constant 0 : i32
        %eq3A_693 = arith.cmpi eq, %jit3A_691, %eq3A_692 : i32
        %jit3A_694 = arith.constant 1 : i32
        %select_n3A_695 = arith.select %eq3A_693, %jit3A_694, %jit3A_691 : i32
        %rem3A_696 = arith.remsi %min3A_666, %select_n3A_695 : i32
        %ne3A_697 = arith.constant 0 : i32
        %ne3A_698 = arith.cmpi ne, %rem3A_696, %ne3A_697 : i32
        %lt3A_699 = arith.constant 0 : i32
        %lt3A_700 = arith.cmpi slt, %rem3A_696, %lt3A_699 : i32
        %lt3A_701 = arith.constant 0 : i32
        %lt3A_702 = arith.cmpi slt, %select_n3A_695, %lt3A_701 : i32
        %ne3A_703 = arith.xori %lt3A_700, %lt3A_702 : i1
        %and3A_704 = arith.andi %ne3A_703, %ne3A_698 : i1
        %add3A_705 = arith.addi %rem3A_696, %select_n3A_695 : i32
        %select_n3A_706 = arith.select %and3A_704, %add3A_705, %rem3A_696 : i32
        %add3A_707 = vector.broadcast %select_n3A_690 : i32 to vector<16xi32>
        %add3A_708 = arith.addi %min3A_409, %add3A_707 : vector<16xi32>
        %mul3A_709 = arith.constant 16 : i32
        %mul3A_710 = vector.broadcast %mul3A_709 : i32 to vector<16xi32>
        %mul3A_711 = arith.muli %add3A_708, %mul3A_710 : vector<16xi32>
        %add3A_712 = vector.broadcast %select_n3A_706 : i32 to vector<16xi32>
        %add3A_713 = arith.addi %min3A_419, %add3A_712 : vector<16xi32>
        %add3A_714 = arith.addi %mul3A_711, %add3A_713 : vector<16xi32>
        %mul3A_715 = arith.constant 16 : i32
        %mul3A_716 = vector.broadcast %mul3A_715 : i32 to vector<16xi32>
        %mul3A_717 = arith.muli %add3A_714, %mul3A_716 : vector<16xi32>
        %add3A_718 = arith.addi %mul3A_717, %min3A_429 : vector<16xi32>
        %gather3A_719 = tpu.vector_load_idx %arg17[%add3A_718] : memref<4112xi32, #tpu.memory_space<vmem>>[vector<16xi32>], vector<16xi32>,
        %add3A_720 = arith.constant 4 : i32
        %add3A_721 = vector.broadcast %add3A_720 : i32 to vector<16xi32>
        %add3A_722 = arith.addi %add3A_718, %add3A_721 : vector<16xi32>
        %gather3A_723 = tpu.vector_load_idx %arg17[%add3A_722] : memref<4112xi32, #tpu.memory_space<vmem>>[vector<16xi32>], vector<16xi32>,
        %sub3A_724 = arith.subi %gather3A_723, %gather3A_719 : vector<16xi32>
        %add3A_725 = vector.broadcast %select_n3A_690 : i32 to vector<16xi32>
        %add3A_726 = arith.addi %min3A_439, %add3A_725 : vector<16xi32>
        %mul3A_727 = arith.constant 16 : i32
        %mul3A_728 = vector.broadcast %mul3A_727 : i32 to vector<16xi32>
        %mul3A_729 = arith.muli %add3A_726, %mul3A_728 : vector<16xi32>
        %add3A_730 = vector.broadcast %select_n3A_706 : i32 to vector<16xi32>
        %add3A_731 = arith.addi %min3A_449, %add3A_730 : vector<16xi32>
        %add3A_732 = arith.addi %mul3A_729, %add3A_731 : vector<16xi32>
        %mul3A_733 = arith.constant 16 : i32
        %mul3A_734 = vector.broadcast %mul3A_733 : i32 to vector<16xi32>
        %mul3A_735 = arith.muli %add3A_732, %mul3A_734 : vector<16xi32>
        %add3A_736 = arith.addi %mul3A_735, %min3A_459 : vector<16xi32>
        %gather3A_737 = tpu.vector_load_idx %arg17[%add3A_736] : memref<4112xi32, #tpu.memory_space<vmem>>[vector<16xi32>], vector<16xi32>,
        %add3A_738 = arith.constant 4 : i32
        %add3A_739 = vector.broadcast %add3A_738 : i32 to vector<16xi32>
        %add3A_740 = arith.addi %add3A_736, %add3A_739 : vector<16xi32>
        %gather3A_741 = tpu.vector_load_idx %arg17[%add3A_740] : memref<4112xi32, #tpu.memory_space<vmem>>[vector<16xi32>], vector<16xi32>,
        %sub3A_742 = arith.subi %gather3A_741, %gather3A_737 : vector<16xi32>
        %reduce_max3A_743 = arith.constant true
        %reduce_max3A_744 = vector.broadcast %reduce_max3A_743 : i1 to vector<16xi1>
        %reduce_max3A_745 = arith.constant -2147483648 : i32
        %reduce_max3A_746 = vector.broadcast %reduce_max3A_745 : i32 to vector<16xi32>
        %reduce_max3A_747 = arith.xori %sub3A_724, %reduce_max3A_746 : vector<16xi32>
        %reduce_max3A_748 = tpu.scan <max>, %reduce_max3A_747 masked %reduce_max3A_744 : vector<16xi32>, vector<16xi1> -> vector<16xi32>
        %reduce_max3A_749 = arith.xori %reduce_max3A_748, %reduce_max3A_746 : vector<16xi32>
        %reduce_max3A_750 = vector.extract %reduce_max3A_749[15] : i32 from vector<16xi32>
        %reduce_max3A_751 = arith.constant true
        %reduce_max3A_752 = vector.broadcast %reduce_max3A_751 : i1 to vector<16xi1>
        %reduce_max3A_753 = arith.constant -2147483648 : i32
        %reduce_max3A_754 = vector.broadcast %reduce_max3A_753 : i32 to vector<16xi32>
        %reduce_max3A_755 = arith.xori %sub3A_742, %reduce_max3A_754 : vector<16xi32>
        %reduce_max3A_756 = tpu.scan <max>, %reduce_max3A_755 masked %reduce_max3A_752 : vector<16xi32>, vector<16xi1> -> vector<16xi32>
        %reduce_max3A_757 = arith.xori %reduce_max3A_756, %reduce_max3A_754 : vector<16xi32>
        %reduce_max3A_758 = vector.extract %reduce_max3A_757[15] : i32 from vector<16xi32>
        %max3A_759 = arith.maxsi %reduce_max3A_750, %reduce_max3A_758 : i32
        %add3A_760 = arith.constant 1 : i32
        %add3A_761 = arith.addi %scan3A_662, %add3A_760 : i32
        %shift_right_arithmetic3A = arith.constant 1 : i32
        %shift_right_arithmetic3A_762 = arith.shrsi %add3A_761, %shift_right_arithmetic3A : i32
        %while3A = arith.constant 0 : i32
        %while3A_763 = arith.subi %shift_right_arithmetic3A_762, %while3A : i32
        %while3A_764 = arith.addi %while3A, %while3A_763 : i32
        %while3A_765 = arith.constant 1 : i32
        %while3A_766 = arith.divsi %while3A_763, %while3A_765 : i32
        %while3A_767 = arith.muli %while3A_766, %while3A_765 : i32
        %while3A_768 = arith.addi %while3A, %while3A_767 : i32
        %while3A_769 = arith.constant 1 : i32
        %while3A_770:4 = scf.for %while3A_773 = %while3A to %while3A_768 step %while3A_769 iter_args(%while3A_774 = %scan3A_654, %while3A_775 = %scan3A_655, %while3A_776 = %scan3A_656, %while3A_777 = %scan3A_657) -> (vector<16xf32>, vector<16xi32>, vector<16xf32>, vector<16xi32>)  : i32 {
          %mul3A_778 = arith.constant 2 : i32
          %mul3A_779 = arith.muli %while3A_773, %mul3A_778 : i32
          %add3A_780 = arith.constant 0 : i32
          %add3A_781 = arith.addi %mul3A_779, %add3A_780 : i32
          %add3A_782 = vector.broadcast %add3A_781 : i32 to vector<16xi32>
          %add3A_783 = arith.addi %scan3A_658, %add3A_782 : vector<16xi32>
          %gather3A_784 = tpu.vector_load_idx %arg19[%add3A_783] : memref<4096xf32, #tpu.memory_space<vmem>>[vector<16xi32>], vector<16xf32>,
          %gather3A_785 = tpu.vector_load_idx %arg20[%add3A_783] : memref<4096xf32, #tpu.memory_space<vmem>>[vector<16xi32>], vector<16xf32>,
          %gather3A_786 = tpu.vector_load_idx %arg21[%add3A_783] : memref<4096xf32, #tpu.memory_space<vmem>>[vector<16xi32>], vector<16xf32>,
          %sub3A_787 = arith.subf %get3A_297, %gather3A_784 : vector<16xf32>
          %sub3A_788 = arith.subf %get3A_299, %gather3A_785 : vector<16xf32>
          %sub3A_789 = arith.subf %get3A_301, %gather3A_786 : vector<16xf32>
          %mul3A_790 = arith.mulf %sub3A_787, %sub3A_787 : vector<16xf32>
          %mul3A_791 = arith.mulf %sub3A_788, %sub3A_788 : vector<16xf32>
          %add3A_792 = arith.addf %mul3A_790, %mul3A_791 : vector<16xf32>
          %mul3A_793 = arith.mulf %sub3A_789, %sub3A_789 : vector<16xf32>
          %add3A_794 = arith.addf %add3A_792, %mul3A_793 : vector<16xf32>
          %add3A_795 = arith.constant 0 : i32
          %add3A_796 = arith.addi %mul3A_779, %add3A_795 : i32
          %lt3A_797 = vector.broadcast %add3A_796 : i32 to vector<16xi32>
          %lt3A_798 = arith.cmpi slt, %lt3A_797, %scan3A_659 : vector<16xi32>
          %lt3A_799 = arith.cmpf olt, %add3A_794, %while3A_774 : vector<16xf32>
          %and3A_800 = arith.andi %lt3A_798, %lt3A_799 : vector<16xi1>
          %select_n3A_801 = arith.select %and3A_800, %add3A_794, %while3A_774 : vector<16xi1>, vector<16xf32>
          %select_n3A_802 = arith.select %and3A_800, %add3A_783, %while3A_775 : vector<16xi1>, vector<16xi32>
          %add3A_803 = arith.constant 1 : i32
          %add3A_804 = arith.addi %mul3A_779, %add3A_803 : i32
          %add3A_805 = vector.broadcast %add3A_804 : i32 to vector<16xi32>
          %add3A_806 = arith.addi %scan3A_658, %add3A_805 : vector<16xi32>
          %gather3A_807 = tpu.vector_load_idx %arg19[%add3A_806] : memref<4096xf32, #tpu.memory_space<vmem>>[vector<16xi32>], vector<16xf32>,
          %gather3A_808 = tpu.vector_load_idx %arg20[%add3A_806] : memref<4096xf32, #tpu.memory_space<vmem>>[vector<16xi32>], vector<16xf32>,
          %gather3A_809 = tpu.vector_load_idx %arg21[%add3A_806] : memref<4096xf32, #tpu.memory_space<vmem>>[vector<16xi32>], vector<16xf32>,
          %sub3A_810 = arith.subf %get3A_297, %gather3A_807 : vector<16xf32>
          %sub3A_811 = arith.subf %get3A_299, %gather3A_808 : vector<16xf32>
          %sub3A_812 = arith.subf %get3A_301, %gather3A_809 : vector<16xf32>
          %mul3A_813 = arith.mulf %sub3A_810, %sub3A_810 : vector<16xf32>
          %mul3A_814 = arith.mulf %sub3A_811, %sub3A_811 : vector<16xf32>
          %add3A_815 = arith.addf %mul3A_813, %mul3A_814 : vector<16xf32>
          %mul3A_816 = arith.mulf %sub3A_812, %sub3A_812 : vector<16xf32>
          %add3A_817 = arith.addf %add3A_815, %mul3A_816 : vector<16xf32>
          %add3A_818 = arith.constant 1 : i32
          %add3A_819 = arith.addi %mul3A_779, %add3A_818 : i32
          %lt3A_820 = vector.broadcast %add3A_819 : i32 to vector<16xi32>
          %lt3A_821 = arith.cmpi slt, %lt3A_820, %scan3A_659 : vector<16xi32>
          %lt3A_822 = arith.cmpf olt, %add3A_817, %select_n3A_801 : vector<16xf32>
          %and3A_823 = arith.andi %lt3A_821, %lt3A_822 : vector<16xi1>
          %select_n3A_824 = arith.select %and3A_823, %add3A_817, %select_n3A_801 : vector<16xi1>, vector<16xf32>
          %select_n3A_825 = arith.select %and3A_823, %add3A_806, %select_n3A_802 : vector<16xi1>, vector<16xi32>
          %add3A_826 = arith.constant 0 : i32
          %add3A_827 = arith.addi %mul3A_779, %add3A_826 : i32
          %add3A_828 = vector.broadcast %add3A_827 : i32 to vector<16xi32>
          %add3A_829 = arith.addi %scan3A_660, %add3A_828 : vector<16xi32>
          %gather3A_830 = tpu.vector_load_idx %arg19[%add3A_829] : memref<4096xf32, #tpu.memory_space<vmem>>[vector<16xi32>], vector<16xf32>,
          %gather3A_831 = tpu.vector_load_idx %arg20[%add3A_829] : memref<4096xf32, #tpu.memory_space<vmem>>[vector<16xi32>], vector<16xf32>,
          %gather3A_832 = tpu.vector_load_idx %arg21[%add3A_829] : memref<4096xf32, #tpu.memory_space<vmem>>[vector<16xi32>], vector<16xf32>,
          %sub3A_833 = arith.subf %get3A_346, %gather3A_830 : vector<16xf32>
          %sub3A_834 = arith.subf %get3A_348, %gather3A_831 : vector<16xf32>
          %sub3A_835 = arith.subf %get3A_350, %gather3A_832 : vector<16xf32>
          %mul3A_836 = arith.mulf %sub3A_833, %sub3A_833 : vector<16xf32>
          %mul3A_837 = arith.mulf %sub3A_834, %sub3A_834 : vector<16xf32>
          %add3A_838 = arith.addf %mul3A_836, %mul3A_837 : vector<16xf32>
          %mul3A_839 = arith.mulf %sub3A_835, %sub3A_835 : vector<16xf32>
          %add3A_840 = arith.addf %add3A_838, %mul3A_839 : vector<16xf32>
          %add3A_841 = arith.constant 0 : i32
          %add3A_842 = arith.addi %mul3A_779, %add3A_841 : i32
          %lt3A_843 = vector.broadcast %add3A_842 : i32 to vector<16xi32>
          %lt3A_844 = arith.cmpi slt, %lt3A_843, %scan3A_661 : vector<16xi32>
          %lt3A_845 = arith.cmpf olt, %add3A_840, %while3A_776 : vector<16xf32>
          %and3A_846 = arith.andi %lt3A_844, %lt3A_845 : vector<16xi1>
          %select_n3A_847 = arith.select %and3A_846, %add3A_840, %while3A_776 : vector<16xi1>, vector<16xf32>
          %select_n3A_848 = arith.select %and3A_846, %add3A_829, %while3A_777 : vector<16xi1>, vector<16xi32>
          %add3A_849 = arith.constant 1 : i32
          %add3A_850 = arith.addi %mul3A_779, %add3A_849 : i32
          %add3A_851 = vector.broadcast %add3A_850 : i32 to vector<16xi32>
          %add3A_852 = arith.addi %scan3A_660, %add3A_851 : vector<16xi32>
          %gather3A_853 = tpu.vector_load_idx %arg19[%add3A_852] : memref<4096xf32, #tpu.memory_space<vmem>>[vector<16xi32>], vector<16xf32>,
          %gather3A_854 = tpu.vector_load_idx %arg20[%add3A_852] : memref<4096xf32, #tpu.memory_space<vmem>>[vector<16xi32>], vector<16xf32>,
          %gather3A_855 = tpu.vector_load_idx %arg21[%add3A_852] : memref<4096xf32, #tpu.memory_space<vmem>>[vector<16xi32>], vector<16xf32>,
          %sub3A_856 = arith.subf %get3A_346, %gather3A_853 : vector<16xf32>
          %sub3A_857 = arith.subf %get3A_348, %gather3A_854 : vector<16xf32>
          %sub3A_858 = arith.subf %get3A_350, %gather3A_855 : vector<16xf32>
          %mul3A_859 = arith.mulf %sub3A_856, %sub3A_856 : vector<16xf32>
          %mul3A_860 = arith.mulf %sub3A_857, %sub3A_857 : vector<16xf32>
          %add3A_861 = arith.addf %mul3A_859, %mul3A_860 : vector<16xf32>
          %mul3A_862 = arith.mulf %sub3A_858, %sub3A_858 : vector<16xf32>
          %add3A_863 = arith.addf %add3A_861, %mul3A_862 : vector<16xf32>
          %add3A_864 = arith.constant 1 : i32
          %add3A_865 = arith.addi %mul3A_779, %add3A_864 : i32
          %lt3A_866 = vector.broadcast %add3A_865 : i32 to vector<16xi32>
          %lt3A_867 = arith.cmpi slt, %lt3A_866, %scan3A_661 : vector<16xi32>
          %lt3A_868 = arith.cmpf olt, %add3A_863, %select_n3A_847 : vector<16xf32>
          %and3A_869 = arith.andi %lt3A_867, %lt3A_868 : vector<16xi1>
          %select_n3A_870 = arith.select %and3A_869, %add3A_863, %select_n3A_847 : vector<16xi1>, vector<16xf32>
          %select_n3A_871 = arith.select %and3A_869, %add3A_852, %select_n3A_848 : vector<16xi1>, vector<16xi32>
          scf.yield %select_n3A_824, %select_n3A_825, %select_n3A_870, %select_n3A_871 : vector<16xf32>, vector<16xi32>, vector<16xf32>, vector<16xi32>
        }
        %while3A_771 = arith.constant 1 : i32
        %while3A_772:4 = scf.for %while3A_773 = %while3A_768 to %while3A_764 step %while3A_771 iter_args(%while3A_774 = %while3A_770#0, %while3A_775 = %while3A_770#1, %while3A_776 = %while3A_770#2, %while3A_777 = %while3A_770#3) -> (vector<16xf32>, vector<16xi32>, vector<16xf32>, vector<16xi32>)  : i32 {
          %mul3A_778 = arith.constant 2 : i32
          %mul3A_779 = arith.muli %while3A_773, %mul3A_778 : i32
          %add3A_780 = arith.constant 0 : i32
          %add3A_781 = arith.addi %mul3A_779, %add3A_780 : i32
          %add3A_782 = vector.broadcast %add3A_781 : i32 to vector<16xi32>
          %add3A_783 = arith.addi %scan3A_658, %add3A_782 : vector<16xi32>
          %gather3A_784 = tpu.vector_load_idx %arg19[%add3A_783] : memref<4096xf32, #tpu.memory_space<vmem>>[vector<16xi32>], vector<16xf32>,
          %gather3A_785 = tpu.vector_load_idx %arg20[%add3A_783] : memref<4096xf32, #tpu.memory_space<vmem>>[vector<16xi32>], vector<16xf32>,
          %gather3A_786 = tpu.vector_load_idx %arg21[%add3A_783] : memref<4096xf32, #tpu.memory_space<vmem>>[vector<16xi32>], vector<16xf32>,
          %sub3A_787 = arith.subf %get3A_297, %gather3A_784 : vector<16xf32>
          %sub3A_788 = arith.subf %get3A_299, %gather3A_785 : vector<16xf32>
          %sub3A_789 = arith.subf %get3A_301, %gather3A_786 : vector<16xf32>
          %mul3A_790 = arith.mulf %sub3A_787, %sub3A_787 : vector<16xf32>
          %mul3A_791 = arith.mulf %sub3A_788, %sub3A_788 : vector<16xf32>
          %add3A_792 = arith.addf %mul3A_790, %mul3A_791 : vector<16xf32>
          %mul3A_793 = arith.mulf %sub3A_789, %sub3A_789 : vector<16xf32>
          %add3A_794 = arith.addf %add3A_792, %mul3A_793 : vector<16xf32>
          %add3A_795 = arith.constant 0 : i32
          %add3A_796 = arith.addi %mul3A_779, %add3A_795 : i32
          %lt3A_797 = vector.broadcast %add3A_796 : i32 to vector<16xi32>
          %lt3A_798 = arith.cmpi slt, %lt3A_797, %scan3A_659 : vector<16xi32>
          %lt3A_799 = arith.cmpf olt, %add3A_794, %while3A_774 : vector<16xf32>
          %and3A_800 = arith.andi %lt3A_798, %lt3A_799 : vector<16xi1>
          %select_n3A_801 = arith.select %and3A_800, %add3A_794, %while3A_774 : vector<16xi1>, vector<16xf32>
          %select_n3A_802 = arith.select %and3A_800, %add3A_783, %while3A_775 : vector<16xi1>, vector<16xi32>
          %add3A_803 = arith.constant 1 : i32
          %add3A_804 = arith.addi %mul3A_779, %add3A_803 : i32
          %add3A_805 = vector.broadcast %add3A_804 : i32 to vector<16xi32>
          %add3A_806 = arith.addi %scan3A_658, %add3A_805 : vector<16xi32>
          %gather3A_807 = tpu.vector_load_idx %arg19[%add3A_806] : memref<4096xf32, #tpu.memory_space<vmem>>[vector<16xi32>], vector<16xf32>,
          %gather3A_808 = tpu.vector_load_idx %arg20[%add3A_806] : memref<4096xf32, #tpu.memory_space<vmem>>[vector<16xi32>], vector<16xf32>,
          %gather3A_809 = tpu.vector_load_idx %arg21[%add3A_806] : memref<4096xf32, #tpu.memory_space<vmem>>[vector<16xi32>], vector<16xf32>,
          %sub3A_810 = arith.subf %get3A_297, %gather3A_807 : vector<16xf32>
          %sub3A_811 = arith.subf %get3A_299, %gather3A_808 : vector<16xf32>
          %sub3A_812 = arith.subf %get3A_301, %gather3A_809 : vector<16xf32>
          %mul3A_813 = arith.mulf %sub3A_810, %sub3A_810 : vector<16xf32>
          %mul3A_814 = arith.mulf %sub3A_811, %sub3A_811 : vector<16xf32>
          %add3A_815 = arith.addf %mul3A_813, %mul3A_814 : vector<16xf32>
          %mul3A_816 = arith.mulf %sub3A_812, %sub3A_812 : vector<16xf32>
          %add3A_817 = arith.addf %add3A_815, %mul3A_816 : vector<16xf32>
          %add3A_818 = arith.constant 1 : i32
          %add3A_819 = arith.addi %mul3A_779, %add3A_818 : i32
          %lt3A_820 = vector.broadcast %add3A_819 : i32 to vector<16xi32>
          %lt3A_821 = arith.cmpi slt, %lt3A_820, %scan3A_659 : vector<16xi32>
          %lt3A_822 = arith.cmpf olt, %add3A_817, %select_n3A_801 : vector<16xf32>
          %and3A_823 = arith.andi %lt3A_821, %lt3A_822 : vector<16xi1>
          %select_n3A_824 = arith.select %and3A_823, %add3A_817, %select_n3A_801 : vector<16xi1>, vector<16xf32>
          %select_n3A_825 = arith.select %and3A_823, %add3A_806, %select_n3A_802 : vector<16xi1>, vector<16xi32>
          %add3A_826 = arith.constant 0 : i32
          %add3A_827 = arith.addi %mul3A_779, %add3A_826 : i32
          %add3A_828 = vector.broadcast %add3A_827 : i32 to vector<16xi32>
          %add3A_829 = arith.addi %scan3A_660, %add3A_828 : vector<16xi32>
          %gather3A_830 = tpu.vector_load_idx %arg19[%add3A_829] : memref<4096xf32, #tpu.memory_space<vmem>>[vector<16xi32>], vector<16xf32>,
          %gather3A_831 = tpu.vector_load_idx %arg20[%add3A_829] : memref<4096xf32, #tpu.memory_space<vmem>>[vector<16xi32>], vector<16xf32>,
          %gather3A_832 = tpu.vector_load_idx %arg21[%add3A_829] : memref<4096xf32, #tpu.memory_space<vmem>>[vector<16xi32>], vector<16xf32>,
          %sub3A_833 = arith.subf %get3A_346, %gather3A_830 : vector<16xf32>
          %sub3A_834 = arith.subf %get3A_348, %gather3A_831 : vector<16xf32>
          %sub3A_835 = arith.subf %get3A_350, %gather3A_832 : vector<16xf32>
          %mul3A_836 = arith.mulf %sub3A_833, %sub3A_833 : vector<16xf32>
          %mul3A_837 = arith.mulf %sub3A_834, %sub3A_834 : vector<16xf32>
          %add3A_838 = arith.addf %mul3A_836, %mul3A_837 : vector<16xf32>
          %mul3A_839 = arith.mulf %sub3A_835, %sub3A_835 : vector<16xf32>
          %add3A_840 = arith.addf %add3A_838, %mul3A_839 : vector<16xf32>
          %add3A_841 = arith.constant 0 : i32
          %add3A_842 = arith.addi %mul3A_779, %add3A_841 : i32
          %lt3A_843 = vector.broadcast %add3A_842 : i32 to vector<16xi32>
          %lt3A_844 = arith.cmpi slt, %lt3A_843, %scan3A_661 : vector<16xi32>
          %lt3A_845 = arith.cmpf olt, %add3A_840, %while3A_776 : vector<16xf32>
          %and3A_846 = arith.andi %lt3A_844, %lt3A_845 : vector<16xi1>
          %select_n3A_847 = arith.select %and3A_846, %add3A_840, %while3A_776 : vector<16xi1>, vector<16xf32>
          %select_n3A_848 = arith.select %and3A_846, %add3A_829, %while3A_777 : vector<16xi1>, vector<16xi32>
          %add3A_849 = arith.constant 1 : i32
          %add3A_850 = arith.addi %mul3A_779, %add3A_849 : i32
          %add3A_851 = vector.broadcast %add3A_850 : i32 to vector<16xi32>
          %add3A_852 = arith.addi %scan3A_660, %add3A_851 : vector<16xi32>
          %gather3A_853 = tpu.vector_load_idx %arg19[%add3A_852] : memref<4096xf32, #tpu.memory_space<vmem>>[vector<16xi32>], vector<16xf32>,
          %gather3A_854 = tpu.vector_load_idx %arg20[%add3A_852] : memref<4096xf32, #tpu.memory_space<vmem>>[vector<16xi32>], vector<16xf32>,
          %gather3A_855 = tpu.vector_load_idx %arg21[%add3A_852] : memref<4096xf32, #tpu.memory_space<vmem>>[vector<16xi32>], vector<16xf32>,
          %sub3A_856 = arith.subf %get3A_346, %gather3A_853 : vector<16xf32>
          %sub3A_857 = arith.subf %get3A_348, %gather3A_854 : vector<16xf32>
          %sub3A_858 = arith.subf %get3A_350, %gather3A_855 : vector<16xf32>
          %mul3A_859 = arith.mulf %sub3A_856, %sub3A_856 : vector<16xf32>
          %mul3A_860 = arith.mulf %sub3A_857, %sub3A_857 : vector<16xf32>
          %add3A_861 = arith.addf %mul3A_859, %mul3A_860 : vector<16xf32>
          %mul3A_862 = arith.mulf %sub3A_858, %sub3A_858 : vector<16xf32>
          %add3A_863 = arith.addf %add3A_861, %mul3A_862 : vector<16xf32>
          %add3A_864 = arith.constant 1 : i32
          %add3A_865 = arith.addi %mul3A_779, %add3A_864 : i32
          %lt3A_866 = vector.broadcast %add3A_865 : i32 to vector<16xi32>
          %lt3A_867 = arith.cmpi slt, %lt3A_866, %scan3A_661 : vector<16xi32>
          %lt3A_868 = arith.cmpf olt, %add3A_863, %select_n3A_847 : vector<16xf32>
          %and3A_869 = arith.andi %lt3A_867, %lt3A_868 : vector<16xi1>
          %select_n3A_870 = arith.select %and3A_869, %add3A_863, %select_n3A_847 : vector<16xi1>, vector<16xf32>
          %select_n3A_871 = arith.select %and3A_869, %add3A_852, %select_n3A_848 : vector<16xi1>, vector<16xi32>
          scf.yield %select_n3A_824, %select_n3A_825, %select_n3A_870, %select_n3A_871 : vector<16xf32>, vector<16xi32>, vector<16xf32>, vector<16xi32>
        }
        scf.yield %while3A_772#0, %while3A_772#1, %while3A_772#2, %while3A_772#3, %gather3A_719, %sub3A_724, %gather3A_737, %sub3A_742, %max3A_759 : vector<16xf32>, vector<16xi32>, vector<16xf32>, vector<16xi32>, vector<16xi32>, vector<16xi32>, vector<16xi32>, vector<16xi32>, i32
      }
      %scan3A_558 = arith.constant 16 : i32
      %lt3A_559 = arith.constant 0.0087890625 : f32
      %lt3A_560 = vector.broadcast %lt3A_559 : f32 to vector<16xf32>
      %lt3A_561 = arith.cmpf olt, %scan3A_557#0, %lt3A_560 : vector<16xf32>
      %reduce_and3A = arith.constant 1.000000e+00 : f32
      %reduce_and3A_562 = arith.constant 0.000000e+00 : f32
      %reduce_and3A_563 = vector.broadcast %reduce_and3A : f32 to vector<16xf32>
      %reduce_and3A_564 = vector.broadcast %reduce_and3A_562 : f32 to vector<16xf32>
      %reduce_and3A_565 = arith.select %lt3A_561, %reduce_and3A_563, %reduce_and3A_564 : vector<16xi1>, vector<16xf32>
      %reduce_and3A_566 = arith.constant true
      %reduce_and3A_567 = vector.broadcast %reduce_and3A_566 : i1 to vector<16xi1>
      %reduce_and3A_568 = tpu.scan <min>, %reduce_and3A_565 masked %reduce_and3A_567 : vector<16xf32>, vector<16xi1> -> vector<16xf32>
      %reduce_and3A_569 = vector.extract %reduce_and3A_568[15] : f32 from vector<16xf32>
      %reduce_and3A_570 = arith.constant 0.000000e+00 : f32
      %reduce_and3A_571 = arith.cmpf ogt, %reduce_and3A_569, %reduce_and3A_570 : f32
      %lt3A_572 = arith.constant 0.0087890625 : f32
      %lt3A_573 = vector.broadcast %lt3A_572 : f32 to vector<16xf32>
      %lt3A_574 = arith.cmpf olt, %scan3A_557#2, %lt3A_573 : vector<16xf32>
      %reduce_and3A_575 = arith.constant 1.000000e+00 : f32
      %reduce_and3A_576 = arith.constant 0.000000e+00 : f32
      %reduce_and3A_577 = vector.broadcast %reduce_and3A_575 : f32 to vector<16xf32>
      %reduce_and3A_578 = vector.broadcast %reduce_and3A_576 : f32 to vector<16xf32>
      %reduce_and3A_579 = arith.select %lt3A_574, %reduce_and3A_577, %reduce_and3A_578 : vector<16xi1>, vector<16xf32>
      %reduce_and3A_580 = arith.constant true
      %reduce_and3A_581 = vector.broadcast %reduce_and3A_580 : i1 to vector<16xi1>
      %reduce_and3A_582 = tpu.scan <min>, %reduce_and3A_579 masked %reduce_and3A_581 : vector<16xf32>, vector<16xi1> -> vector<16xf32>
      %reduce_and3A_583 = vector.extract %reduce_and3A_582[15] : f32 from vector<16xf32>
      %reduce_and3A_584 = arith.constant 0.000000e+00 : f32
      %reduce_and3A_585 = arith.cmpf ogt, %reduce_and3A_583, %reduce_and3A_584 : f32
      %and3A_586 = arith.andi %reduce_and3A_571, %reduce_and3A_585 : i1
      %convert_element_type3A_587 = arith.extui %and3A_586 : i1 to i32
      %cond3A_588 = arith.constant 0 : i32
      %cond3A_589 = arith.cmpi ne, %convert_element_type3A_587, %cond3A_588 : i32
      %cond3A_590:4 = scf.if %cond3A_589 -> (vector<16xf32>, vector<16xi32>, vector<16xf32>, vector<16xi32>) {
        scf.yield %scan3A_557#0, %scan3A_557#1, %scan3A_557#2, %scan3A_557#3 : vector<16xf32>, vector<16xi32>, vector<16xf32>, vector<16xi32>
      } else {
        %sub3A_653 = arith.constant 3 : i32
        %sub3A_654 = vector.broadcast %sub3A_653 : i32 to vector<16xi32>
        %sub3A_655 = arith.subi %min3A_307, %sub3A_654 : vector<16xi32>
        %add3A_656 = arith.addi %sub3A_655, %and3A_328 : vector<16xi32>
        %jit3A_657 = arith.constant 0 : i32
        %jit3A_658 = arith.constant 10 : i32
        %max3A_659 = vector.broadcast %jit3A_657 : i32 to vector<16xi32>
        %max3A_660 = arith.maxsi %max3A_659, %add3A_656 : vector<16xi32>
        %min3A_661 = vector.broadcast %jit3A_658 : i32 to vector<16xi32>
        %min3A_662 = arith.minsi %min3A_661, %max3A_660 : vector<16xi32>
        %sub3A_663 = arith.constant 3 : i32
        %sub3A_664 = vector.broadcast %sub3A_663 : i32 to vector<16xi32>
        %sub3A_665 = arith.subi %min3A_314, %sub3A_664 : vector<16xi32>
        %add3A_666 = arith.addi %sub3A_665, %and3A_335 : vector<16xi32>
        %jit3A_667 = arith.constant 0 : i32
        %jit3A_668 = arith.constant 10 : i32
        %max3A_669 = vector.broadcast %jit3A_667 : i32 to vector<16xi32>
        %max3A_670 = arith.maxsi %max3A_669, %add3A_666 : vector<16xi32>
        %min3A_671 = vector.broadcast %jit3A_668 : i32 to vector<16xi32>
        %min3A_672 = arith.minsi %min3A_671, %max3A_670 : vector<16xi32>
        %sub3A_673 = arith.constant 3 : i32
        %sub3A_674 = vector.broadcast %sub3A_673 : i32 to vector<16xi32>
        %sub3A_675 = arith.subi %min3A_321, %sub3A_674 : vector<16xi32>
        %add3A_676 = arith.addi %sub3A_675, %and3A_342 : vector<16xi32>
        %jit3A_677 = arith.constant 0 : i32
        %jit3A_678 = arith.constant 10 : i32
        %max3A_679 = vector.broadcast %jit3A_677 : i32 to vector<16xi32>
        %max3A_680 = arith.maxsi %max3A_679, %add3A_676 : vector<16xi32>
        %min3A_681 = vector.broadcast %jit3A_678 : i32 to vector<16xi32>
        %min3A_682 = arith.minsi %min3A_681, %max3A_680 : vector<16xi32>
        %sub3A_683 = arith.constant 3 : i32
        %sub3A_684 = vector.broadcast %sub3A_683 : i32 to vector<16xi32>
        %sub3A_685 = arith.subi %min3A_357, %sub3A_684 : vector<16xi32>
        %add3A_686 = arith.addi %sub3A_685, %and3A_378 : vector<16xi32>
        %jit3A_687 = arith.constant 0 : i32
        %jit3A_688 = arith.constant 10 : i32
        %max3A_689 = vector.broadcast %jit3A_687 : i32 to vector<16xi32>
        %max3A_690 = arith.maxsi %max3A_689, %add3A_686 : vector<16xi32>
        %min3A_691 = vector.broadcast %jit3A_688 : i32 to vector<16xi32>
        %min3A_692 = arith.minsi %min3A_691, %max3A_690 : vector<16xi32>
        %sub3A_693 = arith.constant 3 : i32
        %sub3A_694 = vector.broadcast %sub3A_693 : i32 to vector<16xi32>
        %sub3A_695 = arith.subi %min3A_364, %sub3A_694 : vector<16xi32>
        %add3A_696 = arith.addi %sub3A_695, %and3A_385 : vector<16xi32>
        %jit3A_697 = arith.constant 0 : i32
        %jit3A_698 = arith.constant 10 : i32
        %max3A_699 = vector.broadcast %jit3A_697 : i32 to vector<16xi32>
        %max3A_700 = arith.maxsi %max3A_699, %add3A_696 : vector<16xi32>
        %min3A_701 = vector.broadcast %jit3A_698 : i32 to vector<16xi32>
        %min3A_702 = arith.minsi %min3A_701, %max3A_700 : vector<16xi32>
        %sub3A_703 = arith.constant 3 : i32
        %sub3A_704 = vector.broadcast %sub3A_703 : i32 to vector<16xi32>
        %sub3A_705 = arith.subi %min3A_371, %sub3A_704 : vector<16xi32>
        %add3A_706 = arith.addi %sub3A_705, %and3A_392 : vector<16xi32>
        %jit3A_707 = arith.constant 0 : i32
        %jit3A_708 = arith.constant 10 : i32
        %max3A_709 = vector.broadcast %jit3A_707 : i32 to vector<16xi32>
        %max3A_710 = arith.maxsi %max3A_709, %add3A_706 : vector<16xi32>
        %min3A_711 = vector.broadcast %jit3A_708 : i32 to vector<16xi32>
        %min3A_712 = arith.minsi %min3A_711, %max3A_710 : vector<16xi32>
        %jit3A_713 = arith.constant 0 : i32
        %jit3A_714 = arith.constant 6 : i32
        %div3A_715 = arith.divsi %jit3A_713, %jit3A_714 : i32
        %sign3A_716 = arith.constant 0 : i32
        %sign3A_717 = arith.cmpi sgt, %jit3A_713, %sign3A_716 : i32
        %sign3A_718 = arith.extui %sign3A_717 : i1 to i32
        %sign3A_719 = arith.constant 0 : i32
        %sign3A_720 = arith.cmpi slt, %jit3A_713, %sign3A_719 : i32
        %sign3A_721 = arith.extui %sign3A_720 : i1 to i32
        %sign3A_722 = arith.subi %sign3A_718, %sign3A_721 : i32
        %sign3A_723 = arith.constant 0 : i32
        %sign3A_724 = arith.cmpi sgt, %jit3A_714, %sign3A_723 : i32
        %sign3A_725 = arith.extui %sign3A_724 : i1 to i32
        %sign3A_726 = arith.constant 0 : i32
        %sign3A_727 = arith.cmpi slt, %jit3A_714, %sign3A_726 : i32
        %sign3A_728 = arith.extui %sign3A_727 : i1 to i32
        %sign3A_729 = arith.subi %sign3A_725, %sign3A_728 : i32
        %ne3A_730 = arith.cmpi ne, %sign3A_722, %sign3A_729 : i32
        %rem3A_731 = arith.remsi %jit3A_713, %jit3A_714 : i32
        %ne3A_732 = arith.constant 0 : i32
        %ne3A_733 = arith.cmpi ne, %rem3A_731, %ne3A_732 : i32
        %and3A_734 = arith.andi %ne3A_730, %ne3A_733 : i1
        %sub3A_735 = arith.constant 1 : i32
        %sub3A_736 = arith.subi %div3A_715, %sub3A_735 : i32
        %select_n3A_737 = arith.select %and3A_734, %sub3A_736, %div3A_715 : i32
        %jit3A_738 = arith.constant 0 : i32
        %jit3A_739 = arith.constant 6 : i32
        %eq3A_740 = arith.constant 0 : i32
        %eq3A_741 = arith.cmpi eq, %jit3A_739, %eq3A_740 : i32
        %jit3A_742 = arith.constant 1 : i32
        %select_n3A_743 = arith.select %eq3A_741, %jit3A_742, %jit3A_739 : i32
        %rem3A_744 = arith.remsi %jit3A_738, %select_n3A_743 : i32
        %ne3A_745 = arith.constant 0 : i32
        %ne3A_746 = arith.cmpi ne, %rem3A_744, %ne3A_745 : i32
        %lt3A_747 = arith.constant 0 : i32
        %lt3A_748 = arith.cmpi slt, %rem3A_744, %lt3A_747 : i32
        %lt3A_749 = arith.constant 0 : i32
        %lt3A_750 = arith.cmpi slt, %select_n3A_743, %lt3A_749 : i32
        %ne3A_751 = arith.xori %lt3A_748, %lt3A_750 : i1
        %and3A_752 = arith.andi %ne3A_751, %ne3A_746 : i1
        %add3A_753 = arith.addi %rem3A_744, %select_n3A_743 : i32
        %select_n3A_754 = arith.select %and3A_752, %add3A_753, %rem3A_744 : i32
        %add3A_755 = vector.broadcast %select_n3A_737 : i32 to vector<16xi32>
        %add3A_756 = arith.addi %min3A_662, %add3A_755 : vector<16xi32>
        %mul3A_757 = arith.constant 16 : i32
        %mul3A_758 = vector.broadcast %mul3A_757 : i32 to vector<16xi32>
        %mul3A_759 = arith.muli %add3A_756, %mul3A_758 : vector<16xi32>
        %add3A_760 = vector.broadcast %select_n3A_754 : i32 to vector<16xi32>
        %add3A_761 = arith.addi %min3A_672, %add3A_760 : vector<16xi32>
        %add3A_762 = arith.addi %mul3A_759, %add3A_761 : vector<16xi32>
        %mul3A_763 = arith.constant 16 : i32
        %mul3A_764 = vector.broadcast %mul3A_763 : i32 to vector<16xi32>
        %mul3A_765 = arith.muli %add3A_762, %mul3A_764 : vector<16xi32>
        %add3A_766 = arith.addi %mul3A_765, %min3A_682 : vector<16xi32>
        %gather3A_767 = tpu.vector_load_idx %arg17[%add3A_766] : memref<4112xi32, #tpu.memory_space<vmem>>[vector<16xi32>], vector<16xi32>,
        %add3A_768 = arith.constant 6 : i32
        %add3A_769 = vector.broadcast %add3A_768 : i32 to vector<16xi32>
        %add3A_770 = arith.addi %add3A_766, %add3A_769 : vector<16xi32>
        %gather3A_771 = tpu.vector_load_idx %arg17[%add3A_770] : memref<4112xi32, #tpu.memory_space<vmem>>[vector<16xi32>], vector<16xi32>,
        %sub3A_772 = arith.subi %gather3A_771, %gather3A_767 : vector<16xi32>
        %add3A_773 = vector.broadcast %select_n3A_737 : i32 to vector<16xi32>
        %add3A_774 = arith.addi %min3A_692, %add3A_773 : vector<16xi32>
        %mul3A_775 = arith.constant 16 : i32
        %mul3A_776 = vector.broadcast %mul3A_775 : i32 to vector<16xi32>
        %mul3A_777 = arith.muli %add3A_774, %mul3A_776 : vector<16xi32>
        %add3A_778 = vector.broadcast %select_n3A_754 : i32 to vector<16xi32>
        %add3A_779 = arith.addi %min3A_702, %add3A_778 : vector<16xi32>
        %add3A_780 = arith.addi %mul3A_777, %add3A_779 : vector<16xi32>
        %mul3A_781 = arith.constant 16 : i32
        %mul3A_782 = vector.broadcast %mul3A_781 : i32 to vector<16xi32>
        %mul3A_783 = arith.muli %add3A_780, %mul3A_782 : vector<16xi32>
        %add3A_784 = arith.addi %mul3A_783, %min3A_712 : vector<16xi32>
        %gather3A_785 = tpu.vector_load_idx %arg17[%add3A_784] : memref<4112xi32, #tpu.memory_space<vmem>>[vector<16xi32>], vector<16xi32>,
        %add3A_786 = arith.constant 6 : i32
        %add3A_787 = vector.broadcast %add3A_786 : i32 to vector<16xi32>
        %add3A_788 = arith.addi %add3A_784, %add3A_787 : vector<16xi32>
        %gather3A_789 = tpu.vector_load_idx %arg17[%add3A_788] : memref<4112xi32, #tpu.memory_space<vmem>>[vector<16xi32>], vector<16xi32>,
        %sub3A_790 = arith.subi %gather3A_789, %gather3A_785 : vector<16xi32>
        %reduce_max3A_791 = arith.constant true
        %reduce_max3A_792 = vector.broadcast %reduce_max3A_791 : i1 to vector<16xi1>
        %reduce_max3A_793 = arith.constant -2147483648 : i32
        %reduce_max3A_794 = vector.broadcast %reduce_max3A_793 : i32 to vector<16xi32>
        %reduce_max3A_795 = arith.xori %sub3A_772, %reduce_max3A_794 : vector<16xi32>
        %reduce_max3A_796 = tpu.scan <max>, %reduce_max3A_795 masked %reduce_max3A_792 : vector<16xi32>, vector<16xi1> -> vector<16xi32>
        %reduce_max3A_797 = arith.xori %reduce_max3A_796, %reduce_max3A_794 : vector<16xi32>
        %reduce_max3A_798 = vector.extract %reduce_max3A_797[15] : i32 from vector<16xi32>
        %reduce_max3A_799 = arith.constant true
        %reduce_max3A_800 = vector.broadcast %reduce_max3A_799 : i1 to vector<16xi1>
        %reduce_max3A_801 = arith.constant -2147483648 : i32
        %reduce_max3A_802 = vector.broadcast %reduce_max3A_801 : i32 to vector<16xi32>
        %reduce_max3A_803 = arith.xori %sub3A_790, %reduce_max3A_802 : vector<16xi32>
        %reduce_max3A_804 = tpu.scan <max>, %reduce_max3A_803 masked %reduce_max3A_800 : vector<16xi32>, vector<16xi1> -> vector<16xi32>
        %reduce_max3A_805 = arith.xori %reduce_max3A_804, %reduce_max3A_802 : vector<16xi32>
        %reduce_max3A_806 = vector.extract %reduce_max3A_805[15] : i32 from vector<16xi32>
        %max3A_807 = arith.maxsi %reduce_max3A_798, %reduce_max3A_806 : i32
        %scan3A_808 = arith.constant 0 : i32
        %scan3A_809 = arith.constant 36 : i32
        %scan3A_810 = arith.addi %scan3A_808, %scan3A_809 : i32
        %scan3A_811 = arith.constant 1 : i32
        %scan3A_812:9 = scf.for %scan3A_814 = %scan3A_808 to %scan3A_810 step %scan3A_811 iter_args(%scan3A_815 = %scan3A_557#0, %scan3A_816 = %scan3A_557#1, %scan3A_817 = %scan3A_557#2, %scan3A_818 = %scan3A_557#3, %scan3A_819 = %gather3A_767, %scan3A_820 = %sub3A_772, %scan3A_821 = %gather3A_785, %scan3A_822 = %sub3A_790, %scan3A_823 = %max3A_807) -> (vector<16xf32>, vector<16xi32>, vector<16xf32>, vector<16xi32>, vector<16xi32>, vector<16xi32>, vector<16xi32>, vector<16xi32>, i32)  : i32 {
          %add3A_824 = arith.constant 1 : i32
          %add3A_825 = arith.addi %scan3A_814, %add3A_824 : i32
          %min3A_826 = arith.constant 35 : i32
          %min3A_827 = arith.minsi %add3A_825, %min3A_826 : i32
          %jit3A_828 = arith.constant 6 : i32
          %div3A_829 = arith.divsi %min3A_827, %jit3A_828 : i32
          %sign3A_830 = arith.constant 0 : i32
          %sign3A_831 = arith.cmpi sgt, %min3A_827, %sign3A_830 : i32
          %sign3A_832 = arith.extui %sign3A_831 : i1 to i32
          %sign3A_833 = arith.constant 0 : i32
          %sign3A_834 = arith.cmpi slt, %min3A_827, %sign3A_833 : i32
          %sign3A_835 = arith.extui %sign3A_834 : i1 to i32
          %sign3A_836 = arith.subi %sign3A_832, %sign3A_835 : i32
          %sign3A_837 = arith.constant 0 : i32
          %sign3A_838 = arith.cmpi sgt, %jit3A_828, %sign3A_837 : i32
          %sign3A_839 = arith.extui %sign3A_838 : i1 to i32
          %sign3A_840 = arith.constant 0 : i32
          %sign3A_841 = arith.cmpi slt, %jit3A_828, %sign3A_840 : i32
          %sign3A_842 = arith.extui %sign3A_841 : i1 to i32
          %sign3A_843 = arith.subi %sign3A_839, %sign3A_842 : i32
          %ne3A_844 = arith.cmpi ne, %sign3A_836, %sign3A_843 : i32
          %rem3A_845 = arith.remsi %min3A_827, %jit3A_828 : i32
          %ne3A_846 = arith.constant 0 : i32
          %ne3A_847 = arith.cmpi ne, %rem3A_845, %ne3A_846 : i32
          %and3A_848 = arith.andi %ne3A_844, %ne3A_847 : i1
          %sub3A_849 = arith.constant 1 : i32
          %sub3A_850 = arith.subi %div3A_829, %sub3A_849 : i32
          %select_n3A_851 = arith.select %and3A_848, %sub3A_850, %div3A_829 : i32
          %jit3A_852 = arith.constant 6 : i32
          %eq3A_853 = arith.constant 0 : i32
          %eq3A_854 = arith.cmpi eq, %jit3A_852, %eq3A_853 : i32
          %jit3A_855 = arith.constant 1 : i32
          %select_n3A_856 = arith.select %eq3A_854, %jit3A_855, %jit3A_852 : i32
          %rem3A_857 = arith.remsi %min3A_827, %select_n3A_856 : i32
          %ne3A_858 = arith.constant 0 : i32
          %ne3A_859 = arith.cmpi ne, %rem3A_857, %ne3A_858 : i32
          %lt3A_860 = arith.constant 0 : i32
          %lt3A_861 = arith.cmpi slt, %rem3A_857, %lt3A_860 : i32
          %lt3A_862 = arith.constant 0 : i32
          %lt3A_863 = arith.cmpi slt, %select_n3A_856, %lt3A_862 : i32
          %ne3A_864 = arith.xori %lt3A_861, %lt3A_863 : i1
          %and3A_865 = arith.andi %ne3A_864, %ne3A_859 : i1
          %add3A_866 = arith.addi %rem3A_857, %select_n3A_856 : i32
          %select_n3A_867 = arith.select %and3A_865, %add3A_866, %rem3A_857 : i32
          %add3A_868 = vector.broadcast %select_n3A_851 : i32 to vector<16xi32>
          %add3A_869 = arith.addi %min3A_662, %add3A_868 : vector<16xi32>
          %mul3A_870 = arith.constant 16 : i32
          %mul3A_871 = vector.broadcast %mul3A_870 : i32 to vector<16xi32>
          %mul3A_872 = arith.muli %add3A_869, %mul3A_871 : vector<16xi32>
          %add3A_873 = vector.broadcast %select_n3A_867 : i32 to vector<16xi32>
          %add3A_874 = arith.addi %min3A_672, %add3A_873 : vector<16xi32>
          %add3A_875 = arith.addi %mul3A_872, %add3A_874 : vector<16xi32>
          %mul3A_876 = arith.constant 16 : i32
          %mul3A_877 = vector.broadcast %mul3A_876 : i32 to vector<16xi32>
          %mul3A_878 = arith.muli %add3A_875, %mul3A_877 : vector<16xi32>
          %add3A_879 = arith.addi %mul3A_878, %min3A_682 : vector<16xi32>
          %gather3A_880 = tpu.vector_load_idx %arg17[%add3A_879] : memref<4112xi32, #tpu.memory_space<vmem>>[vector<16xi32>], vector<16xi32>,
          %add3A_881 = arith.constant 6 : i32
          %add3A_882 = vector.broadcast %add3A_881 : i32 to vector<16xi32>
          %add3A_883 = arith.addi %add3A_879, %add3A_882 : vector<16xi32>
          %gather3A_884 = tpu.vector_load_idx %arg17[%add3A_883] : memref<4112xi32, #tpu.memory_space<vmem>>[vector<16xi32>], vector<16xi32>,
          %sub3A_885 = arith.subi %gather3A_884, %gather3A_880 : vector<16xi32>
          %add3A_886 = vector.broadcast %select_n3A_851 : i32 to vector<16xi32>
          %add3A_887 = arith.addi %min3A_692, %add3A_886 : vector<16xi32>
          %mul3A_888 = arith.constant 16 : i32
          %mul3A_889 = vector.broadcast %mul3A_888 : i32 to vector<16xi32>
          %mul3A_890 = arith.muli %add3A_887, %mul3A_889 : vector<16xi32>
          %add3A_891 = vector.broadcast %select_n3A_867 : i32 to vector<16xi32>
          %add3A_892 = arith.addi %min3A_702, %add3A_891 : vector<16xi32>
          %add3A_893 = arith.addi %mul3A_890, %add3A_892 : vector<16xi32>
          %mul3A_894 = arith.constant 16 : i32
          %mul3A_895 = vector.broadcast %mul3A_894 : i32 to vector<16xi32>
          %mul3A_896 = arith.muli %add3A_893, %mul3A_895 : vector<16xi32>
          %add3A_897 = arith.addi %mul3A_896, %min3A_712 : vector<16xi32>
          %gather3A_898 = tpu.vector_load_idx %arg17[%add3A_897] : memref<4112xi32, #tpu.memory_space<vmem>>[vector<16xi32>], vector<16xi32>,
          %add3A_899 = arith.constant 6 : i32
          %add3A_900 = vector.broadcast %add3A_899 : i32 to vector<16xi32>
          %add3A_901 = arith.addi %add3A_897, %add3A_900 : vector<16xi32>
          %gather3A_902 = tpu.vector_load_idx %arg17[%add3A_901] : memref<4112xi32, #tpu.memory_space<vmem>>[vector<16xi32>], vector<16xi32>,
          %sub3A_903 = arith.subi %gather3A_902, %gather3A_898 : vector<16xi32>
          %reduce_max3A_904 = arith.constant true
          %reduce_max3A_905 = vector.broadcast %reduce_max3A_904 : i1 to vector<16xi1>
          %reduce_max3A_906 = arith.constant -2147483648 : i32
          %reduce_max3A_907 = vector.broadcast %reduce_max3A_906 : i32 to vector<16xi32>
          %reduce_max3A_908 = arith.xori %sub3A_885, %reduce_max3A_907 : vector<16xi32>
          %reduce_max3A_909 = tpu.scan <max>, %reduce_max3A_908 masked %reduce_max3A_905 : vector<16xi32>, vector<16xi1> -> vector<16xi32>
          %reduce_max3A_910 = arith.xori %reduce_max3A_909, %reduce_max3A_907 : vector<16xi32>
          %reduce_max3A_911 = vector.extract %reduce_max3A_910[15] : i32 from vector<16xi32>
          %reduce_max3A_912 = arith.constant true
          %reduce_max3A_913 = vector.broadcast %reduce_max3A_912 : i1 to vector<16xi1>
          %reduce_max3A_914 = arith.constant -2147483648 : i32
          %reduce_max3A_915 = vector.broadcast %reduce_max3A_914 : i32 to vector<16xi32>
          %reduce_max3A_916 = arith.xori %sub3A_903, %reduce_max3A_915 : vector<16xi32>
          %reduce_max3A_917 = tpu.scan <max>, %reduce_max3A_916 masked %reduce_max3A_913 : vector<16xi32>, vector<16xi1> -> vector<16xi32>
          %reduce_max3A_918 = arith.xori %reduce_max3A_917, %reduce_max3A_915 : vector<16xi32>
          %reduce_max3A_919 = vector.extract %reduce_max3A_918[15] : i32 from vector<16xi32>
          %max3A_920 = arith.maxsi %reduce_max3A_911, %reduce_max3A_919 : i32
          %add3A_921 = arith.constant 1 : i32
          %add3A_922 = arith.addi %scan3A_823, %add3A_921 : i32
          %shift_right_arithmetic3A = arith.constant 1 : i32
          %shift_right_arithmetic3A_923 = arith.shrsi %add3A_922, %shift_right_arithmetic3A : i32
          %while3A = arith.constant 0 : i32
          %while3A_924 = arith.subi %shift_right_arithmetic3A_923, %while3A : i32
          %while3A_925 = arith.addi %while3A, %while3A_924 : i32
          %while3A_926 = arith.constant 1 : i32
          %while3A_927 = arith.divsi %while3A_924, %while3A_926 : i32
          %while3A_928 = arith.muli %while3A_927, %while3A_926 : i32
          %while3A_929 = arith.addi %while3A, %while3A_928 : i32
          %while3A_930 = arith.constant 1 : i32
          %while3A_931:4 = scf.for %while3A_934 = %while3A to %while3A_929 step %while3A_930 iter_args(%while3A_935 = %scan3A_815, %while3A_936 = %scan3A_816, %while3A_937 = %scan3A_817, %while3A_938 = %scan3A_818) -> (vector<16xf32>, vector<16xi32>, vector<16xf32>, vector<16xi32>)  : i32 {
            %mul3A_939 = arith.constant 2 : i32
            %mul3A_940 = arith.muli %while3A_934, %mul3A_939 : i32
            %add3A_941 = arith.constant 0 : i32
            %add3A_942 = arith.addi %mul3A_940, %add3A_941 : i32
            %add3A_943 = vector.broadcast %add3A_942 : i32 to vector<16xi32>
            %add3A_944 = arith.addi %scan3A_819, %add3A_943 : vector<16xi32>
            %gather3A_945 = tpu.vector_load_idx %arg19[%add3A_944] : memref<4096xf32, #tpu.memory_space<vmem>>[vector<16xi32>], vector<16xf32>,
            %gather3A_946 = tpu.vector_load_idx %arg20[%add3A_944] : memref<4096xf32, #tpu.memory_space<vmem>>[vector<16xi32>], vector<16xf32>,
            %gather3A_947 = tpu.vector_load_idx %arg21[%add3A_944] : memref<4096xf32, #tpu.memory_space<vmem>>[vector<16xi32>], vector<16xf32>,
            %sub3A_948 = arith.subf %get3A_297, %gather3A_945 : vector<16xf32>
            %sub3A_949 = arith.subf %get3A_299, %gather3A_946 : vector<16xf32>
            %sub3A_950 = arith.subf %get3A_301, %gather3A_947 : vector<16xf32>
            %mul3A_951 = arith.mulf %sub3A_948, %sub3A_948 : vector<16xf32>
            %mul3A_952 = arith.mulf %sub3A_949, %sub3A_949 : vector<16xf32>
            %add3A_953 = arith.addf %mul3A_951, %mul3A_952 : vector<16xf32>
            %mul3A_954 = arith.mulf %sub3A_950, %sub3A_950 : vector<16xf32>
            %add3A_955 = arith.addf %add3A_953, %mul3A_954 : vector<16xf32>
            %add3A_956 = arith.constant 0 : i32
            %add3A_957 = arith.addi %mul3A_940, %add3A_956 : i32
            %lt3A_958 = vector.broadcast %add3A_957 : i32 to vector<16xi32>
            %lt3A_959 = arith.cmpi slt, %lt3A_958, %scan3A_820 : vector<16xi32>
            %lt3A_960 = arith.cmpf olt, %add3A_955, %while3A_935 : vector<16xf32>
            %and3A_961 = arith.andi %lt3A_959, %lt3A_960 : vector<16xi1>
            %select_n3A_962 = arith.select %and3A_961, %add3A_955, %while3A_935 : vector<16xi1>, vector<16xf32>
            %select_n3A_963 = arith.select %and3A_961, %add3A_944, %while3A_936 : vector<16xi1>, vector<16xi32>
            %add3A_964 = arith.constant 1 : i32
            %add3A_965 = arith.addi %mul3A_940, %add3A_964 : i32
            %add3A_966 = vector.broadcast %add3A_965 : i32 to vector<16xi32>
            %add3A_967 = arith.addi %scan3A_819, %add3A_966 : vector<16xi32>
            %gather3A_968 = tpu.vector_load_idx %arg19[%add3A_967] : memref<4096xf32, #tpu.memory_space<vmem>>[vector<16xi32>], vector<16xf32>,
            %gather3A_969 = tpu.vector_load_idx %arg20[%add3A_967] : memref<4096xf32, #tpu.memory_space<vmem>>[vector<16xi32>], vector<16xf32>,
            %gather3A_970 = tpu.vector_load_idx %arg21[%add3A_967] : memref<4096xf32, #tpu.memory_space<vmem>>[vector<16xi32>], vector<16xf32>,
            %sub3A_971 = arith.subf %get3A_297, %gather3A_968 : vector<16xf32>
            %sub3A_972 = arith.subf %get3A_299, %gather3A_969 : vector<16xf32>
            %sub3A_973 = arith.subf %get3A_301, %gather3A_970 : vector<16xf32>
            %mul3A_974 = arith.mulf %sub3A_971, %sub3A_971 : vector<16xf32>
            %mul3A_975 = arith.mulf %sub3A_972, %sub3A_972 : vector<16xf32>
            %add3A_976 = arith.addf %mul3A_974, %mul3A_975 : vector<16xf32>
            %mul3A_977 = arith.mulf %sub3A_973, %sub3A_973 : vector<16xf32>
            %add3A_978 = arith.addf %add3A_976, %mul3A_977 : vector<16xf32>
            %add3A_979 = arith.constant 1 : i32
            %add3A_980 = arith.addi %mul3A_940, %add3A_979 : i32
            %lt3A_981 = vector.broadcast %add3A_980 : i32 to vector<16xi32>
            %lt3A_982 = arith.cmpi slt, %lt3A_981, %scan3A_820 : vector<16xi32>
            %lt3A_983 = arith.cmpf olt, %add3A_978, %select_n3A_962 : vector<16xf32>
            %and3A_984 = arith.andi %lt3A_982, %lt3A_983 : vector<16xi1>
            %select_n3A_985 = arith.select %and3A_984, %add3A_978, %select_n3A_962 : vector<16xi1>, vector<16xf32>
            %select_n3A_986 = arith.select %and3A_984, %add3A_967, %select_n3A_963 : vector<16xi1>, vector<16xi32>
            %add3A_987 = arith.constant 0 : i32
            %add3A_988 = arith.addi %mul3A_940, %add3A_987 : i32
            %add3A_989 = vector.broadcast %add3A_988 : i32 to vector<16xi32>
            %add3A_990 = arith.addi %scan3A_821, %add3A_989 : vector<16xi32>
            %gather3A_991 = tpu.vector_load_idx %arg19[%add3A_990] : memref<4096xf32, #tpu.memory_space<vmem>>[vector<16xi32>], vector<16xf32>,
            %gather3A_992 = tpu.vector_load_idx %arg20[%add3A_990] : memref<4096xf32, #tpu.memory_space<vmem>>[vector<16xi32>], vector<16xf32>,
            %gather3A_993 = tpu.vector_load_idx %arg21[%add3A_990] : memref<4096xf32, #tpu.memory_space<vmem>>[vector<16xi32>], vector<16xf32>,
            %sub3A_994 = arith.subf %get3A_346, %gather3A_991 : vector<16xf32>
            %sub3A_995 = arith.subf %get3A_348, %gather3A_992 : vector<16xf32>
            %sub3A_996 = arith.subf %get3A_350, %gather3A_993 : vector<16xf32>
            %mul3A_997 = arith.mulf %sub3A_994, %sub3A_994 : vector<16xf32>
            %mul3A_998 = arith.mulf %sub3A_995, %sub3A_995 : vector<16xf32>
            %add3A_999 = arith.addf %mul3A_997, %mul3A_998 : vector<16xf32>
            %mul3A_1000 = arith.mulf %sub3A_996, %sub3A_996 : vector<16xf32>
            %add3A_1001 = arith.addf %add3A_999, %mul3A_1000 : vector<16xf32>
            %add3A_1002 = arith.constant 0 : i32
            %add3A_1003 = arith.addi %mul3A_940, %add3A_1002 : i32
            %lt3A_1004 = vector.broadcast %add3A_1003 : i32 to vector<16xi32>
            %lt3A_1005 = arith.cmpi slt, %lt3A_1004, %scan3A_822 : vector<16xi32>
            %lt3A_1006 = arith.cmpf olt, %add3A_1001, %while3A_937 : vector<16xf32>
            %and3A_1007 = arith.andi %lt3A_1005, %lt3A_1006 : vector<16xi1>
            %select_n3A_1008 = arith.select %and3A_1007, %add3A_1001, %while3A_937 : vector<16xi1>, vector<16xf32>
            %select_n3A_1009 = arith.select %and3A_1007, %add3A_990, %while3A_938 : vector<16xi1>, vector<16xi32>
            %add3A_1010 = arith.constant 1 : i32
            %add3A_1011 = arith.addi %mul3A_940, %add3A_1010 : i32
            %add3A_1012 = vector.broadcast %add3A_1011 : i32 to vector<16xi32>
            %add3A_1013 = arith.addi %scan3A_821, %add3A_1012 : vector<16xi32>
            %gather3A_1014 = tpu.vector_load_idx %arg19[%add3A_1013] : memref<4096xf32, #tpu.memory_space<vmem>>[vector<16xi32>], vector<16xf32>,
            %gather3A_1015 = tpu.vector_load_idx %arg20[%add3A_1013] : memref<4096xf32, #tpu.memory_space<vmem>>[vector<16xi32>], vector<16xf32>,
            %gather3A_1016 = tpu.vector_load_idx %arg21[%add3A_1013] : memref<4096xf32, #tpu.memory_space<vmem>>[vector<16xi32>], vector<16xf32>,
            %sub3A_1017 = arith.subf %get3A_346, %gather3A_1014 : vector<16xf32>
            %sub3A_1018 = arith.subf %get3A_348, %gather3A_1015 : vector<16xf32>
            %sub3A_1019 = arith.subf %get3A_350, %gather3A_1016 : vector<16xf32>
            %mul3A_1020 = arith.mulf %sub3A_1017, %sub3A_1017 : vector<16xf32>
            %mul3A_1021 = arith.mulf %sub3A_1018, %sub3A_1018 : vector<16xf32>
            %add3A_1022 = arith.addf %mul3A_1020, %mul3A_1021 : vector<16xf32>
            %mul3A_1023 = arith.mulf %sub3A_1019, %sub3A_1019 : vector<16xf32>
            %add3A_1024 = arith.addf %add3A_1022, %mul3A_1023 : vector<16xf32>
            %add3A_1025 = arith.constant 1 : i32
            %add3A_1026 = arith.addi %mul3A_940, %add3A_1025 : i32
            %lt3A_1027 = vector.broadcast %add3A_1026 : i32 to vector<16xi32>
            %lt3A_1028 = arith.cmpi slt, %lt3A_1027, %scan3A_822 : vector<16xi32>
            %lt3A_1029 = arith.cmpf olt, %add3A_1024, %select_n3A_1008 : vector<16xf32>
            %and3A_1030 = arith.andi %lt3A_1028, %lt3A_1029 : vector<16xi1>
            %select_n3A_1031 = arith.select %and3A_1030, %add3A_1024, %select_n3A_1008 : vector<16xi1>, vector<16xf32>
            %select_n3A_1032 = arith.select %and3A_1030, %add3A_1013, %select_n3A_1009 : vector<16xi1>, vector<16xi32>
            scf.yield %select_n3A_985, %select_n3A_986, %select_n3A_1031, %select_n3A_1032 : vector<16xf32>, vector<16xi32>, vector<16xf32>, vector<16xi32>
          }
          %while3A_932 = arith.constant 1 : i32
          %while3A_933:4 = scf.for %while3A_934 = %while3A_929 to %while3A_925 step %while3A_932 iter_args(%while3A_935 = %while3A_931#0, %while3A_936 = %while3A_931#1, %while3A_937 = %while3A_931#2, %while3A_938 = %while3A_931#3) -> (vector<16xf32>, vector<16xi32>, vector<16xf32>, vector<16xi32>)  : i32 {
            %mul3A_939 = arith.constant 2 : i32
            %mul3A_940 = arith.muli %while3A_934, %mul3A_939 : i32
            %add3A_941 = arith.constant 0 : i32
            %add3A_942 = arith.addi %mul3A_940, %add3A_941 : i32
            %add3A_943 = vector.broadcast %add3A_942 : i32 to vector<16xi32>
            %add3A_944 = arith.addi %scan3A_819, %add3A_943 : vector<16xi32>
            %gather3A_945 = tpu.vector_load_idx %arg19[%add3A_944] : memref<4096xf32, #tpu.memory_space<vmem>>[vector<16xi32>], vector<16xf32>,
            %gather3A_946 = tpu.vector_load_idx %arg20[%add3A_944] : memref<4096xf32, #tpu.memory_space<vmem>>[vector<16xi32>], vector<16xf32>,
            %gather3A_947 = tpu.vector_load_idx %arg21[%add3A_944] : memref<4096xf32, #tpu.memory_space<vmem>>[vector<16xi32>], vector<16xf32>,
            %sub3A_948 = arith.subf %get3A_297, %gather3A_945 : vector<16xf32>
            %sub3A_949 = arith.subf %get3A_299, %gather3A_946 : vector<16xf32>
            %sub3A_950 = arith.subf %get3A_301, %gather3A_947 : vector<16xf32>
            %mul3A_951 = arith.mulf %sub3A_948, %sub3A_948 : vector<16xf32>
            %mul3A_952 = arith.mulf %sub3A_949, %sub3A_949 : vector<16xf32>
            %add3A_953 = arith.addf %mul3A_951, %mul3A_952 : vector<16xf32>
            %mul3A_954 = arith.mulf %sub3A_950, %sub3A_950 : vector<16xf32>
            %add3A_955 = arith.addf %add3A_953, %mul3A_954 : vector<16xf32>
            %add3A_956 = arith.constant 0 : i32
            %add3A_957 = arith.addi %mul3A_940, %add3A_956 : i32
            %lt3A_958 = vector.broadcast %add3A_957 : i32 to vector<16xi32>
            %lt3A_959 = arith.cmpi slt, %lt3A_958, %scan3A_820 : vector<16xi32>
            %lt3A_960 = arith.cmpf olt, %add3A_955, %while3A_935 : vector<16xf32>
            %and3A_961 = arith.andi %lt3A_959, %lt3A_960 : vector<16xi1>
            %select_n3A_962 = arith.select %and3A_961, %add3A_955, %while3A_935 : vector<16xi1>, vector<16xf32>
            %select_n3A_963 = arith.select %and3A_961, %add3A_944, %while3A_936 : vector<16xi1>, vector<16xi32>
            %add3A_964 = arith.constant 1 : i32
            %add3A_965 = arith.addi %mul3A_940, %add3A_964 : i32
            %add3A_966 = vector.broadcast %add3A_965 : i32 to vector<16xi32>
            %add3A_967 = arith.addi %scan3A_819, %add3A_966 : vector<16xi32>
            %gather3A_968 = tpu.vector_load_idx %arg19[%add3A_967] : memref<4096xf32, #tpu.memory_space<vmem>>[vector<16xi32>], vector<16xf32>,
            %gather3A_969 = tpu.vector_load_idx %arg20[%add3A_967] : memref<4096xf32, #tpu.memory_space<vmem>>[vector<16xi32>], vector<16xf32>,
            %gather3A_970 = tpu.vector_load_idx %arg21[%add3A_967] : memref<4096xf32, #tpu.memory_space<vmem>>[vector<16xi32>], vector<16xf32>,
            %sub3A_971 = arith.subf %get3A_297, %gather3A_968 : vector<16xf32>
            %sub3A_972 = arith.subf %get3A_299, %gather3A_969 : vector<16xf32>
            %sub3A_973 = arith.subf %get3A_301, %gather3A_970 : vector<16xf32>
            %mul3A_974 = arith.mulf %sub3A_971, %sub3A_971 : vector<16xf32>
            %mul3A_975 = arith.mulf %sub3A_972, %sub3A_972 : vector<16xf32>
            %add3A_976 = arith.addf %mul3A_974, %mul3A_975 : vector<16xf32>
            %mul3A_977 = arith.mulf %sub3A_973, %sub3A_973 : vector<16xf32>
            %add3A_978 = arith.addf %add3A_976, %mul3A_977 : vector<16xf32>
            %add3A_979 = arith.constant 1 : i32
            %add3A_980 = arith.addi %mul3A_940, %add3A_979 : i32
            %lt3A_981 = vector.broadcast %add3A_980 : i32 to vector<16xi32>
            %lt3A_982 = arith.cmpi slt, %lt3A_981, %scan3A_820 : vector<16xi32>
            %lt3A_983 = arith.cmpf olt, %add3A_978, %select_n3A_962 : vector<16xf32>
            %and3A_984 = arith.andi %lt3A_982, %lt3A_983 : vector<16xi1>
            %select_n3A_985 = arith.select %and3A_984, %add3A_978, %select_n3A_962 : vector<16xi1>, vector<16xf32>
            %select_n3A_986 = arith.select %and3A_984, %add3A_967, %select_n3A_963 : vector<16xi1>, vector<16xi32>
            %add3A_987 = arith.constant 0 : i32
            %add3A_988 = arith.addi %mul3A_940, %add3A_987 : i32
            %add3A_989 = vector.broadcast %add3A_988 : i32 to vector<16xi32>
            %add3A_990 = arith.addi %scan3A_821, %add3A_989 : vector<16xi32>
            %gather3A_991 = tpu.vector_load_idx %arg19[%add3A_990] : memref<4096xf32, #tpu.memory_space<vmem>>[vector<16xi32>], vector<16xf32>,
            %gather3A_992 = tpu.vector_load_idx %arg20[%add3A_990] : memref<4096xf32, #tpu.memory_space<vmem>>[vector<16xi32>], vector<16xf32>,
            %gather3A_993 = tpu.vector_load_idx %arg21[%add3A_990] : memref<4096xf32, #tpu.memory_space<vmem>>[vector<16xi32>], vector<16xf32>,
            %sub3A_994 = arith.subf %get3A_346, %gather3A_991 : vector<16xf32>
            %sub3A_995 = arith.subf %get3A_348, %gather3A_992 : vector<16xf32>
            %sub3A_996 = arith.subf %get3A_350, %gather3A_993 : vector<16xf32>
            %mul3A_997 = arith.mulf %sub3A_994, %sub3A_994 : vector<16xf32>
            %mul3A_998 = arith.mulf %sub3A_995, %sub3A_995 : vector<16xf32>
            %add3A_999 = arith.addf %mul3A_997, %mul3A_998 : vector<16xf32>
            %mul3A_1000 = arith.mulf %sub3A_996, %sub3A_996 : vector<16xf32>
            %add3A_1001 = arith.addf %add3A_999, %mul3A_1000 : vector<16xf32>
            %add3A_1002 = arith.constant 0 : i32
            %add3A_1003 = arith.addi %mul3A_940, %add3A_1002 : i32
            %lt3A_1004 = vector.broadcast %add3A_1003 : i32 to vector<16xi32>
            %lt3A_1005 = arith.cmpi slt, %lt3A_1004, %scan3A_822 : vector<16xi32>
            %lt3A_1006 = arith.cmpf olt, %add3A_1001, %while3A_937 : vector<16xf32>
            %and3A_1007 = arith.andi %lt3A_1005, %lt3A_1006 : vector<16xi1>
            %select_n3A_1008 = arith.select %and3A_1007, %add3A_1001, %while3A_937 : vector<16xi1>, vector<16xf32>
            %select_n3A_1009 = arith.select %and3A_1007, %add3A_990, %while3A_938 : vector<16xi1>, vector<16xi32>
            %add3A_1010 = arith.constant 1 : i32
            %add3A_1011 = arith.addi %mul3A_940, %add3A_1010 : i32
            %add3A_1012 = vector.broadcast %add3A_1011 : i32 to vector<16xi32>
            %add3A_1013 = arith.addi %scan3A_821, %add3A_1012 : vector<16xi32>
            %gather3A_1014 = tpu.vector_load_idx %arg19[%add3A_1013] : memref<4096xf32, #tpu.memory_space<vmem>>[vector<16xi32>], vector<16xf32>,
            %gather3A_1015 = tpu.vector_load_idx %arg20[%add3A_1013] : memref<4096xf32, #tpu.memory_space<vmem>>[vector<16xi32>], vector<16xf32>,
            %gather3A_1016 = tpu.vector_load_idx %arg21[%add3A_1013] : memref<4096xf32, #tpu.memory_space<vmem>>[vector<16xi32>], vector<16xf32>,
            %sub3A_1017 = arith.subf %get3A_346, %gather3A_1014 : vector<16xf32>
            %sub3A_1018 = arith.subf %get3A_348, %gather3A_1015 : vector<16xf32>
            %sub3A_1019 = arith.subf %get3A_350, %gather3A_1016 : vector<16xf32>
            %mul3A_1020 = arith.mulf %sub3A_1017, %sub3A_1017 : vector<16xf32>
            %mul3A_1021 = arith.mulf %sub3A_1018, %sub3A_1018 : vector<16xf32>
            %add3A_1022 = arith.addf %mul3A_1020, %mul3A_1021 : vector<16xf32>
            %mul3A_1023 = arith.mulf %sub3A_1019, %sub3A_1019 : vector<16xf32>
            %add3A_1024 = arith.addf %add3A_1022, %mul3A_1023 : vector<16xf32>
            %add3A_1025 = arith.constant 1 : i32
            %add3A_1026 = arith.addi %mul3A_940, %add3A_1025 : i32
            %lt3A_1027 = vector.broadcast %add3A_1026 : i32 to vector<16xi32>
            %lt3A_1028 = arith.cmpi slt, %lt3A_1027, %scan3A_822 : vector<16xi32>
            %lt3A_1029 = arith.cmpf olt, %add3A_1024, %select_n3A_1008 : vector<16xf32>
            %and3A_1030 = arith.andi %lt3A_1028, %lt3A_1029 : vector<16xi1>
            %select_n3A_1031 = arith.select %and3A_1030, %add3A_1024, %select_n3A_1008 : vector<16xi1>, vector<16xf32>
            %select_n3A_1032 = arith.select %and3A_1030, %add3A_1013, %select_n3A_1009 : vector<16xi1>, vector<16xi32>
            scf.yield %select_n3A_985, %select_n3A_986, %select_n3A_1031, %select_n3A_1032 : vector<16xf32>, vector<16xi32>, vector<16xf32>, vector<16xi32>
          }
          scf.yield %while3A_933#0, %while3A_933#1, %while3A_933#2, %while3A_933#3, %gather3A_880, %sub3A_885, %gather3A_898, %sub3A_903, %max3A_920 : vector<16xf32>, vector<16xi32>, vector<16xf32>, vector<16xi32>, vector<16xi32>, vector<16xi32>, vector<16xi32>, vector<16xi32>, i32
        }
        %scan3A_813 = arith.constant 36 : i32
        scf.yield %scan3A_812#0, %scan3A_812#1, %scan3A_812#2, %scan3A_812#3 : vector<16xf32>, vector<16xi32>, vector<16xf32>, vector<16xi32>
      }
      %gather3A_591 = tpu.vector_load_idx %arg22[%cond3A_590#1] : memref<4096xi32, #tpu.memory_space<vmem>>[vector<16xi32>], vector<16xi32>,
      %gather3A_592 = tpu.vector_load_idx %arg22[%cond3A_590#3] : memref<4096xi32, #tpu.memory_space<vmem>>[vector<16xi32>], vector<16xi32>,
      %lt3A_593 = arith.constant 0.0244140625 : f32
      %lt3A_594 = vector.broadcast %lt3A_593 : f32 to vector<16xf32>
      %lt3A_595 = arith.cmpf olt, %cond3A_590#0, %lt3A_594 : vector<16xf32>
      %reduce_and3A_596 = arith.constant 1.000000e+00 : f32
      %reduce_and3A_597 = arith.constant 0.000000e+00 : f32
      %reduce_and3A_598 = vector.broadcast %reduce_and3A_596 : f32 to vector<16xf32>
      %reduce_and3A_599 = vector.broadcast %reduce_and3A_597 : f32 to vector<16xf32>
      %reduce_and3A_600 = arith.select %lt3A_595, %reduce_and3A_598, %reduce_and3A_599 : vector<16xi1>, vector<16xf32>
      %reduce_and3A_601 = arith.constant true
      %reduce_and3A_602 = vector.broadcast %reduce_and3A_601 : i1 to vector<16xi1>
      %reduce_and3A_603 = tpu.scan <min>, %reduce_and3A_600 masked %reduce_and3A_602 : vector<16xf32>, vector<16xi1> -> vector<16xf32>
      %reduce_and3A_604 = vector.extract %reduce_and3A_603[15] : f32 from vector<16xf32>
      %reduce_and3A_605 = arith.constant 0.000000e+00 : f32
      %reduce_and3A_606 = arith.cmpf ogt, %reduce_and3A_604, %reduce_and3A_605 : f32
      %lt3A_607 = arith.constant 0.0244140625 : f32
      %lt3A_608 = vector.broadcast %lt3A_607 : f32 to vector<16xf32>
      %lt3A_609 = arith.cmpf olt, %cond3A_590#2, %lt3A_608 : vector<16xf32>
      %reduce_and3A_610 = arith.constant 1.000000e+00 : f32
      %reduce_and3A_611 = arith.constant 0.000000e+00 : f32
      %reduce_and3A_612 = vector.broadcast %reduce_and3A_610 : f32 to vector<16xf32>
      %reduce_and3A_613 = vector.broadcast %reduce_and3A_611 : f32 to vector<16xf32>
      %reduce_and3A_614 = arith.select %lt3A_609, %reduce_and3A_612, %reduce_and3A_613 : vector<16xi1>, vector<16xf32>
      %reduce_and3A_615 = arith.constant true
      %reduce_and3A_616 = vector.broadcast %reduce_and3A_615 : i1 to vector<16xi1>
      %reduce_and3A_617 = tpu.scan <min>, %reduce_and3A_614 masked %reduce_and3A_616 : vector<16xf32>, vector<16xi1> -> vector<16xf32>
      %reduce_and3A_618 = vector.extract %reduce_and3A_617[15] : f32 from vector<16xf32>
      %reduce_and3A_619 = arith.constant 0.000000e+00 : f32
      %reduce_and3A_620 = arith.cmpf ogt, %reduce_and3A_618, %reduce_and3A_619 : f32
      %and3A_621 = arith.andi %reduce_and3A_606, %reduce_and3A_620 : i1
      %convert_element_type3A_622 = arith.extui %and3A_621 : i1 to i32
      %cond3A_623 = arith.constant 0 : i32
      %cond3A_624 = arith.cmpi ne, %convert_element_type3A_622, %cond3A_623 : i32
      %cond3A_625:4 = scf.if %cond3A_624 -> (vector<16xf32>, vector<16xi32>, vector<16xf32>, vector<16xi32>) {
        scf.yield %cond3A_590#0, %gather3A_591, %cond3A_590#2, %gather3A_592 : vector<16xf32>, vector<16xi32>, vector<16xf32>, vector<16xi32>
      } else {
        %broadcast_in_dim3A_653 = arith.constant 0 : i32
        %broadcast_in_dim3A_654 = vector.broadcast %broadcast_in_dim3A_653 : i32 to vector<16xi32>
        %broadcast_in_dim3A_655 = arith.constant 0x7F800000 : f32
        %broadcast_in_dim3A_656 = vector.broadcast %broadcast_in_dim3A_655 : f32 to vector<16xf32>
        %broadcast_in_dim3A_657 = arith.constant 0 : i32
        %broadcast_in_dim3A_658 = vector.broadcast %broadcast_in_dim3A_657 : i32 to vector<16xi32>
        %broadcast_in_dim3A_659 = arith.constant 0x7F800000 : f32
        %broadcast_in_dim3A_660 = vector.broadcast %broadcast_in_dim3A_659 : f32 to vector<16xf32>
        %broadcast_in_dim3A_661 = arith.constant 0 : i32
        %broadcast_in_dim3A_662 = vector.broadcast %broadcast_in_dim3A_661 : i32 to vector<16xi32>
        %scan3A_663 = arith.constant 0 : i32
        %scan3A_664 = arith.constant 4096 : i32
        %scan3A_665 = arith.addi %scan3A_663, %scan3A_664 : i32
        %scan3A_666 = arith.constant 1 : i32
        %scan3A_667:5 = scf.for %scan3A_669 = %scan3A_663 to %scan3A_665 step %scan3A_666 iter_args(%scan3A_670 = %broadcast_in_dim3A_654, %scan3A_671 = %broadcast_in_dim3A_656, %scan3A_672 = %broadcast_in_dim3A_658, %scan3A_673 = %broadcast_in_dim3A_660, %scan3A_674 = %broadcast_in_dim3A_662) -> (vector<16xi32>, vector<16xf32>, vector<16xi32>, vector<16xf32>, vector<16xi32>)  : i32 {
          %gather3A_675 = tpu.vector_load_idx %arg8[%scan3A_670] : memref<4096xf32, #tpu.memory_space<vmem>>[vector<16xi32>], vector<16xf32>,
          %gather3A_676 = tpu.vector_load_idx %arg9[%scan3A_670] : memref<4096xf32, #tpu.memory_space<vmem>>[vector<16xi32>], vector<16xf32>,
          %gather3A_677 = tpu.vector_load_idx %arg10[%scan3A_670] : memref<4096xf32, #tpu.memory_space<vmem>>[vector<16xi32>], vector<16xf32>,
          %sub3A_678 = arith.subf %get3A_297, %gather3A_675 : vector<16xf32>
          %sub3A_679 = arith.subf %get3A_299, %gather3A_676 : vector<16xf32>
          %sub3A_680 = arith.subf %get3A_301, %gather3A_677 : vector<16xf32>
          %mul3A_681 = arith.mulf %sub3A_678, %sub3A_678 : vector<16xf32>
          %mul3A_682 = arith.mulf %sub3A_679, %sub3A_679 : vector<16xf32>
          %add3A_683 = arith.addf %mul3A_681, %mul3A_682 : vector<16xf32>
          %mul3A_684 = arith.mulf %sub3A_680, %sub3A_680 : vector<16xf32>
          %add3A_685 = arith.addf %add3A_683, %mul3A_684 : vector<16xf32>
          %lt3A_686 = arith.cmpf olt, %add3A_685, %scan3A_671 : vector<16xf32>
          %select_n3A_687 = arith.select %lt3A_686, %add3A_685, %scan3A_671 : vector<16xi1>, vector<16xf32>
          %select_n3A_688 = arith.select %lt3A_686, %scan3A_670, %scan3A_672 : vector<16xi1>, vector<16xi32>
          %sub3A_689 = arith.subf %get3A_346, %gather3A_675 : vector<16xf32>
          %sub3A_690 = arith.subf %get3A_348, %gather3A_676 : vector<16xf32>
          %sub3A_691 = arith.subf %get3A_350, %gather3A_677 : vector<16xf32>
          %mul3A_692 = arith.mulf %sub3A_689, %sub3A_689 : vector<16xf32>
          %mul3A_693 = arith.mulf %sub3A_690, %sub3A_690 : vector<16xf32>
          %add3A_694 = arith.addf %mul3A_692, %mul3A_693 : vector<16xf32>
          %mul3A_695 = arith.mulf %sub3A_691, %sub3A_691 : vector<16xf32>
          %add3A_696 = arith.addf %add3A_694, %mul3A_695 : vector<16xf32>
          %lt3A_697 = arith.cmpf olt, %add3A_696, %scan3A_673 : vector<16xf32>
          %select_n3A_698 = arith.select %lt3A_697, %add3A_696, %scan3A_673 : vector<16xi1>, vector<16xf32>
          %select_n3A_699 = arith.select %lt3A_697, %scan3A_670, %scan3A_674 : vector<16xi1>, vector<16xi32>
          %add3A_700 = arith.constant 1 : i32
          %add3A_701 = vector.broadcast %add3A_700 : i32 to vector<16xi32>
          %add3A_702 = arith.addi %scan3A_670, %add3A_701 : vector<16xi32>
          scf.yield %add3A_702, %select_n3A_687, %select_n3A_688, %select_n3A_698, %select_n3A_699 : vector<16xi32>, vector<16xf32>, vector<16xi32>, vector<16xf32>, vector<16xi32>
        }
        %scan3A_668 = arith.constant 4096 : i32
        scf.yield %scan3A_667#1, %scan3A_667#2, %scan3A_667#3, %scan3A_667#4 : vector<16xf32>, vector<16xi32>, vector<16xf32>, vector<16xi32>
      }
      %mul3A_626 = arith.constant 32 : i32
      %mul3A_627 = arith.muli %scan3A_292, %mul3A_626 : i32
      %swap3A_628 = arith.index_cast %mul3A_627 : i32 to index
      %swap3A_629 = tpu.vector_load %arg27[%swap3A_628] {strides = array<i32>} : memref<512xf32, #tpu.memory_space<vmem>>, vector<16xf32>,
      tpu.vector_store %arg27[%swap3A_628], %cond3A_625#0 {strides = array<i32>} : memref<512xf32, #tpu.memory_space<vmem>>, vector<16xf32>,
      %swap3A_630 = arith.index_cast %mul3A_627 : i32 to index
      %swap3A_631 = tpu.vector_load %arg28[%swap3A_630] {strides = array<i32>} : memref<512xi32, #tpu.memory_space<vmem>>, vector<16xi32>,
      tpu.vector_store %arg28[%swap3A_630], %cond3A_625#1 {strides = array<i32>} : memref<512xi32, #tpu.memory_space<vmem>>, vector<16xi32>,
      %add3A_632 = arith.constant 16 : i32
      %add3A_633 = arith.addi %mul3A_627, %add3A_632 : i32
      %swap3A_634 = arith.index_cast %add3A_633 : i32 to index
      %swap3A_635 = tpu.vector_load %arg27[%swap3A_634] {strides = array<i32>} : memref<512xf32, #tpu.memory_space<vmem>>, vector<16xf32>,
      tpu.vector_store %arg27[%swap3A_634], %cond3A_625#2 {strides = array<i32>} : memref<512xf32, #tpu.memory_space<vmem>>, vector<16xf32>,
      %add3A_636 = arith.constant 16 : i32
      %add3A_637 = arith.addi %mul3A_627, %add3A_636 : i32
      %swap3A_638 = arith.index_cast %add3A_637 : i32 to index
      %swap3A_639 = tpu.vector_load %arg28[%swap3A_638] {strides = array<i32>} : memref<512xi32, #tpu.memory_space<vmem>>, vector<16xi32>,
      tpu.vector_store %arg28[%swap3A_638], %cond3A_625#3 {strides = array<i32>} : memref<512xi32, #tpu.memory_space<vmem>>, vector<16xi32>,
      %get3A_640 = arith.index_cast %add3A_296 : i32 to index
      %get3A_641 = tpu.vector_load %arg26[%get3A_640] {strides = array<i32>} : memref<4096xi32, #tpu.memory_space<vmem>>, vector<16xi32>,
      %swap3A_642 = arith.index_cast %mul3A_627 : i32 to index
      %swap3A_643 = tpu.vector_load %arg29[%swap3A_642] {strides = array<i32>} : memref<512xi32, #tpu.memory_space<vmem>>, vector<16xi32>,
      tpu.vector_store %arg29[%swap3A_642], %get3A_641 {strides = array<i32>} : memref<512xi32, #tpu.memory_space<vmem>>, vector<16xi32>,
      %add3A_644 = arith.constant 16 : i32
      %add3A_645 = arith.addi %add3A_296, %add3A_644 : i32
      %get3A_646 = arith.index_cast %add3A_645 : i32 to index
      %get3A_647 = tpu.vector_load %arg26[%get3A_646] {strides = array<i32>} : memref<4096xi32, #tpu.memory_space<vmem>>, vector<16xi32>,
      %add3A_648 = arith.constant 16 : i32
      %add3A_649 = arith.addi %mul3A_627, %add3A_648 : i32
      %swap3A_650 = arith.index_cast %add3A_649 : i32 to index
      %swap3A_651 = tpu.vector_load %arg29[%swap3A_650] {strides = array<i32>} : memref<512xi32, #tpu.memory_space<vmem>>, vector<16xi32>,
      tpu.vector_store %arg29[%swap3A_650], %get3A_647 {strides = array<i32>} : memref<512xi32, #tpu.memory_space<vmem>>, vector<16xi32>,
      %scan3A_652 = arith.constant 0 : i32
      scf.yield %scan3A_652 : i32
    }
    %scan3A_173 = arith.constant 16 : i32
    %scan3A_174 = arith.constant 0 : i32
    %scan3A_175 = arith.constant 0 : i32
    %scan3A_176 = arith.constant 8 : i32
    %scan3A_177 = arith.addi %scan3A_175, %scan3A_176 : i32
    %scan3A_178 = arith.constant 1 : i32
    %scan3A_179 = scf.for %scan3A_292 = %scan3A_175 to %scan3A_177 step %scan3A_178 iter_args(%scan3A_293 = %scan3A_174) -> (i32)  : i32 {
      %mul3A_294 = arith.constant 16 : i32
      %mul3A_295 = arith.muli %scan3A_292, %mul3A_294 : i32
      %add3A_296 = arith.constant 0 : i32
      %add3A_297 = arith.addi %add3A_296, %mul3A_295 : i32
      %get3A = arith.index_cast %add3A_297 : i32 to index
      %get3A_298 = tpu.vector_load %arg29[%get3A] {strides = array<i32>} : memref<512xi32, #tpu.memory_space<vmem>>, vector<16xi32>,
      %mul3A_299 = arith.constant 16 : i32
      %mul3A_300 = arith.muli %scan3A_292, %mul3A_299 : i32
      %swap3A_301 = arith.index_cast %mul3A_300 : i32 to index
      %swap3A_302 = tpu.vector_load %arg30[%swap3A_301] {strides = array<i32>} : memref<128xi32, #tpu.memory_space<vmem>>, vector<16xi32>,
      tpu.vector_store %arg30[%swap3A_301], %get3A_298 {strides = array<i32>} : memref<128xi32, #tpu.memory_space<vmem>>, vector<16xi32>,
      %scan3A_303 = arith.constant 0 : i32
      scf.yield %scan3A_303 : i32
    }
    %scan3A_180 = arith.constant 8 : i32
    %scan3A_181 = arith.constant 0 : i32
    %scan3A_182 = arith.constant 0 : i32
    %scan3A_183 = arith.constant 8 : i32
    %scan3A_184 = arith.addi %scan3A_182, %scan3A_183 : i32
    %scan3A_185 = arith.constant 1 : i32
    %scan3A_186 = scf.for %scan3A_292 = %scan3A_182 to %scan3A_184 step %scan3A_185 iter_args(%scan3A_293 = %scan3A_181) -> (i32)  : i32 {
      %mul3A_294 = arith.constant 16 : i32
      %mul3A_295 = arith.muli %scan3A_292, %mul3A_294 : i32
      %add3A_296 = arith.constant 128 : i32
      %add3A_297 = arith.addi %add3A_296, %mul3A_295 : i32
      %get3A = arith.index_cast %add3A_297 : i32 to index
      %get3A_298 = tpu.vector_load %arg29[%get3A] {strides = array<i32>} : memref<512xi32, #tpu.memory_space<vmem>>, vector<16xi32>,
      %mul3A_299 = arith.constant 16 : i32
      %mul3A_300 = arith.muli %scan3A_292, %mul3A_299 : i32
      %swap3A_301 = arith.index_cast %mul3A_300 : i32 to index
      %swap3A_302 = tpu.vector_load %arg31[%swap3A_301] {strides = array<i32>} : memref<128xi32, #tpu.memory_space<vmem>>, vector<16xi32>,
      tpu.vector_store %arg31[%swap3A_301], %get3A_298 {strides = array<i32>} : memref<128xi32, #tpu.memory_space<vmem>>, vector<16xi32>,
      %scan3A_303 = arith.constant 0 : i32
      scf.yield %scan3A_303 : i32
    }
    %scan3A_187 = arith.constant 8 : i32
    %scan3A_188 = arith.constant 0 : i32
    %scan3A_189 = arith.constant 0 : i32
    %scan3A_190 = arith.constant 8 : i32
    %scan3A_191 = arith.addi %scan3A_189, %scan3A_190 : i32
    %scan3A_192 = arith.constant 1 : i32
    %scan3A_193 = scf.for %scan3A_292 = %scan3A_189 to %scan3A_191 step %scan3A_192 iter_args(%scan3A_293 = %scan3A_188) -> (i32)  : i32 {
      %mul3A_294 = arith.constant 16 : i32
      %mul3A_295 = arith.muli %scan3A_292, %mul3A_294 : i32
      %add3A_296 = arith.constant 256 : i32
      %add3A_297 = arith.addi %add3A_296, %mul3A_295 : i32
      %get3A = arith.index_cast %add3A_297 : i32 to index
      %get3A_298 = tpu.vector_load %arg29[%get3A] {strides = array<i32>} : memref<512xi32, #tpu.memory_space<vmem>>, vector<16xi32>,
      %mul3A_299 = arith.constant 16 : i32
      %mul3A_300 = arith.muli %scan3A_292, %mul3A_299 : i32
      %swap3A_301 = arith.index_cast %mul3A_300 : i32 to index
      %swap3A_302 = tpu.vector_load %arg32[%swap3A_301] {strides = array<i32>} : memref<128xi32, #tpu.memory_space<vmem>>, vector<16xi32>,
      tpu.vector_store %arg32[%swap3A_301], %get3A_298 {strides = array<i32>} : memref<128xi32, #tpu.memory_space<vmem>>, vector<16xi32>,
      %scan3A_303 = arith.constant 0 : i32
      scf.yield %scan3A_303 : i32
    }
    %scan3A_194 = arith.constant 8 : i32
    %scan3A_195 = arith.constant 0 : i32
    %scan3A_196 = arith.constant 0 : i32
    %scan3A_197 = arith.constant 8 : i32
    %scan3A_198 = arith.addi %scan3A_196, %scan3A_197 : i32
    %scan3A_199 = arith.constant 1 : i32
    %scan3A_200 = scf.for %scan3A_292 = %scan3A_196 to %scan3A_198 step %scan3A_199 iter_args(%scan3A_293 = %scan3A_195) -> (i32)  : i32 {
      %mul3A_294 = arith.constant 16 : i32
      %mul3A_295 = arith.muli %scan3A_292, %mul3A_294 : i32
      %add3A_296 = arith.constant 384 : i32
      %add3A_297 = arith.addi %add3A_296, %mul3A_295 : i32
      %get3A = arith.index_cast %add3A_297 : i32 to index
      %get3A_298 = tpu.vector_load %arg29[%get3A] {strides = array<i32>} : memref<512xi32, #tpu.memory_space<vmem>>, vector<16xi32>,
      %mul3A_299 = arith.constant 16 : i32
      %mul3A_300 = arith.muli %scan3A_292, %mul3A_299 : i32
      %swap3A_301 = arith.index_cast %mul3A_300 : i32 to index
      %swap3A_302 = tpu.vector_load %arg33[%swap3A_301] {strides = array<i32>} : memref<128xi32, #tpu.memory_space<vmem>>, vector<16xi32>,
      tpu.vector_store %arg33[%swap3A_301], %get3A_298 {strides = array<i32>} : memref<128xi32, #tpu.memory_space<vmem>>, vector<16xi32>,
      %scan3A_303 = arith.constant 0 : i32
      scf.yield %scan3A_303 : i32
    }
    %scan3A_201 = arith.constant 8 : i32
    %eq3A_202 = arith.constant 0 : i32
    %eq3A_203 = arith.cmpi eq, %select_n3A_30, %eq3A_202 : i32
    %convert_element_type3A_204 = arith.extui %eq3A_203 : i1 to i32
    %cond3A_205 = arith.constant 0 : i32
    %cond3A_206 = arith.cmpi ne, %convert_element_type3A_204, %cond3A_205 : i32
    scf.if %cond3A_206 {
      "tpu.region"() ({
        %run_scoped3A = tpu.sem_alloc : memref<!tpu.dma_semaphore, #tpu.memory_space<semaphore_mem>>
        %dma_start3A = arith.constant 0 : i32
        %dma_start3A_292 = tpu.memref_slice %arg27[%dma_start3A] : memref<512xf32, #tpu.memory_space<vmem>> -> memref<128xf32, #tpu.memory_space<vmem>>
        %dma_start3A_293 = arith.constant 0 : i32
        %dma_start3A_294 = tpu.memref_slice %arg35[%dma_start3A_293] : memref<4096xf32, #tpu.memory_space<vmem_shared>> -> memref<4096xf32, #tpu.memory_space<vmem_shared>>
        tpu.enqueue_indirect_dma source(%dma_start3A_292 : memref<128xf32, #tpu.memory_space<vmem>>) target(%dma_start3A_294 : memref<4096xf32, #tpu.memory_space<vmem_shared>>) offsets(%arg30 : memref<128xi32, #tpu.memory_space<vmem>>) semaphore(%run_scoped3A : memref<!tpu.dma_semaphore, #tpu.memory_space<semaphore_mem>>)
        %dma_wait3A = arith.constant 0 : i32
        %dma_wait3A_295 = tpu.memref_slice %arg27[%dma_wait3A] : memref<512xf32, #tpu.memory_space<vmem>> -> memref<128xf32, #tpu.memory_space<vmem>>
        %dma_wait3A_296 = arith.constant 0 : i32
        %dma_wait3A_297 = tpu.memref_slice %arg35[%dma_wait3A_296] : memref<4096xf32, #tpu.memory_space<vmem_shared>> -> memref<4096xf32, #tpu.memory_space<vmem_shared>>
        tpu.wait_indirect_dma semaphore(%run_scoped3A : memref<!tpu.dma_semaphore, #tpu.memory_space<semaphore_mem>>) src(%dma_wait3A_295 : memref<128xf32, #tpu.memory_space<vmem>>) dst(%dma_wait3A_297 : memref<4096xf32, #tpu.memory_space<vmem_shared>>)
        tpu.yield
      }) : () -> ()
      "tpu.region"() ({
        %run_scoped3A = tpu.sem_alloc : memref<!tpu.dma_semaphore, #tpu.memory_space<semaphore_mem>>
        %dma_start3A = arith.constant 0 : i32
        %dma_start3A_292 = tpu.memref_slice %arg28[%dma_start3A] : memref<512xi32, #tpu.memory_space<vmem>> -> memref<128xi32, #tpu.memory_space<vmem>>
        %dma_start3A_293 = arith.constant 0 : i32
        %dma_start3A_294 = tpu.memref_slice %arg39[%dma_start3A_293] : memref<4096xi32, #tpu.memory_space<vmem_shared>> -> memref<4096xi32, #tpu.memory_space<vmem_shared>>
        tpu.enqueue_indirect_dma source(%dma_start3A_292 : memref<128xi32, #tpu.memory_space<vmem>>) target(%dma_start3A_294 : memref<4096xi32, #tpu.memory_space<vmem_shared>>) offsets(%arg30 : memref<128xi32, #tpu.memory_space<vmem>>) semaphore(%run_scoped3A : memref<!tpu.dma_semaphore, #tpu.memory_space<semaphore_mem>>)
        %dma_wait3A = arith.constant 0 : i32
        %dma_wait3A_295 = tpu.memref_slice %arg28[%dma_wait3A] : memref<512xi32, #tpu.memory_space<vmem>> -> memref<128xi32, #tpu.memory_space<vmem>>
        %dma_wait3A_296 = arith.constant 0 : i32
        %dma_wait3A_297 = tpu.memref_slice %arg39[%dma_wait3A_296] : memref<4096xi32, #tpu.memory_space<vmem_shared>> -> memref<4096xi32, #tpu.memory_space<vmem_shared>>
        tpu.wait_indirect_dma semaphore(%run_scoped3A : memref<!tpu.dma_semaphore, #tpu.memory_space<semaphore_mem>>) src(%dma_wait3A_295 : memref<128xi32, #tpu.memory_space<vmem>>) dst(%dma_wait3A_297 : memref<4096xi32, #tpu.memory_space<vmem_shared>>)
        tpu.yield
      }) : () -> ()
      "tpu.region"() ({
        %run_scoped3A = tpu.sem_alloc : memref<!tpu.dma_semaphore, #tpu.memory_space<semaphore_mem>>
        %dma_start3A = arith.constant 128 : i32
        %dma_start3A_292 = tpu.memref_slice %arg27[%dma_start3A] : memref<512xf32, #tpu.memory_space<vmem>> -> memref<128xf32, #tpu.memory_space<vmem>>
        %dma_start3A_293 = arith.constant 0 : i32
        %dma_start3A_294 = tpu.memref_slice %arg35[%dma_start3A_293] : memref<4096xf32, #tpu.memory_space<vmem_shared>> -> memref<4096xf32, #tpu.memory_space<vmem_shared>>
        tpu.enqueue_indirect_dma source(%dma_start3A_292 : memref<128xf32, #tpu.memory_space<vmem>>) target(%dma_start3A_294 : memref<4096xf32, #tpu.memory_space<vmem_shared>>) offsets(%arg31 : memref<128xi32, #tpu.memory_space<vmem>>) semaphore(%run_scoped3A : memref<!tpu.dma_semaphore, #tpu.memory_space<semaphore_mem>>)
        %dma_wait3A = arith.constant 128 : i32
        %dma_wait3A_295 = tpu.memref_slice %arg27[%dma_wait3A] : memref<512xf32, #tpu.memory_space<vmem>> -> memref<128xf32, #tpu.memory_space<vmem>>
        %dma_wait3A_296 = arith.constant 0 : i32
        %dma_wait3A_297 = tpu.memref_slice %arg35[%dma_wait3A_296] : memref<4096xf32, #tpu.memory_space<vmem_shared>> -> memref<4096xf32, #tpu.memory_space<vmem_shared>>
        tpu.wait_indirect_dma semaphore(%run_scoped3A : memref<!tpu.dma_semaphore, #tpu.memory_space<semaphore_mem>>) src(%dma_wait3A_295 : memref<128xf32, #tpu.memory_space<vmem>>) dst(%dma_wait3A_297 : memref<4096xf32, #tpu.memory_space<vmem_shared>>)
        tpu.yield
      }) : () -> ()
      "tpu.region"() ({
        %run_scoped3A = tpu.sem_alloc : memref<!tpu.dma_semaphore, #tpu.memory_space<semaphore_mem>>
        %dma_start3A = arith.constant 128 : i32
        %dma_start3A_292 = tpu.memref_slice %arg28[%dma_start3A] : memref<512xi32, #tpu.memory_space<vmem>> -> memref<128xi32, #tpu.memory_space<vmem>>
        %dma_start3A_293 = arith.constant 0 : i32
        %dma_start3A_294 = tpu.memref_slice %arg39[%dma_start3A_293] : memref<4096xi32, #tpu.memory_space<vmem_shared>> -> memref<4096xi32, #tpu.memory_space<vmem_shared>>
        tpu.enqueue_indirect_dma source(%dma_start3A_292 : memref<128xi32, #tpu.memory_space<vmem>>) target(%dma_start3A_294 : memref<4096xi32, #tpu.memory_space<vmem_shared>>) offsets(%arg31 : memref<128xi32, #tpu.memory_space<vmem>>) semaphore(%run_scoped3A : memref<!tpu.dma_semaphore, #tpu.memory_space<semaphore_mem>>)
        %dma_wait3A = arith.constant 128 : i32
        %dma_wait3A_295 = tpu.memref_slice %arg28[%dma_wait3A] : memref<512xi32, #tpu.memory_space<vmem>> -> memref<128xi32, #tpu.memory_space<vmem>>
        %dma_wait3A_296 = arith.constant 0 : i32
        %dma_wait3A_297 = tpu.memref_slice %arg39[%dma_wait3A_296] : memref<4096xi32, #tpu.memory_space<vmem_shared>> -> memref<4096xi32, #tpu.memory_space<vmem_shared>>
        tpu.wait_indirect_dma semaphore(%run_scoped3A : memref<!tpu.dma_semaphore, #tpu.memory_space<semaphore_mem>>) src(%dma_wait3A_295 : memref<128xi32, #tpu.memory_space<vmem>>) dst(%dma_wait3A_297 : memref<4096xi32, #tpu.memory_space<vmem_shared>>)
        tpu.yield
      }) : () -> ()
      "tpu.region"() ({
        %run_scoped3A = tpu.sem_alloc : memref<!tpu.dma_semaphore, #tpu.memory_space<semaphore_mem>>
        %dma_start3A = arith.constant 256 : i32
        %dma_start3A_292 = tpu.memref_slice %arg27[%dma_start3A] : memref<512xf32, #tpu.memory_space<vmem>> -> memref<128xf32, #tpu.memory_space<vmem>>
        %dma_start3A_293 = arith.constant 0 : i32
        %dma_start3A_294 = tpu.memref_slice %arg35[%dma_start3A_293] : memref<4096xf32, #tpu.memory_space<vmem_shared>> -> memref<4096xf32, #tpu.memory_space<vmem_shared>>
        tpu.enqueue_indirect_dma source(%dma_start3A_292 : memref<128xf32, #tpu.memory_space<vmem>>) target(%dma_start3A_294 : memref<4096xf32, #tpu.memory_space<vmem_shared>>) offsets(%arg32 : memref<128xi32, #tpu.memory_space<vmem>>) semaphore(%run_scoped3A : memref<!tpu.dma_semaphore, #tpu.memory_space<semaphore_mem>>)
        %dma_wait3A = arith.constant 256 : i32
        %dma_wait3A_295 = tpu.memref_slice %arg27[%dma_wait3A] : memref<512xf32, #tpu.memory_space<vmem>> -> memref<128xf32, #tpu.memory_space<vmem>>
        %dma_wait3A_296 = arith.constant 0 : i32
        %dma_wait3A_297 = tpu.memref_slice %arg35[%dma_wait3A_296] : memref<4096xf32, #tpu.memory_space<vmem_shared>> -> memref<4096xf32, #tpu.memory_space<vmem_shared>>
        tpu.wait_indirect_dma semaphore(%run_scoped3A : memref<!tpu.dma_semaphore, #tpu.memory_space<semaphore_mem>>) src(%dma_wait3A_295 : memref<128xf32, #tpu.memory_space<vmem>>) dst(%dma_wait3A_297 : memref<4096xf32, #tpu.memory_space<vmem_shared>>)
        tpu.yield
      }) : () -> ()
      "tpu.region"() ({
        %run_scoped3A = tpu.sem_alloc : memref<!tpu.dma_semaphore, #tpu.memory_space<semaphore_mem>>
        %dma_start3A = arith.constant 256 : i32
        %dma_start3A_292 = tpu.memref_slice %arg28[%dma_start3A] : memref<512xi32, #tpu.memory_space<vmem>> -> memref<128xi32, #tpu.memory_space<vmem>>
        %dma_start3A_293 = arith.constant 0 : i32
        %dma_start3A_294 = tpu.memref_slice %arg39[%dma_start3A_293] : memref<4096xi32, #tpu.memory_space<vmem_shared>> -> memref<4096xi32, #tpu.memory_space<vmem_shared>>
        tpu.enqueue_indirect_dma source(%dma_start3A_292 : memref<128xi32, #tpu.memory_space<vmem>>) target(%dma_start3A_294 : memref<4096xi32, #tpu.memory_space<vmem_shared>>) offsets(%arg32 : memref<128xi32, #tpu.memory_space<vmem>>) semaphore(%run_scoped3A : memref<!tpu.dma_semaphore, #tpu.memory_space<semaphore_mem>>)
        %dma_wait3A = arith.constant 256 : i32
        %dma_wait3A_295 = tpu.memref_slice %arg28[%dma_wait3A] : memref<512xi32, #tpu.memory_space<vmem>> -> memref<128xi32, #tpu.memory_space<vmem>>
        %dma_wait3A_296 = arith.constant 0 : i32
        %dma_wait3A_297 = tpu.memref_slice %arg39[%dma_wait3A_296] : memref<4096xi32, #tpu.memory_space<vmem_shared>> -> memref<4096xi32, #tpu.memory_space<vmem_shared>>
        tpu.wait_indirect_dma semaphore(%run_scoped3A : memref<!tpu.dma_semaphore, #tpu.memory_space<semaphore_mem>>) src(%dma_wait3A_295 : memref<128xi32, #tpu.memory_space<vmem>>) dst(%dma_wait3A_297 : memref<4096xi32, #tpu.memory_space<vmem_shared>>)
        tpu.yield
      }) : () -> ()
      "tpu.region"() ({
        %run_scoped3A = tpu.sem_alloc : memref<!tpu.dma_semaphore, #tpu.memory_space<semaphore_mem>>
        %dma_start3A = arith.constant 384 : i32
        %dma_start3A_292 = tpu.memref_slice %arg27[%dma_start3A] : memref<512xf32, #tpu.memory_space<vmem>> -> memref<128xf32, #tpu.memory_space<vmem>>
        %dma_start3A_293 = arith.constant 0 : i32
        %dma_start3A_294 = tpu.memref_slice %arg35[%dma_start3A_293] : memref<4096xf32, #tpu.memory_space<vmem_shared>> -> memref<4096xf32, #tpu.memory_space<vmem_shared>>
        tpu.enqueue_indirect_dma source(%dma_start3A_292 : memref<128xf32, #tpu.memory_space<vmem>>) target(%dma_start3A_294 : memref<4096xf32, #tpu.memory_space<vmem_shared>>) offsets(%arg33 : memref<128xi32, #tpu.memory_space<vmem>>) semaphore(%run_scoped3A : memref<!tpu.dma_semaphore, #tpu.memory_space<semaphore_mem>>)
        %dma_wait3A = arith.constant 384 : i32
        %dma_wait3A_295 = tpu.memref_slice %arg27[%dma_wait3A] : memref<512xf32, #tpu.memory_space<vmem>> -> memref<128xf32, #tpu.memory_space<vmem>>
        %dma_wait3A_296 = arith.constant 0 : i32
        %dma_wait3A_297 = tpu.memref_slice %arg35[%dma_wait3A_296] : memref<4096xf32, #tpu.memory_space<vmem_shared>> -> memref<4096xf32, #tpu.memory_space<vmem_shared>>
        tpu.wait_indirect_dma semaphore(%run_scoped3A : memref<!tpu.dma_semaphore, #tpu.memory_space<semaphore_mem>>) src(%dma_wait3A_295 : memref<128xf32, #tpu.memory_space<vmem>>) dst(%dma_wait3A_297 : memref<4096xf32, #tpu.memory_space<vmem_shared>>)
        tpu.yield
      }) : () -> ()
      "tpu.region"() ({
        %run_scoped3A = tpu.sem_alloc : memref<!tpu.dma_semaphore, #tpu.memory_space<semaphore_mem>>
        %dma_start3A = arith.constant 384 : i32
        %dma_start3A_292 = tpu.memref_slice %arg28[%dma_start3A] : memref<512xi32, #tpu.memory_space<vmem>> -> memref<128xi32, #tpu.memory_space<vmem>>
        %dma_start3A_293 = arith.constant 0 : i32
        %dma_start3A_294 = tpu.memref_slice %arg39[%dma_start3A_293] : memref<4096xi32, #tpu.memory_space<vmem_shared>> -> memref<4096xi32, #tpu.memory_space<vmem_shared>>
        tpu.enqueue_indirect_dma source(%dma_start3A_292 : memref<128xi32, #tpu.memory_space<vmem>>) target(%dma_start3A_294 : memref<4096xi32, #tpu.memory_space<vmem_shared>>) offsets(%arg33 : memref<128xi32, #tpu.memory_space<vmem>>) semaphore(%run_scoped3A : memref<!tpu.dma_semaphore, #tpu.memory_space<semaphore_mem>>)
        %dma_wait3A = arith.constant 384 : i32
        %dma_wait3A_295 = tpu.memref_slice %arg28[%dma_wait3A] : memref<512xi32, #tpu.memory_space<vmem>> -> memref<128xi32, #tpu.memory_space<vmem>>
        %dma_wait3A_296 = arith.constant 0 : i32
        %dma_wait3A_297 = tpu.memref_slice %arg39[%dma_wait3A_296] : memref<4096xi32, #tpu.memory_space<vmem_shared>> -> memref<4096xi32, #tpu.memory_space<vmem_shared>>
        tpu.wait_indirect_dma semaphore(%run_scoped3A : memref<!tpu.dma_semaphore, #tpu.memory_space<semaphore_mem>>) src(%dma_wait3A_295 : memref<128xi32, #tpu.memory_space<vmem>>) dst(%dma_wait3A_297 : memref<4096xi32, #tpu.memory_space<vmem_shared>>)
        tpu.yield
      }) : () -> ()
    } else {
    }
    %eq3A_207 = arith.constant 1 : i32
    %eq3A_208 = arith.cmpi eq, %select_n3A_30, %eq3A_207 : i32
    %convert_element_type3A_209 = arith.extui %eq3A_208 : i1 to i32
    %cond3A_210 = arith.constant 0 : i32
    %cond3A_211 = arith.cmpi ne, %convert_element_type3A_209, %cond3A_210 : i32
    scf.if %cond3A_211 {
      "tpu.region"() ({
        %run_scoped3A = tpu.sem_alloc : memref<!tpu.dma_semaphore, #tpu.memory_space<semaphore_mem>>
        %dma_start3A = arith.constant 0 : i32
        %dma_start3A_292 = tpu.memref_slice %arg27[%dma_start3A] : memref<512xf32, #tpu.memory_space<vmem>> -> memref<128xf32, #tpu.memory_space<vmem>>
        %dma_start3A_293 = arith.constant 0 : i32
        %dma_start3A_294 = tpu.memref_slice %arg37[%dma_start3A_293] : memref<4096xf32, #tpu.memory_space<vmem_shared>> -> memref<4096xf32, #tpu.memory_space<vmem_shared>>
        tpu.enqueue_indirect_dma source(%dma_start3A_292 : memref<128xf32, #tpu.memory_space<vmem>>) target(%dma_start3A_294 : memref<4096xf32, #tpu.memory_space<vmem_shared>>) offsets(%arg30 : memref<128xi32, #tpu.memory_space<vmem>>) semaphore(%run_scoped3A : memref<!tpu.dma_semaphore, #tpu.memory_space<semaphore_mem>>)
        %dma_wait3A = arith.constant 0 : i32
        %dma_wait3A_295 = tpu.memref_slice %arg27[%dma_wait3A] : memref<512xf32, #tpu.memory_space<vmem>> -> memref<128xf32, #tpu.memory_space<vmem>>
        %dma_wait3A_296 = arith.constant 0 : i32
        %dma_wait3A_297 = tpu.memref_slice %arg37[%dma_wait3A_296] : memref<4096xf32, #tpu.memory_space<vmem_shared>> -> memref<4096xf32, #tpu.memory_space<vmem_shared>>
        tpu.wait_indirect_dma semaphore(%run_scoped3A : memref<!tpu.dma_semaphore, #tpu.memory_space<semaphore_mem>>) src(%dma_wait3A_295 : memref<128xf32, #tpu.memory_space<vmem>>) dst(%dma_wait3A_297 : memref<4096xf32, #tpu.memory_space<vmem_shared>>)
        tpu.yield
      }) : () -> ()
      "tpu.region"() ({
        %run_scoped3A = tpu.sem_alloc : memref<!tpu.dma_semaphore, #tpu.memory_space<semaphore_mem>>
        %dma_start3A = arith.constant 0 : i32
        %dma_start3A_292 = tpu.memref_slice %arg28[%dma_start3A] : memref<512xi32, #tpu.memory_space<vmem>> -> memref<128xi32, #tpu.memory_space<vmem>>
        %dma_start3A_293 = arith.constant 0 : i32
        %dma_start3A_294 = tpu.memref_slice %arg41[%dma_start3A_293] : memref<4096xi32, #tpu.memory_space<vmem_shared>> -> memref<4096xi32, #tpu.memory_space<vmem_shared>>
        tpu.enqueue_indirect_dma source(%dma_start3A_292 : memref<128xi32, #tpu.memory_space<vmem>>) target(%dma_start3A_294 : memref<4096xi32, #tpu.memory_space<vmem_shared>>) offsets(%arg30 : memref<128xi32, #tpu.memory_space<vmem>>) semaphore(%run_scoped3A : memref<!tpu.dma_semaphore, #tpu.memory_space<semaphore_mem>>)
        %dma_wait3A = arith.constant 0 : i32
        %dma_wait3A_295 = tpu.memref_slice %arg28[%dma_wait3A] : memref<512xi32, #tpu.memory_space<vmem>> -> memref<128xi32, #tpu.memory_space<vmem>>
        %dma_wait3A_296 = arith.constant 0 : i32
        %dma_wait3A_297 = tpu.memref_slice %arg41[%dma_wait3A_296] : memref<4096xi32, #tpu.memory_space<vmem_shared>> -> memref<4096xi32, #tpu.memory_space<vmem_shared>>
        tpu.wait_indirect_dma semaphore(%run_scoped3A : memref<!tpu.dma_semaphore, #tpu.memory_space<semaphore_mem>>) src(%dma_wait3A_295 : memref<128xi32, #tpu.memory_space<vmem>>) dst(%dma_wait3A_297 : memref<4096xi32, #tpu.memory_space<vmem_shared>>)
        tpu.yield
      }) : () -> ()
      "tpu.region"() ({
        %run_scoped3A = tpu.sem_alloc : memref<!tpu.dma_semaphore, #tpu.memory_space<semaphore_mem>>
        %dma_start3A = arith.constant 128 : i32
        %dma_start3A_292 = tpu.memref_slice %arg27[%dma_start3A] : memref<512xf32, #tpu.memory_space<vmem>> -> memref<128xf32, #tpu.memory_space<vmem>>
        %dma_start3A_293 = arith.constant 0 : i32
        %dma_start3A_294 = tpu.memref_slice %arg37[%dma_start3A_293] : memref<4096xf32, #tpu.memory_space<vmem_shared>> -> memref<4096xf32, #tpu.memory_space<vmem_shared>>
        tpu.enqueue_indirect_dma source(%dma_start3A_292 : memref<128xf32, #tpu.memory_space<vmem>>) target(%dma_start3A_294 : memref<4096xf32, #tpu.memory_space<vmem_shared>>) offsets(%arg31 : memref<128xi32, #tpu.memory_space<vmem>>) semaphore(%run_scoped3A : memref<!tpu.dma_semaphore, #tpu.memory_space<semaphore_mem>>)
        %dma_wait3A = arith.constant 128 : i32
        %dma_wait3A_295 = tpu.memref_slice %arg27[%dma_wait3A] : memref<512xf32, #tpu.memory_space<vmem>> -> memref<128xf32, #tpu.memory_space<vmem>>
        %dma_wait3A_296 = arith.constant 0 : i32
        %dma_wait3A_297 = tpu.memref_slice %arg37[%dma_wait3A_296] : memref<4096xf32, #tpu.memory_space<vmem_shared>> -> memref<4096xf32, #tpu.memory_space<vmem_shared>>
        tpu.wait_indirect_dma semaphore(%run_scoped3A : memref<!tpu.dma_semaphore, #tpu.memory_space<semaphore_mem>>) src(%dma_wait3A_295 : memref<128xf32, #tpu.memory_space<vmem>>) dst(%dma_wait3A_297 : memref<4096xf32, #tpu.memory_space<vmem_shared>>)
        tpu.yield
      }) : () -> ()
      "tpu.region"() ({
        %run_scoped3A = tpu.sem_alloc : memref<!tpu.dma_semaphore, #tpu.memory_space<semaphore_mem>>
        %dma_start3A = arith.constant 128 : i32
        %dma_start3A_292 = tpu.memref_slice %arg28[%dma_start3A] : memref<512xi32, #tpu.memory_space<vmem>> -> memref<128xi32, #tpu.memory_space<vmem>>
        %dma_start3A_293 = arith.constant 0 : i32
        %dma_start3A_294 = tpu.memref_slice %arg41[%dma_start3A_293] : memref<4096xi32, #tpu.memory_space<vmem_shared>> -> memref<4096xi32, #tpu.memory_space<vmem_shared>>
        tpu.enqueue_indirect_dma source(%dma_start3A_292 : memref<128xi32, #tpu.memory_space<vmem>>) target(%dma_start3A_294 : memref<4096xi32, #tpu.memory_space<vmem_shared>>) offsets(%arg31 : memref<128xi32, #tpu.memory_space<vmem>>) semaphore(%run_scoped3A : memref<!tpu.dma_semaphore, #tpu.memory_space<semaphore_mem>>)
        %dma_wait3A = arith.constant 128 : i32
        %dma_wait3A_295 = tpu.memref_slice %arg28[%dma_wait3A] : memref<512xi32, #tpu.memory_space<vmem>> -> memref<128xi32, #tpu.memory_space<vmem>>
        %dma_wait3A_296 = arith.constant 0 : i32
        %dma_wait3A_297 = tpu.memref_slice %arg41[%dma_wait3A_296] : memref<4096xi32, #tpu.memory_space<vmem_shared>> -> memref<4096xi32, #tpu.memory_space<vmem_shared>>
        tpu.wait_indirect_dma semaphore(%run_scoped3A : memref<!tpu.dma_semaphore, #tpu.memory_space<semaphore_mem>>) src(%dma_wait3A_295 : memref<128xi32, #tpu.memory_space<vmem>>) dst(%dma_wait3A_297 : memref<4096xi32, #tpu.memory_space<vmem_shared>>)
        tpu.yield
      }) : () -> ()
      "tpu.region"() ({
        %run_scoped3A = tpu.sem_alloc : memref<!tpu.dma_semaphore, #tpu.memory_space<semaphore_mem>>
        %dma_start3A = arith.constant 256 : i32
        %dma_start3A_292 = tpu.memref_slice %arg27[%dma_start3A] : memref<512xf32, #tpu.memory_space<vmem>> -> memref<128xf32, #tpu.memory_space<vmem>>
        %dma_start3A_293 = arith.constant 0 : i32
        %dma_start3A_294 = tpu.memref_slice %arg37[%dma_start3A_293] : memref<4096xf32, #tpu.memory_space<vmem_shared>> -> memref<4096xf32, #tpu.memory_space<vmem_shared>>
        tpu.enqueue_indirect_dma source(%dma_start3A_292 : memref<128xf32, #tpu.memory_space<vmem>>) target(%dma_start3A_294 : memref<4096xf32, #tpu.memory_space<vmem_shared>>) offsets(%arg32 : memref<128xi32, #tpu.memory_space<vmem>>) semaphore(%run_scoped3A : memref<!tpu.dma_semaphore, #tpu.memory_space<semaphore_mem>>)
        %dma_wait3A = arith.constant 256 : i32
        %dma_wait3A_295 = tpu.memref_slice %arg27[%dma_wait3A] : memref<512xf32, #tpu.memory_space<vmem>> -> memref<128xf32, #tpu.memory_space<vmem>>
        %dma_wait3A_296 = arith.constant 0 : i32
        %dma_wait3A_297 = tpu.memref_slice %arg37[%dma_wait3A_296] : memref<4096xf32, #tpu.memory_space<vmem_shared>> -> memref<4096xf32, #tpu.memory_space<vmem_shared>>
        tpu.wait_indirect_dma semaphore(%run_scoped3A : memref<!tpu.dma_semaphore, #tpu.memory_space<semaphore_mem>>) src(%dma_wait3A_295 : memref<128xf32, #tpu.memory_space<vmem>>) dst(%dma_wait3A_297 : memref<4096xf32, #tpu.memory_space<vmem_shared>>)
        tpu.yield
      }) : () -> ()
      "tpu.region"() ({
        %run_scoped3A = tpu.sem_alloc : memref<!tpu.dma_semaphore, #tpu.memory_space<semaphore_mem>>
        %dma_start3A = arith.constant 256 : i32
        %dma_start3A_292 = tpu.memref_slice %arg28[%dma_start3A] : memref<512xi32, #tpu.memory_space<vmem>> -> memref<128xi32, #tpu.memory_space<vmem>>
        %dma_start3A_293 = arith.constant 0 : i32
        %dma_start3A_294 = tpu.memref_slice %arg41[%dma_start3A_293] : memref<4096xi32, #tpu.memory_space<vmem_shared>> -> memref<4096xi32, #tpu.memory_space<vmem_shared>>
        tpu.enqueue_indirect_dma source(%dma_start3A_292 : memref<128xi32, #tpu.memory_space<vmem>>) target(%dma_start3A_294 : memref<4096xi32, #tpu.memory_space<vmem_shared>>) offsets(%arg32 : memref<128xi32, #tpu.memory_space<vmem>>) semaphore(%run_scoped3A : memref<!tpu.dma_semaphore, #tpu.memory_space<semaphore_mem>>)
        %dma_wait3A = arith.constant 256 : i32
        %dma_wait3A_295 = tpu.memref_slice %arg28[%dma_wait3A] : memref<512xi32, #tpu.memory_space<vmem>> -> memref<128xi32, #tpu.memory_space<vmem>>
        %dma_wait3A_296 = arith.constant 0 : i32
        %dma_wait3A_297 = tpu.memref_slice %arg41[%dma_wait3A_296] : memref<4096xi32, #tpu.memory_space<vmem_shared>> -> memref<4096xi32, #tpu.memory_space<vmem_shared>>
        tpu.wait_indirect_dma semaphore(%run_scoped3A : memref<!tpu.dma_semaphore, #tpu.memory_space<semaphore_mem>>) src(%dma_wait3A_295 : memref<128xi32, #tpu.memory_space<vmem>>) dst(%dma_wait3A_297 : memref<4096xi32, #tpu.memory_space<vmem_shared>>)
        tpu.yield
      }) : () -> ()
      "tpu.region"() ({
        %run_scoped3A = tpu.sem_alloc : memref<!tpu.dma_semaphore, #tpu.memory_space<semaphore_mem>>
        %dma_start3A = arith.constant 384 : i32
        %dma_start3A_292 = tpu.memref_slice %arg27[%dma_start3A] : memref<512xf32, #tpu.memory_space<vmem>> -> memref<128xf32, #tpu.memory_space<vmem>>
        %dma_start3A_293 = arith.constant 0 : i32
        %dma_start3A_294 = tpu.memref_slice %arg37[%dma_start3A_293] : memref<4096xf32, #tpu.memory_space<vmem_shared>> -> memref<4096xf32, #tpu.memory_space<vmem_shared>>
        tpu.enqueue_indirect_dma source(%dma_start3A_292 : memref<128xf32, #tpu.memory_space<vmem>>) target(%dma_start3A_294 : memref<4096xf32, #tpu.memory_space<vmem_shared>>) offsets(%arg33 : memref<128xi32, #tpu.memory_space<vmem>>) semaphore(%run_scoped3A : memref<!tpu.dma_semaphore, #tpu.memory_space<semaphore_mem>>)
        %dma_wait3A = arith.constant 384 : i32
        %dma_wait3A_295 = tpu.memref_slice %arg27[%dma_wait3A] : memref<512xf32, #tpu.memory_space<vmem>> -> memref<128xf32, #tpu.memory_space<vmem>>
        %dma_wait3A_296 = arith.constant 0 : i32
        %dma_wait3A_297 = tpu.memref_slice %arg37[%dma_wait3A_296] : memref<4096xf32, #tpu.memory_space<vmem_shared>> -> memref<4096xf32, #tpu.memory_space<vmem_shared>>
        tpu.wait_indirect_dma semaphore(%run_scoped3A : memref<!tpu.dma_semaphore, #tpu.memory_space<semaphore_mem>>) src(%dma_wait3A_295 : memref<128xf32, #tpu.memory_space<vmem>>) dst(%dma_wait3A_297 : memref<4096xf32, #tpu.memory_space<vmem_shared>>)
        tpu.yield
      }) : () -> ()
      "tpu.region"() ({
        %run_scoped3A = tpu.sem_alloc : memref<!tpu.dma_semaphore, #tpu.memory_space<semaphore_mem>>
        %dma_start3A = arith.constant 384 : i32
        %dma_start3A_292 = tpu.memref_slice %arg28[%dma_start3A] : memref<512xi32, #tpu.memory_space<vmem>> -> memref<128xi32, #tpu.memory_space<vmem>>
        %dma_start3A_293 = arith.constant 0 : i32
        %dma_start3A_294 = tpu.memref_slice %arg41[%dma_start3A_293] : memref<4096xi32, #tpu.memory_space<vmem_shared>> -> memref<4096xi32, #tpu.memory_space<vmem_shared>>
        tpu.enqueue_indirect_dma source(%dma_start3A_292 : memref<128xi32, #tpu.memory_space<vmem>>) target(%dma_start3A_294 : memref<4096xi32, #tpu.memory_space<vmem_shared>>) offsets(%arg33 : memref<128xi32, #tpu.memory_space<vmem>>) semaphore(%run_scoped3A : memref<!tpu.dma_semaphore, #tpu.memory_space<semaphore_mem>>)
        %dma_wait3A = arith.constant 384 : i32
        %dma_wait3A_295 = tpu.memref_slice %arg28[%dma_wait3A] : memref<512xi32, #tpu.memory_space<vmem>> -> memref<128xi32, #tpu.memory_space<vmem>>
        %dma_wait3A_296 = arith.constant 0 : i32
        %dma_wait3A_297 = tpu.memref_slice %arg41[%dma_wait3A_296] : memref<4096xi32, #tpu.memory_space<vmem_shared>> -> memref<4096xi32, #tpu.memory_space<vmem_shared>>
        tpu.wait_indirect_dma semaphore(%run_scoped3A : memref<!tpu.dma_semaphore, #tpu.memory_space<semaphore_mem>>) src(%dma_wait3A_295 : memref<128xi32, #tpu.memory_space<vmem>>) dst(%dma_wait3A_297 : memref<4096xi32, #tpu.memory_space<vmem_shared>>)
        tpu.yield
      }) : () -> ()
    } else {
    }
    %barrier3A = arith.constant 0 : index
    tpu.barrier barrier_id(%barrier3A)
    %eq3A_212 = arith.constant 0 : i32
    %eq3A_213 = arith.cmpi eq, %arg1, %eq3A_212 : i32
    %convert_element_type3A_214 = arith.extui %eq3A_213 : i1 to i32
    %cond3A_215 = arith.constant 0 : i32
    %cond3A_216 = arith.cmpi ne, %convert_element_type3A_214, %cond3A_215 : i32
    scf.if %cond3A_216 {
      %mul3A_292 = arith.constant 2 : i32
      %mul3A_293 = arith.muli %arg0, %mul3A_292 : i32
      %add3A_294 = arith.constant 0 : i32
      %add3A_295 = arith.addi %mul3A_293, %add3A_294 : i32
      %mul3A_296 = arith.constant 4096 : i32
      %mul3A_297 = arith.muli %add3A_295, %mul3A_296 : i32
      %add3A_298 = arith.constant 0 : i32
      %add3A_299 = arith.addi %mul3A_297, %add3A_298 : i32
      "tpu.region"() ({
        %run_scoped3A = tpu.sem_alloc : memref<!tpu.dma_semaphore, #tpu.memory_space<semaphore_mem>>
        %dma_start3A = tpu.memref_slice %arg4[%add3A_299] : memref<16384xf32, #tpu.memory_space<hbm>> -> memref<2048xf32, #tpu.memory_space<hbm>>
        %dma_start3A_300 = arith.constant 0 : i32
        %dma_start3A_301 = tpu.memref_slice %arg34[%dma_start3A_300] : memref<4096xf32, #tpu.memory_space<vmem_shared>> -> memref<2048xf32, #tpu.memory_space<vmem_shared>>
        tpu.enqueue_dma source(%dma_start3A_301 : memref<2048xf32, #tpu.memory_space<vmem_shared>>) target(%dma_start3A : memref<2048xf32, #tpu.memory_space<hbm>>) target_semaphore(%run_scoped3A : memref<!tpu.dma_semaphore, #tpu.memory_space<semaphore_mem>>)
        %dma_wait3A = tpu.memref_slice %arg4[%add3A_299] : memref<16384xf32, #tpu.memory_space<hbm>> -> memref<2048xf32, #tpu.memory_space<hbm>>
        %dma_wait3A_302 = arith.constant 0 : i32
        %dma_wait3A_303 = tpu.memref_slice %arg34[%dma_wait3A_302] : memref<4096xf32, #tpu.memory_space<vmem_shared>> -> memref<2048xf32, #tpu.memory_space<vmem_shared>>
        tpu.wait_dma2 semaphore(%run_scoped3A : memref<!tpu.dma_semaphore, #tpu.memory_space<semaphore_mem>>) src(%dma_wait3A_303 : memref<2048xf32, #tpu.memory_space<vmem_shared>>) dst(%dma_wait3A : memref<2048xf32, #tpu.memory_space<hbm>>)
        tpu.yield
      }) : () -> ()
    } else {
    }
    %eq3A_217 = arith.constant 1 : i32
    %eq3A_218 = arith.cmpi eq, %arg1, %eq3A_217 : i32
    %convert_element_type3A_219 = arith.extui %eq3A_218 : i1 to i32
    %cond3A_220 = arith.constant 0 : i32
    %cond3A_221 = arith.cmpi ne, %convert_element_type3A_219, %cond3A_220 : i32
    scf.if %cond3A_221 {
      %mul3A_292 = arith.constant 2 : i32
      %mul3A_293 = arith.muli %arg0, %mul3A_292 : i32
      %add3A_294 = arith.constant 0 : i32
      %add3A_295 = arith.addi %mul3A_293, %add3A_294 : i32
      %mul3A_296 = arith.constant 4096 : i32
      %mul3A_297 = arith.muli %add3A_295, %mul3A_296 : i32
      %add3A_298 = arith.constant 2048 : i32
      %add3A_299 = arith.addi %mul3A_297, %add3A_298 : i32
      "tpu.region"() ({
        %run_scoped3A = tpu.sem_alloc : memref<!tpu.dma_semaphore, #tpu.memory_space<semaphore_mem>>
        %dma_start3A = tpu.memref_slice %arg4[%add3A_299] : memref<16384xf32, #tpu.memory_space<hbm>> -> memref<2048xf32, #tpu.memory_space<hbm>>
        %dma_start3A_300 = arith.constant 2048 : i32
        %dma_start3A_301 = tpu.memref_slice %arg34[%dma_start3A_300] : memref<4096xf32, #tpu.memory_space<vmem_shared>> -> memref<2048xf32, #tpu.memory_space<vmem_shared>>
        tpu.enqueue_dma source(%dma_start3A_301 : memref<2048xf32, #tpu.memory_space<vmem_shared>>) target(%dma_start3A : memref<2048xf32, #tpu.memory_space<hbm>>) target_semaphore(%run_scoped3A : memref<!tpu.dma_semaphore, #tpu.memory_space<semaphore_mem>>)
        %dma_wait3A = tpu.memref_slice %arg4[%add3A_299] : memref<16384xf32, #tpu.memory_space<hbm>> -> memref<2048xf32, #tpu.memory_space<hbm>>
        %dma_wait3A_302 = arith.constant 2048 : i32
        %dma_wait3A_303 = tpu.memref_slice %arg34[%dma_wait3A_302] : memref<4096xf32, #tpu.memory_space<vmem_shared>> -> memref<2048xf32, #tpu.memory_space<vmem_shared>>
        tpu.wait_dma2 semaphore(%run_scoped3A : memref<!tpu.dma_semaphore, #tpu.memory_space<semaphore_mem>>) src(%dma_wait3A_303 : memref<2048xf32, #tpu.memory_space<vmem_shared>>) dst(%dma_wait3A : memref<2048xf32, #tpu.memory_space<hbm>>)
        tpu.yield
      }) : () -> ()
    } else {
    }
    %eq3A_222 = arith.constant 2 : i32
    %eq3A_223 = arith.cmpi eq, %arg1, %eq3A_222 : i32
    %convert_element_type3A_224 = arith.extui %eq3A_223 : i1 to i32
    %cond3A_225 = arith.constant 0 : i32
    %cond3A_226 = arith.cmpi ne, %convert_element_type3A_224, %cond3A_225 : i32
    scf.if %cond3A_226 {
      %mul3A_292 = arith.constant 2 : i32
      %mul3A_293 = arith.muli %arg0, %mul3A_292 : i32
      %add3A_294 = arith.constant 0 : i32
      %add3A_295 = arith.addi %mul3A_293, %add3A_294 : i32
      %mul3A_296 = arith.constant 4096 : i32
      %mul3A_297 = arith.muli %add3A_295, %mul3A_296 : i32
      %add3A_298 = arith.constant 0 : i32
      %add3A_299 = arith.addi %mul3A_297, %add3A_298 : i32
      "tpu.region"() ({
        %run_scoped3A = tpu.sem_alloc : memref<!tpu.dma_semaphore, #tpu.memory_space<semaphore_mem>>
        %dma_start3A = tpu.memref_slice %arg5[%add3A_299] : memref<16384xi32, #tpu.memory_space<hbm>> -> memref<2048xi32, #tpu.memory_space<hbm>>
        %dma_start3A_300 = arith.constant 0 : i32
        %dma_start3A_301 = tpu.memref_slice %arg38[%dma_start3A_300] : memref<4096xi32, #tpu.memory_space<vmem_shared>> -> memref<2048xi32, #tpu.memory_space<vmem_shared>>
        tpu.enqueue_dma source(%dma_start3A_301 : memref<2048xi32, #tpu.memory_space<vmem_shared>>) target(%dma_start3A : memref<2048xi32, #tpu.memory_space<hbm>>) target_semaphore(%run_scoped3A : memref<!tpu.dma_semaphore, #tpu.memory_space<semaphore_mem>>)
        %dma_wait3A = tpu.memref_slice %arg5[%add3A_299] : memref<16384xi32, #tpu.memory_space<hbm>> -> memref<2048xi32, #tpu.memory_space<hbm>>
        %dma_wait3A_302 = arith.constant 0 : i32
        %dma_wait3A_303 = tpu.memref_slice %arg38[%dma_wait3A_302] : memref<4096xi32, #tpu.memory_space<vmem_shared>> -> memref<2048xi32, #tpu.memory_space<vmem_shared>>
        tpu.wait_dma2 semaphore(%run_scoped3A : memref<!tpu.dma_semaphore, #tpu.memory_space<semaphore_mem>>) src(%dma_wait3A_303 : memref<2048xi32, #tpu.memory_space<vmem_shared>>) dst(%dma_wait3A : memref<2048xi32, #tpu.memory_space<hbm>>)
        tpu.yield
      }) : () -> ()
    } else {
    }
    %eq3A_227 = arith.constant 3 : i32
    %eq3A_228 = arith.cmpi eq, %arg1, %eq3A_227 : i32
    %convert_element_type3A_229 = arith.extui %eq3A_228 : i1 to i32
    %cond3A_230 = arith.constant 0 : i32
    %cond3A_231 = arith.cmpi ne, %convert_element_type3A_229, %cond3A_230 : i32
    scf.if %cond3A_231 {
      %mul3A_292 = arith.constant 2 : i32
      %mul3A_293 = arith.muli %arg0, %mul3A_292 : i32
      %add3A_294 = arith.constant 0 : i32
      %add3A_295 = arith.addi %mul3A_293, %add3A_294 : i32
      %mul3A_296 = arith.constant 4096 : i32
      %mul3A_297 = arith.muli %add3A_295, %mul3A_296 : i32
      %add3A_298 = arith.constant 2048 : i32
      %add3A_299 = arith.addi %mul3A_297, %add3A_298 : i32
      "tpu.region"() ({
        %run_scoped3A = tpu.sem_alloc : memref<!tpu.dma_semaphore, #tpu.memory_space<semaphore_mem>>
        %dma_start3A = tpu.memref_slice %arg5[%add3A_299] : memref<16384xi32, #tpu.memory_space<hbm>> -> memref<2048xi32, #tpu.memory_space<hbm>>
        %dma_start3A_300 = arith.constant 2048 : i32
        %dma_start3A_301 = tpu.memref_slice %arg38[%dma_start3A_300] : memref<4096xi32, #tpu.memory_space<vmem_shared>> -> memref<2048xi32, #tpu.memory_space<vmem_shared>>
        tpu.enqueue_dma source(%dma_start3A_301 : memref<2048xi32, #tpu.memory_space<vmem_shared>>) target(%dma_start3A : memref<2048xi32, #tpu.memory_space<hbm>>) target_semaphore(%run_scoped3A : memref<!tpu.dma_semaphore, #tpu.memory_space<semaphore_mem>>)
        %dma_wait3A = tpu.memref_slice %arg5[%add3A_299] : memref<16384xi32, #tpu.memory_space<hbm>> -> memref<2048xi32, #tpu.memory_space<hbm>>
        %dma_wait3A_302 = arith.constant 2048 : i32
        %dma_wait3A_303 = tpu.memref_slice %arg38[%dma_wait3A_302] : memref<4096xi32, #tpu.memory_space<vmem_shared>> -> memref<2048xi32, #tpu.memory_space<vmem_shared>>
        tpu.wait_dma2 semaphore(%run_scoped3A : memref<!tpu.dma_semaphore, #tpu.memory_space<semaphore_mem>>) src(%dma_wait3A_303 : memref<2048xi32, #tpu.memory_space<vmem_shared>>) dst(%dma_wait3A : memref<2048xi32, #tpu.memory_space<hbm>>)
        tpu.yield
      }) : () -> ()
    } else {
    }
    %eq3A_232 = arith.constant 4 : i32
    %eq3A_233 = arith.cmpi eq, %arg1, %eq3A_232 : i32
    %convert_element_type3A_234 = arith.extui %eq3A_233 : i1 to i32
    %cond3A_235 = arith.constant 0 : i32
    %cond3A_236 = arith.cmpi ne, %convert_element_type3A_234, %cond3A_235 : i32
    scf.if %cond3A_236 {
      %mul3A_292 = arith.constant 2 : i32
      %mul3A_293 = arith.muli %arg0, %mul3A_292 : i32
      %add3A_294 = arith.constant 0 : i32
      %add3A_295 = arith.addi %mul3A_293, %add3A_294 : i32
      %mul3A_296 = arith.constant 4096 : i32
      %mul3A_297 = arith.muli %add3A_295, %mul3A_296 : i32
      %add3A_298 = arith.constant 0 : i32
      %add3A_299 = arith.addi %mul3A_297, %add3A_298 : i32
      "tpu.region"() ({
        %run_scoped3A = tpu.sem_alloc : memref<!tpu.dma_semaphore, #tpu.memory_space<semaphore_mem>>
        %dma_start3A = tpu.memref_slice %arg6[%add3A_299] : memref<16384xf32, #tpu.memory_space<hbm>> -> memref<2048xf32, #tpu.memory_space<hbm>>
        %dma_start3A_300 = arith.constant 0 : i32
        %dma_start3A_301 = tpu.memref_slice %arg35[%dma_start3A_300] : memref<4096xf32, #tpu.memory_space<vmem_shared>> -> memref<2048xf32, #tpu.memory_space<vmem_shared>>
        tpu.enqueue_dma source(%dma_start3A_301 : memref<2048xf32, #tpu.memory_space<vmem_shared>>) target(%dma_start3A : memref<2048xf32, #tpu.memory_space<hbm>>) target_semaphore(%run_scoped3A : memref<!tpu.dma_semaphore, #tpu.memory_space<semaphore_mem>>)
        %dma_wait3A = tpu.memref_slice %arg6[%add3A_299] : memref<16384xf32, #tpu.memory_space<hbm>> -> memref<2048xf32, #tpu.memory_space<hbm>>
        %dma_wait3A_302 = arith.constant 0 : i32
        %dma_wait3A_303 = tpu.memref_slice %arg35[%dma_wait3A_302] : memref<4096xf32, #tpu.memory_space<vmem_shared>> -> memref<2048xf32, #tpu.memory_space<vmem_shared>>
        tpu.wait_dma2 semaphore(%run_scoped3A : memref<!tpu.dma_semaphore, #tpu.memory_space<semaphore_mem>>) src(%dma_wait3A_303 : memref<2048xf32, #tpu.memory_space<vmem_shared>>) dst(%dma_wait3A : memref<2048xf32, #tpu.memory_space<hbm>>)
        tpu.yield
      }) : () -> ()
    } else {
    }
    %eq3A_237 = arith.constant 5 : i32
    %eq3A_238 = arith.cmpi eq, %arg1, %eq3A_237 : i32
    %convert_element_type3A_239 = arith.extui %eq3A_238 : i1 to i32
    %cond3A_240 = arith.constant 0 : i32
    %cond3A_241 = arith.cmpi ne, %convert_element_type3A_239, %cond3A_240 : i32
    scf.if %cond3A_241 {
      %mul3A_292 = arith.constant 2 : i32
      %mul3A_293 = arith.muli %arg0, %mul3A_292 : i32
      %add3A_294 = arith.constant 0 : i32
      %add3A_295 = arith.addi %mul3A_293, %add3A_294 : i32
      %mul3A_296 = arith.constant 4096 : i32
      %mul3A_297 = arith.muli %add3A_295, %mul3A_296 : i32
      %add3A_298 = arith.constant 2048 : i32
      %add3A_299 = arith.addi %mul3A_297, %add3A_298 : i32
      "tpu.region"() ({
        %run_scoped3A = tpu.sem_alloc : memref<!tpu.dma_semaphore, #tpu.memory_space<semaphore_mem>>
        %dma_start3A = tpu.memref_slice %arg6[%add3A_299] : memref<16384xf32, #tpu.memory_space<hbm>> -> memref<2048xf32, #tpu.memory_space<hbm>>
        %dma_start3A_300 = arith.constant 2048 : i32
        %dma_start3A_301 = tpu.memref_slice %arg35[%dma_start3A_300] : memref<4096xf32, #tpu.memory_space<vmem_shared>> -> memref<2048xf32, #tpu.memory_space<vmem_shared>>
        tpu.enqueue_dma source(%dma_start3A_301 : memref<2048xf32, #tpu.memory_space<vmem_shared>>) target(%dma_start3A : memref<2048xf32, #tpu.memory_space<hbm>>) target_semaphore(%run_scoped3A : memref<!tpu.dma_semaphore, #tpu.memory_space<semaphore_mem>>)
        %dma_wait3A = tpu.memref_slice %arg6[%add3A_299] : memref<16384xf32, #tpu.memory_space<hbm>> -> memref<2048xf32, #tpu.memory_space<hbm>>
        %dma_wait3A_302 = arith.constant 2048 : i32
        %dma_wait3A_303 = tpu.memref_slice %arg35[%dma_wait3A_302] : memref<4096xf32, #tpu.memory_space<vmem_shared>> -> memref<2048xf32, #tpu.memory_space<vmem_shared>>
        tpu.wait_dma2 semaphore(%run_scoped3A : memref<!tpu.dma_semaphore, #tpu.memory_space<semaphore_mem>>) src(%dma_wait3A_303 : memref<2048xf32, #tpu.memory_space<vmem_shared>>) dst(%dma_wait3A : memref<2048xf32, #tpu.memory_space<hbm>>)
        tpu.yield
      }) : () -> ()
    } else {
    }
    %eq3A_242 = arith.constant 6 : i32
    %eq3A_243 = arith.cmpi eq, %arg1, %eq3A_242 : i32
    %convert_element_type3A_244 = arith.extui %eq3A_243 : i1 to i32
    %cond3A_245 = arith.constant 0 : i32
    %cond3A_246 = arith.cmpi ne, %convert_element_type3A_244, %cond3A_245 : i32
    scf.if %cond3A_246 {
      %mul3A_292 = arith.constant 2 : i32
      %mul3A_293 = arith.muli %arg0, %mul3A_292 : i32
      %add3A_294 = arith.constant 0 : i32
      %add3A_295 = arith.addi %mul3A_293, %add3A_294 : i32
      %mul3A_296 = arith.constant 4096 : i32
      %mul3A_297 = arith.muli %add3A_295, %mul3A_296 : i32
      %add3A_298 = arith.constant 0 : i32
      %add3A_299 = arith.addi %mul3A_297, %add3A_298 : i32
      "tpu.region"() ({
        %run_scoped3A = tpu.sem_alloc : memref<!tpu.dma_semaphore, #tpu.memory_space<semaphore_mem>>
        %dma_start3A = tpu.memref_slice %arg7[%add3A_299] : memref<16384xi32, #tpu.memory_space<hbm>> -> memref<2048xi32, #tpu.memory_space<hbm>>
        %dma_start3A_300 = arith.constant 0 : i32
        %dma_start3A_301 = tpu.memref_slice %arg39[%dma_start3A_300] : memref<4096xi32, #tpu.memory_space<vmem_shared>> -> memref<2048xi32, #tpu.memory_space<vmem_shared>>
        tpu.enqueue_dma source(%dma_start3A_301 : memref<2048xi32, #tpu.memory_space<vmem_shared>>) target(%dma_start3A : memref<2048xi32, #tpu.memory_space<hbm>>) target_semaphore(%run_scoped3A : memref<!tpu.dma_semaphore, #tpu.memory_space<semaphore_mem>>)
        %dma_wait3A = tpu.memref_slice %arg7[%add3A_299] : memref<16384xi32, #tpu.memory_space<hbm>> -> memref<2048xi32, #tpu.memory_space<hbm>>
        %dma_wait3A_302 = arith.constant 0 : i32
        %dma_wait3A_303 = tpu.memref_slice %arg39[%dma_wait3A_302] : memref<4096xi32, #tpu.memory_space<vmem_shared>> -> memref<2048xi32, #tpu.memory_space<vmem_shared>>
        tpu.wait_dma2 semaphore(%run_scoped3A : memref<!tpu.dma_semaphore, #tpu.memory_space<semaphore_mem>>) src(%dma_wait3A_303 : memref<2048xi32, #tpu.memory_space<vmem_shared>>) dst(%dma_wait3A : memref<2048xi32, #tpu.memory_space<hbm>>)
        tpu.yield
      }) : () -> ()
    } else {
    }
    %eq3A_247 = arith.constant 7 : i32
    %eq3A_248 = arith.cmpi eq, %arg1, %eq3A_247 : i32
    %convert_element_type3A_249 = arith.extui %eq3A_248 : i1 to i32
    %cond3A_250 = arith.constant 0 : i32
    %cond3A_251 = arith.cmpi ne, %convert_element_type3A_249, %cond3A_250 : i32
    scf.if %cond3A_251 {
      %mul3A_292 = arith.constant 2 : i32
      %mul3A_293 = arith.muli %arg0, %mul3A_292 : i32
      %add3A_294 = arith.constant 0 : i32
      %add3A_295 = arith.addi %mul3A_293, %add3A_294 : i32
      %mul3A_296 = arith.constant 4096 : i32
      %mul3A_297 = arith.muli %add3A_295, %mul3A_296 : i32
      %add3A_298 = arith.constant 2048 : i32
      %add3A_299 = arith.addi %mul3A_297, %add3A_298 : i32
      "tpu.region"() ({
        %run_scoped3A = tpu.sem_alloc : memref<!tpu.dma_semaphore, #tpu.memory_space<semaphore_mem>>
        %dma_start3A = tpu.memref_slice %arg7[%add3A_299] : memref<16384xi32, #tpu.memory_space<hbm>> -> memref<2048xi32, #tpu.memory_space<hbm>>
        %dma_start3A_300 = arith.constant 2048 : i32
        %dma_start3A_301 = tpu.memref_slice %arg39[%dma_start3A_300] : memref<4096xi32, #tpu.memory_space<vmem_shared>> -> memref<2048xi32, #tpu.memory_space<vmem_shared>>
        tpu.enqueue_dma source(%dma_start3A_301 : memref<2048xi32, #tpu.memory_space<vmem_shared>>) target(%dma_start3A : memref<2048xi32, #tpu.memory_space<hbm>>) target_semaphore(%run_scoped3A : memref<!tpu.dma_semaphore, #tpu.memory_space<semaphore_mem>>)
        %dma_wait3A = tpu.memref_slice %arg7[%add3A_299] : memref<16384xi32, #tpu.memory_space<hbm>> -> memref<2048xi32, #tpu.memory_space<hbm>>
        %dma_wait3A_302 = arith.constant 2048 : i32
        %dma_wait3A_303 = tpu.memref_slice %arg39[%dma_wait3A_302] : memref<4096xi32, #tpu.memory_space<vmem_shared>> -> memref<2048xi32, #tpu.memory_space<vmem_shared>>
        tpu.wait_dma2 semaphore(%run_scoped3A : memref<!tpu.dma_semaphore, #tpu.memory_space<semaphore_mem>>) src(%dma_wait3A_303 : memref<2048xi32, #tpu.memory_space<vmem_shared>>) dst(%dma_wait3A : memref<2048xi32, #tpu.memory_space<hbm>>)
        tpu.yield
      }) : () -> ()
    } else {
    }
    %eq3A_252 = arith.constant 8 : i32
    %eq3A_253 = arith.cmpi eq, %arg1, %eq3A_252 : i32
    %convert_element_type3A_254 = arith.extui %eq3A_253 : i1 to i32
    %cond3A_255 = arith.constant 0 : i32
    %cond3A_256 = arith.cmpi ne, %convert_element_type3A_254, %cond3A_255 : i32
    scf.if %cond3A_256 {
      %mul3A_292 = arith.constant 2 : i32
      %mul3A_293 = arith.muli %arg0, %mul3A_292 : i32
      %add3A_294 = arith.constant 1 : i32
      %add3A_295 = arith.addi %mul3A_293, %add3A_294 : i32
      %mul3A_296 = arith.constant 4096 : i32
      %mul3A_297 = arith.muli %add3A_295, %mul3A_296 : i32
      %add3A_298 = arith.constant 0 : i32
      %add3A_299 = arith.addi %mul3A_297, %add3A_298 : i32
      "tpu.region"() ({
        %run_scoped3A = tpu.sem_alloc : memref<!tpu.dma_semaphore, #tpu.memory_space<semaphore_mem>>
        %dma_start3A = tpu.memref_slice %arg4[%add3A_299] : memref<16384xf32, #tpu.memory_space<hbm>> -> memref<2048xf32, #tpu.memory_space<hbm>>
        %dma_start3A_300 = arith.constant 0 : i32
        %dma_start3A_301 = tpu.memref_slice %arg36[%dma_start3A_300] : memref<4096xf32, #tpu.memory_space<vmem_shared>> -> memref<2048xf32, #tpu.memory_space<vmem_shared>>
        tpu.enqueue_dma source(%dma_start3A_301 : memref<2048xf32, #tpu.memory_space<vmem_shared>>) target(%dma_start3A : memref<2048xf32, #tpu.memory_space<hbm>>) target_semaphore(%run_scoped3A : memref<!tpu.dma_semaphore, #tpu.memory_space<semaphore_mem>>)
        %dma_wait3A = tpu.memref_slice %arg4[%add3A_299] : memref<16384xf32, #tpu.memory_space<hbm>> -> memref<2048xf32, #tpu.memory_space<hbm>>
        %dma_wait3A_302 = arith.constant 0 : i32
        %dma_wait3A_303 = tpu.memref_slice %arg36[%dma_wait3A_302] : memref<4096xf32, #tpu.memory_space<vmem_shared>> -> memref<2048xf32, #tpu.memory_space<vmem_shared>>
        tpu.wait_dma2 semaphore(%run_scoped3A : memref<!tpu.dma_semaphore, #tpu.memory_space<semaphore_mem>>) src(%dma_wait3A_303 : memref<2048xf32, #tpu.memory_space<vmem_shared>>) dst(%dma_wait3A : memref<2048xf32, #tpu.memory_space<hbm>>)
        tpu.yield
      }) : () -> ()
    } else {
    }
    %eq3A_257 = arith.constant 9 : i32
    %eq3A_258 = arith.cmpi eq, %arg1, %eq3A_257 : i32
    %convert_element_type3A_259 = arith.extui %eq3A_258 : i1 to i32
    %cond3A_260 = arith.constant 0 : i32
    %cond3A_261 = arith.cmpi ne, %convert_element_type3A_259, %cond3A_260 : i32
    scf.if %cond3A_261 {
      %mul3A_292 = arith.constant 2 : i32
      %mul3A_293 = arith.muli %arg0, %mul3A_292 : i32
      %add3A_294 = arith.constant 1 : i32
      %add3A_295 = arith.addi %mul3A_293, %add3A_294 : i32
      %mul3A_296 = arith.constant 4096 : i32
      %mul3A_297 = arith.muli %add3A_295, %mul3A_296 : i32
      %add3A_298 = arith.constant 2048 : i32
      %add3A_299 = arith.addi %mul3A_297, %add3A_298 : i32
      "tpu.region"() ({
        %run_scoped3A = tpu.sem_alloc : memref<!tpu.dma_semaphore, #tpu.memory_space<semaphore_mem>>
        %dma_start3A = tpu.memref_slice %arg4[%add3A_299] : memref<16384xf32, #tpu.memory_space<hbm>> -> memref<2048xf32, #tpu.memory_space<hbm>>
        %dma_start3A_300 = arith.constant 2048 : i32
        %dma_start3A_301 = tpu.memref_slice %arg36[%dma_start3A_300] : memref<4096xf32, #tpu.memory_space<vmem_shared>> -> memref<2048xf32, #tpu.memory_space<vmem_shared>>
        tpu.enqueue_dma source(%dma_start3A_301 : memref<2048xf32, #tpu.memory_space<vmem_shared>>) target(%dma_start3A : memref<2048xf32, #tpu.memory_space<hbm>>) target_semaphore(%run_scoped3A : memref<!tpu.dma_semaphore, #tpu.memory_space<semaphore_mem>>)
        %dma_wait3A = tpu.memref_slice %arg4[%add3A_299] : memref<16384xf32, #tpu.memory_space<hbm>> -> memref<2048xf32, #tpu.memory_space<hbm>>
        %dma_wait3A_302 = arith.constant 2048 : i32
        %dma_wait3A_303 = tpu.memref_slice %arg36[%dma_wait3A_302] : memref<4096xf32, #tpu.memory_space<vmem_shared>> -> memref<2048xf32, #tpu.memory_space<vmem_shared>>
        tpu.wait_dma2 semaphore(%run_scoped3A : memref<!tpu.dma_semaphore, #tpu.memory_space<semaphore_mem>>) src(%dma_wait3A_303 : memref<2048xf32, #tpu.memory_space<vmem_shared>>) dst(%dma_wait3A : memref<2048xf32, #tpu.memory_space<hbm>>)
        tpu.yield
      }) : () -> ()
    } else {
    }
    %eq3A_262 = arith.constant 10 : i32
    %eq3A_263 = arith.cmpi eq, %arg1, %eq3A_262 : i32
    %convert_element_type3A_264 = arith.extui %eq3A_263 : i1 to i32
    %cond3A_265 = arith.constant 0 : i32
    %cond3A_266 = arith.cmpi ne, %convert_element_type3A_264, %cond3A_265 : i32
    scf.if %cond3A_266 {
      %mul3A_292 = arith.constant 2 : i32
      %mul3A_293 = arith.muli %arg0, %mul3A_292 : i32
      %add3A_294 = arith.constant 1 : i32
      %add3A_295 = arith.addi %mul3A_293, %add3A_294 : i32
      %mul3A_296 = arith.constant 4096 : i32
      %mul3A_297 = arith.muli %add3A_295, %mul3A_296 : i32
      %add3A_298 = arith.constant 0 : i32
      %add3A_299 = arith.addi %mul3A_297, %add3A_298 : i32
      "tpu.region"() ({
        %run_scoped3A = tpu.sem_alloc : memref<!tpu.dma_semaphore, #tpu.memory_space<semaphore_mem>>
        %dma_start3A = tpu.memref_slice %arg5[%add3A_299] : memref<16384xi32, #tpu.memory_space<hbm>> -> memref<2048xi32, #tpu.memory_space<hbm>>
        %dma_start3A_300 = arith.constant 0 : i32
        %dma_start3A_301 = tpu.memref_slice %arg40[%dma_start3A_300] : memref<4096xi32, #tpu.memory_space<vmem_shared>> -> memref<2048xi32, #tpu.memory_space<vmem_shared>>
        tpu.enqueue_dma source(%dma_start3A_301 : memref<2048xi32, #tpu.memory_space<vmem_shared>>) target(%dma_start3A : memref<2048xi32, #tpu.memory_space<hbm>>) target_semaphore(%run_scoped3A : memref<!tpu.dma_semaphore, #tpu.memory_space<semaphore_mem>>)
        %dma_wait3A = tpu.memref_slice %arg5[%add3A_299] : memref<16384xi32, #tpu.memory_space<hbm>> -> memref<2048xi32, #tpu.memory_space<hbm>>
        %dma_wait3A_302 = arith.constant 0 : i32
        %dma_wait3A_303 = tpu.memref_slice %arg40[%dma_wait3A_302] : memref<4096xi32, #tpu.memory_space<vmem_shared>> -> memref<2048xi32, #tpu.memory_space<vmem_shared>>
        tpu.wait_dma2 semaphore(%run_scoped3A : memref<!tpu.dma_semaphore, #tpu.memory_space<semaphore_mem>>) src(%dma_wait3A_303 : memref<2048xi32, #tpu.memory_space<vmem_shared>>) dst(%dma_wait3A : memref<2048xi32, #tpu.memory_space<hbm>>)
        tpu.yield
      }) : () -> ()
    } else {
    }
    %eq3A_267 = arith.constant 11 : i32
    %eq3A_268 = arith.cmpi eq, %arg1, %eq3A_267 : i32
    %convert_element_type3A_269 = arith.extui %eq3A_268 : i1 to i32
    %cond3A_270 = arith.constant 0 : i32
    %cond3A_271 = arith.cmpi ne, %convert_element_type3A_269, %cond3A_270 : i32
    scf.if %cond3A_271 {
      %mul3A_292 = arith.constant 2 : i32
      %mul3A_293 = arith.muli %arg0, %mul3A_292 : i32
      %add3A_294 = arith.constant 1 : i32
      %add3A_295 = arith.addi %mul3A_293, %add3A_294 : i32
      %mul3A_296 = arith.constant 4096 : i32
      %mul3A_297 = arith.muli %add3A_295, %mul3A_296 : i32
      %add3A_298 = arith.constant 2048 : i32
      %add3A_299 = arith.addi %mul3A_297, %add3A_298 : i32
      "tpu.region"() ({
        %run_scoped3A = tpu.sem_alloc : memref<!tpu.dma_semaphore, #tpu.memory_space<semaphore_mem>>
        %dma_start3A = tpu.memref_slice %arg5[%add3A_299] : memref<16384xi32, #tpu.memory_space<hbm>> -> memref<2048xi32, #tpu.memory_space<hbm>>
        %dma_start3A_300 = arith.constant 2048 : i32
        %dma_start3A_301 = tpu.memref_slice %arg40[%dma_start3A_300] : memref<4096xi32, #tpu.memory_space<vmem_shared>> -> memref<2048xi32, #tpu.memory_space<vmem_shared>>
        tpu.enqueue_dma source(%dma_start3A_301 : memref<2048xi32, #tpu.memory_space<vmem_shared>>) target(%dma_start3A : memref<2048xi32, #tpu.memory_space<hbm>>) target_semaphore(%run_scoped3A : memref<!tpu.dma_semaphore, #tpu.memory_space<semaphore_mem>>)
        %dma_wait3A = tpu.memref_slice %arg5[%add3A_299] : memref<16384xi32, #tpu.memory_space<hbm>> -> memref<2048xi32, #tpu.memory_space<hbm>>
        %dma_wait3A_302 = arith.constant 2048 : i32
        %dma_wait3A_303 = tpu.memref_slice %arg40[%dma_wait3A_302] : memref<4096xi32, #tpu.memory_space<vmem_shared>> -> memref<2048xi32, #tpu.memory_space<vmem_shared>>
        tpu.wait_dma2 semaphore(%run_scoped3A : memref<!tpu.dma_semaphore, #tpu.memory_space<semaphore_mem>>) src(%dma_wait3A_303 : memref<2048xi32, #tpu.memory_space<vmem_shared>>) dst(%dma_wait3A : memref<2048xi32, #tpu.memory_space<hbm>>)
        tpu.yield
      }) : () -> ()
    } else {
    }
    %eq3A_272 = arith.constant 12 : i32
    %eq3A_273 = arith.cmpi eq, %arg1, %eq3A_272 : i32
    %convert_element_type3A_274 = arith.extui %eq3A_273 : i1 to i32
    %cond3A_275 = arith.constant 0 : i32
    %cond3A_276 = arith.cmpi ne, %convert_element_type3A_274, %cond3A_275 : i32
    scf.if %cond3A_276 {
      %mul3A_292 = arith.constant 2 : i32
      %mul3A_293 = arith.muli %arg0, %mul3A_292 : i32
      %add3A_294 = arith.constant 1 : i32
      %add3A_295 = arith.addi %mul3A_293, %add3A_294 : i32
      %mul3A_296 = arith.constant 4096 : i32
      %mul3A_297 = arith.muli %add3A_295, %mul3A_296 : i32
      %add3A_298 = arith.constant 0 : i32
      %add3A_299 = arith.addi %mul3A_297, %add3A_298 : i32
      "tpu.region"() ({
        %run_scoped3A = tpu.sem_alloc : memref<!tpu.dma_semaphore, #tpu.memory_space<semaphore_mem>>
        %dma_start3A = tpu.memref_slice %arg6[%add3A_299] : memref<16384xf32, #tpu.memory_space<hbm>> -> memref<2048xf32, #tpu.memory_space<hbm>>
        %dma_start3A_300 = arith.constant 0 : i32
        %dma_start3A_301 = tpu.memref_slice %arg37[%dma_start3A_300] : memref<4096xf32, #tpu.memory_space<vmem_shared>> -> memref<2048xf32, #tpu.memory_space<vmem_shared>>
        tpu.enqueue_dma source(%dma_start3A_301 : memref<2048xf32, #tpu.memory_space<vmem_shared>>) target(%dma_start3A : memref<2048xf32, #tpu.memory_space<hbm>>) target_semaphore(%run_scoped3A : memref<!tpu.dma_semaphore, #tpu.memory_space<semaphore_mem>>)
        %dma_wait3A = tpu.memref_slice %arg6[%add3A_299] : memref<16384xf32, #tpu.memory_space<hbm>> -> memref<2048xf32, #tpu.memory_space<hbm>>
        %dma_wait3A_302 = arith.constant 0 : i32
        %dma_wait3A_303 = tpu.memref_slice %arg37[%dma_wait3A_302] : memref<4096xf32, #tpu.memory_space<vmem_shared>> -> memref<2048xf32, #tpu.memory_space<vmem_shared>>
        tpu.wait_dma2 semaphore(%run_scoped3A : memref<!tpu.dma_semaphore, #tpu.memory_space<semaphore_mem>>) src(%dma_wait3A_303 : memref<2048xf32, #tpu.memory_space<vmem_shared>>) dst(%dma_wait3A : memref<2048xf32, #tpu.memory_space<hbm>>)
        tpu.yield
      }) : () -> ()
    } else {
    }
    %eq3A_277 = arith.constant 13 : i32
    %eq3A_278 = arith.cmpi eq, %arg1, %eq3A_277 : i32
    %convert_element_type3A_279 = arith.extui %eq3A_278 : i1 to i32
    %cond3A_280 = arith.constant 0 : i32
    %cond3A_281 = arith.cmpi ne, %convert_element_type3A_279, %cond3A_280 : i32
    scf.if %cond3A_281 {
      %mul3A_292 = arith.constant 2 : i32
      %mul3A_293 = arith.muli %arg0, %mul3A_292 : i32
      %add3A_294 = arith.constant 1 : i32
      %add3A_295 = arith.addi %mul3A_293, %add3A_294 : i32
      %mul3A_296 = arith.constant 4096 : i32
      %mul3A_297 = arith.muli %add3A_295, %mul3A_296 : i32
      %add3A_298 = arith.constant 2048 : i32
      %add3A_299 = arith.addi %mul3A_297, %add3A_298 : i32
      "tpu.region"() ({
        %run_scoped3A = tpu.sem_alloc : memref<!tpu.dma_semaphore, #tpu.memory_space<semaphore_mem>>
        %dma_start3A = tpu.memref_slice %arg6[%add3A_299] : memref<16384xf32, #tpu.memory_space<hbm>> -> memref<2048xf32, #tpu.memory_space<hbm>>
        %dma_start3A_300 = arith.constant 2048 : i32
        %dma_start3A_301 = tpu.memref_slice %arg37[%dma_start3A_300] : memref<4096xf32, #tpu.memory_space<vmem_shared>> -> memref<2048xf32, #tpu.memory_space<vmem_shared>>
        tpu.enqueue_dma source(%dma_start3A_301 : memref<2048xf32, #tpu.memory_space<vmem_shared>>) target(%dma_start3A : memref<2048xf32, #tpu.memory_space<hbm>>) target_semaphore(%run_scoped3A : memref<!tpu.dma_semaphore, #tpu.memory_space<semaphore_mem>>)
        %dma_wait3A = tpu.memref_slice %arg6[%add3A_299] : memref<16384xf32, #tpu.memory_space<hbm>> -> memref<2048xf32, #tpu.memory_space<hbm>>
        %dma_wait3A_302 = arith.constant 2048 : i32
        %dma_wait3A_303 = tpu.memref_slice %arg37[%dma_wait3A_302] : memref<4096xf32, #tpu.memory_space<vmem_shared>> -> memref<2048xf32, #tpu.memory_space<vmem_shared>>
        tpu.wait_dma2 semaphore(%run_scoped3A : memref<!tpu.dma_semaphore, #tpu.memory_space<semaphore_mem>>) src(%dma_wait3A_303 : memref<2048xf32, #tpu.memory_space<vmem_shared>>) dst(%dma_wait3A : memref<2048xf32, #tpu.memory_space<hbm>>)
        tpu.yield
      }) : () -> ()
    } else {
    }
    %eq3A_282 = arith.constant 14 : i32
    %eq3A_283 = arith.cmpi eq, %arg1, %eq3A_282 : i32
    %convert_element_type3A_284 = arith.extui %eq3A_283 : i1 to i32
    %cond3A_285 = arith.constant 0 : i32
    %cond3A_286 = arith.cmpi ne, %convert_element_type3A_284, %cond3A_285 : i32
    scf.if %cond3A_286 {
      %mul3A_292 = arith.constant 2 : i32
      %mul3A_293 = arith.muli %arg0, %mul3A_292 : i32
      %add3A_294 = arith.constant 1 : i32
      %add3A_295 = arith.addi %mul3A_293, %add3A_294 : i32
      %mul3A_296 = arith.constant 4096 : i32
      %mul3A_297 = arith.muli %add3A_295, %mul3A_296 : i32
      %add3A_298 = arith.constant 0 : i32
      %add3A_299 = arith.addi %mul3A_297, %add3A_298 : i32
      "tpu.region"() ({
        %run_scoped3A = tpu.sem_alloc : memref<!tpu.dma_semaphore, #tpu.memory_space<semaphore_mem>>
        %dma_start3A = tpu.memref_slice %arg7[%add3A_299] : memref<16384xi32, #tpu.memory_space<hbm>> -> memref<2048xi32, #tpu.memory_space<hbm>>
        %dma_start3A_300 = arith.constant 0 : i32
        %dma_start3A_301 = tpu.memref_slice %arg41[%dma_start3A_300] : memref<4096xi32, #tpu.memory_space<vmem_shared>> -> memref<2048xi32, #tpu.memory_space<vmem_shared>>
        tpu.enqueue_dma source(%dma_start3A_301 : memref<2048xi32, #tpu.memory_space<vmem_shared>>) target(%dma_start3A : memref<2048xi32, #tpu.memory_space<hbm>>) target_semaphore(%run_scoped3A : memref<!tpu.dma_semaphore, #tpu.memory_space<semaphore_mem>>)
        %dma_wait3A = tpu.memref_slice %arg7[%add3A_299] : memref<16384xi32, #tpu.memory_space<hbm>> -> memref<2048xi32, #tpu.memory_space<hbm>>
        %dma_wait3A_302 = arith.constant 0 : i32
        %dma_wait3A_303 = tpu.memref_slice %arg41[%dma_wait3A_302] : memref<4096xi32, #tpu.memory_space<vmem_shared>> -> memref<2048xi32, #tpu.memory_space<vmem_shared>>
        tpu.wait_dma2 semaphore(%run_scoped3A : memref<!tpu.dma_semaphore, #tpu.memory_space<semaphore_mem>>) src(%dma_wait3A_303 : memref<2048xi32, #tpu.memory_space<vmem_shared>>) dst(%dma_wait3A : memref<2048xi32, #tpu.memory_space<hbm>>)
        tpu.yield
      }) : () -> ()
    } else {
    }
    %eq3A_287 = arith.constant 15 : i32
    %eq3A_288 = arith.cmpi eq, %arg1, %eq3A_287 : i32
    %convert_element_type3A_289 = arith.extui %eq3A_288 : i1 to i32
    %cond3A_290 = arith.constant 0 : i32
    %cond3A_291 = arith.cmpi ne, %convert_element_type3A_289, %cond3A_290 : i32
    scf.if %cond3A_291 {
      %mul3A_292 = arith.constant 2 : i32
      %mul3A_293 = arith.muli %arg0, %mul3A_292 : i32
      %add3A_294 = arith.constant 1 : i32
      %add3A_295 = arith.addi %mul3A_293, %add3A_294 : i32
      %mul3A_296 = arith.constant 4096 : i32
      %mul3A_297 = arith.muli %add3A_295, %mul3A_296 : i32
      %add3A_298 = arith.constant 2048 : i32
      %add3A_299 = arith.addi %mul3A_297, %add3A_298 : i32
      "tpu.region"() ({
        %run_scoped3A = tpu.sem_alloc : memref<!tpu.dma_semaphore, #tpu.memory_space<semaphore_mem>>
        %dma_start3A = tpu.memref_slice %arg7[%add3A_299] : memref<16384xi32, #tpu.memory_space<hbm>> -> memref<2048xi32, #tpu.memory_space<hbm>>
        %dma_start3A_300 = arith.constant 2048 : i32
        %dma_start3A_301 = tpu.memref_slice %arg41[%dma_start3A_300] : memref<4096xi32, #tpu.memory_space<vmem_shared>> -> memref<2048xi32, #tpu.memory_space<vmem_shared>>
        tpu.enqueue_dma source(%dma_start3A_301 : memref<2048xi32, #tpu.memory_space<vmem_shared>>) target(%dma_start3A : memref<2048xi32, #tpu.memory_space<hbm>>) target_semaphore(%run_scoped3A : memref<!tpu.dma_semaphore, #tpu.memory_space<semaphore_mem>>)
        %dma_wait3A = tpu.memref_slice %arg7[%add3A_299] : memref<16384xi32, #tpu.memory_space<hbm>> -> memref<2048xi32, #tpu.memory_space<hbm>>
        %dma_wait3A_302 = arith.constant 2048 : i32
        %dma_wait3A_303 = tpu.memref_slice %arg41[%dma_wait3A_302] : memref<4096xi32, #tpu.memory_space<vmem_shared>> -> memref<2048xi32, #tpu.memory_space<vmem_shared>>
        tpu.wait_dma2 semaphore(%run_scoped3A : memref<!tpu.dma_semaphore, #tpu.memory_space<semaphore_mem>>) src(%dma_wait3A_303 : memref<2048xi32, #tpu.memory_space<vmem_shared>>) dst(%dma_wait3A : memref<2048xi32, #tpu.memory_space<hbm>>)
        tpu.yield
      }) : () -> ()
    } else {
    }
    return
  }
}

</mosaic_0001>

<sc_bundles>
// kernel: kernel.3.cloned.1.call-start
scs
__scs_entry_jumppad:
0x0: {  	(pc) =	sbr.rel $0x88, $3  }
0x1: {  	(tag) =	ssettag $0x0;
	lr =	simm.s32 $0x1  }
0x2: {  	[smem:$0x3F9F] =	sst lr;
	_ =	strace $0xD0000000  }
0x3: {  	_ = 	snop  }
0x4: {  	_ = 	snop  }
0x5: {  	_ = 	snop  }
0x6: {  	_ = 	snop  }
0x7: {  	_ = 	snop  }
__scs_overlays_trampoline_lowered:
0x8: {  	[smem:$0x3FAE] =	sst s0  }
0x9: {  	[smem:$0x3FAF] =	sst s1  }
0xa: {  	[smem:$0x3FB0] =	sst s2  }
0xb: {  	[smem:$0x3FB1] =	sst s3  }
0xc: {  	[smem:$0x3FB2] =	sst s4  }
0xd: {  	[smem:$0x3FB3] =	sst s5  }
0xe: {  	[smem:$0x3FB4] =	sst s6  }
0xf: {  	[smem:$0x3FB5] =	sst s7  }
0x10: {  	[smem:$0x3FB6] =	sst s8  }
0x11: {  	[smem:$0x3FB7] =	sst s9;
	s0 =	simm.s32 @!p0 $0x0  }
0x12: {  	s1 =	sld [smem:$0x3F9D];
	s0 =	simm.s32 @p0 $0x1  }
0x13: {  	[smem:$0x3FB8] =	sst s0;
	s0 =	simm.s32 @!p1 $0x0  }
0x14: {  	s2 =	sld [smem:$0x3F9C];
	s0 =	simm.s32 @p1 $0x1  }
0x15: {  	[smem:$0x3FB9] =	sst s0;
	s0 =	simm.s32 @!p2 $0x0  }
0x16: {  	s3 =	sld [smem:$0x3FDB];
	s0 =	simm.s32 @p2 $0x1  }
0x17: {  	s4 =	simm.s32 $0x1BF5;
	[smem:$0x3FBB] =	sst s0  }
0x18: {  	s0 =	sld [smem:$0x3F9E];
	_ =	swait.ge [sflag:s4], $0x0  }
0x19: {  	s7 =	sld [smem:$0x3F9F]  }
0x1a: {  	s8 =	sadd.s32 $0xFFFFE003, lr  }
0x1b: {  	s9 =	sadd.s32 $0xFFFFFEF7, lr;
	s5 =	simm.s32 $0xFFFFFFFF;
	p2 =	slt.u32 s8, $0xFFFFF086  }
0x1c: {  	p1 =	slt.u32 s9, $0xF7A;
	s5 =	simm.s32 @!p2 $0x0  }
0x1d: {  	s5 =	simm.s32 @p1 $0x1;
	p0 =	seq.s32 s7, s2  }
0x1e: {  	s7 =	smul.u32 @!p0 $0xF7A, s2;
	p2 =	seq.s32 @!p0 s5, $0x0  }
0x1f: {  	s9 =	smul.u32 $0xF7A, s1;
	s8 =	simm.s32 @!p0 $0x1BF5;
	p2 =	por !p2, p0  }
0x20: {  	[sflag:s8] =	ssyncset.s32 @!p0 $0xFFFFF086;
	s6 =	sadd.s32 @!p0 s3, s7;
	s7 =	simm.s32 @!p0 $0x108  }
0x21: {  	s3 =	sadd.s32 s3, s9;
	s6 =	sadd.s32 @!p0 $0x88, s6;
	s7 =	simm.s32 @p2 $0x1082  }
0x22: {  	[simem:s7], [sflag:s8] =	dma.local @!p0 [hbm:s6], $0xF7A  }
0x23: {  	s9 =	sor.u32 $0xD0000000, s2;
	s6 =	simm.s32 $0x108;
	_ =	swait.ge @!p0 [sflag:s8], $0x0  }
0x24: {  	s3 =	sadd.s32 $0x88, s3;
	s6 =	simm.s32 @!p1 $0x1082;
	[sflag:s4] =	ssyncset.s32 $0xFFFFF086  }
0x25: {  	[simem:s6], [sflag:s4] =	dma.local [hbm:s3], $0xF7A  }
0x26: {  	[smem:$0x3F9F] =	sst s1;
	(tag) =	ssettag s2;
	_ =	strace s9  }
0x27: {  	s1 =	sld [smem:$0x3FAF]  }
0x28: {  	s2 =	sld [smem:$0x3FB0]  }
0x29: {  	s4 =	sld [smem:$0x3FB2]  }
0x2a: {  	p0 =	seq.s32 s5, $0x0;
	s5 =	sld [smem:$0x3FB3]  }
0x2b: {  	s6 =	sld [smem:$0x3FB4]  }
0x2c: {  	s7 =	sld [smem:$0x3FB5]  }
0x2d: {  	s3 =	simm.s32 $0x108;
	s8 =	sld [smem:$0x3FB6]  }
0x2e: {  	s3 =	simm.s32 @!p0 $0x1082;
	s9 =	sld [smem:$0x3FB7]  }
0x2f: {  	lr =	sadd.s32 s0, s3;
	s0 =	sld [smem:$0x3FAE]  }
0x30: {  	s3 =	sld [smem:$0x3FB1]  }
0x31: {  	[smem:$0x3FBA] =	sst s10  }
0x32: {  	s10 =	sld [smem:$0x3FB8];
	_ =	sdelay $0x3  }
0x33: {  	p0 =	seq.s32 s10, $0x1;
	s10 =	sld [smem:$0x3FBA];
	_ =	sdelay $0x3  }
0x34: {  	[smem:$0x3FBA] =	sst s10  }
0x35: {  	s10 =	sld [smem:$0x3FB9];
	_ =	sdelay $0x3  }
0x36: {  	p1 =	seq.s32 s10, $0x1;
	s10 =	sld [smem:$0x3FBA];
	_ =	sdelay $0x3  }
0x37: {  	[smem:$0x3FBA] =	sst s10  }
0x38: {  	s10 =	sld [smem:$0x3FBB]  }
0x39: {  	_ = 	snop;
	(pc) =	sbr.ind lr, $3  }
0x3a: {  	_ = 	snop  }
0x3b: {  	_ = 	snop  }
0x3c: {  	p2 =	seq.s32 s10, $0x1;
	s10 =	sld [smem:$0x3FBA]  }
0x3d: {  	_ =	shalt  }
0x3e: {  	_ =	shalt  }
0x3f: {  	_ =	shalt  }
0x40: {  	_ =	shalt  }
0x41: {  	_ =	shalt  }
0x42: {  	_ =	shalt  }
0x43: {  	_ =	shalt  }
0x44: {  	_ =	shalt  }
0x45: {  	_ =	shalt  }
0x46: {  	_ =	shalt  }
0x47: {  	_ =	shalt  }
0x48: {  	_ =	shalt  }
0x49: {  	_ =	shalt  }
0x4a: {  	_ =	shalt  }
0x4b: {  	_ =	shalt  }
0x4c: {  	_ =	shalt  }
0x4d: {  	_ =	shalt  }
0x4e: {  	_ =	shalt  }
0x4f: {  	_ =	shalt  }
0x50: {  	_ =	shalt  }
0x51: {  	_ =	shalt  }
0x52: {  	_ =	shalt  }
0x53: {  	_ =	shalt  }
0x54: {  	_ =	shalt  }
0x55: {  	_ =	shalt  }
0x56: {  	_ =	shalt  }
0x57: {  	_ =	shalt  }
0x58: {  	_ =	shalt  }
0x59: {  	_ =	shalt  }
0x5a: {  	_ =	shalt  }
0x5b: {  	_ =	shalt  }
0x5c: {  	_ =	shalt  }
0x5d: {  	_ =	shalt  }
0x5e: {  	_ =	shalt  }
0x5f: {  	_ =	shalt  }
0x60: {  	_ =	shalt  }
0x61: {  	_ =	shalt  }
0x62: {  	_ =	shalt  }
0x63: {  	_ =	shalt  }
0x64: {  	_ =	shalt  }
0x65: {  	_ =	shalt  }
0x66: {  	_ =	shalt  }
0x67: {  	_ =	shalt  }
0x68: {  	_ =	shalt  }
0x69: {  	_ =	shalt  }
0x6a: {  	_ =	shalt  }
0x6b: {  	_ =	shalt  }
0x6c: {  	_ =	shalt  }
0x6d: {  	_ =	shalt  }
0x6e: {  	_ =	shalt  }
0x6f: {  	_ =	shalt  }
0x70: {  	_ =	shalt  }
0x71: {  	_ =	shalt  }
0x72: {  	_ =	shalt  }
0x73: {  	_ =	shalt  }
0x74: {  	_ =	shalt  }
0x75: {  	_ =	shalt  }
0x76: {  	_ =	shalt  }
0x77: {  	_ =	shalt  }
0x78: {  	_ =	shalt  }
0x79: {  	_ =	shalt  }
0x7a: {  	_ =	shalt  }
0x7b: {  	_ =	shalt  }
0x7c: {  	_ =	shalt  }
0x7d: {  	_ =	shalt  }
0x7e: {  	_ =	shalt  }
0x7f: {  	_ =	shalt  }
0x80: {  	_ =	shalt  }
0x81: {  	_ =	shalt  }
0x82: {  	_ =	shalt  }
0x83: {  	_ =	shalt  }
0x84: {  	_ =	shalt  }
0x85: {  	_ =	shalt  }
0x86: {  	_ =	shalt  }
0x87: {  	_ =	shalt  }
.Lfunc_end0:
.L_simem_size_0:
called_computation_lowered:
.L_overlay_start_0:
0x88: {  	s2 =	sld [smem:$0x3FD9]  }
0x89: {  	s3 =	sld [smem:$0x3FFE];
	_ =	sdelay $0x1  }
0x8a: {  	s1 =	srdreg.scid  }
0x8b: {  	s0 =	sand.u32 $0x1, s1  }
0x8c: {  	s14 =	sshll.u32 s0, $0xA;
	s2 =	sadd.s32 s3, s2  }
0x8d: {  	s2 =	sadd.s32 s2, s14  }
0x8e: {  	[smem:$0x3FC6] =	sst s2  }
0x8f: {  	_ = 	snop  }
0x90: {  	s2 =	sld [smem:$0x3FD0];
	_ =	sdelay $0x2  }
0x91: {  	s15 =	simm.s32 $0xA;
	s4 =	simm.s32 $0x10  }
0x92: {  	[smem:s4], [sflag:s15] =	dma.local [hbm:s2], $0x1  }
0x93: {  	_ =	swait.eq [sflag:s15], $0x1  }
0x94: {  	[sflag:s15] =	ssyncset.done $0x0  }
0x95: {  	s16 =	sld [smem:$0x12];
	[sflag:s15] =	ssyncadd.s32 $0xFFFFFFFF  }
0x96: {  	s17 =	sld [smem:$0x13];
	(tm) =	ssettm $0x1  }
0x97: {  	s18 =	sld [smem:$0x3FFB];
	_ =	sdelay $0x3  }
0x98: {  	_ =	strace s18  }
0x99: {  	s4 =	sld [smem:$0x3FFC];
	_ =	sdelay $0x3  }
0x9a: {  	_ =	strace s4  }
0x9b: {  	s4 =	sld [smem:$0x3FFD];
	_ =	sdelay $0x3  }
0x9c: {  	_ =	strace s4  }
0x9d: {  	_ =	strace $0x8FFFFFFF  }
0x9e: {  	s19 =	sld [smem:$0x3FDB];
	_ =	sdelay $0x1  }
0x9f: {  	s5 =	simm.s32 $_scs_section_size  }
0xa0: {  	s6 =	simm.s32 $_size__tile_overlayer_lowered;
	s7 =	simm.s32 $_tile_overlayer_lowered  }
0xa1: {  	s22 =	simm.s32 $0x1BFF;
	s21 =	sshll.u32 s7, $0x1;
	s4 =	sadd.s32 s5, s19  }
0xa2: {  	s8 =	simm.s32 $0x0;
	s20 =	sshll.u32 s6, $0x1;
	s6 =	sadd.s32 s21, s4  }
0xa3: {  	[timem:s8], [sflag:s22] =	dma.local [hbm:s6], s20  }
0xa4: {  	_ =	swait.ge [sflag:s22], s20  }
0xa5: {  	s5 =	ssub.s32 $0x0, s20;
	[sflag:s22] =	ssyncset.done $0x0  }
0xa6: {  	[sflag:s22] =	ssyncadd.s32 s5;
	_ =	sdelay $0x1  }
0xa7: {  	s23 =	simm.s32 $0x1B8B  }
0xa8: {  	_ =	swait.ge [sflag:s23], $0x1  }
0xa9: {  	[sflag:s23] =	ssyncset.done $0x0  }
0xaa: {  	s25 =	simm.s32 $0x1B8E;
	s24 =	sld [smem:$0x3FFE];
	[sflag:s23] =	ssyncadd.s32 $0xFFFFFFFF  }
0xab: {  	s26 =	simm.s32 $execute0_lowered;
	[smem:$0x3FD2] =	sst s25  }
0xac: {  	s6 =	sshll.u32 s26, $0x1;
	_ =	strace $0x80000046;
	[dreg:$0x1] =	wrdreg $0xFFFFFFFF  }
0xad: {  	s28 =	simm.s32 $_size_execute0_lowered;
	s4 =	sadd.s32 s4, s6;
	[dreg:$0x0] =	wrdreg $0x0  }
0xae: {  	s6 =	sshll.u32 s28, $0x1;
	[dreg:$0x2] =	wrdreg s4  }
0xaf: {  	[dreg:$0x3] =	wrdreg s6  }
0xb0: {  	[dreg:$0x4] =	wrdreg $0xC0  }
0xb1: {  	_ =	task [dreg:s8], $0x5FFFF  }
0xb2: {  	[dreg:$0x1] =	wrdreg $0xFFFFFFFF  }
0xb3: {  	[dreg:$0x0] =	wrdreg $0x60  }
0xb4: {  	[dreg:$0x2] =	wrdreg s24  }
0xb5: {  	[dreg:$0x3] =	wrdreg s17  }
0xb6: {  	[dreg:$0x4] =	wrdreg s16  }
0xb7: {  	[dreg:$0x5] =	wrdreg $0x139000  }
0xb8: {  	[dreg:$0x6] =	wrdreg $0x13D000  }
0xb9: {  	[dreg:$0x7] =	wrdreg $0x13B000  }
0xba: {  	[dreg:$0x8] =	wrdreg $0x13F000  }
0xbb: {  	[dreg:$0x9] =	wrdreg $0x13A000  }
0xbc: {  	[dreg:$0xa] =	wrdreg $0x13E000  }
0xbd: {  	[dreg:$0xb] =	wrdreg $0x13C000  }
0xbe: {  	[dreg:$0xc] =	wrdreg $0x140000  }
0xbf: {  	[dreg:$0xd] =	wrdreg $0x9  }
0xc0: {  	_ =	task.clear_ibuf [dreg:s8], $0xEFFFF;
	_ =	strace $0x90000046  }
0xc1: {  	s29 =	simm.s32 $0x9;
	_ =	strace $0x80000048  }
0xc2: {  	_ =	swait.ge [sflag:s29], $0x1  }
0xc3: {  	[sflag:s29] =	ssyncadd.s32 $0xFFFFFFFF  }
0xc4: {  	_ =	strace $0x90000048  }
0xc5: {  	_ =	sfence  }
0xc6: {  	s30 =	sld [smem:$0x0];
	_ =	sdelay $0x2  }
0xc7: {  	s31 =	sshll.u32 s1, $0xD;
	s1 =	sshrl.u32 s1, $0x2  }
0xc8: {  	s3 =	sand.u32 $0x4000, s31;
	s1 =	sadd.s32 s1, s30  }
0xc9: {  	s0 =	sor.u32 s3, s0;
	s1 =	sshll.u32 s1, $0x11  }
0xca: {  	s0 =	sor.u32 s1, s0  }
0xcb: {  	s0 =	sadd.s32 $0x8F2B, s0  }
0xcc: {  	[sflag:s0] =	ssyncadd.remote.s32 $0x1  }
0xcd: {  	_ =	sfence.sel $0xFFFF  }
0xce: {  	[dreg:$0x0] =	wrdreg $0xFFFFFFFF;
	(pc) =	sbr.abs _section_cstart, $3  }
0xcf: {  	[dreg:$0x1] =	wrdreg $0xFFFFFFFF  }
0xd0: {  	_ =	task.clear_ibuf [dreg:s8], $0x2FFFF;
	_ =	strace $0x9FFFFFFF  }
0xd1: {  	(tm) =	ssettm $0x7FFFFFFF  }
tec
execute0_lowered:
.L_overlay_start_1:
0x0: {  	(tag) =	ssettag $0x1  }
0x1: {  	s12 =	rddreg [dreg:$0x3]  }
0x2: {  	s13 =	rddreg [dreg:$0x4]  }
0x3: {  	s14 =	rddreg [dreg:$0x5]  }
0x4: {  	s15 =	rddreg [dreg:$0x6]  }
0x5: {  	s16 =	rddreg [dreg:$0x7]  }
0x6: {  	s0 =	srdreg.scid;
	s17 =	rddreg [dreg:$0x8]  }
0x7: {  	s18 =	rddreg [dreg:$0x9];
	s1 =	sand.u32 $0x1, s0  }
0x8: {  	s11 =	stileid.u32;
	s19 =	rddreg [dreg:$0xa];
	s0 =	sshll.u32 s1, $0x4  }
0x9: {  	s21 =	rddreg [dreg:$0x0];
	s2 =	sor.u32 s11, s0;
	s0 =	sand.u32 $0x7, s11  }
0xa: {  	s22 =	rddreg [dreg:$0x1];
	p0 =	seq.s32 s2, $0x0;
	p1 =	sne.s32 s0, $0x0  }
0xb: {  	s3 =	simm.s32 $0x1;
	s6 =	rddreg [dreg:$0x2];
	p0 =	por !p1, !p0  }
0xc: {  	s4 =	smov.u32 s16;
	s7 =	sadd.s32 $0x1000, s21;
	p0 =	por !p0, !p0  }
0xd: {  	s5 =	ssub.s32 $0x2, s1;
	s2 =	sshrl.u32 s2, $0x3;
	s3 =	simm.s32 @!p0 $0x0  }
0xe: {  	s1 =	sshll.u32 s1, $0xA;
	s8 =	sshrl.u32 s5, $0x1;
	s2 =	ssub.s32 s2, s3  }
0xf: {  	s5 =	ssub.s32 s5, s8;
	p0 =	sgt.s32 s11, $0x3;
	s3 =	sand.u32 $0x1, s2  }
0x10: {  	p2 =	sgt.s32 @p0 s11, $0x5;
	p1 =	seq.s32 s3, $0x1;
	s3 =	smov.u32 s12  }
0x11: {  	p5 =	sgt.s32 @!p0 s11, $0x1;
	s2 =	smul.u32 $0x3000, s2;
	s3 =	smov.u32 @p1 s14  }
0x12: {  	s4 =	smov.u32 @p1 s18;
	[dreg:$0xc] =	wrdreg s3;
	s3 =	smov.u32 s13  }
0x13: {  	p3 =	por !p2, !p0;
	[dreg:$0xe] =	wrdreg s4;
	s3 =	smov.u32 @p1 s15  }
0x14: {  	s23 =	sadd.s32 $0x1000, s2;
	[dreg:$0xd] =	wrdreg s3;
	s3 =	smov.u32 s17  }
0x15: {  	s4 =	sadd.s32 s22, s1;
	s3 =	smov.u32 @p1 s19;
	p1 =	seq.s32 @!p3 s11, $0x6  }
0x16: {  	s22 =	simm.s32 $0x0;
	p3 =	por p2, !p0;
	p4 =	por @p0 !p1, !p2  }
0x17: {  	[dreg:$0xf] =	wrdreg s3;
	p3 =	seq.s32 @!p3 s11, $0x4;
	s3 =	simm.s32 @!p4 $0x0  }
0x18: {  	p1 =	por @p0 p1, !p2;
	p6 =	por @p0 !p3, p2;
	s3 =	simm.s32 @p4 $0x1  }
0x19: {  	p2 =	por @p0 p3, p2;
	[smem:$0x7D9] =	sst s3;
	s3 =	simm.s32 @!p1 $0x0  }
0x1a: {  	s3 =	simm.s32 @p1 $0x1;
	p1 =	por !p5, p0;
	s9 =	sld [smem:$0x7D9]  }
0x1b: {  	[smem:$0x7DB] =	sst s3;
	s3 =	simm.s32 @!p2 $0x0;
	p1 =	seq.s32 @!p1 s11, $0x2  }
0x1c: {  	s3 =	simm.s32 @p2 $0x1;
	p2 =	por p5, p0;
	p3 =	por @!p0 !p1, !p5  }
0x1d: {  	p4 =	por @!p0 p1, !p5;
	s10 =	sld [smem:$0x7DB];
	p2 =	seq.s32 @!p2 s11, $0x0  }
0x1e: {  	p1 =	por @!p0 !p2, p5;
	p5 =	por @!p0 p2, p5;
	p2 =	seq.s32 s9, $0x1  }
0x1f: {  	s8 =	sshrl.u32 s23, $0x3;
	[smem:$0x7FF] =	sst s22;
	p2 =	por p2, !p0  }
0x20: {  	s24 =	sadd.s32 s7, s8;
	[smem:$0x7DD] =	sst s3;
	s3 =	simm.s32 @!p2 $0x0  }
0x21: {  	[dreg:$0x11] =	wrdreg s24;
	s3 =	simm.s32 @p2 $0x1;
	p2 =	seq.s32 s10, $0x1  }
0x22: {  	s20 =	sld [smem:$0x7DD];
	p2 =	por p2, !p0  }
0x23: {  	p3 =	por p3, p0;
	[smem:$0x7DA] =	sst s3;
	s3 =	simm.s32 @!p2 $0x0  }
0x24: {  	p4 =	por p4, p0;
	s3 =	simm.s32 @p2 $0x1;
	p2 =	por p6, !p0  }
0x25: {  	p6 =	seq.s32 s20, $0x1;
	[smem:$0x7E8] =	sst s3;
	s3 =	simm.s32 @!p2 $0x0  }
0x26: {  	s9 =	sadd.s32 $0x2800, s21;
	p6 =	por p6, !p0;
	s3 =	simm.s32 @p2 $0x1  }
0x27: {  	p1 =	por p1, p0;
	[smem:$0x7DC] =	sst s3;
	s3 =	simm.s32 @!p6 $0x0  }
0x28: {  	s26 =	sadd.s32 s9, s8;
	s10 =	sshrl.u32 s2, $0x3;
	s3 =	simm.s32 @p6 $0x1  }
0x29: {  	s2 =	sadd.s32 $0x2000, s2;
	[smem:$0x7EB] =	sst s3;
	s3 =	simm.s32 @!p3 $0x0  }
0x2a: {  	[dreg:$0x14] =	wrdreg s26;
	s2 =	sshrl.u32 s2, $0x3;
	s3 =	simm.s32 @p3 $0x1  }
0x2b: {  	s20 =	sadd.s32 s7, s10;
	[smem:$0x7DE] =	sst s3;
	s3 =	simm.s32 @!p4 $0x0  }
0x2c: {  	s7 =	sadd.s32 s7, s2;
	p2 =	sgt.s32 s11, $0xB;
	s3 =	simm.s32 @p4 $0x1  }
0x2d: {  	p3 =	sgt.s32 @p2 s11, $0xD;
	[smem:$0x7ED] =	sst s3;
	s3 =	simm.s32 @!p1 $0x0  }
0x2e: {  	p0 =	por p5, p0;
	s3 =	simm.s32 @p1 $0x1;
	p1 =	por !p3, !p2  }
0x2f: {  	[smem:$0x7DF] =	sst s3;
	s3 =	simm.s32 @!p0 $0x0;
	p1 =	seq.s32 @!p1 s11, $0xE  }
0x30: {  	[dreg:$0x12] =	wrdreg s7;
	s3 =	simm.s32 @p0 $0x1;
	p0 =	por @p2 !p1, !p3  }
0x31: {  	s2 =	sadd.s32 s9, s2;
	[smem:$0x7EF] =	sst s3;
	s3 =	simm.s32 @!p0 $0x0  }
0x32: {  	p4 =	por p3, !p2;
	s3 =	simm.s32 @p0 $0x1;
	p0 =	por @p2 p1, !p3  }
0x33: {  	p5 =	seq.s32 @!p4 s11, $0xC;
	[smem:$0x7E0] =	sst s3;
	s3 =	simm.s32 @!p0 $0x0  }
0x34: {  	[dreg:$0x15] =	wrdreg s2;
	s3 =	simm.s32 @p0 $0x1;
	p0 =	por @p2 !p5, p3  }
0x35: {  	s25 =	sadd.s32 s9, s10;
	[smem:$0x7E2] =	sst s3;
	s3 =	simm.s32 @!p0 $0x0  }
0x36: {  	s2 =	sadd.s32 s1, s21;
	s7 =	sld [smem:$0x7E0];
	s3 =	simm.s32 @p0 $0x1  }
0x37: {  	p0 =	por @p2 p5, p3;
	p3 =	sgt.s32 @!p2 s11, $0x9;
	s8 =	sld [smem:$0x7E2]  }
0x38: {  	[smem:$0x7E3] =	sst s3;
	s3 =	simm.s32 @!p0 $0x0;
	p6 =	por !p3, p2  }
0x39: {  	p5 =	seq.s32 s7, $0x1;
	s3 =	simm.s32 @p0 $0x1;
	s9 =	sld [smem:$0x7E3]  }
0x3a: {  	p0 =	por p3, p2;
	p6 =	seq.s32 @!p6 s11, $0xA;
	[smem:$0x7E5] =	sst s3  }
0x3b: {  	p0 =	seq.s32 @!p0 s11, $0x8;
	p1 =	por @!p2 !p6, !p3;
	p6 =	por @!p2 p6, !p3  }
0x3c: {  	p4 =	por @!p2 !p0, p3;
	p3 =	por @!p2 p0, p3;
	p0 =	por p5, !p2  }
0x3d: {  	s3 =	sadd.s32 s6, s1;
	p5 =	seq.s32 s8, $0x1;
	s1 =	simm.s32 @!p0 $0x0  }
0x3e: {  	s1 =	simm.s32 @p0 $0x1;
	p0 =	por p5, !p2;
	p5 =	seq.s32 s9, $0x1  }
0x3f: {  	[dreg:$0x13] =	wrdreg s25;
	p5 =	por p5, !p2  }
0x40: {  	[smem:$0x7E1] =	sst s1;
	s1 =	simm.s32 @!p5 $0x0  }
0x41: {  	[dreg:$0x10] =	wrdreg s20;
	p1 =	por p1, p2;
	s1 =	simm.s32 @p5 $0x1  }
0x42: {  	[smem:$0x7E4] =	sst s1;
	s1 =	simm.s32 @!p1 $0x0  }
0x43: {  	s20 =	sld [smem:$0x7E8];
	p4 =	por p4, p2;
	s1 =	simm.s32 @p1 $0x1  }
0x44: {  	[smem:$0x7E6] =	sst s1;
	s1 =	simm.s32 @!p4 $0x0  }
0x45: {  	s10 =	sld [smem:$0x7E5];
	s1 =	simm.s32 @p4 $0x1  }
0x46: {  	s21 =	sadd.s32 $0x4B00, s2;
	[smem:$0x7E7] =	sst s1  }
0x47: {  	s24 =	sadd.s32 $0x4A00, s2;
	_ =	strace $0x80000047;
	[dreg:$0x18] =	wrdreg s21  }
0x48: {  	s23 =	sshll.u32 s0, $0x9;
	s25 =	sadd.s32 $0x4300, s2;
	[dreg:$0x19] =	wrdreg s24  }
0x49: {  	s0 =	sadd.s32 $0x800, s17;
	s26 =	sadd.s32 $0x4200, s2;
	[dreg:$0x1a] =	wrdreg s25  }
0x4a: {  	s7 =	sadd.s32 $0x4100, s2;
	s1 =	sadd.s32 $0x4900, s2;
	[dreg:$0x1b] =	wrdreg s26  }
0x4b: {  	s6 =	sadd.s32 $0x4800, s2;
	s8 =	sadd.s32 $0x4000, s2;
	[dreg:$0x1c] =	wrdreg s1  }
0x4c: {  	s9 =	smax.u32 s5, $0x1;
	p5 =	seq.s32 s10, $0x1;
	[dreg:$0x1d] =	wrdreg s6  }
0x4d: {  	p5 =	por p5, !p2;
	p1 =	por p6, p2;
	[dreg:$0x1e] =	wrdreg s7  }
0x4e: {  	p2 =	por p3, p2;
	p3 =	seq.s32 s20, $0x1;
	[dreg:$0x1f] =	wrdreg s8  }
0x4f: {  	s0 =	sshrl.u32 @!p3 s0, $0x3;
	[smem:$0x7E9] =	sst s9  }
0x50: {  	s20 =	sadd.s32 $0x300, s4;
	[smem:$0x7EA] =	sst s0  }
0x51: {  	s28 =	simm.s32 $0xA080;
	[smem:$0x7FA] =	sst s20  }
0x52: {  	s29 =	simm.s32 $0xF100;
	s30 =	simm.s32 $0x10100;
	[dreg:$0x16] =	wrdreg s3  }
0x53: {  	s31 =	simm.s32 $0x11100;
	s5 =	simm.s32 $0xB100;
	[dreg:$0x17] =	wrdreg s4  }
0x54: {  	s2 =	simm.s32 @!p5 $0x0;
	s0 =	sadd.s32 $0x800, s16;
	s10 =	sld [smem:$0x7EB]  }
0x55: {  	s1 =	sadd.s32 $0x800, s12;
	s2 =	simm.s32 @p5 $0x1;
	s16 =	sld [smem:$0x7ED]  }
0x56: {  	s24 =	simm.s32 $0x1;
	s21 =	sadd.s32 $0x200, s4;
	s17 =	sld [smem:$0x7EF]  }
0x57: {  	s25 =	sadd.s32 $0x100, s3;
	s26 =	sadd.s32 $0x100, s4;
	[smem:$0x7F3] =	sst s2  }
0x58: {  	s4 =	simm.s32 $0x3000;
	s7 =	simm.s32 $0x4000;
	[smem:$0x7FB] =	sst s21  }
0x59: {  	s9 =	simm.s32 $0x5000;
	s6 =	simm.s32 $0xC100;
	[smem:$0x7FC] =	sst s25  }
0x5a: {  	s20 =	simm.s32 $0x12100;
	[smem:$0x7FD] =	sst s26;
	p4 =	seq.s32 s10, $0x1  }
0x5b: {  	s2 =	simm.s32 $0x9000;
	s25 =	simm.s32 $0xD100;
	s0 =	sshrl.u32 @!p4 s0, $0x3  }
0x5c: {  	p4 =	seq.s32 s16, $0x1;
	[smem:$0x7EC] =	sst s0;
	s0 =	sadd.s32 $0x800, s13  }
0x5d: {  	s26 =	simm.s32 $0xE100;
	s0 =	sshrl.u32 @!p4 s0, $0x3;
	p4 =	seq.s32 s17, $0x1  }
0x5e: {  	[smem:$0x7EE] =	sst s0;
	s0 =	sshrl.u32 @!p4 s1, $0x3;
	s1 =	simm.s32 @!p0 $0x0  }
0x5f: {  	s21 =	simm.s32 $0x80;
	[smem:$0x7F0] =	sst s0;
	s1 =	simm.s32 @p0 $0x1  }
0x60: {  	s0 =	sadd.s32 $0x800, s19;
	s19 =	sadd.s32 $0x200, s3;
	[smem:$0x7F1] =	sst s1  }
0x61: {  	s0 =	sshrl.u32 @!p0 s0, $0x3;
	s1 =	sadd.s32 $0x800, s15;
	[smem:$0x7F9] =	sst s19  }
0x62: {  	p0 =	sgt.s32 s11, $0x7;
	s11 =	simm.s32 $0x0;
	[smem:$0x7F2] =	sst s0  }
0x63: {  	s0 =	sadd.s32 $0x800, s18;
	s18 =	sadd.s32 $0x300, s3;
	s3 =	simm.s32 $0x2000  }
.Ltmp0:
0x64: {  	s0 =	sshrl.u32 @!p5 s0, $0x3;
	[smem:$0x7F8] =	sst s18;
	(pc) =	sbr.rel .LBB2_1-.Ltmp0, $4  }
0x65: {  	[smem:$0x7F4] =	sst s0;
	s0 =	sshrl.u32 @!p1 s1, $0x3;
	s1 =	simm.s32 @!p2 $0x0  }
0x66: {  	[smem:$0x7F5] =	sst s0;
	s0 =	sadd.s32 $0x800, s14;
	s1 =	simm.s32 @p2 $0x1  }
0x67: {  	v0 =	vimm.s32 $0x0;
	p5 =	por p1, p1;
	[smem:$0x7F6] =	sst s1;
	s0 =	sshrl.u32 @!p2 s0, $0x3  }
0x68: {  	v1 =	vimm.s32 $0x1;
	v3 =	vimm.s32 $0x1000;
	v4 =	vlaneseq.u32;
	s14 =	simm.s32 $0x1000;
	s1 =	simm.s32 $0x7000;
	[smem:$0x7F7] =	sst s0  }
.LBB2_84:
0x69: {  	s8 =	sld [smem:$0x7E1];
	_ =	sdelay $0x2  }
0x6a: {  	s0 =	rddreg [dreg:$0xa];
	p1 =	seq.s32 s8, $0x1  }
0x6b: {  	s10 =	rddreg [dreg:$0x19];
	s0 =	sshrl.u32 @!p1 s0, $0x3;
	s8 =	simm.s32 @!p1 $0x1F81  }
0x6c: {  	[hbm:s10], [sflag:s8] =	dma.local @!p1 [spmem:s0], $0x100  }
0x6d: {  	s0 =	sld [smem:$0x7F1];
	_ =	sdelay $0x1  }
0x6e: {  	s10 =	sld [smem:$0x7F2]  }
0x6f: {  	p6 =	por p0, p0;
	p0 =	seq.s32 s0, $0x1  }
0x70: {  	s8 =	rddreg [dreg:$0x18];
	s0 =	simm.s32 @!p0 $0x1FC1  }
0x71: {  	[hbm:s8], [sflag:s0] =	dma.local @!p0 [spmem:s10], $0x100  }
0x72: {  	s8 =	sld [smem:$0x7E4];
	_ =	sdelay $0x2  }
0x73: {  	s0 =	rddreg [dreg:$0x9];
	p0 =	seq.s32 s8, $0x1  }
0x74: {  	s10 =	rddreg [dreg:$0x1b];
	s0 =	sshrl.u32 @!p0 s0, $0x3;
	s8 =	simm.s32 @!p0 $0x1F01  }
0x75: {  	[hbm:s10], [sflag:s8] =	dma.local @!p0 [spmem:s0], $0x100  }
0x76: {  	s0 =	sld [smem:$0x7F3];
	_ =	sdelay $0x1  }
0x77: {  	s10 =	sld [smem:$0x7F4]  }
0x78: {  	p0 =	seq.s32 s0, $0x1  }
0x79: {  	s8 =	rddreg [dreg:$0x1a];
	s0 =	simm.s32 @!p0 $0x1F41  }
0x7a: {  	[hbm:s8], [sflag:s0] =	dma.local @!p0 [spmem:s10], $0x100  }
0x7b: {  	s8 =	sld [smem:$0x7E6];
	_ =	sdelay $0x1  }
0x7c: {  	s10 =	sld [smem:$0x7F9]  }
0x7d: {  	s0 =	rddreg [dreg:$0x6];
	p0 =	seq.s32 s8, $0x1  }
0x7e: {  	s0 =	sshrl.u32 @!p0 s0, $0x3;
	s8 =	simm.s32 @!p0 $0x1E81  }
0x7f: {  	[hbm:s10], [sflag:s8] =	dma.local @!p0 [spmem:s0], $0x100  }
0x80: {  	s8 =	sld [smem:$0x7F5]  }
0x81: {  	s10 =	sld [smem:$0x7F8];
	_ =	sdelay $0x1  }
0x82: {  	s0 =	simm.s32 @!p5 $0x1EC1  }
0x83: {  	[hbm:s10], [sflag:s0] =	dma.local @!p5 [spmem:s8], $0x100  }
0x84: {  	s8 =	sld [smem:$0x7E7];
	_ =	sdelay $0x1  }
0x85: {  	s10 =	sld [smem:$0x7FB]  }
0x86: {  	s0 =	rddreg [dreg:$0x5];
	p0 =	seq.s32 s8, $0x1  }
0x87: {  	s0 =	sshrl.u32 @!p0 s0, $0x3;
	s8 =	simm.s32 @!p0 $0x1E01  }
0x88: {  	[hbm:s10], [sflag:s8] =	dma.local @!p0 [spmem:s0], $0x100  }
0x89: {  	s0 =	sld [smem:$0x7F6]  }
0x8a: {  	s8 =	sld [smem:$0x7F7]  }
0x8b: {  	s10 =	sld [smem:$0x7FA]  }
0x8c: {  	p0 =	seq.s32 s0, $0x1  }
0x8d: {  	s0 =	simm.s32 @!p0 $0x1E41  }
0x8e: {  	[hbm:s10], [sflag:s0] =	dma.local @!p0 [spmem:s8], $0x100  }
0x8f: {  	v3 =	vimm.s32 $0x1000;
	v4 =	vlaneseq.u32;
	p0 =	por p6, p6;
	s11 =	sld [smem:$0x7D8]  }
.LBB2_85:
0x90: {  	_ =	swait.ge [sflag:s24], $0x100  }
0x91: {  	s0 =	sld [smem:$0x7E9];
	_ =	sdelay $0x1  }
0x92: {  	s11 =	sadd.s32 $0x1, s11  }
0x93: {  	p1 =	sne.s32 s11, s0  }
.Ltmp1:
0x94: {  	_ = 	snop;
	(pc) =	sbr.rel @!p1 .LBB2_86-.Ltmp1, $3  }
0x95: {  	_ =	sdelay $0x1  }
0x96: {  	[sflag:s24] =	ssyncset.done $0x0  }
0x97: {  	[sflag:s24] =	ssyncadd.s32 $0xFFFFFF00  }
.LBB2_1:
0x98: {  	s0 =	rddreg [dreg:$0x10]  }
0x99: {  	[tilespmem:s22], [sflag:$0x1] =	stream.linear.gather [hbm4b:s0+s22], $0x1000, $0x38;
	[tilespmem:$0x14100] =	vst v63  }
0x9a: {  	_ =	swait.ge [sflag:s24], $0x1000  }
0x9b: {  	[sflag:s24] =	ssyncset.done $0x0  }
0x9c: {  	s15 =	rddreg [dreg:$0x11];
	[sflag:s24] =	ssyncadd.s32 $0xFFFFF000  }
0x9d: {  	[tilespmem:s14], [sflag:$0x1] =	stream.linear.gather [hbm4b:s15+s22], $0x1000, $0x38;
	[tilespmem:$0x14100] =	vst v63  }
0x9e: {  	_ =	swait.ge [sflag:s24], $0x1000  }
0x9f: {  	[sflag:s24] =	ssyncset.done $0x0  }
0xa0: {  	s16 =	rddreg [dreg:$0x12];
	[sflag:s24] =	ssyncadd.s32 $0xFFFFF000  }
0xa1: {  	[tilespmem:s3], [sflag:$0x1] =	stream.linear.gather [hbm4b:s16+s22], $0x1000, $0x38;
	[tilespmem:$0x14100] =	vst v63  }
0xa2: {  	_ =	swait.ge [sflag:s24], $0x1000  }
0xa3: {  	[sflag:s24] =	ssyncset.done $0x0  }
0xa4: {  	s17 =	rddreg [dreg:$0x13];
	[sflag:s24] =	ssyncadd.s32 $0xFFFFF000  }
0xa5: {  	[tilespmem:s4], [sflag:$0x1] =	stream.linear.gather [hbm4b:s17+s22], $0x1000, $0x38;
	[tilespmem:$0x14100] =	vst v63  }
0xa6: {  	_ =	swait.ge [sflag:s24], $0x1000  }
0xa7: {  	[sflag:s24] =	ssyncset.done $0x0  }
0xa8: {  	s18 =	rddreg [dreg:$0x14];
	[sflag:s24] =	ssyncadd.s32 $0xFFFFF000  }
0xa9: {  	[tilespmem:s7], [sflag:$0x1] =	stream.linear.gather [hbm4b:s18+s22], $0x1000, $0x38;
	[tilespmem:$0x14100] =	vst v63  }
0xaa: {  	_ =	swait.ge [sflag:s24], $0x1000  }
0xab: {  	[sflag:s24] =	ssyncset.done $0x0  }
0xac: {  	s19 =	rddreg [dreg:$0x15];
	[sflag:s24] =	ssyncadd.s32 $0xFFFFF000  }
0xad: {  	[tilespmem:s9], [sflag:$0x1] =	stream.linear.gather [hbm4b:s19+s22], $0x1000, $0x38;
	[tilespmem:$0x14100] =	vst v63  }
0xae: {  	_ =	swait.ge [sflag:s24], $0x1000  }
0xaf: {  	[sflag:s24] =	ssyncset.done $0x0  }
0xb0: {  	s8 =	simm.s32 $0x100;
	s0 =	simm.s32 $0x0;
	[sflag:s24] =	ssyncadd.s32 $0xFFFFF000  }
.LBB2_2:
0xb1: {  	p1 =	sne.s32 s8, $0x3F00;
	[tilespmem:s0+$0x7030] =	vst v0;
	s10 =	smov.u32 s8;
	s8 =	sadd.s32 $0x100, s8  }
.Ltmp2:
0xb2: {  	[tilespmem:s0+$0x7020] =	vst v0;
	(pc) =	sbr.rel @p1 .LBB2_2-.Ltmp2, $3  }
0xb3: {  	[tilespmem:s0+$0x7000] =	vst v0  }
0xb4: {  	[tilespmem:s0+$0x7010] =	vst v0;
	_ =	sdelay $0x1  }
0xb5: {  	s0 =	sshra.s32 s10, $0x2  }
0xb6: {  	[tilespmem:s0+$0x7030] =	vst v0  }
0xb7: {  	[tilespmem:s0+$0x7020] =	vst v0  }
0xb8: {  	[tilespmem:s0+$0x7000] =	vst v0  }
0xb9: {  	[tilespmem:s0+$0x7010] =	vst v0;
	s8 =	simm.s32 $0x0  }
0xba: {  	v2 =	vld [tilespmem:s8+$0x0]  }
0xbb: {  	v6 =	vld [tilespmem:s8+$0x1000]  }
0xbc: {  	v7 =	vld [tilespmem:s8+$0x2000];
	_ =	sdelay $0x3  }
0xbd: {  	v2 =	vmul.f32 $1.600000000e+01, v2;
	v6 =	vmul.f32 $1.600000000e+01, v6  }
0xbe: {  	v7 =	vmul.f32 $1.600000000e+01, v7  }
0xbf: {  	v2 =	vtrunc.f32 v2;
	v6 =	vtrunc.f32 v6  }
0xc0: {  	v2 =	vcvt.f32.s32 v2;
	v6 =	vcvt.f32.s32 v6  }
0xc1: {  	v7 =	vtrunc.f32 v7  }
0xc2: {  	v7 =	vcvt.f32.s32 v7;
	vm0 =	vlt.s32 v2, $0xF;
	vm1 =	vlt.s32 v6, $0xF  }
0xc3: {  	v2 =	vnsel vm0, $0xF, v2;
	v6 =	vnsel vm1, $0xF, v6  }
0xc4: {  	vm15 =	vlt.s32 v7, $0xF;
	v2 =	vshll.u32 v2, $0x8;
	v6 =	vshll.u32 v6, $0x4  }
0xc5: {  	v7 =	vnsel vm15, $0xF, v7;
	v2 =	vadd.s32 v2, v6  }
0xc6: {  	v2 =	vadd.s32 v7, v2  }
0xc7: {  	(xrf1) =	vunique.msk.u32 $0xffff, v2;
	_ =	sdelay $0x8  }
0xc8: {  	[tilespmem:s8+$0x6000] =	vst v2  }
0xc9: {  	v6 =	vld.idx.msk [tilespmem:v2+s1+$0x0], $0xffff;
	_ =	sdelay $0x3  }
0xca: {  	_, v7, _ =	vpop (xrf1)  }
0xcb: {  	v6 =	vadd.s32 v7, v6  }
0xcc: {  	[smem:$0x7D8] =	sst s11;
	s15 =	simm.s32 $0x0;
	s10 =	simm.s32 $0x40;
	v6 =	vadd.s32 $0xFFFFFFFF, v6  }
.LBB2_4:
0xcd: {  	p2 =	sne.s32 s10, $0x3FC0;
	[tilespmem:s8+$0x8000] =	vst v6;
	s0 =	smov.u32 s10;
	s10 =	sadd.s32 $0x40, s10  }
0xce: {  	s8 =	sshra.s32 s0, $0x2;
	[tilespmem:v2+s1+$0x0] =	vst.idx.add.s32.msk $0xffff, v1  }
0xcf: {  	v2 =	vld [tilespmem:s8+$0x0]  }
0xd0: {  	v6 =	vld [tilespmem:s8+$0x1000]  }
0xd1: {  	v7 =	vld [tilespmem:s8+$0x2000];
	_ =	sdelay $0x2  }
0xd2: {  	v2 =	vmul.f32 $1.600000000e+01, v2  }
0xd3: {  	v6 =	vmul.f32 $1.600000000e+01, v6  }
0xd4: {  	v2 =	vtrunc.f32 v2;
	v7 =	vmul.f32 $1.600000000e+01, v7  }
0xd5: {  	v2 =	vcvt.f32.s32 v2;
	v6 =	vtrunc.f32 v6  }
0xd6: {  	v6 =	vcvt.f32.s32 v6;
	v7 =	vtrunc.f32 v7  }
0xd7: {  	vm0 =	vlt.s32 v2, $0xF;
	v7 =	vcvt.f32.s32 v7  }
0xd8: {  	v2 =	vnsel vm0, $0xF, v2;
	vm0 =	vlt.s32 v6, $0xF  }
0xd9: {  	v6 =	vnsel vm0, $0xF, v6;
	vm0 =	vlt.s32 v7, $0xF;
	v2 =	vshll.u32 v2, $0x8  }
0xda: {  	v7 =	vnsel vm0, $0xF, v7;
	v6 =	vshll.u32 v6, $0x4  }
0xdb: {  	v2 =	vadd.s32 v2, v6  }
0xdc: {  	v2 =	vadd.s32 v7, v2  }
0xdd: {  	(xrf1) =	vunique.msk.u32 $0xffff, v2;
	_ =	sdelay $0x6  }
0xde: {  	[tilespmem:s8+$0x6000] =	vst v2  }
0xdf: {  	v6 =	vld.idx.msk [tilespmem:v2+s1+$0x0], $0xffff;
	_ =	sdelay $0x3  }
.Ltmp3:
0xe0: {  	(pc) =	sbr.rel @p2 .LBB2_4-.Ltmp3, $4  }
0xe1: {  	_ = 	snop  }
0xe2: {  	_, v7, _ =	vpop (xrf1)  }
0xe3: {  	v6 =	vadd.s32 v7, v6  }
0xe4: {  	v6 =	vadd.s32 $0xFFFFFFFF, v6  }
0xe5: {  	_ =	sdelay $0x2  }
0xe6: {  	[tilespmem:s8+$0x8000] =	vst v6  }
0xe7: {  	s16 =	simm.s32 $0x0;
	[tilespmem:v2+s1+$0x0] =	vst.idx.add.s32.msk $0xffff, v1  }
0xe8: {  	v2 =	vld [tilespmem:s16+$0x7000]  }
0xe9: {  	v10 =	vld [tilespmem:s16+$0x7010]  }
0xea: {  	v13 =	vld [tilespmem:s16+$0x7020]  }
0xeb: {  	s13 =	simm.s32 $0x40;
	v14 =	vld [tilespmem:s16+$0x7030]  }
0xec: {  	v11 =	vld [tilespmem:s13+$0x7000]  }
0xed: {  	v16 =	vld [tilespmem:s13+$0x7010];
	(xrf0) =	vadd.scan.msk.s32 $0xffff, v2  }
0xee: {  	v17 =	vld [tilespmem:s13+$0x7020];
	(xrf0) =	vadd.scan.msk.s32 $0xffff, v10  }
0xef: {  	s8 =	simm.s32 $0x80;
	v23 =	vld [tilespmem:s13+$0x7030];
	(xrf0) =	vadd.scan.msk.s32 $0xffff, v13  }
0xf0: {  	v6 =	vld [tilespmem:s8+$0x7000];
	(xrf0) =	vadd.scan.msk.s32 $0xffff, v14  }
0xf1: {  	(xrf0) =	vadd.scan.msk.s32 $0xffff, v11  }
0xf2: {  	(xrf0) =	vadd.scan.msk.s32 $0xffff, v16  }
0xf3: {  	v24, _, _ =	vpop (xrf0);
	(xrf0) =	vadd.scan.msk.s32 $0xffff, v17  }
0xf4: {  	(v2sf) =	vpush v24, $0xF;
	v18, _, _ =	vpop (xrf0);
	(xrf0) =	vadd.scan.msk.s32 $0xffff, v23  }
0xf5: {  	(v2sf) =	vpush v18, $0xF;
	v19, _, _ =	vpop (xrf0);
	(xrf0) =	vadd.scan.msk.s32 $0xffff, v6  }
0xf6: {  	(v2sf) =	vpush v19, $0xF;
	v21, _, _ =	vpop (xrf0)  }
0xf7: {  	v15, _, _ =	vpop (xrf0);
	(v2sf) =	vpush v21, $0xF  }
0xf8: {  	v7 =	vld [tilespmem:s8+$0x7010];
	v25, _, _ =	vpop (xrf0);
	(v2sf) =	vpush v15, $0xF  }
0xf9: {  	v22 =	vsub.s32 v18, v10;
	(v2sf) =	vpush v25, $0xF;
	v10, _, _ =	vpop (xrf0)  }
0xfa: {  	v8 =	vld [tilespmem:s8+$0x7020];
	(v2sf) =	vpush v10, $0xF;
	v63, _, _ =	vpop (xrf0)  }
0xfb: {  	v12 =	vld [tilespmem:s8+$0x7030];
	v20 =	vsub.s32 v19, v13;
	v19 =	vsub.s32 v21, v14;
	(v2sf) =	vpush v63, $0xF;
	v21, _, _ =	vpop (xrf0)  }
0xfc: {  	(v2sf) =	vpush v21, $0xF  }
0xfd: {  	s10 =	simm.s32 $0xC0;
	(xrf0) =	vadd.scan.msk.s32 $0xffff, v7  }
0xfe: {  	v9 =	vld [tilespmem:s10+$0x7000]  }
0xff: {  	(xrf0) =	vadd.scan.msk.s32 $0xffff, v8;
	v14 =	vld [tilespmem:s10+$0x7010]  }
0x100: {  	(xrf0) =	vadd.scan.msk.s32 $0xffff, v12  }
0x101: {  	v13 =	vld [tilespmem:s10+$0x7020]  }
0x102: {  	v2 =	vsub.s32 s15, v2;
	v18 =	vsub.s32 v25, v16;
	v16 =	vsub.s32 v10, v17;
	v10 =	vld [tilespmem:s10+$0x7030]  }
0x103: {  	s12 =	simm.s32 $0x400;
	s11 =	simm.s32 $0x500;
	v2 =	vadd.s32 v24, v2;
	v17 =	vsub.s32 v63, v23;
	(xrf0) =	vadd.scan.msk.s32 $0xffff, v9;
	v23, _, _ =	vpop (xrf0)  }
.LBB2_6:
0x104: {  	p2 =	sne.s32 s11, $0x3F00;
	(xrf0) =	vadd.scan.msk.s32 $0xffff, v14;
	v24 =	vsub.s32 v23, v7;
	(v2sf) =	vpush v23, $0xF  }
0x105: {  	s0 =	sshra.s32 s12, $0x2;
	v23, _, _ =	vpop (xrf0);
	[tilespmem:s16+$0x9000] =	vst v2;
	s17 =	spop (v2sf);
	v7 =	vmov v14;
	v2 =	vmov v15;
	v15 =	vmov v21;
	s12 =	smov.u32 s11  }
0x106: {  	v25 =	vld [tilespmem:s0+$0x7000];
	(xrf0) =	vadd.scan.msk.s32 $0xffff, v13;
	v21 =	vsub.s32 v23, v8;
	(v2sf) =	vpush v23, $0xF;
	v23, _, _ =	vpop (xrf0);
	s15 =	sadd.s32 s15, s17;
	s17 =	spop (v2sf);
	v8 =	vmov v13  }
.Ltmp4:
0x107: {  	v14 =	vld [tilespmem:s0+$0x7010];
	(xrf0) =	vadd.scan.msk.s32 $0xffff, v10;
	v26 =	vsub.s32 v23, v12;
	(v2sf) =	vpush v23, $0xF;
	v5 =	vadd.s32 s15, v22;
	s15 =	sadd.s32 s15, s17;
	s17 =	spop (v2sf);
	v22 =	vmovc v18;
	(pc) =	sbr.rel @p2 .LBB2_6-.Ltmp4, $4  }
0x108: {  	v18 =	vmovc v24;
	v12 =	vmovc v10;
	v13 =	vld [tilespmem:s0+$0x7020];
	[tilespmem:s16+$0x9010] =	vst v5;
	v23 =	vadd.s32 s15, v20;
	s15 =	sadd.s32 s15, s17;
	s17 =	spop (v2sf);
	v20 =	vmov v16;
	v16 =	vmov v21  }
0x109: {  	v10 =	vld [tilespmem:s0+$0x7030];
	[tilespmem:s16+$0x9020] =	vst v23;
	v5 =	vadd.s32 s15, v19;
	s15 =	sadd.s32 s15, s17;
	v19 =	vmov v17;
	v17 =	vmov v26  }
0x10a: {  	v21, _, _ =	vpop (xrf0);
	v24 =	vsub.s32 s15, v11;
	[tilespmem:s16+$0x9030] =	vst v5;
	v11 =	vmov v6;
	v6 =	vmov v9;
	s16 =	smov.u32 s13;
	s13 =	smov.u32 s8;
	s8 =	smov.u32 s10  }
0x10b: {  	s11 =	sadd.s32 $0x100, s11;
	s10 =	smov.u32 s0;
	(xrf0) =	vadd.scan.msk.s32 $0xffff, v25;
	(v2sf) =	vpush v21, $0xF;
	v23, _, _ =	vpop (xrf0);
	v2 =	vadd.s32 v2, v24;
	v9 =	vmov v25  }
0x10c: {  	s11 =	sshra.s32 s12, $0x2;
	[tilespmem:s16+$0x9000] =	vst v2  }
0x10d: {  	v2 =	vld [tilespmem:s11+$0x7000]  }
0x10e: {  	(xrf0) =	vadd.scan.msk.s32 $0xffff, v14;
	v24 =	vld [tilespmem:s11+$0x7010]  }
0x10f: {  	s0 =	spop (v2sf);
	(xrf0) =	vadd.scan.msk.s32 $0xffff, v13;
	v25 =	vld [tilespmem:s11+$0x7020]  }
0x110: {  	s0 =	sadd.s32 s15, s0;
	(xrf0) =	vadd.scan.msk.s32 $0xffff, v10  }
0x111: {  	v57, _, _ =	vpop (xrf0);
	(v2sf) =	vpush v23, $0xF;
	v22 =	vadd.s32 s0, v22  }
0x112: {  	(v2sf) =	vpush v57, $0xF;
	v27, _, _ =	vpop (xrf0);
	[tilespmem:s16+$0x9010] =	vst v22;
	(xrf0) =	vadd.scan.msk.s32 $0xffff, v2  }
0x113: {  	(v2sf) =	vpush v27, $0xF;
	v26 =	vld [tilespmem:s11+$0x7030];
	v28, _, _ =	vpop (xrf0);
	(xrf0) =	vadd.scan.msk.s32 $0xffff, v24  }
0x114: {  	(v2sf) =	vpush v28, $0xF;
	v29, _, _ =	vpop (xrf0);
	(xrf0) =	vadd.scan.msk.s32 $0xffff, v25  }
0x115: {  	v30, _, _ =	vpop (xrf0);
	(v2sf) =	vpush v29, $0xF  }
0x116: {  	(v2sf) =	vpush v30, $0xF;
	v31, _, _ =	vpop (xrf0)  }
0x117: {  	(v2sf) =	vpush v31, $0xF  }
0x118: {  	s19 =	spop (v2sf);
	(xrf0) =	vadd.scan.msk.s32 $0xffff, v26;
	v32, _, _ =	vpop (xrf0)  }
0x119: {  	s0 =	sadd.s32 s0, s19;
	s15 =	spop (v2sf);
	(v2sf) =	vpush v32, $0xF;
	v33, _, _ =	vpop (xrf0)  }
0x11a: {  	s12 =	sadd.s32 s0, s15;
	s17 =	spop (v2sf);
	(v2sf) =	vpush v33, $0xF;
	v34, _, _ =	vpop (xrf0)  }
0x11b: {  	v20 =	vadd.s32 s0, v20;
	s18 =	sadd.s32 s12, s17;
	s19 =	spop (v2sf);
	(v2sf) =	vpush v34, $0xF  }
0x11c: {  	v19 =	vadd.s32 s12, v19;
	[tilespmem:s16+$0x9020] =	vst v20;
	v11 =	vsub.s32 s18, v11;
	s0 =	sadd.s32 s18, s19;
	s15 =	spop (v2sf)  }
0x11d: {  	[tilespmem:s16+$0x9030] =	vst v19;
	v11 =	vadd.s32 v15, v11;
	s12 =	sadd.s32 s0, s15;
	s16 =	spop (v2sf)  }
0x11e: {  	v59 =	vadd.s32 s0, v18;
	[tilespmem:s13+$0x9000] =	vst v11;
	s17 =	spop (v2sf);
	s15 =	sadd.s32 s12, s16;
	v58, _, _ =	vpop (xrf0)  }
0x11f: {  	[tilespmem:s13+$0x9010] =	vst v59;
	v60 =	vadd.s32 s12, v16;
	s0 =	sadd.s32 s15, s17;
	s18 =	spop (v2sf);
	(v2sf) =	vpush v58, $0xF  }
0x120: {  	[tilespmem:s13+$0x9020] =	vst v60;
	v61 =	vadd.s32 s15, v17;
	v6 =	vsub.s32 s0, v6;
	s19 =	spop (v2sf);
	s0 =	sadd.s32 s0, s18  }
0x121: {  	v7 =	vsub.s32 v23, v7;
	[tilespmem:s13+$0x9030] =	vst v61;
	v6 =	vadd.s32 v21, v6;
	s12 =	sadd.s32 s0, s19;
	s15 =	spop (v2sf)  }
0x122: {  	v8 =	vsub.s32 v57, v8;
	[tilespmem:s8+$0x9000] =	vst v6;
	v6 =	vadd.s32 s0, v7;
	s16 =	sadd.s32 s12, s15;
	s17 =	spop (v2sf)  }
0x123: {  	v7 =	vsub.s32 v27, v12;
	[tilespmem:s8+$0x9010] =	vst v6;
	v6 =	vadd.s32 s12, v8;
	s18 =	sadd.s32 s16, s17;
	s19 =	spop (v2sf)  }
0x124: {  	[tilespmem:s8+$0x9020] =	vst v6;
	v6 =	vadd.s32 s16, v7;
	v7 =	vsub.s32 s18, v9;
	s15 =	sadd.s32 s18, s19;
	s16 =	spop (v2sf)  }
0x125: {  	v62 =	vsub.s32 v29, v14;
	[tilespmem:s8+$0x9030] =	vst v6;
	v6 =	vadd.s32 v28, v7;
	s17 =	sadd.s32 s15, s16;
	s18 =	spop (v2sf)  }
0x126: {  	v7 =	vsub.s32 v30, v13;
	[tilespmem:s10+$0x9000] =	vst v6;
	v6 =	vadd.s32 s15, v62;
	s19 =	sadd.s32 s17, s18;
	s13 =	spop (v2sf)  }
0x127: {  	v63 =	vsub.s32 v31, v10;
	[tilespmem:s10+$0x9010] =	vst v6;
	v6 =	vadd.s32 s17, v7;
	s15 =	sadd.s32 s19, s13  }
0x128: {  	[tilespmem:s10+$0x9020] =	vst v6;
	v6 =	vadd.s32 s19, v63;
	v2 =	vsub.s32 s15, v2;
	s16 =	spop (v2sf)  }
0x129: {  	v7 =	vsub.s32 v33, v24;
	[tilespmem:s10+$0x9030] =	vst v6;
	v2 =	vadd.s32 v32, v2;
	s0 =	sadd.s32 s15, s16;
	s17 =	spop (v2sf)  }
0x12a: {  	v6 =	vsub.s32 v34, v25;
	[tilespmem:s11+$0x9000] =	vst v2;
	v2 =	vadd.s32 s0, v7;
	s0 =	sadd.s32 s0, s17;
	s18 =	spop (v2sf)  }
0x12b: {  	v7 =	vsub.s32 v58, v26;
	[tilespmem:s11+$0x9010] =	vst v2;
	v2 =	vadd.s32 s0, v6;
	s0 =	sadd.s32 s0, s18  }
0x12c: {  	s12 =	simm.s32 $0x8010;
	[tilespmem:s11+$0x9020] =	vst v2;
	v2 =	vadd.s32 s0, v7  }
0x12d: {  	s8 =	simm.s32 $0x1010;
	s13 =	simm.s32 $0x10;
	s10 =	simm.s32 $0x2010;
	[tilespmem:s11+$0x9030] =	vst v2  }
0x12e: {  	s19 =	spop (v2sf);
	s0 =	simm.s32 $0x0;
	s11 =	simm.s32 $0x6010;
	[tilespmem:$0xA000] =	vst v3  }
.LBB2_8:
0x12f: {  	v2 =	vld [tilespmem:s11+$0xFFFFFFF0];
	_ =	sdelay $0x6  }
0x130: {  	v6 =	vld [tilespmem:s12+$0xFFFFFFF0]  }
0x131: {  	v2 =	vld.idx.msk [tilespmem:v2+s2+$0x0], $0xffff;
	_ =	sdelay $0x4  }
0x132: {  	v7 =	vld [tilespmem:s13+$0xFFFFFFF0];
	v2 =	vadd.s32 v2, v6  }
0x133: {  	v6 =	vld [tilespmem:s8+$0xFFFFFFF0]  }
0x134: {  	v8 =	vld [tilespmem:s10+$0xFFFFFFF0];
	_ =	sdelay $0x2  }
0x135: {  	[tilespmem:v2+s5+$0x0] =	vst.idx.msk $0xffff, v7  }
0x136: {  	[tilespmem:v2+s6+$0x0] =	vst.idx.msk $0xffff, v6  }
0x137: {  	v6 =	vor.u32 s0, v4;
	[tilespmem:v2+s25+$0x0] =	vst.idx.msk $0xffff, v8  }
0x138: {  	[tilespmem:v2+s26+$0x0] =	vst.idx.msk $0xffff, v6  }
0x139: {  	v2 =	vld [tilespmem:s11+$0x0];
	_ =	sdelay $0x6  }
0x13a: {  	v6 =	vld [tilespmem:s12+$0x0]  }
0x13b: {  	v2 =	vld.idx.msk [tilespmem:v2+s2+$0x0], $0xffff;
	_ =	sdelay $0x4  }
0x13c: {  	v7 =	vld [tilespmem:s13+$0x0];
	v2 =	vadd.s32 v2, v6  }
0x13d: {  	v6 =	vld [tilespmem:s8+$0x0]  }
0x13e: {  	v8 =	vld [tilespmem:s10+$0x0]  }
0x13f: {  	p1 =	sne.s32 s0, $0xFE0  }
.Ltmp5:
0x140: {  	_ = 	snop;
	(pc) =	sbr.rel @p1 .LBB2_8-.Ltmp5, $4  }
0x141: {  	[tilespmem:v2+s5+$0x0] =	vst.idx.msk $0xffff, v7  }
0x142: {  	s15 =	sadd.s32 $0x10, s0;
	[tilespmem:v2+s6+$0x0] =	vst.idx.msk $0xffff, v6  }
0x143: {  	s0 =	sadd.s32 $0x20, s0;
	s10 =	sadd.s32 $0x20, s10;
	s11 =	sadd.s32 $0x20, s11;
	v6 =	vor.u32 s15, v4;
	[tilespmem:v2+s25+$0x0] =	vst.idx.msk $0xffff, v8  }
0x144: {  	s12 =	sadd.s32 $0x20, s12;
	s13 =	sadd.s32 $0x20, s13;
	s8 =	sadd.s32 $0x20, s8;
	[tilespmem:v2+s26+$0x0] =	vst.idx.msk $0xffff, v6  }
0x145: {  	s8 =	simm.s32 $0x100;
	s0 =	simm.s32 $0x0  }
.LBB2_10:
0x146: {  	p1 =	sne.s32 s8, $0x3F00;
	[tilespmem:s0+$0x7030] =	vst v0;
	s10 =	smov.u32 s8;
	s8 =	sadd.s32 $0x100, s8  }
.Ltmp6:
0x147: {  	[tilespmem:s0+$0x7020] =	vst v0;
	(pc) =	sbr.rel @p1 .LBB2_10-.Ltmp6, $3  }
0x148: {  	[tilespmem:s0+$0x7000] =	vst v0  }
0x149: {  	[tilespmem:s0+$0x7010] =	vst v0;
	_ =	sdelay $0x1  }
0x14a: {  	s0 =	sshra.s32 s10, $0x2  }
0x14b: {  	[tilespmem:s0+$0x7030] =	vst v0  }
0x14c: {  	[tilespmem:s0+$0x7020] =	vst v0  }
0x14d: {  	[tilespmem:s0+$0x7000] =	vst v0  }
0x14e: {  	[tilespmem:s0+$0x7010] =	vst v0;
	s8 =	simm.s32 $0x0  }
0x14f: {  	v2 =	vld [tilespmem:s8+$0x3000]  }
0x150: {  	v6 =	vld [tilespmem:s8+$0x4000]  }
0x151: {  	v7 =	vld [tilespmem:s8+$0x5000];
	_ =	sdelay $0x3  }
0x152: {  	v2 =	vmul.f32 $1.600000000e+01, v2;
	v6 =	vmul.f32 $1.600000000e+01, v6  }
0x153: {  	v7 =	vmul.f32 $1.600000000e+01, v7  }
0x154: {  	v2 =	vtrunc.f32 v2;
	v6 =	vtrunc.f32 v6  }
0x155: {  	v2 =	vcvt.f32.s32 v2;
	v6 =	vcvt.f32.s32 v6  }
0x156: {  	v7 =	vtrunc.f32 v7  }
0x157: {  	v7 =	vcvt.f32.s32 v7;
	vm0 =	vlt.s32 v2, $0xF;
	vm1 =	vlt.s32 v6, $0xF  }
0x158: {  	v2 =	vnsel vm0, $0xF, v2;
	v6 =	vnsel vm1, $0xF, v6  }
0x159: {  	vm15 =	vlt.s32 v7, $0xF;
	v2 =	vshll.u32 v2, $0x8;
	v6 =	vshll.u32 v6, $0x4  }
0x15a: {  	v7 =	vnsel vm15, $0xF, v7;
	v2 =	vadd.s32 v2, v6  }
0x15b: {  	v2 =	vadd.s32 v7, v2  }
0x15c: {  	(xrf1) =	vunique.msk.u32 $0xffff, v2;
	_ =	sdelay $0x8  }
0x15d: {  	[tilespmem:s8+$0x6000] =	vst v2  }
0x15e: {  	v6 =	vld.idx.msk [tilespmem:v2+s1+$0x0], $0xffff;
	_ =	sdelay $0x3  }
0x15f: {  	_, v7, _ =	vpop (xrf1)  }
0x160: {  	v6 =	vadd.s32 v7, v6  }
0x161: {  	s15 =	simm.s32 $0x0;
	s10 =	simm.s32 $0x40;
	v6 =	vadd.s32 $0xFFFFFFFF, v6  }
.LBB2_12:
0x162: {  	p2 =	sne.s32 s10, $0x3FC0;
	[tilespmem:s8+$0x8000] =	vst v6;
	s0 =	smov.u32 s10;
	s10 =	sadd.s32 $0x40, s10  }
0x163: {  	s8 =	sshra.s32 s0, $0x2;
	[tilespmem:v2+s1+$0x0] =	vst.idx.add.s32.msk $0xffff, v1  }
0x164: {  	v2 =	vld [tilespmem:s8+$0x3000]  }
0x165: {  	v6 =	vld [tilespmem:s8+$0x4000]  }
0x166: {  	v7 =	vld [tilespmem:s8+$0x5000];
	_ =	sdelay $0x2  }
0x167: {  	v2 =	vmul.f32 $1.600000000e+01, v2  }
0x168: {  	v6 =	vmul.f32 $1.600000000e+01, v6  }
0x169: {  	v2 =	vtrunc.f32 v2;
	v7 =	vmul.f32 $1.600000000e+01, v7  }
0x16a: {  	v2 =	vcvt.f32.s32 v2;
	v6 =	vtrunc.f32 v6  }
0x16b: {  	v6 =	vcvt.f32.s32 v6;
	v7 =	vtrunc.f32 v7  }
0x16c: {  	vm0 =	vlt.s32 v2, $0xF;
	v7 =	vcvt.f32.s32 v7  }
0x16d: {  	v2 =	vnsel vm0, $0xF, v2;
	vm0 =	vlt.s32 v6, $0xF  }
0x16e: {  	v6 =	vnsel vm0, $0xF, v6;
	vm0 =	vlt.s32 v7, $0xF;
	v2 =	vshll.u32 v2, $0x8  }
0x16f: {  	v7 =	vnsel vm0, $0xF, v7;
	v6 =	vshll.u32 v6, $0x4  }
0x170: {  	v2 =	vadd.s32 v2, v6  }
0x171: {  	v2 =	vadd.s32 v7, v2  }
0x172: {  	(xrf1) =	vunique.msk.u32 $0xffff, v2;
	_ =	sdelay $0x6  }
0x173: {  	[tilespmem:s8+$0x6000] =	vst v2  }
0x174: {  	v6 =	vld.idx.msk [tilespmem:v2+s1+$0x0], $0xffff;
	_ =	sdelay $0x3  }
.Ltmp7:
0x175: {  	(pc) =	sbr.rel @p2 .LBB2_12-.Ltmp7, $4  }
0x176: {  	_ = 	snop  }
0x177: {  	_, v7, _ =	vpop (xrf1)  }
0x178: {  	v6 =	vadd.s32 v7, v6  }
0x179: {  	v6 =	vadd.s32 $0xFFFFFFFF, v6  }
0x17a: {  	_ =	sdelay $0x2  }
0x17b: {  	[tilespmem:s8+$0x8000] =	vst v6  }
0x17c: {  	s16 =	simm.s32 $0x0;
	[tilespmem:v2+s1+$0x0] =	vst.idx.add.s32.msk $0xffff, v1  }
0x17d: {  	v2 =	vld [tilespmem:s16+$0x7000]  }
0x17e: {  	v10 =	vld [tilespmem:s16+$0x7010]  }
0x17f: {  	v13 =	vld [tilespmem:s16+$0x7020]  }
0x180: {  	s13 =	simm.s32 $0x40;
	v14 =	vld [tilespmem:s16+$0x7030]  }
0x181: {  	v11 =	vld [tilespmem:s13+$0x7000]  }
0x182: {  	v16 =	vld [tilespmem:s13+$0x7010];
	(xrf0) =	vadd.scan.msk.s32 $0xffff, v2  }
0x183: {  	v17 =	vld [tilespmem:s13+$0x7020];
	(xrf0) =	vadd.scan.msk.s32 $0xffff, v10  }
0x184: {  	s8 =	simm.s32 $0x80;
	v23 =	vld [tilespmem:s13+$0x7030];
	(xrf0) =	vadd.scan.msk.s32 $0xffff, v13  }
0x185: {  	v6 =	vld [tilespmem:s8+$0x7000];
	(xrf0) =	vadd.scan.msk.s32 $0xffff, v14  }
0x186: {  	(xrf0) =	vadd.scan.msk.s32 $0xffff, v11  }
0x187: {  	(xrf0) =	vadd.scan.msk.s32 $0xffff, v16  }
0x188: {  	v24, _, _ =	vpop (xrf0);
	(xrf0) =	vadd.scan.msk.s32 $0xffff, v17  }
0x189: {  	(v2sf) =	vpush v24, $0xF;
	v18, _, _ =	vpop (xrf0);
	(xrf0) =	vadd.scan.msk.s32 $0xffff, v23  }
0x18a: {  	(v2sf) =	vpush v18, $0xF;
	v19, _, _ =	vpop (xrf0);
	(xrf0) =	vadd.scan.msk.s32 $0xffff, v6  }
0x18b: {  	(v2sf) =	vpush v19, $0xF;
	v21, _, _ =	vpop (xrf0)  }
0x18c: {  	v15, _, _ =	vpop (xrf0);
	(v2sf) =	vpush v21, $0xF  }
0x18d: {  	v7 =	vld [tilespmem:s8+$0x7010];
	v25, _, _ =	vpop (xrf0);
	(v2sf) =	vpush v15, $0xF  }
0x18e: {  	v22 =	vsub.s32 v18, v10;
	(v2sf) =	vpush v25, $0xF;
	v10, _, _ =	vpop (xrf0)  }
0x18f: {  	v8 =	vld [tilespmem:s8+$0x7020];
	(v2sf) =	vpush v10, $0xF;
	v63, _, _ =	vpop (xrf0)  }
0x190: {  	v12 =	vld [tilespmem:s8+$0x7030];
	v20 =	vsub.s32 v19, v13;
	v19 =	vsub.s32 v21, v14;
	(v2sf) =	vpush v63, $0xF;
	v21, _, _ =	vpop (xrf0)  }
0x191: {  	(v2sf) =	vpush v21, $0xF  }
0x192: {  	s10 =	simm.s32 $0xC0;
	(xrf0) =	vadd.scan.msk.s32 $0xffff, v7  }
0x193: {  	v9 =	vld [tilespmem:s10+$0x7000]  }
0x194: {  	(xrf0) =	vadd.scan.msk.s32 $0xffff, v8;
	v14 =	vld [tilespmem:s10+$0x7010]  }
0x195: {  	(xrf0) =	vadd.scan.msk.s32 $0xffff, v12  }
0x196: {  	v13 =	vld [tilespmem:s10+$0x7020]  }
0x197: {  	v2 =	vsub.s32 s15, v2;
	v18 =	vsub.s32 v25, v16;
	v16 =	vsub.s32 v10, v17;
	v10 =	vld [tilespmem:s10+$0x7030]  }
0x198: {  	s12 =	simm.s32 $0x400;
	s11 =	simm.s32 $0x500;
	v2 =	vadd.s32 v24, v2;
	v17 =	vsub.s32 v63, v23;
	(xrf0) =	vadd.scan.msk.s32 $0xffff, v9;
	v23, _, _ =	vpop (xrf0)  }
.LBB2_14:
0x199: {  	p2 =	sne.s32 s11, $0x3F00;
	(xrf0) =	vadd.scan.msk.s32 $0xffff, v14;
	v24 =	vsub.s32 v23, v7;
	(v2sf) =	vpush v23, $0xF  }
0x19a: {  	s0 =	sshra.s32 s12, $0x2;
	v23, _, _ =	vpop (xrf0);
	[tilespmem:s16+$0xA080] =	vst v2;
	s17 =	spop (v2sf);
	v7 =	vmov v14;
	v2 =	vmov v15;
	v15 =	vmov v21;
	s12 =	smov.u32 s11  }
0x19b: {  	v25 =	vld [tilespmem:s0+$0x7000];
	(xrf0) =	vadd.scan.msk.s32 $0xffff, v13;
	v21 =	vsub.s32 v23, v8;
	(v2sf) =	vpush v23, $0xF;
	v23, _, _ =	vpop (xrf0);
	s15 =	sadd.s32 s15, s17;
	s17 =	spop (v2sf);
	v8 =	vmov v13  }
.Ltmp8:
0x19c: {  	v14 =	vld [tilespmem:s0+$0x7010];
	(xrf0) =	vadd.scan.msk.s32 $0xffff, v10;
	v26 =	vsub.s32 v23, v12;
	(v2sf) =	vpush v23, $0xF;
	v5 =	vadd.s32 s15, v22;
	s15 =	sadd.s32 s15, s17;
	s17 =	spop (v2sf);
	v22 =	vmovc v18;
	(pc) =	sbr.rel @p2 .LBB2_14-.Ltmp8, $4  }
0x19d: {  	v18 =	vmovc v24;
	v12 =	vmovc v10;
	v13 =	vld [tilespmem:s0+$0x7020];
	[tilespmem:s16+$0xA090] =	vst v5;
	v23 =	vadd.s32 s15, v20;
	s15 =	sadd.s32 s15, s17;
	s17 =	spop (v2sf);
	v20 =	vmov v16;
	v16 =	vmov v21  }
0x19e: {  	v10 =	vld [tilespmem:s0+$0x7030];
	[tilespmem:s16+$0xA0A0] =	vst v23;
	v5 =	vadd.s32 s15, v19;
	s15 =	sadd.s32 s15, s17;
	v19 =	vmov v17;
	v17 =	vmov v26  }
0x19f: {  	v21, _, _ =	vpop (xrf0);
	v24 =	vsub.s32 s15, v11;
	[tilespmem:s16+$0xA0B0] =	vst v5;
	v11 =	vmov v6;
	v6 =	vmov v9;
	s16 =	smov.u32 s13;
	s13 =	smov.u32 s8;
	s8 =	smov.u32 s10  }
0x1a0: {  	s11 =	sadd.s32 $0x100, s11;
	s10 =	smov.u32 s0;
	(xrf0) =	vadd.scan.msk.s32 $0xffff, v25;
	(v2sf) =	vpush v21, $0xF;
	v23, _, _ =	vpop (xrf0);
	v2 =	vadd.s32 v2, v24;
	v9 =	vmov v25  }
0x1a1: {  	s11 =	sshra.s32 s12, $0x2;
	[tilespmem:s16+$0xA080] =	vst v2  }
0x1a2: {  	v2 =	vld [tilespmem:s11+$0x7000]  }
0x1a3: {  	(xrf0) =	vadd.scan.msk.s32 $0xffff, v14;
	v24 =	vld [tilespmem:s11+$0x7010]  }
0x1a4: {  	s0 =	spop (v2sf);
	(xrf0) =	vadd.scan.msk.s32 $0xffff, v13;
	v25 =	vld [tilespmem:s11+$0x7020]  }
0x1a5: {  	s0 =	sadd.s32 s15, s0;
	(xrf0) =	vadd.scan.msk.s32 $0xffff, v10  }
0x1a6: {  	v57, _, _ =	vpop (xrf0);
	(v2sf) =	vpush v23, $0xF;
	v22 =	vadd.s32 s0, v22  }
0x1a7: {  	(v2sf) =	vpush v57, $0xF;
	v27, _, _ =	vpop (xrf0);
	[tilespmem:s16+$0xA090] =	vst v22;
	(xrf0) =	vadd.scan.msk.s32 $0xffff, v2  }
0x1a8: {  	(v2sf) =	vpush v27, $0xF;
	v26 =	vld [tilespmem:s11+$0x7030];
	v28, _, _ =	vpop (xrf0);
	(xrf0) =	vadd.scan.msk.s32 $0xffff, v24  }
0x1a9: {  	(v2sf) =	vpush v28, $0xF;
	v29, _, _ =	vpop (xrf0);
	(xrf0) =	vadd.scan.msk.s32 $0xffff, v25  }
0x1aa: {  	v30, _, _ =	vpop (xrf0);
	(v2sf) =	vpush v29, $0xF  }
0x1ab: {  	(v2sf) =	vpush v30, $0xF;
	v31, _, _ =	vpop (xrf0)  }
0x1ac: {  	(v2sf) =	vpush v31, $0xF  }
0x1ad: {  	s19 =	spop (v2sf);
	(xrf0) =	vadd.scan.msk.s32 $0xffff, v26;
	v32, _, _ =	vpop (xrf0)  }
0x1ae: {  	s0 =	sadd.s32 s0, s19;
	s15 =	spop (v2sf);
	(v2sf) =	vpush v32, $0xF;
	v33, _, _ =	vpop (xrf0)  }
0x1af: {  	s12 =	sadd.s32 s0, s15;
	s17 =	spop (v2sf);
	(v2sf) =	vpush v33, $0xF;
	v34, _, _ =	vpop (xrf0)  }
0x1b0: {  	v20 =	vadd.s32 s0, v20;
	s18 =	sadd.s32 s12, s17;
	s19 =	spop (v2sf);
	(v2sf) =	vpush v34, $0xF  }
0x1b1: {  	v19 =	vadd.s32 s12, v19;
	[tilespmem:s16+$0xA0A0] =	vst v20;
	v11 =	vsub.s32 s18, v11;
	s0 =	sadd.s32 s18, s19;
	s15 =	spop (v2sf)  }
0x1b2: {  	[tilespmem:s16+$0xA0B0] =	vst v19;
	v11 =	vadd.s32 v15, v11;
	s12 =	sadd.s32 s0, s15;
	s16 =	spop (v2sf)  }
0x1b3: {  	v59 =	vadd.s32 s0, v18;
	[tilespmem:s13+$0xA080] =	vst v11;
	s17 =	spop (v2sf);
	s15 =	sadd.s32 s12, s16;
	v58, _, _ =	vpop (xrf0)  }
0x1b4: {  	[tilespmem:s13+$0xA090] =	vst v59;
	v60 =	vadd.s32 s12, v16;
	s0 =	sadd.s32 s15, s17;
	s18 =	spop (v2sf);
	(v2sf) =	vpush v58, $0xF  }
0x1b5: {  	[tilespmem:s13+$0xA0A0] =	vst v60;
	v61 =	vadd.s32 s15, v17;
	v6 =	vsub.s32 s0, v6;
	s19 =	spop (v2sf);
	s0 =	sadd.s32 s0, s18  }
0x1b6: {  	v7 =	vsub.s32 v23, v7;
	[tilespmem:s13+$0xA0B0] =	vst v61;
	v6 =	vadd.s32 v21, v6;
	s12 =	sadd.s32 s0, s19;
	s15 =	spop (v2sf)  }
0x1b7: {  	v8 =	vsub.s32 v57, v8;
	[tilespmem:s8+$0xA080] =	vst v6;
	v6 =	vadd.s32 s0, v7;
	s16 =	sadd.s32 s12, s15;
	s17 =	spop (v2sf)  }
0x1b8: {  	v7 =	vsub.s32 v27, v12;
	[tilespmem:s8+$0xA090] =	vst v6;
	v6 =	vadd.s32 s12, v8;
	s18 =	sadd.s32 s16, s17;
	s19 =	spop (v2sf)  }
0x1b9: {  	[tilespmem:s8+$0xA0A0] =	vst v6;
	v6 =	vadd.s32 s16, v7;
	v7 =	vsub.s32 s18, v9;
	s15 =	sadd.s32 s18, s19;
	s16 =	spop (v2sf)  }
0x1ba: {  	v62 =	vsub.s32 v29, v14;
	[tilespmem:s8+$0xA0B0] =	vst v6;
	v6 =	vadd.s32 v28, v7;
	s17 =	sadd.s32 s15, s16;
	s18 =	spop (v2sf)  }
0x1bb: {  	v7 =	vsub.s32 v30, v13;
	[tilespmem:s10+$0xA080] =	vst v6;
	v6 =	vadd.s32 s15, v62;
	s19 =	sadd.s32 s17, s18;
	s13 =	spop (v2sf)  }
0x1bc: {  	v63 =	vsub.s32 v31, v10;
	[tilespmem:s10+$0xA090] =	vst v6;
	v6 =	vadd.s32 s17, v7;
	s15 =	sadd.s32 s19, s13  }
0x1bd: {  	[tilespmem:s10+$0xA0A0] =	vst v6;
	v6 =	vadd.s32 s19, v63;
	v2 =	vsub.s32 s15, v2;
	s16 =	spop (v2sf)  }
0x1be: {  	v7 =	vsub.s32 v33, v24;
	[tilespmem:s10+$0xA0B0] =	vst v6;
	v2 =	vadd.s32 v32, v2;
	s0 =	sadd.s32 s15, s16;
	s17 =	spop (v2sf)  }
0x1bf: {  	v6 =	vsub.s32 v34, v25;
	[tilespmem:s11+$0xA080] =	vst v2;
	v2 =	vadd.s32 s0, v7;
	s0 =	sadd.s32 s0, s17;
	s18 =	spop (v2sf)  }
0x1c0: {  	v7 =	vsub.s32 v58, v26;
	[tilespmem:s11+$0xA090] =	vst v2;
	v2 =	vadd.s32 s0, v6;
	s0 =	sadd.s32 s0, s18  }
0x1c1: {  	s12 =	simm.s32 $0x3010;
	s8 =	simm.s32 $0x5010;
	[tilespmem:s11+$0xA0A0] =	vst v2;
	v2 =	vadd.s32 s0, v7  }
0x1c2: {  	s13 =	simm.s32 $0x0;
	s10 =	simm.s32 $0x6010;
	s16 =	simm.s32 $0x0;
	[tilespmem:s11+$0xA0B0] =	vst v2  }
0x1c3: {  	s19 =	spop (v2sf);
	s0 =	simm.s32 $0x4010;
	s11 =	simm.s32 $0x8010;
	[tilespmem:$0xB080] =	vst v3  }
.LBB2_16:
0x1c4: {  	v2 =	vld [tilespmem:s10+$0xFFFFFFF0];
	_ =	sdelay $0x6  }
0x1c5: {  	v6 =	vld [tilespmem:s11+$0xFFFFFFF0]  }
0x1c6: {  	v2 =	vld.idx.msk [tilespmem:v2+s28+$0x0], $0xffff;
	_ =	sdelay $0x4  }
0x1c7: {  	v7 =	vld [tilespmem:s12+$0xFFFFFFF0];
	v2 =	vadd.s32 v2, v6  }
0x1c8: {  	v6 =	vld [tilespmem:s0+$0xFFFFFFF0]  }
0x1c9: {  	v8 =	vld [tilespmem:s8+$0xFFFFFFF0];
	_ =	sdelay $0x2  }
0x1ca: {  	[tilespmem:v2+s29+$0x0] =	vst.idx.msk $0xffff, v7  }
0x1cb: {  	[tilespmem:v2+s30+$0x0] =	vst.idx.msk $0xffff, v6  }
0x1cc: {  	v6 =	vor.u32 s13, v4;
	[tilespmem:v2+s31+$0x0] =	vst.idx.msk $0xffff, v8  }
0x1cd: {  	[tilespmem:v2+s20+$0x0] =	vst.idx.msk $0xffff, v6  }
0x1ce: {  	v2 =	vld [tilespmem:s10+$0x0];
	_ =	sdelay $0x6  }
0x1cf: {  	v6 =	vld [tilespmem:s11+$0x0]  }
0x1d0: {  	v2 =	vld.idx.msk [tilespmem:v2+s28+$0x0], $0xffff;
	_ =	sdelay $0x4  }
0x1d1: {  	v7 =	vld [tilespmem:s12+$0x0];
	v2 =	vadd.s32 v2, v6  }
0x1d2: {  	v6 =	vld [tilespmem:s0+$0x0]  }
0x1d3: {  	v8 =	vld [tilespmem:s8+$0x0]  }
0x1d4: {  	p1 =	sne.s32 s13, $0xFE0  }
.Ltmp9:
0x1d5: {  	_ = 	snop;
	(pc) =	sbr.rel @p1 .LBB2_16-.Ltmp9, $4  }
0x1d6: {  	[tilespmem:v2+s29+$0x0] =	vst.idx.msk $0xffff, v7  }
0x1d7: {  	s15 =	sadd.s32 $0x10, s13;
	[tilespmem:v2+s30+$0x0] =	vst.idx.msk $0xffff, v6  }
0x1d8: {  	s13 =	sadd.s32 $0x20, s13;
	s8 =	sadd.s32 $0x20, s8;
	s10 =	sadd.s32 $0x20, s10;
	v6 =	vor.u32 s15, v4;
	[tilespmem:v2+s31+$0x0] =	vst.idx.msk $0xffff, v8  }
0x1d9: {  	s11 =	sadd.s32 $0x20, s11;
	s12 =	sadd.s32 $0x20, s12;
	s0 =	sadd.s32 $0x20, s0;
	[tilespmem:v2+s20+$0x0] =	vst.idx.msk $0xffff, v6  }
.Ltmp10:
0x1da: {  	_ = 	snop;
	(pc) =	sbr.rel .LBB2_17-.Ltmp10, $1  }
0x1db: {  	_ =	sdelay $0x3  }
.LBB2_40:
0x1dc: {  	v25 =	vmovc v13;
	v28 =	vmov v12;
	v23 =	vmov v15;
	v21 =	vmov v14  }
.LBB2_47:
0x1dd: {  	v3 =	vsub.f32 v10, v17  }
0x1de: {  	v4 =	vadd.f32 @p2 v26, v22;
	v5 =	vadd.f32 @p2 v31, v30  }
0x1df: {  	v2 =	vmul.f32 @p2 v2, v2;
	v7 =	vsub.f32 v7, v19;
	v6 =	vsub.f32 v6, v20  }
0x1e0: {  	v10 =	vmul.f32 @p2 v29, v29;
	v9 =	vsub.f32 v9, v19;
	v61 =	vsub.f32 v11, v20  }
0x1e1: {  	v18 =	vsel @p4 vm0, v32, v25;
	v8 =	vsub.f32 v8, v17;
	v2 =	vadd.f32 @p2 v2, v4  }
0x1e2: {  	v4 =	vsel @p4 vm1, v32, v28;
	v7 =	vmul.f32 v7, v7;
	v6 =	vmul.f32 v6, v6  }
0x1e3: {  	v5 =	vadd.f32 @p2 v10, v5;
	v9 =	vmul.f32 v9, v9;
	v10 =	vmul.f32 v61, v61  }
0x1e4: {  	v3 =	vmul.f32 v3, v3;
	v8 =	vmul.f32 v8, v8;
	v4 =	vpsel p4, v4, v12  }
0x1e5: {  	v11 =	vmovc @p2 v27;
	vm0 =	vlt.f32 @p2 v2, v23;
	vm1 =	vlt.f32 @p2 v5, v21;
	v6 =	vadd.f32 v6, v7  }
0x1e6: {  	v62 =	vadd.f32 v10, v9;
	v9 =	vpsel p2, v11, v0;
	v10 =	vpsel p4, v18, v13  }
0x1e7: {  	v2 =	vsel @p2 vm0, v2, v23;
	v5 =	vsel @p2 vm1, v5, v21;
	vm0 =	vmmov @p2 vm0  }
0x1e8: {  	vm1 =	vmmov @p2 vm1;
	v3 =	vadd.f32 v3, v6;
	v63 =	vadd.f32 v8, v62  }
0x1e9: {  	v2 =	vpsel p2, v2, v15;
	v5 =	vpsel p2, v5, v14;
	v7 =	vsel @p2 vm0, v9, v10  }
0x1ea: {  	v4 =	vsel @p2 vm1, v9, v4;
	vm14 =	vlt.f32 v3, v2;
	vm15 =	vlt.f32 v63, v5  }
0x1eb: {  	v15 =	vsel vm14, v3, v2;
	v2 =	vpsel p2, v7, v13;
	v3 =	vpsel p2, v4, v12  }
0x1ec: {  	v13 =	vsel vm15, v63, v5;
	v2 =	vsel vm14, v16, v2;
	v12 =	vsel vm15, v16, v3  }
.LBB2_48:
0x1ed: {  	[tilespmem:s18+$0x13100] =	vst v15  }
0x1ee: {  	[tilespmem:s18+$0x13300] =	vst v2  }
0x1ef: {  	[tilespmem:s18+$0x13110] =	vst v13  }
0x1f0: {  	[tilespmem:s18+$0x13310] =	vst v12  }
0x1f1: {  	v2 =	vld [tilespmem:s13+$0xE100];
	_ =	sdelay $0x4  }
0x1f2: {  	s16 =	sadd.s32 $0x1, s16;
	[tilespmem:s18+$0x13500] =	vst v2  }
0x1f3: {  	p1 =	sne.s32 s16, $0x10;
	v2 =	vld [tilespmem:s17+$0xE100]  }
.Ltmp11:
0x1f4: {  	_ = 	snop;
	(pc) =	sbr.rel @!p1 .LBB2_49-.Ltmp11, $2  }
0x1f5: {  	_ =	sdelay $0x2  }
0x1f6: {  	[tilespmem:s18+$0x13510] =	vst v2  }
.LBB2_17:
0x1f7: {  	s18 =	sshll.u32 s16, $0x5  }
0x1f8: {  	s13 =	sor.u32 s23, s18  }
0x1f9: {  	v7 =	vld [tilespmem:s13+$0xB100]  }
0x1fa: {  	v6 =	vld [tilespmem:s13+$0xC100]  }
0x1fb: {  	v10 =	vld [tilespmem:s13+$0xD100];
	_ =	sdelay $0x3  }
0x1fc: {  	v2 =	vmul.f32 $1.600000000e+01, v7  }
0x1fd: {  	v8 =	vmul.f32 $1.600000000e+01, v6;
	v11 =	vmul.f32 $1.600000000e+01, v10  }
0x1fe: {  	v9 =	vld [tilespmem:s13+$0xB110];
	v14 =	vmul.f32 $3.200000000e+01, v6;
	v18 =	vmul.f32 $3.200000000e+01, v10  }
0x1ff: {  	v2 =	vtrunc.f32 v2;
	v8 =	vtrunc.f32 v8  }
0x200: {  	v12 =	vcvt.f32.s32 v8;
	v8 =	vmul.f32 $3.200000000e+01, v7  }
0x201: {  	v13 =	vtrunc.f32 v11;
	v11 =	vld [tilespmem:s13+$0xC110];
	v2 =	vcvt.f32.s32 v2  }
0x202: {  	v14 =	vtrunc.f32 v14;
	v15 =	vtrunc.f32 v8;
	v8 =	vld [tilespmem:s13+$0xD110]  }
0x203: {  	v4 =	vcvt.f32.s32 v14;
	v14 =	vmul.f32 $1.600000000e+01, v9;
	vm0 =	vlt.s32 v2, $0xF  }
0x204: {  	v13 =	vcvt.f32.s32 v13;
	vm5 =	vlt.s32 v12, $0xF;
	v3 =	vnsel vm0, $0xF, v2  }
0x205: {  	v2 =	vtrunc.f32 v18;
	v21 =	vnsel vm5, $0xF, v12;
	v12 =	vtrunc.f32 v14  }
0x206: {  	v5 =	vcvt.f32.s32 v2;
	v2 =	vmul.f32 $1.600000000e+01, v11  }
0x207: {  	vm6 =	vlt.s32 v13, $0xF;
	v12 =	vcvt.f32.s32 v12;
	v14 =	vmul.f32 $1.600000000e+01, v8  }
0x208: {  	v22 =	vnsel vm6, $0xF, v13;
	v2 =	vtrunc.f32 v2  }
0x209: {  	vm7 =	vlt.s32 v12, $0xF;
	v2 =	vcvt.f32.s32 v2;
	v13 =	vtrunc.f32 v14  }
0x20a: {  	v23 =	vnsel vm7, $0xF, v12;
	v12 =	vmul.f32 $3.200000000e+01, v11;
	v13 =	vcvt.f32.s32 v13  }
0x20b: {  	v20 =	vcvt.f32.s32 v15;
	v14 =	vmul.f32 $3.200000000e+01, v9;
	vm8 =	vlt.s32 v2, $0xF  }
0x20c: {  	v12 =	vtrunc.f32 v12;
	v24 =	vnsel vm8, $0xF, v2;
	vm9 =	vlt.s32 v13, $0xF  }
0x20d: {  	v2 =	vtrunc.f32 v14;
	v19 =	vnsel vm9, $0xF, v13;
	v13 =	vmul.f32 $3.200000000e+01, v8  }
0x20e: {  	v26 =	vcvt.f32.s32 v12;
	v25 =	vcvt.f32.s32 v2;
	v2 =	vor.u32 $0xFFFFFFFE, v20  }
0x20f: {  	v2 =	vadd.s32 v2, v3;
	v12 =	vtrunc.f32 v13;
	v13 =	vor.u32 $0xFFFFFFFE, v4  }
0x210: {  	vm10 =	vgt.s32 v2, $0x0;
	v27 =	vcvt.f32.s32 v12;
	v12 =	vadd.s32 v13, v21  }
0x211: {  	v2 =	vnsel vm10, $0x0, v2;
	v13 =	vor.u32 $0xFFFFFFFE, v5;
	vm11 =	vgt.s32 v12, $0x0  }
0x212: {  	v28 =	vmin.u32 v2, $0xC;
	v2 =	vnsel vm11, $0x0, v12;
	v12 =	vadd.s32 v13, v22  }
0x213: {  	v29 =	vmin.u32 v2, $0xC;
	vm12 =	vgt.s32 v12, $0x0;
	v2 =	vor.u32 $0xFFFFFFFE, v25  }
0x214: {  	v13 =	vor.u32 $0xFFFFFFFE, v26;
	v12 =	vnsel vm12, $0x0, v12;
	v2 =	vadd.s32 v2, v23  }
0x215: {  	v30 =	vmin.u32 v12, $0xC;
	vm13 =	vgt.s32 v2, $0x0;
	v12 =	vadd.s32 v13, v24  }
0x216: {  	v13 =	vor.u32 $0xFFFFFFFE, v27;
	v2 =	vnsel vm13, $0x0, v2;
	vm14 =	vgt.s32 v12, $0x0  }
0x217: {  	v31 =	vmin.u32 v2, $0xC;
	v2 =	vnsel vm14, $0x0, v12;
	v12 =	vadd.s32 v13, v19  }
0x218: {  	v14 =	vshll.u32 v29, $0x4;
	v13 =	vshll.u32 v28, $0x8;
	vm15 =	vgt.s32 v12, $0x0  }
0x219: {  	v32 =	vmin.u32 v2, $0xC;
	v2 =	vnsel vm15, $0x0, v12;
	v12 =	vor.u32 v13, v14  }
0x21a: {  	v13 =	vshll.u32 v31, $0x8;
	v14 =	vshll.u32 v32, $0x4;
	v12 =	vor.u32 v30, v12  }
0x21b: {  	v33 =	vmin.u32 v2, $0xC;
	v13 =	vor.u32 v13, v14;
	v2 =	vadd.s32 $0x4, v12  }
0x21c: {  	v13 =	vor.u32 v33, v13  }
0x21d: {  	v14 =	vadd.s32 $0x4, v13;
	_ =	sdelay $0x1  }
0x21e: {  	v34 =	vld.idx.msk [tilespmem:v12+s28+$0x0], $0xffff  }
0x21f: {  	v2 =	vld.idx.msk [tilespmem:v2+s28+$0x0], $0xffff  }
0x220: {  	v35 =	vld.idx.msk [tilespmem:v13+s28+$0x0], $0xffff  }
0x221: {  	v12 =	vld.idx.msk [tilespmem:v14+s28+$0x0], $0xffff;
	_ =	sdelay $0x3  }
0x222: {  	v36 =	vsub.s32 v2, v34  }
0x223: {  	v37 =	vsub.s32 v12, v35;
	v2 =	vxor.u32 $0x80000000, v36  }
0x224: {  	(xrf0) =	vmax.scan.msk.u32 $0xffff, v2;
	v2 =	vxor.u32 $0x80000000, v37  }
0x225: {  	(xrf0) =	vmax.scan.msk.u32 $0xffff, v2;
	_ =	sdelay $0x4  }
0x226: {  	v2, _, _ =	vpop (xrf0)  }
0x227: {  	(v2sf) =	vpush v2, $0xF;
	v2, _, _ =	vpop (xrf0)  }
0x228: {  	(v2sf) =	vpush v2, $0xF;
	_ =	sdelay $0xd  }
.Ltmp12:
0x229: {  	s0 =	spop (v2sf);
	(pc) =	sbr.rel .LBB2_19-.Ltmp12, $4  }
0x22a: {  	s8 =	spop (v2sf)  }
0x22b: {  	[tilespmem:$0x1FFE0] =	vst v4;
	s10 =	sxor.u32 $0x80000000, s0;
	s0 =	sxor.u32 $0x80000000, s8  }
0x22c: {  	v15 =	vimm.f32 $+Inf;
	[tilespmem:$0x1FFD0] =	vst v3;
	v38 =	vadd.s32 $0x4, v30;
	v39 =	vadd.s32 $0x4, v33;
	p1 =	sgt.s32 s10, s0  }
0x22d: {  	s15 =	simm.s32 $0x0;
	s17 =	sor.u32 $0x10, s13;
	[tilespmem:$0x1FFF0] =	vst v5;
	v13 =	vimm.f32 $+Inf;
	v14 =	vimm.s32 $0x0;
	v12 =	vimm.s32 $0x0;
	s0 =	smov.u32 @p1 s10  }
.LBB2_21:
0x22e: {  	v41 =	vmov v47;
	v45 =	vmov v48  }
0x22f: {  	v44 =	vmovc v46;
	v55 =	vmovc v15;
	v56 =	vmov v13;
	v57 =	vmov v12;
	v58 =	vmov v14  }
.LBB2_26:
0x230: {  	_ =	sdelay $0x2  }
0x231: {  	vm2 =	vmand @p2 vm2, vm4  }
0x232: {  	v3 =	vld.idx.msk [tilespmem:v41+s30+$0x0], $0xffff;
	vm3 =	vmand @p2 vm3, vm5;
	v2 =	vadd.f32 @p2 v2, v63;
	v52 =	vsub.f32 v10, v52  }
0x233: {  	v4 =	vld.idx.msk [tilespmem:v44+s29+$0x0], $0xffff;
	v5 =	vsel @p2 vm2, v60, v55;
	v16 =	vsel @p2 vm3, v61, v56;
	v18 =	vsel @p2 vm3, v49, v57  }
0x234: {  	v17 =	vld.idx.msk [tilespmem:v45+s29+$0x0], $0xffff;
	v48 =	vsel @p2 vm2, v48, v58;
	v55 =	vmov s12;
	v51 =	vsub.f32 v8, v51  }
0x235: {  	v54 =	vld.idx.msk [tilespmem:v43+s29+$0x0], $0xffff;
	vm4 =	vlt.f32 @p2 v62, v5;
	vm5 =	vlt.f32 @p2 v2, v16;
	v53 =	vsub.f32 v7, v53  }
0x236: {  	v60 =	vld.idx.msk [tilespmem:v45+s30+$0x0], $0xffff;
	vm10 =	vlt.s32 v55, v42;
	vm0 =	vmand @p2 vm0, vm4;
	vm1 =	vmand @p2 vm1, vm5  }
0x237: {  	v61 =	vld.idx.msk [tilespmem:v43+s30+$0x0], $0xffff;
	vm11 =	vlt.s32 v55, v40;
	v5 =	vsel @p2 vm0, v62, v5;
	v2 =	vsel @p2 vm1, v2, v16  }
0x238: {  	v16 =	vsel @p2 vm1, v50, v18;
	v18 =	vmov s10;
	v47 =	vsel @p2 vm0, v47, v48;
	v62 =	vld.idx.msk [tilespmem:v45+s31+$0x0], $0xffff  }
0x239: {  	v63 =	vld.idx.msk [tilespmem:v43+s31+$0x0], $0xffff;
	vm8 =	vlt.s32 v18, v42;
	v3 =	vsub.f32 v6, v3;
	v4 =	vsub.f32 v9, v4  }
0x23a: {  	vm9 =	vlt.s32 v18, v40;
	v18 =	vld.idx.msk [tilespmem:v46+s30+$0x0], $0xffff;
	v17 =	vsub.f32 v7, v17;
	v59 =	vsub.f32 v9, v54  }
0x23b: {  	v5 =	vpsel p2, v5, v15;
	v2 =	vpsel p2, v2, v13;
	v58 =	vsub.f32 v6, v60  }
0x23c: {  	v12 =	vpsel p2, v16, v12;
	v60 =	vmul.f32 v53, v53;
	v50 =	vsub.f32 v11, v61  }
0x23d: {  	v17 =	vmul.f32 v17, v17;
	v46 =	vmul.f32 v58, v58;
	v48 =	vsub.f32 v10, v62  }
0x23e: {  	v61 =	vsub.f32 v8, v63;
	v42 =	vmul.f32 v59, v59;
	v50 =	vmul.f32 v50, v50  }
0x23f: {  	v18 =	vsub.f32 v11, v18;
	v17 =	vadd.f32 v46, v17;
	v48 =	vmul.f32 v48, v48  }
0x240: {  	v3 =	vmul.f32 v3, v3;
	v62 =	vmul.f32 v61, v61;
	v42 =	vadd.f32 v50, v42  }
0x241: {  	v4 =	vmul.f32 v4, v4;
	v18 =	vmul.f32 v18, v18;
	v17 =	vadd.f32 v48, v17  }
0x242: {  	v63 =	vmul.f32 v52, v52;
	v3 =	vadd.f32 v3, v60;
	v42 =	vadd.f32 v62, v42  }
0x243: {  	v4 =	vadd.f32 v18, v4;
	v18 =	vmul.f32 v51, v51;
	vm12 =	vlt.f32 v17, v5  }
0x244: {  	v3 =	vadd.f32 v63, v3;
	vm13 =	vlt.f32 v42, v2;
	vm2 =	vmand vm10, vm12  }
0x245: {  	vm3 =	vmand vm11, vm13;
	v4 =	vadd.f32 v18, v4;
	v5 =	vsel vm2, v17, v5  }
0x246: {  	v13 =	vpsel p2, v47, v14;
	v2 =	vsel vm3, v42, v2;
	vm14 =	vlt.f32 v3, v5  }
0x247: {  	v12 =	vsel vm3, v43, v12;
	vm15 =	vlt.f32 v4, v2;
	vm0 =	vmand vm8, vm14  }
0x248: {  	v14 =	vsel vm2, v45, v13;
	vm1 =	vmand vm9, vm15;
	v15 =	vsel vm0, v3, v5  }
0x249: {  	v13 =	vsel vm1, v4, v2;
	v12 =	vsel vm1, v44, v12;
	v14 =	vsel vm0, v41, v14  }
.LBB2_18:
0x24a: {  	p2 =	seq.s32 s15, $0x10  }
.Ltmp13:
0x24b: {  	_ = 	snop;
	(pc) =	sbr.rel @p2 .LBB2_27-.Ltmp13, $4  }
0x24c: {  	_ = 	snop  }
0x24d: {  	s10 =	sxor.u32 $0x80000000, s19;
	s0 =	sxor.u32 $0x80000000, s8  }
0x24e: {  	p1 =	sgt.s32 s10, s0  }
0x24f: {  	s0 =	smov.u32 @p1 s10  }
.LBB2_19:
0x250: {  	s15 =	sadd.s32 $0x1, s15  }
0x251: {  	s8 =	smin.u32 s15, $0xF  }
0x252: {  	s10 =	sshrl.u32 s8, $0x2;
	s8 =	sand.u32 $0x3, s8  }
0x253: {  	v2 =	vadd.s32 s10, v28;
	v40 =	vadd.s32 s8, v29  }
0x254: {  	v2 =	vshll.u32 v2, $0x8;
	v40 =	vshll.u32 v40, $0x4  }
0x255: {  	v62 =	vadd.s32 s10, v31;
	v41 =	vadd.s32 s8, v32;
	v2 =	vadd.s32 v40, v2  }
0x256: {  	v41 =	vshll.u32 v41, $0x4;
	v40 =	vshll.u32 v62, $0x8;
	v42 =	vor.u32 v30, v2  }
0x257: {  	v2 =	vadd.s32 v38, v2;
	v40 =	vadd.s32 v41, v40  }
0x258: {  	v41 =	vor.u32 v33, v40  }
0x259: {  	v40 =	vadd.s32 v39, v40;
	_ =	sdelay $0x1  }
0x25a: {  	v49 =	vmov v34;
	v34 =	vld.idx.msk [tilespmem:v42+s28+$0x0], $0xffff  }
0x25b: {  	v2 =	vld.idx.msk [tilespmem:v2+s28+$0x0], $0xffff  }
0x25c: {  	v50 =	vmov v35;
	v35 =	vld.idx.msk [tilespmem:v41+s28+$0x0], $0xffff  }
0x25d: {  	v63 =	vld.idx.msk [tilespmem:v40+s28+$0x0], $0xffff;
	_ =	sdelay $0x3  }
0x25e: {  	v42 =	vmov v36;
	v36 =	vsub.s32 v2, v34  }
0x25f: {  	v40 =	vmov v37;
	v37 =	vsub.s32 v63, v35;
	v2 =	vxor.u32 $0x80000000, v36  }
0x260: {  	(xrf0) =	vmax.scan.msk.u32 $0xffff, v2;
	v2 =	vxor.u32 $0x80000000, v37  }
0x261: {  	(xrf0) =	vmax.scan.msk.u32 $0xffff, v2;
	_ =	sdelay $0x4  }
0x262: {  	v2, _, _ =	vpop (xrf0)  }
0x263: {  	(v2sf) =	vpush v2, $0xF;
	v2, _, _ =	vpop (xrf0)  }
0x264: {  	(v2sf) =	vpush v2, $0xF;
	_ =	sdelay $0x7  }
0x265: {  	s0 =	sadd.s32 $0x1, s0  }
0x266: {  	s0 =	sshra.s32 s0, $0x1  }
0x267: {  	p1 =	slt.s32 s0, $0x1  }
.Ltmp14:
0x268: {  	_ = 	snop;
	(pc) =	sbr.rel @p1 .LBB2_18-.Ltmp14, $3  }
0x269: {  	_ =	sdelay $0x1  }
0x26a: {  	s19 =	spop (v2sf)  }
0x26b: {  	s10 =	simm.s32 $0x1;
	s8 =	spop (v2sf)  }
0x26c: {  	v47 =	vadd.s32 s10, v49  }
0x26d: {  	v46 =	vadd.s32 s10, v50  }
0x26e: {  	p1 =	seq.s32 s0, $0x1  }
.Ltmp15:
0x26f: {  	_ = 	snop;
	(pc) =	sbr.rel @p1 .LBB2_21-.Ltmp15, $4  }
0x270: {  	_ = 	snop  }
0x271: {  	v52 =	vld.idx.msk [tilespmem:v47+s31+$0x0], $0xffff  }
0x272: {  	s12 =	simm.s32 $0x0;
	v51 =	vld.idx.msk [tilespmem:v46+s31+$0x0], $0xffff  }
0x273: {  	s0 =	sadd.s32 $0xFFFFFFFF, s0;
	p2 =	por $0x0, $0x0;
	v48 =	vadd.s32 s12, v49;
	v43 =	vadd.s32 s12, v50;
	v53 =	vld.idx.msk [tilespmem:v47+s29+$0x0], $0xffff  }
0x274: {  	_ =	sdelay $0x3  }
0x275: {  	v2 =	vld.idx.msk [tilespmem:v47+s30+$0x0], $0xffff  }
0x276: {  	v55 =	vld.idx.msk [tilespmem:v46+s29+$0x0], $0xffff  }
0x277: {  	v56 =	vld.idx.msk [tilespmem:v48+s29+$0x0], $0xffff  }
0x278: {  	v57 =	vld.idx.msk [tilespmem:v48+s30+$0x0], $0xffff  }
0x279: {  	v58 =	vld.idx.msk [tilespmem:v43+s29+$0x0], $0xffff  }
0x27a: {  	v45 =	vmov s10;
	s10 =	simm.s32 $0x3;
	v59 =	vld.idx.msk [tilespmem:v43+s30+$0x0], $0xffff  }
0x27b: {  	v60 =	vld.idx.msk [tilespmem:v48+s31+$0x0], $0xffff;
	v62 =	vmov s12;
	v41 =	vadd.s32 s10, v49;
	v44 =	vadd.s32 s10, v50  }
0x27c: {  	vm0 =	vlt.s32 v45, v42;
	v61 =	vsub.f32 v10, v52;
	v52 =	vld.idx.msk [tilespmem:v43+s31+$0x0], $0xffff;
	v5 =	vsub.f32 v8, v51  }
0x27d: {  	s11 =	simm.s32 $0x2;
	vm1 =	vlt.s32 v45, v40;
	v51 =	vld.idx.msk [tilespmem:v46+s30+$0x0], $0xffff;
	v53 =	vsub.f32 v7, v53;
	v2 =	vsub.f32 v6, v2  }
0x27e: {  	v45 =	vadd.s32 s11, v49;
	v56 =	vsub.f32 v7, v56;
	v57 =	vsub.f32 v6, v57  }
0x27f: {  	v58 =	vsub.f32 v9, v58;
	v59 =	vsub.f32 v11, v59;
	v53 =	vmul.f32 v53, v53  }
0x280: {  	v55 =	vsub.f32 v9, v55;
	v56 =	vmul.f32 v56, v56;
	v57 =	vmul.f32 v57, v57  }
0x281: {  	v60 =	vsub.f32 v10, v60;
	v58 =	vmul.f32 v58, v58;
	v59 =	vmul.f32 v59, v59  }
0x282: {  	v52 =	vsub.f32 v8, v52;
	v2 =	vmul.f32 v2, v2;
	v51 =	vsub.f32 v11, v51  }
0x283: {  	v60 =	vmul.f32 v60, v60;
	v56 =	vadd.f32 v57, v56;
	v57 =	vadd.f32 v59, v58  }
0x284: {  	p4 =	seq.s32 s0, $0x1;
	v58 =	vmul.f32 v52, v52;
	v59 =	vadd.f32 v2, v53;
	v2 =	vmul.f32 v55, v55  }
.Ltmp16:
0x285: {  	v54 =	vadd.s32 s11, v50;
	v55 =	vmul.f32 v61, v61;
	v53 =	vmul.f32 v51, v51;
	(pc) =	sbr.rel @p4 .LBB2_23-.Ltmp16, $4  }
0x286: {  	vm2 =	vlt.s32 v62, v42;
	v60 =	vadd.f32 v60, v56;
	v61 =	vadd.f32 v58, v57  }
0x287: {  	vm3 =	vlt.s32 v62, v40;
	v52 =	vld.idx.msk [tilespmem:v41+s31+$0x0], $0xffff;
	v62 =	vadd.f32 v55, v59;
	v63 =	vadd.f32 v53, v2  }
0x288: {  	v51 =	vld.idx.msk [tilespmem:v44+s31+$0x0], $0xffff;
	v2 =	vmul.f32 v5, v5;
	vm4 =	vlt.f32 v60, v15;
	vm5 =	vlt.f32 v61, v13  }
0x289: {  	s12 =	sadd.s32 $0xFFFFFFFF, s0;
	p2 =	por $0x1, $0x1;
	v53 =	vld.idx.msk [tilespmem:v41+s29+$0x0], $0xffff;
	v55 =	vmovc v15;
	v56 =	vmovc v13;
	v57 =	vmov v12;
	v58 =	vmov v14;
	v59 =	vmov v44  }
.LBB2_24:
0x28a: {  	p4 =	seq.s32 s12, $0x1;
	v5 =	vld.idx.msk [tilespmem:v41+s30+$0x0], $0xffff;
	vm2 =	vmand vm2, vm4;
	vm3 =	vmand vm3, vm5;
	v2 =	vadd.f32 v2, v63  }
0x28b: {  	v63 =	vld.idx.msk [tilespmem:v44+s29+$0x0], $0xffff;
	v55 =	vsel vm2, v60, v55;
	v56 =	vsel vm3, v61, v56;
	v57 =	vsel vm3, v43, v57  }
0x28c: {  	v58 =	vsel vm2, v48, v58;
	v60 =	vld.idx.msk [tilespmem:v45+s29+$0x0], $0xffff;
	vm2 =	vlt.f32 v62, v55;
	vm3 =	vlt.f32 v2, v56  }
0x28d: {  	v48 =	vmovc v45;
	v43 =	vmov v54;
	v61 =	vld.idx.msk [tilespmem:v45+s30+$0x0], $0xffff;
	vm0 =	vmand vm0, vm2;
	vm1 =	vmand vm1, vm3  }
0x28e: {  	v3 =	vld.idx.msk [tilespmem:v54+s29+$0x0], $0xffff;
	v55 =	vsel vm0, v62, v55;
	v56 =	vsel vm1, v2, v56;
	v57 =	vsel vm1, v46, v57  }
0x28f: {  	v2 =	vmov s10;
	s10 =	sadd.s32 $0x2, s10;
	v58 =	vsel vm0, v47, v58;
	v47 =	vmovc v41;
	v46 =	vmov v44;
	v62 =	vld.idx.msk [tilespmem:v54+s30+$0x0], $0xffff  }
0x290: {  	v41 =	vadd.s32 s10, v49;
	v44 =	vadd.s32 s10, v50;
	vm0 =	vlt.s32 v2, v42;
	v4 =	vld.idx.msk [tilespmem:v45+s31+$0x0], $0xffff  }
0x291: {  	v16 =	vmov s11;
	v17 =	vsub.f32 v10, v52;
	s11 =	sadd.s32 $0xFFFFFFFF, s10;
	vm1 =	vlt.s32 v2, v40;
	v52 =	vld.idx.msk [tilespmem:v54+s31+$0x0], $0xffff  }
0x292: {  	v18 =	vsub.f32 v8, v51;
	v2 =	vsub.f32 v7, v53;
	v45 =	vadd.s32 s11, v49;
	v53 =	vld.idx.msk [tilespmem:v59+s30+$0x0], $0xffff;
	v59 =	vmovc v44  }
0x293: {  	v5 =	vsub.f32 v6, v5;
	v51 =	vsub.f32 v9, v63;
	v54 =	vadd.s32 s11, v50  }
0x294: {  	vm2 =	vlt.s32 v16, v42;
	v60 =	vsub.f32 v7, v60;
	v61 =	vsub.f32 v6, v61  }
0x295: {  	v2 =	vmul.f32 v2, v2;
	v3 =	vsub.f32 v9, v3;
	v62 =	vsub.f32 v11, v62  }
0x296: {  	v60 =	vmul.f32 v60, v60;
	v61 =	vmul.f32 v61, v61;
	v4 =	vsub.f32 v10, v4  }
0x297: {  	v3 =	vmul.f32 v3, v3;
	v52 =	vsub.f32 v8, v52;
	v62 =	vmul.f32 v62, v62  }
0x298: {  	v5 =	vmul.f32 v5, v5;
	v4 =	vmul.f32 v4, v4;
	v53 =	vsub.f32 v11, v53  }
.Ltmp17:
0x299: {  	v60 =	vadd.f32 v61, v60;
	v3 =	vadd.f32 v62, v3;
	v61 =	vmul.f32 v52, v52;
	(pc) =	sbr.rel @!p4 .LBB2_24-.Ltmp17, $4  }
0x29a: {  	v5 =	vadd.f32 v5, v2;
	v2 =	vmul.f32 v51, v51;
	v53 =	vmul.f32 v53, v53  }
0x29b: {  	v60 =	vadd.f32 v4, v60;
	v4 =	vmul.f32 v17, v17;
	v61 =	vadd.f32 v61, v3;
	v52 =	vld.idx.msk [tilespmem:v41+s31+$0x0], $0xffff  }
0x29c: {  	vm3 =	vlt.s32 v16, v40;
	v63 =	vadd.f32 v53, v2;
	v2 =	vmul.f32 v18, v18;
	v51 =	vld.idx.msk [tilespmem:v44+s31+$0x0], $0xffff  }
0x29d: {  	s12 =	sadd.s32 $0xFFFFFFFF, s12;
	vm4 =	vlt.f32 v60, v55;
	v62 =	vadd.f32 v4, v5;
	vm5 =	vlt.f32 v61, v56;
	v53 =	vld.idx.msk [tilespmem:v41+s29+$0x0], $0xffff  }
.Ltmp18:
0x29e: {  	(pc) =	sbr.rel .LBB2_26-.Ltmp18, $2  }
0x29f: {  	_ =	sdelay $0x2  }
0x2a0: {  	v49 =	vmovc v43;
	v50 =	vmov v46;
	v43 =	vmov v54;
	s12 =	smov.u32 s11;
	v46 =	vmov v59  }
.LBB2_23:
.Ltmp19:
0x2a1: {  	(pc) =	sbr.rel .LBB2_26-.Ltmp19, $3  }
0x2a2: {  	_ =	sdelay $0x1  }
0x2a3: {  	v49 =	vmov v43;
	v50 =	vmov v46;
	v55 =	vmov v15  }
0x2a4: {  	v56 =	vmovc v13;
	v57 =	vmovc v12;
	v58 =	vmov v14;
	v43 =	vmov v54;
	s12 =	simm.s32 $0x2;
	v46 =	vmov v44  }
.LBB2_27:
0x2a5: {  	vm0 =	vlt.f32 v15, $8.789062500e-03;
	v3 =	vimm.f32 $0.0e+00  }
0x2a6: {  	v2 =	vsel vm0, $0x3F800000, v3  }
0x2a7: {  	vm15 =	vlt.f32 v13, $8.789062500e-03;
	(xrf0) =	vmin.scan.msk.f32 $0xffff, v2  }
0x2a8: {  	v2 =	vsel vm15, $0x3F800000, v3  }
0x2a9: {  	(xrf0) =	vmin.scan.msk.f32 $0xffff, v2;
	_ =	sdelay $0x3  }
0x2aa: {  	v2, _, _ =	vpop (xrf0)  }
0x2ab: {  	(v2sf) =	vpush v2, $0xF  }
0x2ac: {  	v2, _, _ =	vpop (xrf0)  }
0x2ad: {  	(v2sf) =	vpush v2, $0xF;
	_ =	sdelay $0xc  }
0x2ae: {  	s0 =	spop (v2sf)  }
0x2af: {  	p1 =	sgt.f32 s0, $0.0e+00  }
0x2b0: {  	s0 =	spop (v2sf)  }
0x2b1: {  	p2 =	sgt.f32 @p1 s0, $0.0e+00;
	_ =	sdelay $0x1  }
0x2b2: {  	p1 =	por !p1, !p2  }
.Ltmp20:
0x2b3: {  	_ = 	snop;
	(pc) =	sbr.rel @p1 .LBB2_28-.Ltmp20, $1  }
0x2b4: {  	_ =	sdelay $0x3  }
.LBB2_38:
0x2b5: {  	vm0 =	vlt.f32 v15, $2.441406250e-02;
	v3 =	vimm.f32 $0.0e+00  }
0x2b6: {  	v2 =	vsel vm0, $0x3F800000, v3  }
0x2b7: {  	vm15 =	vlt.f32 v13, $2.441406250e-02;
	(xrf0) =	vmin.scan.msk.f32 $0xffff, v2  }
0x2b8: {  	v2 =	vsel vm15, $0x3F800000, v3  }
0x2b9: {  	(xrf0) =	vmin.scan.msk.f32 $0xffff, v2;
	_ =	sdelay $0x3  }
0x2ba: {  	v2, _, _ =	vpop (xrf0)  }
0x2bb: {  	(v2sf) =	vpush v2, $0xF  }
0x2bc: {  	v2, _, _ =	vpop (xrf0)  }
0x2bd: {  	(v2sf) =	vpush v2, $0xF;
	_ =	sdelay $0xc  }
0x2be: {  	s0 =	spop (v2sf)  }
0x2bf: {  	p2 =	sgt.f32 s0, $0.0e+00  }
0x2c0: {  	s0 =	spop (v2sf)  }
0x2c1: {  	p1 =	sgt.f32 @p2 s0, $0.0e+00;
	_ =	sdelay $0x1  }
0x2c2: {  	p1 =	por !p2, !p1  }
.Ltmp21:
0x2c3: {  	_ = 	snop;
	(pc) =	sbr.rel @!p1 .LBB2_48-.Ltmp21, $2  }
0x2c4: {  	v2 =	vld.idx.msk [tilespmem:v14+s20+$0x0], $0xffff;
	_ =	sdelay $0x1  }
0x2c5: {  	v12 =	vld.idx.msk [tilespmem:v12+s20+$0x0], $0xffff;
	_ =	sdelay $0x1  }
0x2c6: {  	v16 =	vpsel p2, $0x0, v0;
	_ =	sdelay $0x1  }
0x2c7: {  	s0 =	simm.s32 $0x1000  }
0x2c8: {  	s0 =	simm.s32 @p2 $0x1000  }
0x2c9: {  	p1 =	sne.s32 s0, $0x1  }
.Ltmp22:
0x2ca: {  	v17 =	vld.idx.msk [tilespmem:v16+s9+$0x0], $0xffff;
	(pc) =	sbr.rel @!p1 .LBB2_40-.Ltmp22, $4  }
0x2cb: {  	v19 =	vld.idx.msk [tilespmem:v16+s4+$0x0], $0xffff  }
0x2cc: {  	v20 =	vld.idx.msk [tilespmem:v16+s7+$0x0], $0xffff  }
0x2cd: {  	v12 =	vpsel p2, $0x0, v0;
	v2 =	vimm.f32 $+Inf;
	v13 =	vpsel p2, $0x0, v0  }
0x2ce: {  	p4 =	por $0x0, $0x0;
	v14 =	vpsel p2, $0x7F800000, v2;
	v15 =	vpsel p2, $0x7F800000, v2;
	v18 =	vadd.s32 $0x1, v16;
	p2 =	por $0x0, $0x0;
	s0 =	sadd.s32 $0xFFFFFFFF, s0  }
0x2cf: {  	_ =	sdelay $0x1  }
0x2d0: {  	p1 =	sne.s32 s0, $0x1  }
.Ltmp23:
0x2d1: {  	v2 =	vsub.f32 v10, v17;
	(pc) =	sbr.rel @!p1 .LBB2_42-.Ltmp23, $4  }
0x2d2: {  	v3 =	vsub.f32 v7, v19;
	v5 =	vsub.f32 v9, v19;
	v19 =	vld.idx.msk [tilespmem:v18+s4+$0x0], $0xffff  }
0x2d3: {  	v4 =	vsub.f32 v6, v20;
	v21 =	vsub.f32 v11, v20;
	v20 =	vld.idx.msk [tilespmem:v18+s7+$0x0], $0xffff  }
0x2d4: {  	v24 =	vadd.s32 $0x1, v18;
	v22 =	vmul.f32 v3, v3;
	v30 =	vmul.f32 v5, v5  }
0x2d5: {  	v25 =	vld.idx.msk [tilespmem:v18+s9+$0x0], $0xffff;
	s0 =	sadd.s32 $0xFFFFFFFF, s0;
	v29 =	vsub.f32 v8, v17;
	p2 =	por $0x1, $0x1;
	v26 =	vmul.f32 v4, v4;
	v31 =	vmul.f32 v21, v21  }
0x2d6: {  	_ = 	snop  }
0x2d7: {  	v2 =	vmul.f32 v2, v2;
	v3 =	vadd.f32 v26, v22  }
0x2d8: {  	v4 =	vadd.f32 v31, v30;
	v5 =	vmul.f32 v29, v29;
	v21 =	vsub.f32 v7, v19  }
0x2d9: {  	p1 =	sne.s32 s0, $0x1;
	v23 =	vsub.f32 v6, v20;
	v28 =	vsub.f32 v11, v20  }
.Ltmp24:
0x2da: {  	v17 =	vld.idx.msk [tilespmem:v24+s9+$0x0], $0xffff;
	v3 =	vadd.f32 v2, v3;
	v4 =	vadd.f32 v5, v4;
	(pc) =	sbr.rel @!p1 .LBB2_44-.Ltmp24, $4  }
0x2db: {  	v2 =	vadd.s32 $0x1, v24;
	v5 =	vsub.f32 v9, v19;
	v22 =	vmul.f32 v21, v21;
	v19 =	vld.idx.msk [tilespmem:v24+s4+$0x0], $0xffff  }
0x2dc: {  	v20 =	vld.idx.msk [tilespmem:v24+s7+$0x0], $0xffff;
	v27 =	vsub.f32 v10, v25;
	v26 =	vmul.f32 v23, v23;
	v29 =	vsub.f32 v8, v25  }
0x2dd: {  	v31 =	vmul.f32 v28, v28;
	v25 =	vmovc v13;
	vm0 =	vlt.f32 v3, v15;
	vm1 =	vlt.f32 v4, v14  }
0x2de: {  	s0 =	sadd.s32 $0xFFFFFFFF, s0;
	p4 =	por $0x1, $0x1;
	v30 =	vmul.f32 v5, v5;
	v23 =	vsel vm0, v3, v15;
	v21 =	vsel vm1, v4, v14;
	v28 =	vmovc v12  }
.LBB2_45:
0x2df: {  	p6 =	sne.s32 s0, $0x1;
	v3 =	vmul.f32 v27, v27;
	v27 =	vsub.f32 v10, v17;
	v25 =	vsel vm0, v16, v25;
	v4 =	vmovc v17  }
0x2e0: {  	v5 =	vadd.f32 v26, v22;
	v22 =	vadd.f32 v31, v30;
	v26 =	vmul.f32 v29, v29;
	v29 =	vmovc v19  }
0x2e1: {  	v28 =	vsel vm1, v16, v28;
	v31 =	vsub.f32 v6, v20;
	v17 =	vld.idx.msk [tilespmem:v2+s9+$0x0], $0xffff;
	v30 =	vsub.f32 v7, v29  }
.Ltmp25:
0x2e2: {  	v16 =	vmovc v18;
	v18 =	vmov v24;
	v3 =	vadd.f32 v3, v5;
	v19 =	vld.idx.msk [tilespmem:v2+s4+$0x0], $0xffff;
	v5 =	vadd.f32 v26, v22;
	(pc) =	sbr.rel @p6 .LBB2_45-.Ltmp25, $4  }
0x2e3: {  	v24 =	vmovc v2;
	v33 =	vsub.f32 v11, v20;
	v32 =	vsub.f32 v9, v29;
	v20 =	vld.idx.msk [tilespmem:v2+s7+$0x0], $0xffff;
	v2 =	vadd.s32 $0x1, v2  }
0x2e4: {  	v22 =	vmul.f32 v30, v30;
	vm0 =	vlt.f32 v3, v23;
	vm1 =	vlt.f32 v5, v21  }
0x2e5: {  	v26 =	vmul.f32 v31, v31;
	v23 =	vsel vm0, v3, v23;
	v21 =	vsel vm1, v5, v21  }
0x2e6: {  	s0 =	sadd.s32 $0xFFFFFFFF, s0;
	v29 =	vsub.f32 v8, v4;
	v31 =	vmul.f32 v33, v33;
	v30 =	vmul.f32 v32, v32  }
.Ltmp26:
0x2e7: {  	(pc) =	sbr.rel .LBB2_47-.Ltmp26, $2  }
0x2e8: {  	_ =	sdelay $0x2  }
0x2e9: {  	v32 =	vmovc v16;
	v2 =	vmov v27;
	v27 =	vmov v18;
	v16 =	vmov v24  }
.LBB2_28:
0x2ea: {  	v16 =	vld [tilespmem:$0x1FFD0];
	_ =	sdelay $0x1  }
0x2eb: {  	v5 =	vld [tilespmem:$0x1FFE0];
	_ =	sdelay $0x1  }
0x2ec: {  	v3 =	vand.u32 $0x1, v20  }
0x2ed: {  	v3 =	vadd.s32 v3, v16;
	v16 =	vld [tilespmem:$0x1FFF0]  }
0x2ee: {  	v2 =	vand.u32 $0x1, v27;
	v4 =	vand.u32 $0x1, v26;
	v18 =	vand.u32 $0x1, v25  }
0x2ef: {  	v4 =	vadd.s32 v4, v24;
	v2 =	vadd.s32 v2, v19;
	v5 =	vand.u32 $0x1, v5  }
0x2f0: {  	v4 =	vadd.s32 $0xFFFFFFFD, v4;
	v3 =	vadd.s32 $0xFFFFFFFD, v3;
	v5 =	vadd.s32 v5, v21  }
0x2f1: {  	v2 =	vadd.s32 $0xFFFFFFFD, v2;
	vm0 =	vgt.s32 v3, $0x0;
	v5 =	vadd.s32 $0xFFFFFFFD, v5  }
0x2f2: {  	v3 =	vnsel vm0, $0x0, v3;
	vm11 =	vgt.s32 v5, $0x0;
	v16 =	vand.u32 $0x1, v16  }
0x2f3: {  	v17 =	vadd.s32 v16, v22;
	v16 =	vmin.u32 v3, $0xA;
	v3 =	vnsel vm11, $0x0, v5  }
0x2f4: {  	v5 =	vadd.s32 $0xFFFFFFFD, v17;
	v17 =	vmin.u32 v3, $0xA;
	v3 =	vadd.s32 v18, v23  }
0x2f5: {  	vm14 =	vgt.s32 v4, $0x0;
	vm12 =	vgt.s32 v5, $0x0;
	v3 =	vadd.s32 $0xFFFFFFFD, v3  }
0x2f6: {  	vm15 =	vgt.s32 v2, $0x0;
	v5 =	vnsel vm12, $0x0, v5;
	vm13 =	vgt.s32 v3, $0x0  }
0x2f7: {  	v18 =	vmin.u32 v5, $0xA;
	v3 =	vnsel vm13, $0x0, v3;
	v5 =	vshll.u32 v17, $0x4  }
0x2f8: {  	v19 =	vmin.u32 v3, $0xA;
	v3 =	vnsel vm14, $0x0, v4;
	v4 =	vshll.u32 v16, $0x8  }
0x2f9: {  	v2 =	vnsel vm15, $0x0, v2;
	v20 =	vmin.u32 v3, $0xA;
	v3 =	vor.u32 v4, v5  }
0x2fa: {  	v4 =	vshll.u32 v19, $0x8;
	v3 =	vor.u32 v18, v3;
	v5 =	vshll.u32 v20, $0x4  }
0x2fb: {  	v21 =	vmin.u32 v2, $0xA;
	v2 =	vadd.s32 $0x6, v3;
	v4 =	vor.u32 v4, v5  }
0x2fc: {  	v4 =	vor.u32 v21, v4  }
0x2fd: {  	v5 =	vadd.s32 $0x6, v4;
	_ =	sdelay $0x1  }
0x2fe: {  	v22 =	vld.idx.msk [tilespmem:v3+s28+$0x0], $0xffff  }
0x2ff: {  	v2 =	vld.idx.msk [tilespmem:v2+s28+$0x0], $0xffff  }
0x300: {  	v23 =	vld.idx.msk [tilespmem:v4+s28+$0x0], $0xffff  }
0x301: {  	v3 =	vld.idx.msk [tilespmem:v5+s28+$0x0], $0xffff;
	_ =	sdelay $0x3  }
0x302: {  	v24 =	vsub.s32 v2, v22  }
0x303: {  	v2 =	vxor.u32 $0x80000000, v24;
	v25 =	vsub.s32 v3, v23  }
0x304: {  	(xrf0) =	vmax.scan.msk.u32 $0xffff, v2;
	v2 =	vxor.u32 $0x80000000, v25  }
0x305: {  	(xrf0) =	vmax.scan.msk.u32 $0xffff, v2;
	_ =	sdelay $0x4  }
0x306: {  	v2, _, _ =	vpop (xrf0)  }
0x307: {  	(v2sf) =	vpush v2, $0xF;
	v2, _, _ =	vpop (xrf0)  }
0x308: {  	(v2sf) =	vpush v2, $0xF;
	_ =	sdelay $0xd  }
.Ltmp27:
0x309: {  	s0 =	spop (v2sf);
	(pc) =	sbr.rel .LBB2_30-.Ltmp27, $4  }
0x30a: {  	s8 =	spop (v2sf)  }
0x30b: {  	s10 =	sxor.u32 $0x80000000, s0;
	s0 =	sxor.u32 $0x80000000, s8  }
0x30c: {  	p1 =	sgt.s32 s10, s0  }
0x30d: {  	s15 =	simm.s32 $0x0;
	v27 =	vadd.s32 $0x6, v21;
	v26 =	vadd.s32 $0x6, v18;
	s0 =	smov.u32 @p1 s10  }
.LBB2_32:
0x30e: {  	v29 =	vmov v35;
	v33 =	vmov v36  }
0x30f: {  	v32 =	vmovc v34;
	v43 =	vmovc v15;
	v44 =	vmov v13;
	v45 =	vmov v12;
	v46 =	vmov v14  }
.LBB2_37:
0x310: {  	_ =	sdelay $0x3  }
0x311: {  	v3 =	vld.idx.msk [tilespmem:v29+s30+$0x0], $0xffff;
	vm2 =	vmand @p2 vm2, vm4  }
0x312: {  	vm3 =	vmand @p2 vm3, vm5;
	v2 =	vadd.f32 @p2 v2, v51;
	v4 =	vld.idx.msk [tilespmem:v32+s29+$0x0], $0xffff;
	v54 =	vmov s10  }
0x313: {  	v51 =	vld.idx.msk [tilespmem:v33+s29+$0x0], $0xffff;
	v40 =	vsub.f32 v10, v40;
	v57 =	vmov s12;
	v5 =	vsel @p2 vm2, v48, v43  }
0x314: {  	v52 =	vld.idx.msk [tilespmem:v33+s30+$0x0], $0xffff;
	v42 =	vsel @p2 vm3, v49, v44;
	v37 =	vsel @p2 vm3, v37, v45;
	v36 =	vsel @p2 vm2, v36, v46  }
0x315: {  	v53 =	vld.idx.msk [tilespmem:v31+s29+$0x0], $0xffff;
	vm8 =	vlt.s32 v54, v30;
	v39 =	vsub.f32 v8, v39;
	vm9 =	vlt.s32 v54, v28  }
0x316: {  	v55 =	vld.idx.msk [tilespmem:v31+s30+$0x0], $0xffff;
	vm10 =	vlt.s32 v57, v30;
	vm11 =	vlt.s32 v57, v28;
	vm4 =	vlt.f32 @p2 v50, v5  }
0x317: {  	v56 =	vld.idx.msk [tilespmem:v33+s31+$0x0], $0xffff;
	vm5 =	vlt.f32 @p2 v2, v42;
	v41 =	vsub.f32 v7, v41;
	v63 =	vmul.f32 v40, v40  }
0x318: {  	v47 =	vld.idx.msk [tilespmem:v31+s31+$0x0], $0xffff;
	vm0 =	vmand @p2 vm0, vm4;
	vm1 =	vmand @p2 vm1, vm5;
	v28 =	vmul.f32 v39, v39  }
0x319: {  	v34 =	vld.idx.msk [tilespmem:v34+s30+$0x0], $0xffff;
	v5 =	vsel @p2 vm0, v50, v5;
	v2 =	vsel @p2 vm1, v2, v42;
	v3 =	vsub.f32 v6, v3  }
0x31a: {  	v37 =	vsel @p2 vm1, v38, v37;
	v4 =	vsub.f32 v9, v4;
	v58 =	vsub.f32 v7, v51  }
0x31b: {  	v35 =	vsel @p2 vm0, v35, v36;
	v59 =	vsub.f32 v6, v52;
	v60 =	vsub.f32 v9, v53  }
0x31c: {  	v41 =	vmul.f32 v41, v41;
	v42 =	vsub.f32 v11, v55;
	v36 =	vsub.f32 v10, v56  }
0x31d: {  	v61 =	vsub.f32 v8, v47;
	v38 =	vmul.f32 v58, v58;
	v43 =	vmul.f32 v59, v59  }
0x31e: {  	v34 =	vsub.f32 v11, v34;
	v30 =	vmul.f32 v60, v60;
	v42 =	vmul.f32 v42, v42  }
0x31f: {  	v5 =	vpsel p2, v5, v15;
	v36 =	vmul.f32 v36, v36;
	v38 =	vadd.f32 v43, v38  }
0x320: {  	v3 =	vmul.f32 v3, v3;
	v62 =	vmul.f32 v61, v61;
	v30 =	vadd.f32 v42, v30  }
0x321: {  	v4 =	vmul.f32 v4, v4;
	v34 =	vmul.f32 v34, v34;
	v36 =	vadd.f32 v36, v38  }
0x322: {  	v2 =	vpsel p2, v2, v13;
	v3 =	vadd.f32 v3, v41;
	v30 =	vadd.f32 v62, v30  }
0x323: {  	v12 =	vpsel p2, v37, v12;
	v4 =	vadd.f32 v34, v4;
	vm12 =	vlt.f32 v36, v5  }
0x324: {  	v3 =	vadd.f32 v63, v3;
	vm13 =	vlt.f32 v30, v2;
	vm2 =	vmand vm10, vm12  }
0x325: {  	v4 =	vadd.f32 v28, v4;
	vm3 =	vmand vm11, vm13;
	v5 =	vsel vm2, v36, v5  }
0x326: {  	v13 =	vpsel p2, v35, v14;
	v2 =	vsel vm3, v30, v2;
	vm14 =	vlt.f32 v3, v5  }
0x327: {  	v12 =	vsel vm3, v31, v12;
	vm15 =	vlt.f32 v4, v2;
	vm0 =	vmand vm8, vm14  }
0x328: {  	v14 =	vsel vm2, v33, v13;
	vm1 =	vmand vm9, vm15;
	v15 =	vsel vm0, v3, v5  }
0x329: {  	v13 =	vsel vm1, v4, v2;
	v12 =	vsel vm1, v32, v12;
	v14 =	vsel vm0, v29, v14  }
.LBB2_29:
0x32a: {  	p2 =	seq.s32 s15, $0x24  }
.Ltmp28:
0x32b: {  	_ = 	snop;
	(pc) =	sbr.rel @p2 .LBB2_38-.Ltmp28, $4  }
0x32c: {  	_ = 	snop  }
0x32d: {  	s10 =	sxor.u32 $0x80000000, s19;
	s0 =	sxor.u32 $0x80000000, s8  }
0x32e: {  	p1 =	sgt.s32 s10, s0  }
0x32f: {  	s0 =	smov.u32 @p1 s10  }
.LBB2_30:
0x330: {  	s15 =	sadd.s32 $0x1, s15  }
0x331: {  	s8 =	smin.u32 s15, $0x23  }
0x332: {  	s10 =	smul.u32 $0x2B, s8;
	_ =	sdelay $0x1  }
0x333: {  	s10 =	sshrl.u32 s10, $0x8  }
0x334: {  	s11 =	smul.u32 $0x6, s10;
	_ =	sdelay $0x1  }
0x335: {  	s8 =	ssub.s32 s8, s11  }
0x336: {  	s8 =	sand.u32 $0xFF, s8  }
0x337: {  	v2 =	vadd.s32 s10, v16;
	v3 =	vadd.s32 s8, v17  }
0x338: {  	v2 =	vshll.u32 v2, $0x8;
	v3 =	vshll.u32 v3, $0x4  }
0x339: {  	v4 =	vadd.s32 s8, v20;
	v2 =	vadd.s32 v3, v2;
	v3 =	vadd.s32 s10, v19  }
0x33a: {  	v4 =	vshll.u32 v4, $0x4;
	v5 =	vor.u32 v18, v2;
	v3 =	vshll.u32 v3, $0x8  }
0x33b: {  	v2 =	vadd.s32 v26, v2;
	v3 =	vadd.s32 v4, v3  }
0x33c: {  	v4 =	vor.u32 v21, v3  }
0x33d: {  	v3 =	vadd.s32 v27, v3;
	_ =	sdelay $0x1  }
0x33e: {  	v37 =	vmov v22;
	v22 =	vld.idx.msk [tilespmem:v5+s28+$0x0], $0xffff  }
0x33f: {  	v2 =	vld.idx.msk [tilespmem:v2+s28+$0x0], $0xffff  }
0x340: {  	v38 =	vmov v23;
	v23 =	vld.idx.msk [tilespmem:v4+s28+$0x0], $0xffff  }
0x341: {  	v3 =	vld.idx.msk [tilespmem:v3+s28+$0x0], $0xffff;
	_ =	sdelay $0x3  }
0x342: {  	v30 =	vmov v24;
	v24 =	vsub.s32 v2, v22  }
0x343: {  	v28 =	vmov v25;
	v2 =	vxor.u32 $0x80000000, v24;
	v25 =	vsub.s32 v3, v23  }
0x344: {  	(xrf0) =	vmax.scan.msk.u32 $0xffff, v2;
	v2 =	vxor.u32 $0x80000000, v25  }
0x345: {  	(xrf0) =	vmax.scan.msk.u32 $0xffff, v2;
	_ =	sdelay $0x4  }
0x346: {  	v2, _, _ =	vpop (xrf0)  }
0x347: {  	(v2sf) =	vpush v2, $0xF;
	v2, _, _ =	vpop (xrf0)  }
0x348: {  	(v2sf) =	vpush v2, $0xF;
	_ =	sdelay $0x7  }
0x349: {  	s0 =	sadd.s32 $0x1, s0  }
0x34a: {  	s0 =	sshra.s32 s0, $0x1  }
0x34b: {  	p1 =	slt.s32 s0, $0x1  }
.Ltmp29:
0x34c: {  	_ = 	snop;
	(pc) =	sbr.rel @p1 .LBB2_29-.Ltmp29, $3  }
0x34d: {  	_ =	sdelay $0x1  }
0x34e: {  	s19 =	spop (v2sf)  }
0x34f: {  	s10 =	simm.s32 $0x1;
	s8 =	spop (v2sf)  }
0x350: {  	v35 =	vadd.s32 s10, v37  }
0x351: {  	v34 =	vadd.s32 s10, v38  }
0x352: {  	p1 =	seq.s32 s0, $0x1  }
.Ltmp30:
0x353: {  	_ = 	snop;
	(pc) =	sbr.rel @p1 .LBB2_32-.Ltmp30, $4  }
0x354: {  	_ = 	snop  }
0x355: {  	v40 =	vld.idx.msk [tilespmem:v35+s31+$0x0], $0xffff  }
0x356: {  	s12 =	simm.s32 $0x0;
	v39 =	vld.idx.msk [tilespmem:v34+s31+$0x0], $0xffff  }
0x357: {  	s0 =	sadd.s32 $0xFFFFFFFF, s0;
	p2 =	por $0x0, $0x0;
	v36 =	vadd.s32 s12, v37;
	v31 =	vadd.s32 s12, v38;
	v41 =	vld.idx.msk [tilespmem:v35+s29+$0x0], $0xffff  }
0x358: {  	_ =	sdelay $0x3  }
0x359: {  	v2 =	vld.idx.msk [tilespmem:v35+s30+$0x0], $0xffff  }
0x35a: {  	v3 =	vld.idx.msk [tilespmem:v34+s29+$0x0], $0xffff  }
0x35b: {  	v4 =	vld.idx.msk [tilespmem:v36+s29+$0x0], $0xffff  }
0x35c: {  	v5 =	vld.idx.msk [tilespmem:v36+s30+$0x0], $0xffff  }
0x35d: {  	v33 =	vmov s10;
	v43 =	vld.idx.msk [tilespmem:v31+s29+$0x0], $0xffff;
	s10 =	simm.s32 $0x3;
	v46 =	vmov s12  }
0x35e: {  	v44 =	vld.idx.msk [tilespmem:v31+s30+$0x0], $0xffff;
	s11 =	simm.s32 $0x2;
	v29 =	vadd.s32 s10, v37;
	v32 =	vadd.s32 s10, v38;
	vm0 =	vlt.s32 v33, v30  }
0x35f: {  	v45 =	vld.idx.msk [tilespmem:v36+s31+$0x0], $0xffff;
	vm1 =	vlt.s32 v33, v28;
	v33 =	vadd.s32 s11, v37;
	v47 =	vsub.f32 v10, v40  }
0x360: {  	v60 =	vld.idx.msk [tilespmem:v31+s31+$0x0], $0xffff;
	v42 =	vadd.s32 s11, v38;
	v50 =	vsub.f32 v8, v39;
	v41 =	vsub.f32 v7, v41  }
0x361: {  	v61 =	vld.idx.msk [tilespmem:v34+s30+$0x0], $0xffff;
	vm2 =	vlt.s32 v46, v30;
	v2 =	vsub.f32 v6, v2;
	v3 =	vsub.f32 v9, v3  }
0x362: {  	vm3 =	vlt.s32 v46, v28;
	v4 =	vsub.f32 v7, v4;
	v5 =	vsub.f32 v6, v5  }
0x363: {  	v43 =	vsub.f32 v9, v43;
	v44 =	vsub.f32 v11, v44;
	v41 =	vmul.f32 v41, v41  }
0x364: {  	v45 =	vsub.f32 v10, v45;
	v4 =	vmul.f32 v4, v4;
	v5 =	vmul.f32 v5, v5  }
0x365: {  	v40 =	vsub.f32 v8, v60;
	v43 =	vmul.f32 v43, v43;
	v44 =	vmul.f32 v44, v44  }
0x366: {  	p4 =	seq.s32 s0, $0x1;
	v46 =	vmovc v14;
	v39 =	vsub.f32 v11, v61;
	v45 =	vmul.f32 v45, v45;
	v2 =	vmul.f32 v2, v2  }
.Ltmp31:
0x367: {  	v62 =	vmul.f32 v40, v40;
	v40 =	vld.idx.msk [tilespmem:v29+s31+$0x0], $0xffff;
	v4 =	vadd.f32 v5, v4;
	v5 =	vadd.f32 v44, v43;
	(pc) =	sbr.rel @p4 .LBB2_34-.Ltmp31, $4  }
0x368: {  	v63 =	vadd.f32 v2, v41;
	v2 =	vmul.f32 v3, v3;
	v3 =	vmul.f32 v39, v39;
	v39 =	vld.idx.msk [tilespmem:v32+s31+$0x0], $0xffff  }
0x369: {  	v41 =	vld.idx.msk [tilespmem:v29+s29+$0x0], $0xffff;
	v48 =	vadd.f32 v45, v4;
	v4 =	vmul.f32 v47, v47;
	v49 =	vadd.f32 v62, v5  }
0x36a: {  	v51 =	vadd.f32 v3, v2;
	v2 =	vmul.f32 v50, v50;
	v43 =	vmovc v15;
	v44 =	vmovc v13;
	v45 =	vmov v12  }
0x36b: {  	s12 =	sadd.s32 $0xFFFFFFFF, s0;
	p2 =	por $0x1, $0x1;
	v47 =	vmovc v32;
	vm4 =	vlt.f32 v48, v15;
	v50 =	vadd.f32 v4, v63;
	vm5 =	vlt.f32 v49, v13  }
.LBB2_35:
0x36c: {  	p4 =	seq.s32 s12, $0x1;
	v3 =	vld.idx.msk [tilespmem:v29+s30+$0x0], $0xffff;
	vm2 =	vmand vm2, vm4;
	vm3 =	vmand vm3, vm5;
	v2 =	vadd.f32 v2, v51  }
0x36d: {  	v4 =	vld.idx.msk [tilespmem:v32+s29+$0x0], $0xffff;
	v5 =	vsel vm2, v48, v43;
	v44 =	vsel vm3, v49, v44;
	v45 =	vsel vm3, v31, v45  }
0x36e: {  	v46 =	vsel vm2, v36, v46;
	v48 =	vld.idx.msk [tilespmem:v33+s29+$0x0], $0xffff;
	vm2 =	vlt.f32 v50, v5;
	vm3 =	vlt.f32 v2, v44  }
0x36f: {  	v36 =	vmovc v33;
	v31 =	vmov v42;
	v49 =	vld.idx.msk [tilespmem:v33+s30+$0x0], $0xffff;
	vm0 =	vmand vm0, vm2;
	vm1 =	vmand vm1, vm3  }
0x370: {  	v51 =	vld.idx.msk [tilespmem:v42+s29+$0x0], $0xffff;
	v43 =	vsel vm0, v50, v5;
	v44 =	vsel vm1, v2, v44;
	v45 =	vsel vm1, v34, v45  }
0x371: {  	v2 =	vmov s10;
	s10 =	sadd.s32 $0x2, s10;
	v46 =	vsel vm0, v35, v46;
	v35 =	vmovc v29;
	v34 =	vmov v32;
	v5 =	vld.idx.msk [tilespmem:v42+s30+$0x0], $0xffff  }
0x372: {  	v29 =	vadd.s32 s10, v37;
	v32 =	vadd.s32 s10, v38;
	vm0 =	vlt.s32 v2, v30;
	v50 =	vld.idx.msk [tilespmem:v33+s31+$0x0], $0xffff  }
0x373: {  	v52 =	vmov s11;
	v53 =	vsub.f32 v10, v40;
	s11 =	sadd.s32 $0xFFFFFFFF, s10;
	vm1 =	vlt.s32 v2, v28;
	v40 =	vld.idx.msk [tilespmem:v42+s31+$0x0], $0xffff  }
0x374: {  	v54 =	vsub.f32 v8, v39;
	v2 =	vsub.f32 v7, v41;
	v33 =	vadd.s32 s11, v37;
	v41 =	vld.idx.msk [tilespmem:v47+s30+$0x0], $0xffff;
	v47 =	vmovc v32  }
0x375: {  	v3 =	vsub.f32 v6, v3;
	v4 =	vsub.f32 v9, v4;
	v42 =	vadd.s32 s11, v38  }
0x376: {  	vm2 =	vlt.s32 v52, v30;
	v39 =	vsub.f32 v7, v48;
	v48 =	vsub.f32 v6, v49  }
0x377: {  	v2 =	vmul.f32 v2, v2;
	v49 =	vsub.f32 v9, v51;
	v5 =	vsub.f32 v11, v5  }
0x378: {  	v39 =	vmul.f32 v39, v39;
	v48 =	vmul.f32 v48, v48;
	v50 =	vsub.f32 v10, v50  }
0x379: {  	v49 =	vmul.f32 v49, v49;
	v40 =	vsub.f32 v8, v40;
	v5 =	vmul.f32 v5, v5  }
0x37a: {  	v3 =	vmul.f32 v3, v3;
	v50 =	vmul.f32 v50, v50;
	v41 =	vsub.f32 v11, v41  }
.Ltmp32:
0x37b: {  	v39 =	vadd.f32 v48, v39;
	v5 =	vadd.f32 v5, v49;
	v49 =	vmul.f32 v40, v40;
	(pc) =	sbr.rel @!p4 .LBB2_35-.Ltmp32, $4  }
0x37c: {  	v3 =	vadd.f32 v3, v2;
	v2 =	vmul.f32 v4, v4;
	v4 =	vmul.f32 v41, v41  }
0x37d: {  	v48 =	vadd.f32 v50, v39;
	v50 =	vmul.f32 v53, v53;
	v49 =	vadd.f32 v49, v5;
	v40 =	vld.idx.msk [tilespmem:v29+s31+$0x0], $0xffff  }
0x37e: {  	vm3 =	vlt.s32 v52, v28;
	v51 =	vadd.f32 v4, v2;
	v2 =	vmul.f32 v54, v54;
	v39 =	vld.idx.msk [tilespmem:v32+s31+$0x0], $0xffff  }
0x37f: {  	s12 =	sadd.s32 $0xFFFFFFFF, s12;
	vm4 =	vlt.f32 v48, v43;
	v50 =	vadd.f32 v50, v3;
	vm5 =	vlt.f32 v49, v44;
	v41 =	vld.idx.msk [tilespmem:v29+s29+$0x0], $0xffff  }
.Ltmp33:
0x380: {  	(pc) =	sbr.rel .LBB2_37-.Ltmp33, $2  }
0x381: {  	_ =	sdelay $0x2  }
0x382: {  	v37 =	vmovc v31;
	v38 =	vmov v34;
	v31 =	vmov v42;
	s12 =	smov.u32 s11;
	v34 =	vmov v47  }
.LBB2_34:
.Ltmp34:
0x383: {  	(pc) =	sbr.rel .LBB2_37-.Ltmp34, $3  }
0x384: {  	_ =	sdelay $0x1  }
0x385: {  	v37 =	vmov v31;
	v38 =	vmov v34;
	v43 =	vmov v15  }
0x386: {  	v44 =	vmovc v13;
	v45 =	vmovc v12;
	v46 =	vmov v14;
	v31 =	vmov v42;
	s12 =	simm.s32 $0x2;
	v34 =	vmov v32  }
.LBB2_42:
.Ltmp35:
0x387: {  	_ = 	snop;
	(pc) =	sbr.rel .LBB2_47-.Ltmp35, $3  }
0x388: {  	_ =	sdelay $0x1  }
0x389: {  	v27 =	vmov v16;
	v28 =	vmov v12  }
0x38a: {  	v16 =	vmovc v18;
	v23 =	vmovc v15;
	v21 =	vmov v14;
	v17 =	vmov v25;
	v25 =	vmov v13  }
.LBB2_44:
.Ltmp36:
0x38b: {  	(pc) =	sbr.rel .LBB2_47-.Ltmp36, $3  }
0x38c: {  	_ =	sdelay $0x1  }
0x38d: {  	v32 =	vmov v16  }
0x38e: {  	v2 =	vmovc v27;
	v25 =	vmovc v13;
	v28 =	vmov v12;
	v27 =	vmov v18;
	v16 =	vmov v24  }
.LBB2_49:
0x38f: {  	v2 =	vld [tilespmem:$0x13500]  }
0x390: {  	v3 =	vld [tilespmem:$0x13510]  }
0x391: {  	v4 =	vld [tilespmem:$0x13520]  }
0x392: {  	v5 =	vld [tilespmem:$0x13530]  }
0x393: {  	v6 =	vld [tilespmem:$0x13540]  }
0x394: {  	[tilespmem:$0x13700] =	vst v2;
	v2 =	vld [tilespmem:$0x13550]  }
0x395: {  	[tilespmem:$0x13710] =	vst v3;
	v3 =	vld [tilespmem:$0x13560]  }
0x396: {  	v49 =	vld [tilespmem:$0x13570];
	[tilespmem:$0x13720] =	vst v4  }
0x397: {  	v50 =	vld [tilespmem:$0x13580];
	[tilespmem:$0x13730] =	vst v5  }
0x398: {  	v51 =	vld [tilespmem:$0x13590];
	[tilespmem:$0x13740] =	vst v6  }
0x399: {  	[tilespmem:$0x13750] =	vst v2;
	v2 =	vld [tilespmem:$0x135A0]  }
0x39a: {  	[tilespmem:$0x13760] =	vst v3;
	v3 =	vld [tilespmem:$0x135B0]  }
0x39b: {  	v52 =	vld [tilespmem:$0x135C0];
	[tilespmem:$0x13770] =	vst v49  }
0x39c: {  	v53 =	vld [tilespmem:$0x135D0];
	[tilespmem:$0x13780] =	vst v50  }
0x39d: {  	v54 =	vld [tilespmem:$0x135E0];
	[tilespmem:$0x13790] =	vst v51  }
0x39e: {  	[tilespmem:$0x137A0] =	vst v2;
	v2 =	vld [tilespmem:$0x135F0]  }
0x39f: {  	[tilespmem:$0x137B0] =	vst v3;
	v3 =	vld [tilespmem:$0x13600]  }
0x3a0: {  	v55 =	vld [tilespmem:$0x13610];
	[tilespmem:$0x137C0] =	vst v52  }
0x3a1: {  	v56 =	vld [tilespmem:$0x13620];
	[tilespmem:$0x137D0] =	vst v53  }
0x3a2: {  	v57 =	vld [tilespmem:$0x13630];
	[tilespmem:$0x137E0] =	vst v54  }
0x3a3: {  	[tilespmem:$0x137F0] =	vst v2;
	v2 =	vld [tilespmem:$0x13640]  }
0x3a4: {  	[tilespmem:$0x13800] =	vst v3;
	v3 =	vld [tilespmem:$0x13650]  }
0x3a5: {  	v58 =	vld [tilespmem:$0x13660];
	[tilespmem:$0x13810] =	vst v55  }
0x3a6: {  	v59 =	vld [tilespmem:$0x13670];
	[tilespmem:$0x13820] =	vst v56  }
0x3a7: {  	v60 =	vld [tilespmem:$0x13680];
	[tilespmem:$0x13830] =	vst v57  }
0x3a8: {  	[tilespmem:$0x13840] =	vst v2;
	v2 =	vld [tilespmem:$0x13690]  }
0x3a9: {  	[tilespmem:$0x13850] =	vst v3;
	v3 =	vld [tilespmem:$0x136A0]  }
0x3aa: {  	v61 =	vld [tilespmem:$0x136B0];
	[tilespmem:$0x13860] =	vst v58  }
0x3ab: {  	v62 =	vld [tilespmem:$0x136C0];
	[tilespmem:$0x13870] =	vst v59  }
0x3ac: {  	v63 =	vld [tilespmem:$0x136D0];
	[tilespmem:$0x13880] =	vst v60  }
0x3ad: {  	[tilespmem:$0x13890] =	vst v2;
	v2 =	vld [tilespmem:$0x136E0]  }
0x3ae: {  	[tilespmem:$0x138A0] =	vst v3;
	v3 =	vld [tilespmem:$0x136F0]  }
0x3af: {  	[tilespmem:$0x138B0] =	vst v61  }
0x3b0: {  	[tilespmem:$0x138C0] =	vst v62  }
0x3b1: {  	[tilespmem:$0x138D0] =	vst v63  }
0x3b2: {  	[tilespmem:$0x138E0] =	vst v2  }
0x3b3: {  	s0 =	rddreg [dreg:$0xc];
	s10 =	simm.s32 $0x13700;
	s8 =	simm.s32 $0x13100;
	[tilespmem:$0x138F0] =	vst v3  }
0x3b4: {  	[spmem:s0] =	stream.indirect.scatter [tilespmem:s8], [sflag:$0x1], $0x1, s10, s21, $0xb8;
	[tilespmem:$0x14100] =	vst v63  }
0x3b5: {  	_ =	swait.ge [sflag:s24], $0x80  }
0x3b6: {  	[sflag:s24] =	ssyncset.done $0x0  }
0x3b7: {  	s11 =	simm.s32 $0x13300;
	s8 =	rddreg [dreg:$0xd];
	[sflag:s24] =	ssyncadd.s32 $0xFFFFFF80  }
0x3b8: {  	[spmem:s8] =	stream.indirect.scatter [tilespmem:s11], [sflag:$0x1], $0x1, s10, s21, $0xb8;
	[tilespmem:$0x14100] =	vst v63  }
0x3b9: {  	_ =	swait.ge [sflag:s24], $0x80  }
0x3ba: {  	[sflag:s24] =	ssyncset.done $0x0  }
0x3bb: {  	s18 =	simm.s32 $0x13780;
	s19 =	simm.s32 $0x13180;
	[sflag:s24] =	ssyncadd.s32 $0xFFFFFF80  }
0x3bc: {  	[spmem:s0] =	stream.indirect.scatter [tilespmem:s19], [sflag:$0x1], $0x1, s18, s21, $0xb8;
	[tilespmem:$0x14100] =	vst v63  }
0x3bd: {  	_ =	swait.ge [sflag:s24], $0x80  }
0x3be: {  	[sflag:s24] =	ssyncset.done $0x0  }
0x3bf: {  	s12 =	simm.s32 $0x13380;
	[sflag:s24] =	ssyncadd.s32 $0xFFFFFF80  }
0x3c0: {  	[spmem:s8] =	stream.indirect.scatter [tilespmem:s12], [sflag:$0x1], $0x1, s18, s21, $0xb8;
	[tilespmem:$0x14100] =	vst v63  }
0x3c1: {  	_ =	swait.ge [sflag:s24], $0x80  }
0x3c2: {  	[sflag:s24] =	ssyncset.done $0x0  }
0x3c3: {  	s13 =	simm.s32 $0x13800;
	s15 =	simm.s32 $0x13200;
	[sflag:s24] =	ssyncadd.s32 $0xFFFFFF80  }
0x3c4: {  	[spmem:s0] =	stream.indirect.scatter [tilespmem:s15], [sflag:$0x1], $0x1, s13, s21, $0xb8;
	[tilespmem:$0x14100] =	vst v63  }
0x3c5: {  	_ =	swait.ge [sflag:s24], $0x80  }
0x3c6: {  	[sflag:s24] =	ssyncset.done $0x0  }
0x3c7: {  	s16 =	simm.s32 $0x13400;
	[sflag:s24] =	ssyncadd.s32 $0xFFFFFF80  }
0x3c8: {  	[spmem:s8] =	stream.indirect.scatter [tilespmem:s16], [sflag:$0x1], $0x1, s13, s21, $0xb8;
	[tilespmem:$0x14100] =	vst v63  }
0x3c9: {  	_ =	swait.ge [sflag:s24], $0x80  }
0x3ca: {  	[sflag:s24] =	ssyncset.done $0x0  }
0x3cb: {  	s17 =	simm.s32 $0x13880;
	s18 =	simm.s32 $0x13280;
	[sflag:s24] =	ssyncadd.s32 $0xFFFFFF80  }
0x3cc: {  	[spmem:s0] =	stream.indirect.scatter [tilespmem:s18], [sflag:$0x1], $0x1, s17, s21, $0xb8;
	[tilespmem:$0x14100] =	vst v63  }
0x3cd: {  	_ =	swait.ge [sflag:s24], $0x80  }
0x3ce: {  	[sflag:s24] =	ssyncset.done $0x0  }
.Ltmp37:
0x3cf: {  	s19 =	simm.s32 $0x13480;
	[sflag:s24] =	ssyncadd.s32 $0xFFFFFF80;
	(pc) =	sbr.rel .LBB2_50-.Ltmp37, $4  }
0x3d0: {  	[spmem:s8] =	stream.indirect.scatter [tilespmem:s19], [sflag:$0x1], $0x1, s17, s21, $0xb8;
	[tilespmem:$0x14100] =	vst v63  }
0x3d1: {  	_ =	swait.ge [sflag:s24], $0x80  }
0x3d2: {  	[sflag:s24] =	ssyncset.done $0x0  }
0x3d3: {  	s16 =	simm.s32 $0x0;
	[sflag:s24] =	ssyncadd.s32 $0xFFFFFF80  }
.LBB2_73:
0x3d4: {  	v25 =	vmovc v13;
	v28 =	vmov v12;
	v23 =	vmov v15;
	v21 =	vmov v14  }
.LBB2_80:
0x3d5: {  	v3 =	vsub.f32 v10, v17  }
0x3d6: {  	v4 =	vadd.f32 @p2 v26, v22;
	v5 =	vadd.f32 @p2 v31, v30  }
0x3d7: {  	v2 =	vmul.f32 @p2 v2, v2;
	v7 =	vsub.f32 v7, v19;
	v6 =	vsub.f32 v6, v20  }
0x3d8: {  	v10 =	vmul.f32 @p2 v29, v29;
	v9 =	vsub.f32 v9, v19;
	v61 =	vsub.f32 v11, v20  }
0x3d9: {  	v18 =	vsel @p4 vm0, v32, v25;
	v8 =	vsub.f32 v8, v17;
	v2 =	vadd.f32 @p2 v2, v4  }
0x3da: {  	v4 =	vsel @p4 vm1, v32, v28;
	v7 =	vmul.f32 v7, v7;
	v6 =	vmul.f32 v6, v6  }
0x3db: {  	v5 =	vadd.f32 @p2 v10, v5;
	v9 =	vmul.f32 v9, v9;
	v10 =	vmul.f32 v61, v61  }
0x3dc: {  	v3 =	vmul.f32 v3, v3;
	v8 =	vmul.f32 v8, v8;
	v4 =	vpsel p4, v4, v12  }
0x3dd: {  	v11 =	vmovc @p2 v27;
	vm0 =	vlt.f32 @p2 v2, v23;
	vm1 =	vlt.f32 @p2 v5, v21;
	v6 =	vadd.f32 v6, v7  }
0x3de: {  	v62 =	vadd.f32 v10, v9;
	v9 =	vpsel p2, v11, v0;
	v10 =	vpsel p4, v18, v13  }
0x3df: {  	v2 =	vsel @p2 vm0, v2, v23;
	v5 =	vsel @p2 vm1, v5, v21;
	vm0 =	vmmov @p2 vm0  }
0x3e0: {  	vm1 =	vmmov @p2 vm1;
	v3 =	vadd.f32 v3, v6;
	v63 =	vadd.f32 v8, v62  }
0x3e1: {  	v2 =	vpsel p2, v2, v15;
	v5 =	vpsel p2, v5, v14;
	v7 =	vsel @p2 vm0, v9, v10  }
0x3e2: {  	v4 =	vsel @p2 vm1, v9, v4;
	vm14 =	vlt.f32 v3, v2;
	vm15 =	vlt.f32 v63, v5  }
0x3e3: {  	v15 =	vsel vm14, v3, v2;
	v2 =	vpsel p2, v7, v13;
	v3 =	vpsel p2, v4, v12  }
0x3e4: {  	v12 =	vsel vm15, v63, v5;
	v2 =	vsel vm14, v16, v2;
	v13 =	vsel vm15, v16, v3  }
.LBB2_81:
0x3e5: {  	[tilespmem:s18+$0x13100] =	vst v15  }
0x3e6: {  	[tilespmem:s18+$0x13300] =	vst v2  }
0x3e7: {  	[tilespmem:s18+$0x13110] =	vst v12  }
0x3e8: {  	[tilespmem:s18+$0x13310] =	vst v13  }
0x3e9: {  	v2 =	vld [tilespmem:s13+$0x12100];
	_ =	sdelay $0x4  }
0x3ea: {  	s16 =	sadd.s32 $0x1, s16;
	[tilespmem:s18+$0x13500] =	vst v2  }
0x3eb: {  	p1 =	sne.s32 s16, $0x10;
	v2 =	vld [tilespmem:s17+$0x12100]  }
.Ltmp38:
0x3ec: {  	_ = 	snop;
	(pc) =	sbr.rel @!p1 .LBB2_82-.Ltmp38, $2  }
0x3ed: {  	_ =	sdelay $0x2  }
0x3ee: {  	[tilespmem:s18+$0x13510] =	vst v2  }
.LBB2_50:
0x3ef: {  	s18 =	sshll.u32 s16, $0x5  }
0x3f0: {  	s13 =	sor.u32 s23, s18  }
0x3f1: {  	v7 =	vld [tilespmem:s13+$0xF100]  }
0x3f2: {  	v6 =	vld [tilespmem:s13+$0x10100]  }
0x3f3: {  	v10 =	vld [tilespmem:s13+$0x11100];
	_ =	sdelay $0x3  }
0x3f4: {  	v2 =	vmul.f32 $1.600000000e+01, v7;
	v3 =	vmul.f32 $1.600000000e+01, v6  }
0x3f5: {  	v4 =	vmul.f32 $1.600000000e+01, v10;
	v5 =	vmul.f32 $3.200000000e+01, v7  }
0x3f6: {  	v9 =	vld [tilespmem:s13+$0xF110];
	v12 =	vmul.f32 $3.200000000e+01, v6;
	v13 =	vmul.f32 $3.200000000e+01, v10  }
0x3f7: {  	v2 =	vtrunc.f32 v2;
	v3 =	vtrunc.f32 v3  }
0x3f8: {  	v4 =	vtrunc.f32 v4;
	v5 =	vtrunc.f32 v5  }
0x3f9: {  	v8 =	vld [tilespmem:s13+$0x11110];
	v12 =	vtrunc.f32 v12;
	v2 =	vcvt.f32.s32 v2  }
0x3fa: {  	v11 =	vld [tilespmem:s13+$0x10110];
	v3 =	vcvt.f32.s32 v3;
	v4 =	vcvt.f32.s32 v4  }
0x3fb: {  	v20 =	vcvt.f32.s32 v5;
	v5 =	vmul.f32 $1.600000000e+01, v9;
	vm0 =	vlt.s32 v2, $0xF  }
0x3fc: {  	v14 =	vcvt.f32.s32 v12;
	vm5 =	vlt.s32 v3, $0xF;
	v12 =	vnsel vm0, $0xF, v2  }
0x3fd: {  	v2 =	vtrunc.f32 v13;
	v21 =	vnsel vm5, $0xF, v3;
	v3 =	vtrunc.f32 v5  }
0x3fe: {  	v5 =	vmul.f32 $1.600000000e+01, v8;
	v13 =	vcvt.f32.s32 v2  }
0x3ff: {  	vm6 =	vlt.s32 v4, $0xF;
	v2 =	vmul.f32 $1.600000000e+01, v11;
	v3 =	vcvt.f32.s32 v3  }
0x400: {  	v22 =	vnsel vm6, $0xF, v4;
	v4 =	vtrunc.f32 v5  }
0x401: {  	v2 =	vtrunc.f32 v2;
	vm7 =	vlt.s32 v3, $0xF;
	v4 =	vcvt.f32.s32 v4  }
0x402: {  	v2 =	vcvt.f32.s32 v2;
	v23 =	vnsel vm7, $0xF, v3;
	v3 =	vmul.f32 $3.200000000e+01, v11  }
0x403: {  	v5 =	vmul.f32 $3.200000000e+01, v9;
	vm9 =	vlt.s32 v4, $0xF  }
0x404: {  	vm8 =	vlt.s32 v2, $0xF;
	v19 =	vnsel vm9, $0xF, v4;
	v3 =	vtrunc.f32 v3  }
0x405: {  	v4 =	vmul.f32 $3.200000000e+01, v8;
	v24 =	vnsel vm8, $0xF, v2;
	v2 =	vtrunc.f32 v5  }
0x406: {  	v26 =	vcvt.f32.s32 v3;
	v25 =	vcvt.f32.s32 v2;
	v2 =	vor.u32 $0xFFFFFFFE, v20  }
0x407: {  	v3 =	vtrunc.f32 v4;
	v4 =	vor.u32 $0xFFFFFFFE, v14;
	v2 =	vadd.s32 v2, v12  }
0x408: {  	v27 =	vcvt.f32.s32 v3;
	v3 =	vadd.s32 v4, v21;
	vm10 =	vgt.s32 v2, $0x0  }
0x409: {  	v4 =	vor.u32 $0xFFFFFFFE, v13;
	vm11 =	vgt.s32 v3, $0x0;
	v2 =	vnsel vm10, $0x0, v2  }
0x40a: {  	v28 =	vmin.u32 v2, $0xC;
	v2 =	vnsel vm11, $0x0, v3;
	v3 =	vadd.s32 v4, v22  }
0x40b: {  	v29 =	vmin.u32 v2, $0xC;
	vm12 =	vgt.s32 v3, $0x0;
	v2 =	vor.u32 $0xFFFFFFFE, v25  }
0x40c: {  	v4 =	vor.u32 $0xFFFFFFFE, v26;
	v3 =	vnsel vm12, $0x0, v3;
	v2 =	vadd.s32 v2, v23  }
0x40d: {  	v30 =	vmin.u32 v3, $0xC;
	vm13 =	vgt.s32 v2, $0x0;
	v3 =	vadd.s32 v4, v24  }
0x40e: {  	v4 =	vor.u32 $0xFFFFFFFE, v27;
	v2 =	vnsel vm13, $0x0, v2;
	vm14 =	vgt.s32 v3, $0x0  }
0x40f: {  	v31 =	vmin.u32 v2, $0xC;
	v2 =	vnsel vm14, $0x0, v3;
	v3 =	vadd.s32 v4, v19  }
0x410: {  	v5 =	vshll.u32 v29, $0x4;
	v4 =	vshll.u32 v28, $0x8;
	vm15 =	vgt.s32 v3, $0x0  }
0x411: {  	v32 =	vmin.u32 v2, $0xC;
	v2 =	vnsel vm15, $0x0, v3;
	v3 =	vor.u32 v4, v5  }
0x412: {  	v4 =	vshll.u32 v31, $0x8;
	v5 =	vshll.u32 v32, $0x4;
	v3 =	vor.u32 v30, v3  }
0x413: {  	v33 =	vmin.u32 v2, $0xC;
	v4 =	vor.u32 v4, v5;
	v2 =	vadd.s32 $0x4, v3  }
0x414: {  	v4 =	vor.u32 v33, v4  }
0x415: {  	v5 =	vadd.s32 $0x4, v4;
	_ =	sdelay $0x1  }
0x416: {  	v34 =	vld.idx.msk [tilespmem:v3+s2+$0x0], $0xffff  }
0x417: {  	v2 =	vld.idx.msk [tilespmem:v2+s2+$0x0], $0xffff  }
0x418: {  	v35 =	vld.idx.msk [tilespmem:v4+s2+$0x0], $0xffff  }
0x419: {  	v3 =	vld.idx.msk [tilespmem:v5+s2+$0x0], $0xffff;
	_ =	sdelay $0x3  }
0x41a: {  	v36 =	vsub.s32 v2, v34  }
0x41b: {  	v37 =	vsub.s32 v3, v35;
	v2 =	vxor.u32 $0x80000000, v36  }
0x41c: {  	(xrf0) =	vmax.scan.msk.u32 $0xffff, v2;
	v2 =	vxor.u32 $0x80000000, v37  }
0x41d: {  	(xrf0) =	vmax.scan.msk.u32 $0xffff, v2;
	_ =	sdelay $0x4  }
0x41e: {  	v2, _, _ =	vpop (xrf0)  }
0x41f: {  	(v2sf) =	vpush v2, $0xF;
	v2, _, _ =	vpop (xrf0)  }
0x420: {  	(v2sf) =	vpush v2, $0xF;
	_ =	sdelay $0xd  }
.Ltmp39:
0x421: {  	s0 =	spop (v2sf);
	(pc) =	sbr.rel .LBB2_52-.Ltmp39, $4  }
0x422: {  	s8 =	spop (v2sf)  }
0x423: {  	[tilespmem:$0x1FFB0] =	vst v14;
	s10 =	sxor.u32 $0x80000000, s0;
	s0 =	sxor.u32 $0x80000000, s8  }
0x424: {  	v15 =	vimm.f32 $+Inf;
	[tilespmem:$0x1FFC0] =	vst v13;
	v14 =	vimm.s32 $0x0;
	v13 =	vimm.s32 $0x0;
	p1 =	sgt.s32 s10, s0  }
0x425: {  	s15 =	simm.s32 $0x0;
	s17 =	sor.u32 $0x10, s13;
	[tilespmem:$0x1FFA0] =	vst v12;
	v12 =	vimm.f32 $+Inf;
	v38 =	vadd.s32 $0x4, v30;
	v39 =	vadd.s32 $0x4, v33;
	s0 =	smov.u32 @p1 s10  }
.LBB2_54:
0x426: {  	v41 =	vmov v47;
	v45 =	vmov v48  }
0x427: {  	v44 =	vmovc v46;
	v55 =	vmovc v15;
	v56 =	vmov v12;
	v57 =	vmov v13;
	v58 =	vmov v14  }
.LBB2_59:
0x428: {  	_ =	sdelay $0x2  }
0x429: {  	vm2 =	vmand @p2 vm2, vm4  }
0x42a: {  	v3 =	vld.idx.msk [tilespmem:v41+s6+$0x0], $0xffff;
	vm3 =	vmand @p2 vm3, vm5;
	v2 =	vadd.f32 @p2 v2, v63;
	v52 =	vsub.f32 v10, v52  }
0x42b: {  	v4 =	vld.idx.msk [tilespmem:v44+s5+$0x0], $0xffff;
	v5 =	vsel @p2 vm2, v60, v55;
	v16 =	vsel @p2 vm3, v61, v56;
	v18 =	vsel @p2 vm3, v49, v57  }
0x42c: {  	v17 =	vld.idx.msk [tilespmem:v45+s5+$0x0], $0xffff;
	v48 =	vsel @p2 vm2, v48, v58;
	v55 =	vmov s12;
	v51 =	vsub.f32 v8, v51  }
0x42d: {  	v54 =	vld.idx.msk [tilespmem:v43+s5+$0x0], $0xffff;
	vm4 =	vlt.f32 @p2 v62, v5;
	vm5 =	vlt.f32 @p2 v2, v16;
	v53 =	vsub.f32 v7, v53  }
0x42e: {  	v60 =	vld.idx.msk [tilespmem:v45+s6+$0x0], $0xffff;
	vm10 =	vlt.s32 v55, v42;
	vm0 =	vmand @p2 vm0, vm4;
	vm1 =	vmand @p2 vm1, vm5  }
0x42f: {  	v61 =	vld.idx.msk [tilespmem:v43+s6+$0x0], $0xffff;
	vm11 =	vlt.s32 v55, v40;
	v5 =	vsel @p2 vm0, v62, v5;
	v2 =	vsel @p2 vm1, v2, v16  }
0x430: {  	v16 =	vsel @p2 vm1, v50, v18;
	v18 =	vmov s10;
	v47 =	vsel @p2 vm0, v47, v48;
	v62 =	vld.idx.msk [tilespmem:v45+s25+$0x0], $0xffff  }
0x431: {  	v63 =	vld.idx.msk [tilespmem:v43+s25+$0x0], $0xffff;
	vm8 =	vlt.s32 v18, v42;
	v3 =	vsub.f32 v6, v3;
	v4 =	vsub.f32 v9, v4  }
0x432: {  	vm9 =	vlt.s32 v18, v40;
	v18 =	vld.idx.msk [tilespmem:v46+s6+$0x0], $0xffff;
	v17 =	vsub.f32 v7, v17;
	v59 =	vsub.f32 v9, v54  }
0x433: {  	v5 =	vpsel p2, v5, v15;
	v2 =	vpsel p2, v2, v12;
	v58 =	vsub.f32 v6, v60  }
0x434: {  	v12 =	vpsel p2, v16, v13;
	v60 =	vmul.f32 v53, v53;
	v50 =	vsub.f32 v11, v61  }
0x435: {  	v17 =	vmul.f32 v17, v17;
	v46 =	vmul.f32 v58, v58;
	v48 =	vsub.f32 v10, v62  }
0x436: {  	v61 =	vsub.f32 v8, v63;
	v42 =	vmul.f32 v59, v59;
	v50 =	vmul.f32 v50, v50  }
0x437: {  	v18 =	vsub.f32 v11, v18;
	v17 =	vadd.f32 v46, v17;
	v48 =	vmul.f32 v48, v48  }
0x438: {  	v3 =	vmul.f32 v3, v3;
	v62 =	vmul.f32 v61, v61;
	v42 =	vadd.f32 v50, v42  }
0x439: {  	v4 =	vmul.f32 v4, v4;
	v18 =	vmul.f32 v18, v18;
	v17 =	vadd.f32 v48, v17  }
0x43a: {  	v63 =	vmul.f32 v52, v52;
	v3 =	vadd.f32 v3, v60;
	v42 =	vadd.f32 v62, v42  }
0x43b: {  	v4 =	vadd.f32 v18, v4;
	v18 =	vmul.f32 v51, v51;
	vm12 =	vlt.f32 v17, v5  }
0x43c: {  	v3 =	vadd.f32 v63, v3;
	vm13 =	vlt.f32 v42, v2;
	vm2 =	vmand vm10, vm12  }
0x43d: {  	vm3 =	vmand vm11, vm13;
	v4 =	vadd.f32 v18, v4;
	v5 =	vsel vm2, v17, v5  }
0x43e: {  	v13 =	vpsel p2, v47, v14;
	v2 =	vsel vm3, v42, v2;
	vm14 =	vlt.f32 v3, v5  }
0x43f: {  	v14 =	vsel vm3, v43, v12;
	vm15 =	vlt.f32 v4, v2;
	vm0 =	vmand vm8, vm14  }
0x440: {  	v16 =	vsel vm2, v45, v13;
	vm1 =	vmand vm9, vm15;
	v15 =	vsel vm0, v3, v5  }
0x441: {  	v12 =	vsel vm1, v4, v2;
	v13 =	vsel vm1, v44, v14;
	v14 =	vsel vm0, v41, v16  }
.LBB2_51:
0x442: {  	p2 =	seq.s32 s15, $0x10  }
.Ltmp40:
0x443: {  	_ = 	snop;
	(pc) =	sbr.rel @p2 .LBB2_60-.Ltmp40, $4  }
0x444: {  	_ = 	snop  }
0x445: {  	s10 =	sxor.u32 $0x80000000, s19;
	s0 =	sxor.u32 $0x80000000, s8  }
0x446: {  	p1 =	sgt.s32 s10, s0  }
0x447: {  	s0 =	smov.u32 @p1 s10  }
.LBB2_52:
0x448: {  	s15 =	sadd.s32 $0x1, s15  }
0x449: {  	s8 =	smin.u32 s15, $0xF  }
0x44a: {  	s10 =	sshrl.u32 s8, $0x2;
	s8 =	sand.u32 $0x3, s8  }
0x44b: {  	v2 =	vadd.s32 s10, v28;
	v3 =	vadd.s32 s8, v29  }
0x44c: {  	v2 =	vshll.u32 v2, $0x8;
	v3 =	vshll.u32 v3, $0x4  }
0x44d: {  	v4 =	vadd.s32 s8, v32;
	v2 =	vadd.s32 v3, v2;
	v3 =	vadd.s32 s10, v31  }
0x44e: {  	v4 =	vshll.u32 v4, $0x4;
	v5 =	vor.u32 v30, v2;
	v3 =	vshll.u32 v3, $0x8  }
0x44f: {  	v2 =	vadd.s32 v38, v2;
	v3 =	vadd.s32 v4, v3  }
0x450: {  	v4 =	vor.u32 v33, v3  }
0x451: {  	v3 =	vadd.s32 v39, v3;
	_ =	sdelay $0x1  }
0x452: {  	v49 =	vmov v34;
	v34 =	vld.idx.msk [tilespmem:v5+s2+$0x0], $0xffff  }
0x453: {  	v2 =	vld.idx.msk [tilespmem:v2+s2+$0x0], $0xffff  }
0x454: {  	v50 =	vmov v35;
	v35 =	vld.idx.msk [tilespmem:v4+s2+$0x0], $0xffff  }
0x455: {  	v3 =	vld.idx.msk [tilespmem:v3+s2+$0x0], $0xffff;
	_ =	sdelay $0x3  }
0x456: {  	v42 =	vmov v36;
	v36 =	vsub.s32 v2, v34  }
0x457: {  	v40 =	vmov v37;
	v2 =	vxor.u32 $0x80000000, v36;
	v37 =	vsub.s32 v3, v35  }
0x458: {  	(xrf0) =	vmax.scan.msk.u32 $0xffff, v2;
	v2 =	vxor.u32 $0x80000000, v37  }
0x459: {  	(xrf0) =	vmax.scan.msk.u32 $0xffff, v2;
	_ =	sdelay $0x4  }
0x45a: {  	v2, _, _ =	vpop (xrf0)  }
0x45b: {  	(v2sf) =	vpush v2, $0xF;
	v2, _, _ =	vpop (xrf0)  }
0x45c: {  	(v2sf) =	vpush v2, $0xF;
	_ =	sdelay $0x7  }
0x45d: {  	s0 =	sadd.s32 $0x1, s0  }
0x45e: {  	s0 =	sshra.s32 s0, $0x1  }
0x45f: {  	p1 =	slt.s32 s0, $0x1  }
.Ltmp41:
0x460: {  	_ = 	snop;
	(pc) =	sbr.rel @p1 .LBB2_51-.Ltmp41, $3  }
0x461: {  	_ =	sdelay $0x1  }
0x462: {  	s19 =	spop (v2sf)  }
0x463: {  	s10 =	simm.s32 $0x1;
	s8 =	spop (v2sf)  }
0x464: {  	v47 =	vadd.s32 s10, v49  }
0x465: {  	v46 =	vadd.s32 s10, v50  }
0x466: {  	p1 =	seq.s32 s0, $0x1  }
.Ltmp42:
0x467: {  	_ = 	snop;
	(pc) =	sbr.rel @p1 .LBB2_54-.Ltmp42, $4  }
0x468: {  	_ = 	snop  }
0x469: {  	v52 =	vld.idx.msk [tilespmem:v47+s25+$0x0], $0xffff  }
0x46a: {  	s12 =	simm.s32 $0x0;
	v51 =	vld.idx.msk [tilespmem:v46+s25+$0x0], $0xffff  }
0x46b: {  	s0 =	sadd.s32 $0xFFFFFFFF, s0;
	p2 =	por $0x0, $0x0;
	v48 =	vadd.s32 s12, v49;
	v43 =	vadd.s32 s12, v50;
	v53 =	vld.idx.msk [tilespmem:v47+s5+$0x0], $0xffff  }
0x46c: {  	_ =	sdelay $0x3  }
0x46d: {  	v2 =	vld.idx.msk [tilespmem:v47+s6+$0x0], $0xffff  }
0x46e: {  	v3 =	vld.idx.msk [tilespmem:v46+s5+$0x0], $0xffff  }
0x46f: {  	v4 =	vld.idx.msk [tilespmem:v48+s5+$0x0], $0xffff  }
0x470: {  	v5 =	vld.idx.msk [tilespmem:v48+s6+$0x0], $0xffff  }
0x471: {  	v45 =	vmov s10;
	v55 =	vld.idx.msk [tilespmem:v43+s5+$0x0], $0xffff;
	s10 =	simm.s32 $0x3;
	v58 =	vmov s12  }
0x472: {  	v56 =	vld.idx.msk [tilespmem:v43+s6+$0x0], $0xffff;
	v41 =	vadd.s32 s10, v49;
	v44 =	vadd.s32 s10, v50;
	vm0 =	vlt.s32 v45, v42  }
0x473: {  	v57 =	vld.idx.msk [tilespmem:v48+s25+$0x0], $0xffff;
	s11 =	simm.s32 $0x2;
	vm1 =	vlt.s32 v45, v40;
	v59 =	vsub.f32 v10, v52;
	v62 =	vsub.f32 v8, v51  }
0x474: {  	v45 =	vadd.s32 s11, v49;
	v52 =	vld.idx.msk [tilespmem:v43+s25+$0x0], $0xffff;
	v53 =	vsub.f32 v7, v53;
	v2 =	vsub.f32 v6, v2  }
0x475: {  	v63 =	vld.idx.msk [tilespmem:v46+s6+$0x0], $0xffff;
	vm2 =	vlt.s32 v58, v42;
	v3 =	vsub.f32 v9, v3;
	v4 =	vsub.f32 v7, v4  }
0x476: {  	vm3 =	vlt.s32 v58, v40;
	v5 =	vsub.f32 v6, v5;
	v55 =	vsub.f32 v9, v55  }
0x477: {  	v56 =	vsub.f32 v11, v56;
	v53 =	vmul.f32 v53, v53;
	v4 =	vmul.f32 v4, v4  }
0x478: {  	v57 =	vsub.f32 v10, v57;
	v5 =	vmul.f32 v5, v5;
	v55 =	vmul.f32 v55, v55  }
0x479: {  	v52 =	vsub.f32 v8, v52;
	v56 =	vmul.f32 v56, v56;
	v2 =	vmul.f32 v2, v2  }
0x47a: {  	p4 =	seq.s32 s0, $0x1;
	v51 =	vsub.f32 v11, v63;
	v57 =	vmul.f32 v57, v57;
	v4 =	vadd.f32 v5, v4  }
.Ltmp43:
0x47b: {  	v5 =	vadd.f32 v56, v55;
	v55 =	vmul.f32 v52, v52;
	v56 =	vadd.f32 v2, v53;
	v52 =	vld.idx.msk [tilespmem:v41+s25+$0x0], $0xffff;
	(pc) =	sbr.rel @p4 .LBB2_56-.Ltmp43, $4  }
0x47c: {  	v2 =	vmul.f32 v3, v3;
	v3 =	vmul.f32 v51, v51;
	v51 =	vld.idx.msk [tilespmem:v44+s25+$0x0], $0xffff;
	v60 =	vadd.f32 v57, v4  }
0x47d: {  	v54 =	vadd.s32 s11, v50;
	v58 =	vmovc v14;
	v53 =	vld.idx.msk [tilespmem:v41+s5+$0x0], $0xffff;
	v4 =	vmul.f32 v59, v59;
	v61 =	vadd.f32 v55, v5  }
0x47e: {  	v63 =	vadd.f32 v3, v2;
	v2 =	vmul.f32 v62, v62;
	v57 =	vmovc v13;
	vm4 =	vlt.f32 v60, v15  }
0x47f: {  	s12 =	sadd.s32 $0xFFFFFFFF, s0;
	p2 =	por $0x1, $0x1;
	v59 =	vmovc v44;
	v62 =	vadd.f32 v4, v56;
	vm5 =	vlt.f32 v61, v12;
	v55 =	vmovc v15;
	v56 =	vmov v12  }
.LBB2_57:
0x480: {  	p4 =	seq.s32 s12, $0x1;
	v3 =	vld.idx.msk [tilespmem:v41+s6+$0x0], $0xffff;
	vm2 =	vmand vm2, vm4;
	vm3 =	vmand vm3, vm5;
	v2 =	vadd.f32 v2, v63  }
0x481: {  	v4 =	vld.idx.msk [tilespmem:v44+s5+$0x0], $0xffff;
	v5 =	vsel vm2, v60, v55;
	v56 =	vsel vm3, v61, v56;
	v57 =	vsel vm3, v43, v57  }
0x482: {  	v58 =	vsel vm2, v48, v58;
	v60 =	vld.idx.msk [tilespmem:v45+s5+$0x0], $0xffff;
	vm2 =	vlt.f32 v62, v5;
	vm3 =	vlt.f32 v2, v56  }
0x483: {  	v48 =	vmovc v45;
	v43 =	vmov v54;
	v61 =	vld.idx.msk [tilespmem:v45+s6+$0x0], $0xffff;
	vm0 =	vmand vm0, vm2;
	vm1 =	vmand vm1, vm3  }
0x484: {  	v63 =	vld.idx.msk [tilespmem:v54+s5+$0x0], $0xffff;
	v55 =	vsel vm0, v62, v5;
	v56 =	vsel vm1, v2, v56;
	v57 =	vsel vm1, v46, v57  }
0x485: {  	v2 =	vmov s10;
	s10 =	sadd.s32 $0x2, s10;
	v58 =	vsel vm0, v47, v58;
	v47 =	vmovc v41;
	v46 =	vmov v44;
	v5 =	vld.idx.msk [tilespmem:v54+s6+$0x0], $0xffff  }
0x486: {  	v41 =	vadd.s32 s10, v49;
	v44 =	vadd.s32 s10, v50;
	vm0 =	vlt.s32 v2, v42;
	v62 =	vld.idx.msk [tilespmem:v45+s25+$0x0], $0xffff  }
0x487: {  	v16 =	vmov s11;
	v17 =	vsub.f32 v10, v52;
	s11 =	sadd.s32 $0xFFFFFFFF, s10;
	vm1 =	vlt.s32 v2, v40;
	v52 =	vld.idx.msk [tilespmem:v54+s25+$0x0], $0xffff  }
0x488: {  	v18 =	vsub.f32 v8, v51;
	v2 =	vsub.f32 v7, v53;
	v45 =	vadd.s32 s11, v49;
	v53 =	vld.idx.msk [tilespmem:v59+s6+$0x0], $0xffff;
	v59 =	vmovc v44  }
0x489: {  	v3 =	vsub.f32 v6, v3;
	v4 =	vsub.f32 v9, v4;
	v54 =	vadd.s32 s11, v50  }
0x48a: {  	vm2 =	vlt.s32 v16, v42;
	v51 =	vsub.f32 v7, v60;
	v60 =	vsub.f32 v6, v61  }
0x48b: {  	v2 =	vmul.f32 v2, v2;
	v61 =	vsub.f32 v9, v63;
	v5 =	vsub.f32 v11, v5  }
0x48c: {  	v51 =	vmul.f32 v51, v51;
	v60 =	vmul.f32 v60, v60;
	v62 =	vsub.f32 v10, v62  }
0x48d: {  	v61 =	vmul.f32 v61, v61;
	v52 =	vsub.f32 v8, v52;
	v5 =	vmul.f32 v5, v5  }
0x48e: {  	v3 =	vmul.f32 v3, v3;
	v62 =	vmul.f32 v62, v62;
	v53 =	vsub.f32 v11, v53  }
.Ltmp44:
0x48f: {  	v51 =	vadd.f32 v60, v51;
	v5 =	vadd.f32 v5, v61;
	v61 =	vmul.f32 v52, v52;
	(pc) =	sbr.rel @!p4 .LBB2_57-.Ltmp44, $4  }
0x490: {  	v3 =	vadd.f32 v3, v2;
	v2 =	vmul.f32 v4, v4;
	v4 =	vmul.f32 v53, v53  }
0x491: {  	v17 =	vmul.f32 v17, v17;
	v60 =	vadd.f32 v62, v51;
	v61 =	vadd.f32 v61, v5;
	v52 =	vld.idx.msk [tilespmem:v41+s25+$0x0], $0xffff  }
0x492: {  	vm3 =	vlt.s32 v16, v40;
	v63 =	vadd.f32 v4, v2;
	v2 =	vmul.f32 v18, v18;
	v51 =	vld.idx.msk [tilespmem:v44+s25+$0x0], $0xffff  }
0x493: {  	s12 =	sadd.s32 $0xFFFFFFFF, s12;
	v62 =	vadd.f32 v17, v3;
	vm4 =	vlt.f32 v60, v55;
	vm5 =	vlt.f32 v61, v56;
	v53 =	vld.idx.msk [tilespmem:v41+s5+$0x0], $0xffff  }
.Ltmp45:
0x494: {  	(pc) =	sbr.rel .LBB2_59-.Ltmp45, $2  }
0x495: {  	_ =	sdelay $0x2  }
0x496: {  	v49 =	vmovc v43;
	v50 =	vmov v46;
	v43 =	vmov v54;
	s12 =	smov.u32 s11;
	v46 =	vmov v59  }
.LBB2_56:
.Ltmp46:
0x497: {  	(pc) =	sbr.rel .LBB2_59-.Ltmp46, $3  }
0x498: {  	_ =	sdelay $0x1  }
0x499: {  	v49 =	vmov v43;
	v50 =	vmov v46;
	v55 =	vmov v15  }
0x49a: {  	v56 =	vmovc v12;
	v57 =	vmovc v13;
	v58 =	vmov v14;
	v43 =	vmov v54;
	s12 =	simm.s32 $0x2;
	v46 =	vmov v44  }
.LBB2_60:
0x49b: {  	vm0 =	vlt.f32 v15, $8.789062500e-03;
	v3 =	vimm.f32 $0.0e+00  }
0x49c: {  	v2 =	vsel vm0, $0x3F800000, v3  }
0x49d: {  	vm15 =	vlt.f32 v12, $8.789062500e-03;
	(xrf0) =	vmin.scan.msk.f32 $0xffff, v2  }
0x49e: {  	v2 =	vsel vm15, $0x3F800000, v3  }
0x49f: {  	(xrf0) =	vmin.scan.msk.f32 $0xffff, v2;
	_ =	sdelay $0x3  }
0x4a0: {  	v2, _, _ =	vpop (xrf0)  }
0x4a1: {  	(v2sf) =	vpush v2, $0xF  }
0x4a2: {  	v2, _, _ =	vpop (xrf0)  }
0x4a3: {  	(v2sf) =	vpush v2, $0xF;
	_ =	sdelay $0xc  }
0x4a4: {  	s0 =	spop (v2sf)  }
0x4a5: {  	p1 =	sgt.f32 s0, $0.0e+00  }
0x4a6: {  	s0 =	spop (v2sf)  }
0x4a7: {  	p2 =	sgt.f32 @p1 s0, $0.0e+00;
	_ =	sdelay $0x1  }
0x4a8: {  	p1 =	por !p1, !p2  }
.Ltmp47:
0x4a9: {  	_ = 	snop;
	(pc) =	sbr.rel @p1 .LBB2_61-.Ltmp47, $1  }
0x4aa: {  	_ =	sdelay $0x3  }
.LBB2_71:
0x4ab: {  	vm0 =	vlt.f32 v15, $2.441406250e-02;
	v3 =	vimm.f32 $0.0e+00  }
0x4ac: {  	v2 =	vsel vm0, $0x3F800000, v3  }
0x4ad: {  	vm15 =	vlt.f32 v12, $2.441406250e-02;
	(xrf0) =	vmin.scan.msk.f32 $0xffff, v2  }
0x4ae: {  	v2 =	vsel vm15, $0x3F800000, v3  }
0x4af: {  	(xrf0) =	vmin.scan.msk.f32 $0xffff, v2;
	_ =	sdelay $0x3  }
0x4b0: {  	v2, _, _ =	vpop (xrf0)  }
0x4b1: {  	(v2sf) =	vpush v2, $0xF  }
0x4b2: {  	v2, _, _ =	vpop (xrf0)  }
0x4b3: {  	(v2sf) =	vpush v2, $0xF;
	_ =	sdelay $0xc  }
0x4b4: {  	s0 =	spop (v2sf)  }
0x4b5: {  	p2 =	sgt.f32 s0, $0.0e+00  }
0x4b6: {  	s0 =	spop (v2sf)  }
0x4b7: {  	p1 =	sgt.f32 @p2 s0, $0.0e+00;
	_ =	sdelay $0x1  }
0x4b8: {  	p1 =	por !p2, !p1  }
.Ltmp48:
0x4b9: {  	_ = 	snop;
	(pc) =	sbr.rel @!p1 .LBB2_81-.Ltmp48, $2  }
0x4ba: {  	v2 =	vld.idx.msk [tilespmem:v14+s26+$0x0], $0xffff;
	_ =	sdelay $0x1  }
0x4bb: {  	v13 =	vld.idx.msk [tilespmem:v13+s26+$0x0], $0xffff;
	_ =	sdelay $0x1  }
0x4bc: {  	v16 =	vpsel p2, $0x0, v0;
	_ =	sdelay $0x1  }
0x4bd: {  	s0 =	simm.s32 $0x1000  }
0x4be: {  	s0 =	simm.s32 @p2 $0x1000  }
0x4bf: {  	p1 =	sne.s32 s0, $0x1  }
.Ltmp49:
0x4c0: {  	v17 =	vld.idx.msk [tilespmem:v16+s3+$0x0], $0xffff;
	(pc) =	sbr.rel @!p1 .LBB2_73-.Ltmp49, $4  }
0x4c1: {  	v19 =	vld.idx.msk [tilespmem:v16+s22+$0x0], $0xffff  }
0x4c2: {  	v20 =	vld.idx.msk [tilespmem:v16+s14+$0x0], $0xffff  }
0x4c3: {  	v12 =	vpsel p2, $0x0, v0;
	v2 =	vimm.f32 $+Inf;
	v13 =	vpsel p2, $0x0, v0  }
0x4c4: {  	p4 =	por $0x0, $0x0;
	v14 =	vpsel p2, $0x7F800000, v2;
	v15 =	vpsel p2, $0x7F800000, v2;
	v18 =	vadd.s32 $0x1, v16;
	p2 =	por $0x0, $0x0;
	s0 =	sadd.s32 $0xFFFFFFFF, s0  }
0x4c5: {  	_ =	sdelay $0x1  }
0x4c6: {  	p1 =	sne.s32 s0, $0x1  }
.Ltmp50:
0x4c7: {  	v2 =	vsub.f32 v10, v17;
	(pc) =	sbr.rel @!p1 .LBB2_75-.Ltmp50, $4  }
0x4c8: {  	v3 =	vsub.f32 v7, v19;
	v5 =	vsub.f32 v9, v19;
	v19 =	vld.idx.msk [tilespmem:v18+s22+$0x0], $0xffff  }
0x4c9: {  	v4 =	vsub.f32 v6, v20;
	v21 =	vsub.f32 v11, v20;
	v20 =	vld.idx.msk [tilespmem:v18+s14+$0x0], $0xffff  }
0x4ca: {  	v24 =	vadd.s32 $0x1, v18;
	v22 =	vmul.f32 v3, v3;
	v30 =	vmul.f32 v5, v5  }
0x4cb: {  	v25 =	vld.idx.msk [tilespmem:v18+s3+$0x0], $0xffff;
	s0 =	sadd.s32 $0xFFFFFFFF, s0;
	v29 =	vsub.f32 v8, v17;
	p2 =	por $0x1, $0x1;
	v26 =	vmul.f32 v4, v4;
	v31 =	vmul.f32 v21, v21  }
0x4cc: {  	_ = 	snop  }
0x4cd: {  	v2 =	vmul.f32 v2, v2;
	v3 =	vadd.f32 v26, v22  }
0x4ce: {  	v4 =	vadd.f32 v31, v30;
	v5 =	vmul.f32 v29, v29;
	v21 =	vsub.f32 v7, v19  }
0x4cf: {  	p1 =	sne.s32 s0, $0x1;
	v23 =	vsub.f32 v6, v20;
	v28 =	vsub.f32 v11, v20  }
.Ltmp51:
0x4d0: {  	v17 =	vld.idx.msk [tilespmem:v24+s3+$0x0], $0xffff;
	v3 =	vadd.f32 v2, v3;
	v4 =	vadd.f32 v5, v4;
	(pc) =	sbr.rel @!p1 .LBB2_77-.Ltmp51, $4  }
0x4d1: {  	v2 =	vadd.s32 $0x1, v24;
	v5 =	vsub.f32 v9, v19;
	v22 =	vmul.f32 v21, v21;
	v19 =	vld.idx.msk [tilespmem:v24+s22+$0x0], $0xffff  }
0x4d2: {  	v20 =	vld.idx.msk [tilespmem:v24+s14+$0x0], $0xffff;
	v27 =	vsub.f32 v10, v25;
	v26 =	vmul.f32 v23, v23;
	v29 =	vsub.f32 v8, v25  }
0x4d3: {  	v31 =	vmul.f32 v28, v28;
	v25 =	vmovc v13;
	vm0 =	vlt.f32 v3, v15;
	vm1 =	vlt.f32 v4, v14  }
0x4d4: {  	s0 =	sadd.s32 $0xFFFFFFFF, s0;
	p4 =	por $0x1, $0x1;
	v30 =	vmul.f32 v5, v5;
	v23 =	vsel vm0, v3, v15;
	v21 =	vsel vm1, v4, v14;
	v28 =	vmovc v12  }
.LBB2_78:
0x4d5: {  	p6 =	sne.s32 s0, $0x1;
	v3 =	vmul.f32 v27, v27;
	v27 =	vsub.f32 v10, v17;
	v25 =	vsel vm0, v16, v25;
	v4 =	vmovc v17  }
0x4d6: {  	v5 =	vadd.f32 v26, v22;
	v22 =	vadd.f32 v31, v30;
	v26 =	vmul.f32 v29, v29;
	v29 =	vmovc v19  }
0x4d7: {  	v28 =	vsel vm1, v16, v28;
	v31 =	vsub.f32 v6, v20;
	v17 =	vld.idx.msk [tilespmem:v2+s3+$0x0], $0xffff;
	v30 =	vsub.f32 v7, v29  }
.Ltmp52:
0x4d8: {  	v16 =	vmovc v18;
	v18 =	vmov v24;
	v3 =	vadd.f32 v3, v5;
	v19 =	vld.idx.msk [tilespmem:v2+s22+$0x0], $0xffff;
	v5 =	vadd.f32 v26, v22;
	(pc) =	sbr.rel @p6 .LBB2_78-.Ltmp52, $4  }
0x4d9: {  	v24 =	vmovc v2;
	v33 =	vsub.f32 v11, v20;
	v32 =	vsub.f32 v9, v29;
	v20 =	vld.idx.msk [tilespmem:v2+s14+$0x0], $0xffff;
	v2 =	vadd.s32 $0x1, v2  }
0x4da: {  	v22 =	vmul.f32 v30, v30;
	vm0 =	vlt.f32 v3, v23;
	vm1 =	vlt.f32 v5, v21  }
0x4db: {  	v26 =	vmul.f32 v31, v31;
	v23 =	vsel vm0, v3, v23;
	v21 =	vsel vm1, v5, v21  }
0x4dc: {  	s0 =	sadd.s32 $0xFFFFFFFF, s0;
	v29 =	vsub.f32 v8, v4;
	v31 =	vmul.f32 v33, v33;
	v30 =	vmul.f32 v32, v32  }
.Ltmp53:
0x4dd: {  	(pc) =	sbr.rel .LBB2_80-.Ltmp53, $2  }
0x4de: {  	_ =	sdelay $0x2  }
0x4df: {  	v32 =	vmovc v16;
	v2 =	vmov v27;
	v27 =	vmov v18;
	v16 =	vmov v24  }
.LBB2_61:
0x4e0: {  	v16 =	vld [tilespmem:$0x1FFA0];
	_ =	sdelay $0x1  }
0x4e1: {  	v5 =	vld [tilespmem:$0x1FFB0];
	_ =	sdelay $0x1  }
0x4e2: {  	v3 =	vand.u32 $0x1, v20  }
0x4e3: {  	v3 =	vadd.s32 v3, v16;
	v16 =	vld [tilespmem:$0x1FFC0]  }
0x4e4: {  	v2 =	vand.u32 $0x1, v27;
	v4 =	vand.u32 $0x1, v26;
	v18 =	vand.u32 $0x1, v25  }
0x4e5: {  	v4 =	vadd.s32 v4, v24;
	v2 =	vadd.s32 v2, v19;
	v5 =	vand.u32 $0x1, v5  }
0x4e6: {  	v4 =	vadd.s32 $0xFFFFFFFD, v4;
	v3 =	vadd.s32 $0xFFFFFFFD, v3;
	v5 =	vadd.s32 v5, v21  }
0x4e7: {  	v2 =	vadd.s32 $0xFFFFFFFD, v2;
	vm0 =	vgt.s32 v3, $0x0;
	v5 =	vadd.s32 $0xFFFFFFFD, v5  }
0x4e8: {  	v3 =	vnsel vm0, $0x0, v3;
	vm11 =	vgt.s32 v5, $0x0;
	v16 =	vand.u32 $0x1, v16  }
0x4e9: {  	v17 =	vadd.s32 v16, v22;
	v16 =	vmin.u32 v3, $0xA;
	v3 =	vnsel vm11, $0x0, v5  }
0x4ea: {  	v5 =	vadd.s32 $0xFFFFFFFD, v17;
	v17 =	vmin.u32 v3, $0xA;
	v3 =	vadd.s32 v18, v23  }
0x4eb: {  	vm14 =	vgt.s32 v4, $0x0;
	vm12 =	vgt.s32 v5, $0x0;
	v3 =	vadd.s32 $0xFFFFFFFD, v3  }
0x4ec: {  	vm15 =	vgt.s32 v2, $0x0;
	v5 =	vnsel vm12, $0x0, v5;
	vm13 =	vgt.s32 v3, $0x0  }
0x4ed: {  	v18 =	vmin.u32 v5, $0xA;
	v3 =	vnsel vm13, $0x0, v3;
	v5 =	vshll.u32 v17, $0x4  }
0x4ee: {  	v19 =	vmin.u32 v3, $0xA;
	v3 =	vnsel vm14, $0x0, v4;
	v4 =	vshll.u32 v16, $0x8  }
0x4ef: {  	v2 =	vnsel vm15, $0x0, v2;
	v20 =	vmin.u32 v3, $0xA;
	v3 =	vor.u32 v4, v5  }
0x4f0: {  	v4 =	vshll.u32 v19, $0x8;
	v3 =	vor.u32 v18, v3;
	v5 =	vshll.u32 v20, $0x4  }
0x4f1: {  	v21 =	vmin.u32 v2, $0xA;
	v2 =	vadd.s32 $0x6, v3;
	v4 =	vor.u32 v4, v5  }
0x4f2: {  	v4 =	vor.u32 v21, v4  }
0x4f3: {  	v5 =	vadd.s32 $0x6, v4;
	_ =	sdelay $0x1  }
0x4f4: {  	v22 =	vld.idx.msk [tilespmem:v3+s2+$0x0], $0xffff  }
0x4f5: {  	v2 =	vld.idx.msk [tilespmem:v2+s2+$0x0], $0xffff  }
0x4f6: {  	v23 =	vld.idx.msk [tilespmem:v4+s2+$0x0], $0xffff  }
0x4f7: {  	v3 =	vld.idx.msk [tilespmem:v5+s2+$0x0], $0xffff;
	_ =	sdelay $0x3  }
0x4f8: {  	v24 =	vsub.s32 v2, v22  }
0x4f9: {  	v2 =	vxor.u32 $0x80000000, v24;
	v25 =	vsub.s32 v3, v23  }
0x4fa: {  	(xrf0) =	vmax.scan.msk.u32 $0xffff, v2;
	v2 =	vxor.u32 $0x80000000, v25  }
0x4fb: {  	(xrf0) =	vmax.scan.msk.u32 $0xffff, v2;
	_ =	sdelay $0x4  }
0x4fc: {  	v2, _, _ =	vpop (xrf0)  }
0x4fd: {  	(v2sf) =	vpush v2, $0xF;
	v2, _, _ =	vpop (xrf0)  }
0x4fe: {  	(v2sf) =	vpush v2, $0xF;
	_ =	sdelay $0xd  }
.Ltmp54:
0x4ff: {  	s0 =	spop (v2sf);
	(pc) =	sbr.rel .LBB2_63-.Ltmp54, $4  }
0x500: {  	s8 =	spop (v2sf)  }
0x501: {  	s10 =	sxor.u32 $0x80000000, s0;
	s0 =	sxor.u32 $0x80000000, s8  }
0x502: {  	p1 =	sgt.s32 s10, s0  }
0x503: {  	s15 =	simm.s32 $0x0;
	v27 =	vadd.s32 $0x6, v21;
	v26 =	vadd.s32 $0x6, v18;
	s0 =	smov.u32 @p1 s10  }
.LBB2_65:
0x504: {  	v29 =	vmov v35;
	v33 =	vmov v36  }
0x505: {  	v32 =	vmovc v34;
	v43 =	vmovc v15;
	v44 =	vmov v12;
	v45 =	vmov v13;
	v46 =	vmov v14  }
.LBB2_70:
0x506: {  	_ =	sdelay $0x3  }
0x507: {  	v3 =	vld.idx.msk [tilespmem:v29+s6+$0x0], $0xffff;
	vm2 =	vmand @p2 vm2, vm4  }
0x508: {  	vm3 =	vmand @p2 vm3, vm5;
	v2 =	vadd.f32 @p2 v2, v51;
	v4 =	vld.idx.msk [tilespmem:v32+s5+$0x0], $0xffff;
	v54 =	vmov s10  }
0x509: {  	v51 =	vld.idx.msk [tilespmem:v33+s5+$0x0], $0xffff;
	v40 =	vsub.f32 v10, v40;
	v57 =	vmov s12;
	v5 =	vsel @p2 vm2, v48, v43  }
0x50a: {  	v52 =	vld.idx.msk [tilespmem:v33+s6+$0x0], $0xffff;
	v42 =	vsel @p2 vm3, v49, v44;
	v37 =	vsel @p2 vm3, v37, v45;
	v36 =	vsel @p2 vm2, v36, v46  }
0x50b: {  	v53 =	vld.idx.msk [tilespmem:v31+s5+$0x0], $0xffff;
	vm8 =	vlt.s32 v54, v30;
	v39 =	vsub.f32 v8, v39;
	vm9 =	vlt.s32 v54, v28  }
0x50c: {  	v55 =	vld.idx.msk [tilespmem:v31+s6+$0x0], $0xffff;
	vm10 =	vlt.s32 v57, v30;
	vm11 =	vlt.s32 v57, v28;
	vm4 =	vlt.f32 @p2 v50, v5  }
0x50d: {  	v56 =	vld.idx.msk [tilespmem:v33+s25+$0x0], $0xffff;
	vm5 =	vlt.f32 @p2 v2, v42;
	v41 =	vsub.f32 v7, v41;
	v63 =	vmul.f32 v40, v40  }
0x50e: {  	v47 =	vld.idx.msk [tilespmem:v31+s25+$0x0], $0xffff;
	vm0 =	vmand @p2 vm0, vm4;
	vm1 =	vmand @p2 vm1, vm5;
	v28 =	vmul.f32 v39, v39  }
0x50f: {  	v34 =	vld.idx.msk [tilespmem:v34+s6+$0x0], $0xffff;
	v5 =	vsel @p2 vm0, v50, v5;
	v2 =	vsel @p2 vm1, v2, v42;
	v3 =	vsub.f32 v6, v3  }
0x510: {  	v37 =	vsel @p2 vm1, v38, v37;
	v4 =	vsub.f32 v9, v4;
	v58 =	vsub.f32 v7, v51  }
0x511: {  	v35 =	vsel @p2 vm0, v35, v36;
	v59 =	vsub.f32 v6, v52;
	v60 =	vsub.f32 v9, v53  }
0x512: {  	v41 =	vmul.f32 v41, v41;
	v42 =	vsub.f32 v11, v55;
	v36 =	vsub.f32 v10, v56  }
0x513: {  	v61 =	vsub.f32 v8, v47;
	v38 =	vmul.f32 v58, v58;
	v43 =	vmul.f32 v59, v59  }
0x514: {  	v34 =	vsub.f32 v11, v34;
	v30 =	vmul.f32 v60, v60;
	v42 =	vmul.f32 v42, v42  }
0x515: {  	v5 =	vpsel p2, v5, v15;
	v36 =	vmul.f32 v36, v36;
	v38 =	vadd.f32 v43, v38  }
0x516: {  	v3 =	vmul.f32 v3, v3;
	v62 =	vmul.f32 v61, v61;
	v30 =	vadd.f32 v42, v30  }
0x517: {  	v4 =	vmul.f32 v4, v4;
	v34 =	vmul.f32 v34, v34;
	v36 =	vadd.f32 v36, v38  }
0x518: {  	v2 =	vpsel p2, v2, v12;
	v3 =	vadd.f32 v3, v41;
	v30 =	vadd.f32 v62, v30  }
0x519: {  	v12 =	vpsel p2, v37, v13;
	v4 =	vadd.f32 v34, v4;
	vm12 =	vlt.f32 v36, v5  }
0x51a: {  	v3 =	vadd.f32 v63, v3;
	vm13 =	vlt.f32 v30, v2;
	vm2 =	vmand vm10, vm12  }
0x51b: {  	v4 =	vadd.f32 v28, v4;
	vm3 =	vmand vm11, vm13;
	v5 =	vsel vm2, v36, v5  }
0x51c: {  	v13 =	vpsel p2, v35, v14;
	v2 =	vsel vm3, v30, v2;
	vm14 =	vlt.f32 v3, v5  }
0x51d: {  	v14 =	vsel vm3, v31, v12;
	vm15 =	vlt.f32 v4, v2;
	vm0 =	vmand vm8, vm14  }
0x51e: {  	v28 =	vsel vm2, v33, v13;
	vm1 =	vmand vm9, vm15;
	v15 =	vsel vm0, v3, v5  }
0x51f: {  	v12 =	vsel vm1, v4, v2;
	v13 =	vsel vm1, v32, v14;
	v14 =	vsel vm0, v29, v28  }
.LBB2_62:
0x520: {  	p2 =	seq.s32 s15, $0x24  }
.Ltmp55:
0x521: {  	_ = 	snop;
	(pc) =	sbr.rel @p2 .LBB2_71-.Ltmp55, $4  }
0x522: {  	_ = 	snop  }
0x523: {  	s10 =	sxor.u32 $0x80000000, s19;
	s0 =	sxor.u32 $0x80000000, s8  }
0x524: {  	p1 =	sgt.s32 s10, s0  }
0x525: {  	s0 =	smov.u32 @p1 s10  }
.LBB2_63:
0x526: {  	s15 =	sadd.s32 $0x1, s15  }
0x527: {  	s8 =	smin.u32 s15, $0x23  }
0x528: {  	s10 =	smul.u32 $0x2B, s8;
	_ =	sdelay $0x1  }
0x529: {  	s10 =	sshrl.u32 s10, $0x8  }
0x52a: {  	s11 =	smul.u32 $0x6, s10;
	_ =	sdelay $0x1  }
0x52b: {  	s8 =	ssub.s32 s8, s11  }
0x52c: {  	s8 =	sand.u32 $0xFF, s8  }
0x52d: {  	v2 =	vadd.s32 s10, v16;
	v3 =	vadd.s32 s8, v17  }
0x52e: {  	v2 =	vshll.u32 v2, $0x8;
	v3 =	vshll.u32 v3, $0x4  }
0x52f: {  	v4 =	vadd.s32 s8, v20;
	v2 =	vadd.s32 v3, v2;
	v3 =	vadd.s32 s10, v19  }
0x530: {  	v4 =	vshll.u32 v4, $0x4;
	v5 =	vor.u32 v18, v2;
	v3 =	vshll.u32 v3, $0x8  }
0x531: {  	v2 =	vadd.s32 v26, v2;
	v3 =	vadd.s32 v4, v3  }
0x532: {  	v4 =	vor.u32 v21, v3  }
0x533: {  	v3 =	vadd.s32 v27, v3;
	_ =	sdelay $0x1  }
0x534: {  	v37 =	vmov v22;
	v22 =	vld.idx.msk [tilespmem:v5+s2+$0x0], $0xffff  }
0x535: {  	v2 =	vld.idx.msk [tilespmem:v2+s2+$0x0], $0xffff  }
0x536: {  	v38 =	vmov v23;
	v23 =	vld.idx.msk [tilespmem:v4+s2+$0x0], $0xffff  }
0x537: {  	v3 =	vld.idx.msk [tilespmem:v3+s2+$0x0], $0xffff;
	_ =	sdelay $0x3  }
0x538: {  	v30 =	vmov v24;
	v24 =	vsub.s32 v2, v22  }
0x539: {  	v28 =	vmov v25;
	v2 =	vxor.u32 $0x80000000, v24;
	v25 =	vsub.s32 v3, v23  }
0x53a: {  	(xrf0) =	vmax.scan.msk.u32 $0xffff, v2;
	v2 =	vxor.u32 $0x80000000, v25  }
0x53b: {  	(xrf0) =	vmax.scan.msk.u32 $0xffff, v2;
	_ =	sdelay $0x4  }
0x53c: {  	v2, _, _ =	vpop (xrf0)  }
0x53d: {  	(v2sf) =	vpush v2, $0xF;
	v2, _, _ =	vpop (xrf0)  }
0x53e: {  	(v2sf) =	vpush v2, $0xF;
	_ =	sdelay $0x7  }
0x53f: {  	s0 =	sadd.s32 $0x1, s0  }
0x540: {  	s0 =	sshra.s32 s0, $0x1  }
0x541: {  	p1 =	slt.s32 s0, $0x1  }
.Ltmp56:
0x542: {  	_ = 	snop;
	(pc) =	sbr.rel @p1 .LBB2_62-.Ltmp56, $3  }
0x543: {  	_ =	sdelay $0x1  }
0x544: {  	s19 =	spop (v2sf)  }
0x545: {  	s10 =	simm.s32 $0x1;
	s8 =	spop (v2sf)  }
0x546: {  	v35 =	vadd.s32 s10, v37  }
0x547: {  	v34 =	vadd.s32 s10, v38  }
0x548: {  	p1 =	seq.s32 s0, $0x1  }
.Ltmp57:
0x549: {  	_ = 	snop;
	(pc) =	sbr.rel @p1 .LBB2_65-.Ltmp57, $4  }
0x54a: {  	_ = 	snop  }
0x54b: {  	v40 =	vld.idx.msk [tilespmem:v35+s25+$0x0], $0xffff  }
0x54c: {  	s12 =	simm.s32 $0x0;
	v39 =	vld.idx.msk [tilespmem:v34+s25+$0x0], $0xffff  }
0x54d: {  	s0 =	sadd.s32 $0xFFFFFFFF, s0;
	p2 =	por $0x0, $0x0;
	v36 =	vadd.s32 s12, v37;
	v31 =	vadd.s32 s12, v38;
	v41 =	vld.idx.msk [tilespmem:v35+s5+$0x0], $0xffff  }
0x54e: {  	_ =	sdelay $0x3  }
0x54f: {  	v2 =	vld.idx.msk [tilespmem:v35+s6+$0x0], $0xffff  }
0x550: {  	v3 =	vld.idx.msk [tilespmem:v34+s5+$0x0], $0xffff  }
0x551: {  	v4 =	vld.idx.msk [tilespmem:v36+s5+$0x0], $0xffff  }
0x552: {  	v5 =	vld.idx.msk [tilespmem:v36+s6+$0x0], $0xffff  }
0x553: {  	v33 =	vmov s10;
	v43 =	vld.idx.msk [tilespmem:v31+s5+$0x0], $0xffff;
	s10 =	simm.s32 $0x3;
	v46 =	vmov s12  }
0x554: {  	v44 =	vld.idx.msk [tilespmem:v31+s6+$0x0], $0xffff;
	s11 =	simm.s32 $0x2;
	v29 =	vadd.s32 s10, v37;
	v32 =	vadd.s32 s10, v38;
	vm0 =	vlt.s32 v33, v30  }
0x555: {  	v45 =	vld.idx.msk [tilespmem:v36+s25+$0x0], $0xffff;
	vm1 =	vlt.s32 v33, v28;
	v33 =	vadd.s32 s11, v37;
	v47 =	vsub.f32 v10, v40  }
0x556: {  	v60 =	vld.idx.msk [tilespmem:v31+s25+$0x0], $0xffff;
	v42 =	vadd.s32 s11, v38;
	v50 =	vsub.f32 v8, v39;
	v41 =	vsub.f32 v7, v41  }
0x557: {  	v61 =	vld.idx.msk [tilespmem:v34+s6+$0x0], $0xffff;
	vm2 =	vlt.s32 v46, v30;
	v2 =	vsub.f32 v6, v2;
	v3 =	vsub.f32 v9, v3  }
0x558: {  	vm3 =	vlt.s32 v46, v28;
	v4 =	vsub.f32 v7, v4;
	v5 =	vsub.f32 v6, v5  }
0x559: {  	v43 =	vsub.f32 v9, v43;
	v44 =	vsub.f32 v11, v44;
	v41 =	vmul.f32 v41, v41  }
0x55a: {  	v45 =	vsub.f32 v10, v45;
	v4 =	vmul.f32 v4, v4;
	v5 =	vmul.f32 v5, v5  }
0x55b: {  	v40 =	vsub.f32 v8, v60;
	v43 =	vmul.f32 v43, v43;
	v44 =	vmul.f32 v44, v44  }
0x55c: {  	p4 =	seq.s32 s0, $0x1;
	v46 =	vmovc v14;
	v39 =	vsub.f32 v11, v61;
	v45 =	vmul.f32 v45, v45;
	v2 =	vmul.f32 v2, v2  }
.Ltmp58:
0x55d: {  	v62 =	vmul.f32 v40, v40;
	v40 =	vld.idx.msk [tilespmem:v29+s25+$0x0], $0xffff;
	v4 =	vadd.f32 v5, v4;
	v5 =	vadd.f32 v44, v43;
	(pc) =	sbr.rel @p4 .LBB2_67-.Ltmp58, $4  }
0x55e: {  	v63 =	vadd.f32 v2, v41;
	v2 =	vmul.f32 v3, v3;
	v3 =	vmul.f32 v39, v39;
	v39 =	vld.idx.msk [tilespmem:v32+s25+$0x0], $0xffff  }
0x55f: {  	v41 =	vld.idx.msk [tilespmem:v29+s5+$0x0], $0xffff;
	v48 =	vadd.f32 v45, v4;
	v4 =	vmul.f32 v47, v47;
	v49 =	vadd.f32 v62, v5  }
0x560: {  	v51 =	vadd.f32 v3, v2;
	v2 =	vmul.f32 v50, v50;
	v43 =	vmovc v15;
	v44 =	vmovc v12;
	v45 =	vmov v13  }
0x561: {  	s12 =	sadd.s32 $0xFFFFFFFF, s0;
	p2 =	por $0x1, $0x1;
	v47 =	vmovc v32;
	vm4 =	vlt.f32 v48, v15;
	v50 =	vadd.f32 v4, v63;
	vm5 =	vlt.f32 v49, v12  }
.LBB2_68:
0x562: {  	p4 =	seq.s32 s12, $0x1;
	v3 =	vld.idx.msk [tilespmem:v29+s6+$0x0], $0xffff;
	vm2 =	vmand vm2, vm4;
	vm3 =	vmand vm3, vm5;
	v2 =	vadd.f32 v2, v51  }
0x563: {  	v4 =	vld.idx.msk [tilespmem:v32+s5+$0x0], $0xffff;
	v5 =	vsel vm2, v48, v43;
	v44 =	vsel vm3, v49, v44;
	v45 =	vsel vm3, v31, v45  }
0x564: {  	v46 =	vsel vm2, v36, v46;
	v48 =	vld.idx.msk [tilespmem:v33+s5+$0x0], $0xffff;
	vm2 =	vlt.f32 v50, v5;
	vm3 =	vlt.f32 v2, v44  }
0x565: {  	v36 =	vmovc v33;
	v31 =	vmov v42;
	v49 =	vld.idx.msk [tilespmem:v33+s6+$0x0], $0xffff;
	vm0 =	vmand vm0, vm2;
	vm1 =	vmand vm1, vm3  }
0x566: {  	v51 =	vld.idx.msk [tilespmem:v42+s5+$0x0], $0xffff;
	v43 =	vsel vm0, v50, v5;
	v44 =	vsel vm1, v2, v44;
	v45 =	vsel vm1, v34, v45  }
0x567: {  	v2 =	vmov s10;
	s10 =	sadd.s32 $0x2, s10;
	v46 =	vsel vm0, v35, v46;
	v35 =	vmovc v29;
	v34 =	vmov v32;
	v5 =	vld.idx.msk [tilespmem:v42+s6+$0x0], $0xffff  }
0x568: {  	v29 =	vadd.s32 s10, v37;
	v32 =	vadd.s32 s10, v38;
	vm0 =	vlt.s32 v2, v30;
	v50 =	vld.idx.msk [tilespmem:v33+s25+$0x0], $0xffff  }
0x569: {  	v52 =	vmov s11;
	v53 =	vsub.f32 v10, v40;
	s11 =	sadd.s32 $0xFFFFFFFF, s10;
	vm1 =	vlt.s32 v2, v28;
	v40 =	vld.idx.msk [tilespmem:v42+s25+$0x0], $0xffff  }
0x56a: {  	v54 =	vsub.f32 v8, v39;
	v2 =	vsub.f32 v7, v41;
	v33 =	vadd.s32 s11, v37;
	v41 =	vld.idx.msk [tilespmem:v47+s6+$0x0], $0xffff;
	v47 =	vmovc v32  }
0x56b: {  	v3 =	vsub.f32 v6, v3;
	v4 =	vsub.f32 v9, v4;
	v42 =	vadd.s32 s11, v38  }
0x56c: {  	vm2 =	vlt.s32 v52, v30;
	v39 =	vsub.f32 v7, v48;
	v48 =	vsub.f32 v6, v49  }
0x56d: {  	v2 =	vmul.f32 v2, v2;
	v49 =	vsub.f32 v9, v51;
	v5 =	vsub.f32 v11, v5  }
0x56e: {  	v39 =	vmul.f32 v39, v39;
	v48 =	vmul.f32 v48, v48;
	v50 =	vsub.f32 v10, v50  }
0x56f: {  	v49 =	vmul.f32 v49, v49;
	v40 =	vsub.f32 v8, v40;
	v5 =	vmul.f32 v5, v5  }
0x570: {  	v3 =	vmul.f32 v3, v3;
	v50 =	vmul.f32 v50, v50;
	v41 =	vsub.f32 v11, v41  }
.Ltmp59:
0x571: {  	v39 =	vadd.f32 v48, v39;
	v5 =	vadd.f32 v5, v49;
	v49 =	vmul.f32 v40, v40;
	(pc) =	sbr.rel @!p4 .LBB2_68-.Ltmp59, $4  }
0x572: {  	v3 =	vadd.f32 v3, v2;
	v2 =	vmul.f32 v4, v4;
	v4 =	vmul.f32 v41, v41  }
0x573: {  	v48 =	vadd.f32 v50, v39;
	v50 =	vmul.f32 v53, v53;
	v49 =	vadd.f32 v49, v5;
	v40 =	vld.idx.msk [tilespmem:v29+s25+$0x0], $0xffff  }
0x574: {  	vm3 =	vlt.s32 v52, v28;
	v51 =	vadd.f32 v4, v2;
	v2 =	vmul.f32 v54, v54;
	v39 =	vld.idx.msk [tilespmem:v32+s25+$0x0], $0xffff  }
0x575: {  	s12 =	sadd.s32 $0xFFFFFFFF, s12;
	vm4 =	vlt.f32 v48, v43;
	v50 =	vadd.f32 v50, v3;
	vm5 =	vlt.f32 v49, v44;
	v41 =	vld.idx.msk [tilespmem:v29+s5+$0x0], $0xffff  }
.Ltmp60:
0x576: {  	(pc) =	sbr.rel .LBB2_70-.Ltmp60, $2  }
0x577: {  	_ =	sdelay $0x2  }
0x578: {  	v37 =	vmovc v31;
	v38 =	vmov v34;
	v31 =	vmov v42;
	s12 =	smov.u32 s11;
	v34 =	vmov v47  }
.LBB2_67:
.Ltmp61:
0x579: {  	(pc) =	sbr.rel .LBB2_70-.Ltmp61, $3  }
0x57a: {  	_ =	sdelay $0x1  }
0x57b: {  	v37 =	vmov v31;
	v38 =	vmov v34;
	v43 =	vmov v15  }
0x57c: {  	v44 =	vmovc v12;
	v45 =	vmovc v13;
	v46 =	vmov v14;
	v31 =	vmov v42;
	s12 =	simm.s32 $0x2;
	v34 =	vmov v32  }
.LBB2_75:
.Ltmp62:
0x57d: {  	_ = 	snop;
	(pc) =	sbr.rel .LBB2_80-.Ltmp62, $3  }
0x57e: {  	_ =	sdelay $0x1  }
0x57f: {  	v27 =	vmov v16;
	v28 =	vmov v12  }
0x580: {  	v16 =	vmovc v18;
	v23 =	vmovc v15;
	v21 =	vmov v14;
	v17 =	vmov v25;
	v25 =	vmov v13  }
.LBB2_77:
.Ltmp63:
0x581: {  	(pc) =	sbr.rel .LBB2_80-.Ltmp63, $3  }
0x582: {  	_ =	sdelay $0x1  }
0x583: {  	v32 =	vmov v16  }
0x584: {  	v2 =	vmovc v27;
	v25 =	vmovc v13;
	v28 =	vmov v12;
	v27 =	vmov v18;
	v16 =	vmov v24  }
.LBB2_82:
0x585: {  	v2 =	vld [tilespmem:$0x13500]  }
0x586: {  	v3 =	vld [tilespmem:$0x13510]  }
0x587: {  	v4 =	vld [tilespmem:$0x13520]  }
0x588: {  	v5 =	vld [tilespmem:$0x13530]  }
0x589: {  	v6 =	vld [tilespmem:$0x13540]  }
0x58a: {  	[tilespmem:$0x13700] =	vst v2;
	v2 =	vld [tilespmem:$0x13550]  }
0x58b: {  	[tilespmem:$0x13710] =	vst v3;
	v3 =	vld [tilespmem:$0x13560]  }
0x58c: {  	v49 =	vld [tilespmem:$0x13570];
	[tilespmem:$0x13720] =	vst v4  }
0x58d: {  	v50 =	vld [tilespmem:$0x13580];
	[tilespmem:$0x13730] =	vst v5  }
0x58e: {  	v51 =	vld [tilespmem:$0x13590];
	[tilespmem:$0x13740] =	vst v6  }
0x58f: {  	[tilespmem:$0x13750] =	vst v2;
	v2 =	vld [tilespmem:$0x135A0]  }
0x590: {  	[tilespmem:$0x13760] =	vst v3;
	v3 =	vld [tilespmem:$0x135B0]  }
0x591: {  	v52 =	vld [tilespmem:$0x135C0];
	[tilespmem:$0x13770] =	vst v49  }
0x592: {  	v53 =	vld [tilespmem:$0x135D0];
	[tilespmem:$0x13780] =	vst v50  }
0x593: {  	v54 =	vld [tilespmem:$0x135E0];
	[tilespmem:$0x13790] =	vst v51  }
0x594: {  	[tilespmem:$0x137A0] =	vst v2;
	v2 =	vld [tilespmem:$0x135F0]  }
0x595: {  	[tilespmem:$0x137B0] =	vst v3;
	v3 =	vld [tilespmem:$0x13600]  }
0x596: {  	v55 =	vld [tilespmem:$0x13610];
	[tilespmem:$0x137C0] =	vst v52  }
0x597: {  	v56 =	vld [tilespmem:$0x13620];
	[tilespmem:$0x137D0] =	vst v53  }
0x598: {  	v57 =	vld [tilespmem:$0x13630];
	[tilespmem:$0x137E0] =	vst v54  }
0x599: {  	[tilespmem:$0x137F0] =	vst v2;
	v2 =	vld [tilespmem:$0x13640]  }
0x59a: {  	[tilespmem:$0x13800] =	vst v3;
	v3 =	vld [tilespmem:$0x13650]  }
0x59b: {  	v58 =	vld [tilespmem:$0x13660];
	[tilespmem:$0x13810] =	vst v55  }
0x59c: {  	v59 =	vld [tilespmem:$0x13670];
	[tilespmem:$0x13820] =	vst v56  }
0x59d: {  	v60 =	vld [tilespmem:$0x13680];
	[tilespmem:$0x13830] =	vst v57  }
0x59e: {  	[tilespmem:$0x13840] =	vst v2;
	v2 =	vld [tilespmem:$0x13690]  }
0x59f: {  	[tilespmem:$0x13850] =	vst v3;
	v3 =	vld [tilespmem:$0x136A0]  }
0x5a0: {  	v61 =	vld [tilespmem:$0x136B0];
	[tilespmem:$0x13860] =	vst v58  }
0x5a1: {  	v62 =	vld [tilespmem:$0x136C0];
	[tilespmem:$0x13870] =	vst v59  }
0x5a2: {  	v63 =	vld [tilespmem:$0x136D0];
	[tilespmem:$0x13880] =	vst v60  }
0x5a3: {  	[tilespmem:$0x13890] =	vst v2;
	v2 =	vld [tilespmem:$0x136E0]  }
0x5a4: {  	[tilespmem:$0x138A0] =	vst v3;
	v3 =	vld [tilespmem:$0x136F0]  }
0x5a5: {  	[tilespmem:$0x138B0] =	vst v61  }
0x5a6: {  	[tilespmem:$0x138C0] =	vst v62  }
0x5a7: {  	[tilespmem:$0x138D0] =	vst v63  }
0x5a8: {  	[tilespmem:$0x138E0] =	vst v2  }
0x5a9: {  	s0 =	rddreg [dreg:$0xe];
	s10 =	simm.s32 $0x13700;
	s8 =	simm.s32 $0x13100;
	[tilespmem:$0x138F0] =	vst v3  }
0x5aa: {  	[spmem:s0] =	stream.indirect.scatter [tilespmem:s8], [sflag:$0x1], $0x1, s10, s21, $0xb8;
	[tilespmem:$0x14100] =	vst v63  }
0x5ab: {  	_ =	swait.ge [sflag:s24], $0x80  }
0x5ac: {  	[sflag:s24] =	ssyncset.done $0x0  }
0x5ad: {  	s11 =	simm.s32 $0x13300;
	s8 =	rddreg [dreg:$0xf];
	[sflag:s24] =	ssyncadd.s32 $0xFFFFFF80  }
0x5ae: {  	[spmem:s8] =	stream.indirect.scatter [tilespmem:s11], [sflag:$0x1], $0x1, s10, s21, $0xb8;
	[tilespmem:$0x14100] =	vst v63  }
0x5af: {  	_ =	swait.ge [sflag:s24], $0x80  }
0x5b0: {  	[sflag:s24] =	ssyncset.done $0x0  }
0x5b1: {  	s18 =	simm.s32 $0x13780;
	s19 =	simm.s32 $0x13180;
	[sflag:s24] =	ssyncadd.s32 $0xFFFFFF80  }
0x5b2: {  	[spmem:s0] =	stream.indirect.scatter [tilespmem:s19], [sflag:$0x1], $0x1, s18, s21, $0xb8;
	[tilespmem:$0x14100] =	vst v63  }
0x5b3: {  	_ =	swait.ge [sflag:s24], $0x80  }
0x5b4: {  	[sflag:s24] =	ssyncset.done $0x0  }
0x5b5: {  	s12 =	simm.s32 $0x13380;
	[sflag:s24] =	ssyncadd.s32 $0xFFFFFF80  }
0x5b6: {  	[spmem:s8] =	stream.indirect.scatter [tilespmem:s12], [sflag:$0x1], $0x1, s18, s21, $0xb8;
	[tilespmem:$0x14100] =	vst v63  }
0x5b7: {  	_ =	swait.ge [sflag:s24], $0x80  }
0x5b8: {  	[sflag:s24] =	ssyncset.done $0x0  }
0x5b9: {  	s13 =	simm.s32 $0x13800;
	s15 =	simm.s32 $0x13200;
	[sflag:s24] =	ssyncadd.s32 $0xFFFFFF80  }
0x5ba: {  	[spmem:s0] =	stream.indirect.scatter [tilespmem:s15], [sflag:$0x1], $0x1, s13, s21, $0xb8;
	[tilespmem:$0x14100] =	vst v63  }
0x5bb: {  	_ =	swait.ge [sflag:s24], $0x80  }
0x5bc: {  	[sflag:s24] =	ssyncset.done $0x0  }
0x5bd: {  	s16 =	simm.s32 $0x13400;
	[sflag:s24] =	ssyncadd.s32 $0xFFFFFF80  }
0x5be: {  	[spmem:s8] =	stream.indirect.scatter [tilespmem:s16], [sflag:$0x1], $0x1, s13, s21, $0xb8;
	[tilespmem:$0x14100] =	vst v63  }
0x5bf: {  	_ =	swait.ge [sflag:s24], $0x80  }
0x5c0: {  	[sflag:s24] =	ssyncset.done $0x0  }
0x5c1: {  	s17 =	simm.s32 $0x13880;
	s18 =	simm.s32 $0x13280;
	[sflag:s24] =	ssyncadd.s32 $0xFFFFFF80  }
0x5c2: {  	[spmem:s0] =	stream.indirect.scatter [tilespmem:s18], [sflag:$0x1], $0x1, s17, s21, $0xb8;
	[tilespmem:$0x14100] =	vst v63  }
0x5c3: {  	_ =	swait.ge [sflag:s24], $0x80  }
0x5c4: {  	[sflag:s24] =	ssyncset.done $0x0  }
0x5c5: {  	s19 =	simm.s32 $0x13480;
	[sflag:s24] =	ssyncadd.s32 $0xFFFFFF80  }
0x5c6: {  	[spmem:s8] =	stream.indirect.scatter [tilespmem:s19], [sflag:$0x1], $0x1, s17, s21, $0xb8;
	[tilespmem:$0x14100] =	vst v63  }
.Ltmp64:
0x5c7: {  	_ =	swait.ge [sflag:s24], $0x80;
	(pc) =	sbr.rel @p0 .LBB2_84-.Ltmp64, $3  }
0x5c8: {  	[sflag:s24] =	ssyncset.done $0x0  }
0x5c9: {  	[sflag:s24] =	ssyncadd.s32 $0xFFFFFF80  }
0x5ca: {  	[bflag:$0x0] =	sbarrier.arrive $0xFFFF;
	_ =	sdelay $0x1  }
0x5cb: {  	s8 =	sld [smem:$0x7DA];
	_ =	sdelay $0x2  }
0x5cc: {  	s0 =	rddreg [dreg:$0x8];
	p1 =	seq.s32 s8, $0x1  }
0x5cd: {  	s10 =	rddreg [dreg:$0x1d];
	s0 =	sshrl.u32 @!p1 s0, $0x3;
	s8 =	simm.s32 @!p1 $0x1D81  }
0x5ce: {  	[hbm:s10], [sflag:s8] =	dma.local @!p1 [spmem:s0], $0x100  }
0x5cf: {  	s10 =	sld [smem:$0x7EA];
	_ =	sdelay $0x1  }
0x5d0: {  	s0 =	simm.s32 @!p3 $0x1DC1;
	s8 =	rddreg [dreg:$0x1c]  }
0x5d1: {  	[hbm:s8], [sflag:s0] =	dma.local @!p3 [spmem:s10], $0x100  }
0x5d2: {  	s8 =	sld [smem:$0x7DC];
	_ =	sdelay $0x2  }
0x5d3: {  	s0 =	rddreg [dreg:$0x7];
	p1 =	seq.s32 s8, $0x1  }
0x5d4: {  	s10 =	rddreg [dreg:$0x1f];
	s0 =	sshrl.u32 @!p1 s0, $0x3;
	s8 =	simm.s32 @!p1 $0x1D01  }
0x5d5: {  	[hbm:s10], [sflag:s8] =	dma.local @!p1 [spmem:s0], $0x100  }
0x5d6: {  	s0 =	sld [smem:$0x7EB];
	_ =	sdelay $0x1  }
0x5d7: {  	s10 =	sld [smem:$0x7EC]  }
0x5d8: {  	p1 =	seq.s32 s0, $0x1  }
0x5d9: {  	s8 =	rddreg [dreg:$0x1e];
	s0 =	simm.s32 @!p1 $0x1D41  }
0x5da: {  	[hbm:s8], [sflag:s0] =	dma.local @!p1 [spmem:s10], $0x100  }
0x5db: {  	s8 =	sld [smem:$0x7DE];
	_ =	sdelay $0x2  }
0x5dc: {  	s0 =	rddreg [dreg:$0x4];
	p1 =	seq.s32 s8, $0x1  }
0x5dd: {  	s10 =	rddreg [dreg:$0x16];
	s0 =	sshrl.u32 @!p1 s0, $0x3;
	s8 =	simm.s32 @!p1 $0x1C81  }
0x5de: {  	[hbm:s10], [sflag:s8] =	dma.local @!p1 [spmem:s0], $0x100  }
0x5df: {  	s0 =	sld [smem:$0x7ED]  }
0x5e0: {  	s8 =	sld [smem:$0x7EE]  }
0x5e1: {  	s10 =	sld [smem:$0x7FC]  }
0x5e2: {  	p1 =	seq.s32 s0, $0x1  }
0x5e3: {  	s0 =	simm.s32 @!p1 $0x1CC1  }
0x5e4: {  	[hbm:s10], [sflag:s0] =	dma.local @!p1 [spmem:s8], $0x100  }
0x5e5: {  	s8 =	sld [smem:$0x7DF];
	_ =	sdelay $0x2  }
0x5e6: {  	s0 =	rddreg [dreg:$0x3];
	p1 =	seq.s32 s8, $0x1  }
0x5e7: {  	s10 =	rddreg [dreg:$0x17];
	s0 =	sshrl.u32 @!p1 s0, $0x3;
	s8 =	simm.s32 @!p1 $0x1C01  }
0x5e8: {  	[hbm:s10], [sflag:s8] =	dma.local @!p1 [spmem:s0], $0x100  }
0x5e9: {  	s0 =	sld [smem:$0x7EF]  }
0x5ea: {  	s8 =	sld [smem:$0x7F0]  }
.Ltmp65:
0x5eb: {  	s10 =	sld [smem:$0x7FD];
	(pc) =	sbr.rel .LBB2_85-.Ltmp65, $4  }
0x5ec: {  	p1 =	seq.s32 s0, $0x1  }
0x5ed: {  	s0 =	simm.s32 @!p1 $0x1C41  }
0x5ee: {  	[hbm:s10], [sflag:s0] =	dma.local @!p1 [spmem:s8], $0x100  }
0x5ef: {  	v3 =	vimm.s32 $0x1000;
	v4 =	vlaneseq.u32;
	s11 =	sld [smem:$0x7D8]  }
.LBB2_86:
0x5f0: {  	_ =	sfence.sel $0x180000  }
0x5f1: {  	[bflag:$0x0] =	sbarrier.arrive $0xFFFF  }
0x5f2: {  	_ =	strace $0x90000047  }
0x5f3: {  	s0 =	stileid.u32;
	[bflag:$0x2] =	sbarrier.arrive $0xFFFF  }
0x5f4: {  	p0 =	sne.s32 s0, $0x0;
	s0 =	rddreg [dreg:$0xb]  }
0x5f5: {  	s0 =	sadd.s32 @!p0 $0x100000, s0  }
0x5f6: {  	[sflag:s0] =	ssyncadd.tile.s32 @!p0 $0x1;
	_ =	shalt  }
.Lfunc_end2:
_tile_overlayer_lowered:
.L_overlay_start_2:
0x5f7: {  	(tag) =	ssettag $0x2  }
0x5f8: {  	s0 =	rddreg [dreg:$0x0];
	s2 =	stileid.u32  }
0x5f9: {  	s1 =	rddreg [dreg:$0x1];
	p0 =	sne.s32 s2, $0x0  }
0x5fa: {  	s3 =	rddreg [dreg:$0x2];
	[bflag:$0x3] =	sbarrier.arrive $0xFFFF;
	s2 =	simm.s32 @!p0 $0x1C01  }
0x5fb: {  	[timem:s3], [sflag:s2] =	dma.local @!p0 [hbm:s0], s1  }
0x5fc: {  	s0 =	simm.s32 @!p0 $0x1  }
0x5fd: {  	_ =	swait.ge @!p0 [sflag:s0], s1  }
0x5fe: {  	s1 =	ssub.s32 @!p0 $0x0, s1;
	[sflag:s0] =	ssyncset.done @!p0 $0x0  }
0x5ff: {  	[sflag:s0] =	ssyncadd.s32 @!p0 s1  }
0x600: {  	[bflag:$0x3] =	sbarrier.arrive $0xFFFF  }
0x601: {  	_ =	shalt  }

</sc_bundles>
